<compile_context>
chip_gen: v7x
topology: tpu7x:2x2x1
jax: 0.10.2.dev20260603
libtpu: 0.0.44.dev20260713+nightly
codegen_flags: <defaults>
</compile_context>

<pallas_src>
import functools

import jax
import jax.numpy as jnp
from jax import lax
from jax.experimental import pallas as pl
from jax.experimental.pallas import tpu as pltpu
from jax.experimental.pallas import tpu_sc as plsc

N = 10000
N_PAD = 10240
E = 160000
E_PAD = 163840
F32 = jnp.float32
DH = 128



def _zero_rows(rows_ref, nrows, ncol16):
    z = jnp.zeros((16,), F32)

    def body(r, t):
        for k in range(ncol16):
            rows_ref[r, pl.ds(k * 16, 16)] = z
        return t

    lax.fori_loop(0, nrows, body, 0)


def _agg_pipeline(x_hbm, sidx, didx, buf0, buf1, acc, semg, sems, n_chunks):
    n2 = n_chunks // 2
    pltpu.async_copy(x_hbm.at[sidx.at[0]], buf0, semg)

    def body(jj, t):
        j0 = 2 * jj
        pltpu.make_async_copy(x_hbm.at[sidx.at[j0]], buf0, semg).wait()
        pltpu.async_copy(buf0, acc.at[didx.at[j0]], sems, add=True)

        @pl.when(jj > 0)
        def _():
            pltpu.make_async_copy(buf1, acc.at[didx.at[j0]], sems).wait()
        pltpu.async_copy(x_hbm.at[sidx.at[j0 + 1]], buf1, semg)

        pltpu.make_async_copy(x_hbm.at[sidx.at[j0 + 1]], buf1, semg).wait()
        pltpu.async_copy(buf1, acc.at[didx.at[j0 + 1]], sems, add=True)

        pltpu.make_async_copy(buf0, acc.at[didx.at[j0]], sems).wait()
        jn = lax.select(jj + 1 < n2, j0 + 2, 0)
        pltpu.async_copy(x_hbm.at[sidx.at[jn]], buf0, semg)
        return t

    lax.fori_loop(0, n2, body, 0)
    pltpu.make_async_copy(x_hbm.at[sidx.at[0]], buf0, semg).wait()
    pltpu.make_async_copy(buf1, acc.at[didx.at[0]], sems).wait()


@functools.lru_cache(maxsize=None)
def _make_sc_agg():
    n_chunks = E_PAD // 16 // 128
    phase = n_chunks // 2
    rows_per_tile = N_PAD // 16

    mesh = plsc.VectorSubcoreMesh(core_axis_name="c", subcore_axis_name="s")

    @functools.partial(
        pl.kernel,
        mesh=mesh,
        out_type=[
            jax.ShapeDtypeStruct((N_PAD, DH), F32),
            jax.ShapeDtypeStruct((N_PAD, DH), F32),
        ],
        scratch_types=[
            pltpu.VMEM((phase, 128), jnp.int32),
            pltpu.VMEM((phase, 128), jnp.int32),
            pltpu.VMEM((128, DH), F32),
            pltpu.VMEM((128, DH), F32),
            pltpu.VMEM_SHARED((N_PAD, DH), F32),
            pltpu.SemaphoreType.DMA,
            pltpu.SemaphoreType.DMA,
        ],
    )
    def agg(x0_hbm, x1_hbm, src_hbm, dst_hbm, out0, out1,
            sidx, didx, buf0, buf1, acc, semg, sems):
        c = lax.axis_index("c")
        s = lax.axis_index("s")

        _zero_rows(buf0, 128, DH // 16)
        for kk in range(rows_per_tile // 128):
            pltpu.sync_copy(buf0, acc.at[pl.ds(s * rows_per_tile + kk * 128, 128)])
        plsc.subcore_barrier()

        def chain(x_hbm):
            for ph in range(2):
                pltpu.sync_copy(src_hbm.at[s, pl.ds(ph * phase, phase)], sidx)
                pltpu.sync_copy(dst_hbm.at[s, pl.ds(ph * phase, phase)], didx)
                _agg_pipeline(x_hbm, sidx, didx, buf0, buf1, acc, semg, sems, phase)

        @pl.when(c == 0)
        def _():
            chain(x0_hbm)

        @pl.when(c == 1)
        def _():
            chain(x1_hbm)

        plsc.subcore_barrier()

        r0 = s * rows_per_tile

        @pl.when(c == 0)
        def _():
            pltpu.sync_copy(acc.at[pl.ds(r0, rows_per_tile)],
                            out0.at[pl.ds(r0, rows_per_tile)])

        @pl.when(c == 1)
        def _():
            pltpu.sync_copy(acc.at[pl.ds(r0, rows_per_tile)],
                            out1.at[pl.ds(r0, rows_per_tile)])

    return agg


@functools.lru_cache(maxsize=None)
def _make_sc_topo():
    n_chunks = E_PAD // 32 // 128
    rows_per_tile = N_PAD // 16

    mesh = plsc.VectorSubcoreMesh(core_axis_name="c", subcore_axis_name="s")

    @functools.partial(
        pl.kernel,
        mesh=mesh,
        out_type=[
            jax.ShapeDtypeStruct((N_PAD, DH), F32),
            jax.ShapeDtypeStruct((N_PAD, DH), F32),
        ],
        scratch_types=[
            pltpu.VMEM((n_chunks, 128), jnp.int32),
            pltpu.VMEM((n_chunks, 128), jnp.int32),
            pltpu.VMEM((128, DH), F32),
            pltpu.VMEM((128, DH), F32),
            pltpu.VMEM_SHARED((N_PAD, DH), F32),
            pltpu.SemaphoreType.DMA,
            pltpu.SemaphoreType.DMA,
        ],
    )
    def topo_agg(x_hbm, src_hbm, dst_hbm, out0, out1,
                 sidx, didx, buf0, buf1, acc, semg, sems):
        c = lax.axis_index("c")
        s = lax.axis_index("s")
        wid = s * 2 + c

        _zero_rows(buf0, 128, DH // 16)
        for kk in range(rows_per_tile // 128):
            pltpu.sync_copy(buf0, acc.at[pl.ds(s * rows_per_tile + kk * 128, 128)])
        plsc.subcore_barrier()

        pltpu.sync_copy(src_hbm.at[wid], sidx)
        pltpu.sync_copy(dst_hbm.at[wid], didx)

        _agg_pipeline(x_hbm, sidx, didx, buf0, buf1, acc, semg, sems, n_chunks)

        plsc.subcore_barrier()

        r0 = s * rows_per_tile

        @pl.when(c == 0)
        def _():
            pltpu.sync_copy(acc.at[pl.ds(r0, rows_per_tile)],
                            out0.at[pl.ds(r0, rows_per_tile)])

        @pl.when(c == 1)
        def _():
            pltpu.sync_copy(acc.at[pl.ds(r0, rows_per_tile)],
                            out1.at[pl.ds(r0, rows_per_tile)])

    return topo_agg



def _full(shape):
    return pl.BlockSpec(shape, lambda i: tuple(0 for _ in shape))


def _rows(shape_tail, bs):
    return pl.BlockSpec((bs,) + shape_tail, lambda i: (i,) + tuple(0 for _ in shape_tail))


def _mm(a, b):
    return jnp.dot(a, b, preferred_element_type=F32)


def _tc_stage_a1(geom, pts, Wg1, bg1, Wg2, bg2, Wb1, bb1, Wb2, bb2):
    R = 400
    grid = (N // R,)

    def body(geom_r, pts_r,
             Wg1_r, bg1_r, Wg2_r, bg2_r, Wb1_r, bb1_r, Wb2_r, bb2_r, o0_r):
        g = jax.nn.relu(_mm(geom_r[...], Wg1_r[...]) + bg1_r[...])
        geom_out = jax.nn.relu(_mm(g, Wg2_r[...]) + bg2_r[...])

        p = pts_r[...].reshape(R * 64, 3)
        p = jax.nn.relu(_mm(p, Wb1_r[...]) + bb1_r[...])
        p = jax.nn.relu(_mm(p, Wb2_r[...]) + bb2_r[...])
        pm = jnp.max(p.reshape(R, 64, 64), axis=1)

        o0_r[...] = jnp.concatenate([geom_out, pm], axis=1)

    return pl.pallas_call(
        body,
        grid=grid,
        in_specs=[
            _rows((13,), R), _rows((64, 3), R),
            _full((13, 32)), _full((1, 32)), _full((32, 64)), _full((1, 64)),
            _full((3, 64)), _full((1, 64)), _full((64, 64)), _full((1, 64)),
        ],
        out_specs=[_rows((DH,), R)],
        out_shape=[jax.ShapeDtypeStruct((N_PAD, DH), F32)],
    )(geom, pts, Wg1, bg1, Wg2, bg2, Wb1, bb1, Wb2, bb2)[0]


def _tc_stage_a2(topo, t0, t1, Wt, bt):
    R = 80
    grid = (N // R,)

    def body(topo_r, t0_r, t1_r, Wt_r, bt_r, o1_r, inv_r):
        asum = t0_r[...] + t1_r[...]
        deg = asum[:, 1:2]
        inv = 1.0 / jnp.maximum(deg, 1.0)
        tagg = asum[:, 0:1] * inv
        topo_out = jax.nn.relu((topo_r[...] + tagg) * Wt_r[...] + bt_r[...])
        o1_r[...] = jnp.concatenate([topo_out, jnp.zeros((R, 64), F32)], axis=1)
        inv_r[...] = inv

    return pl.pallas_call(
        body,
        grid=grid,
        in_specs=[
            _rows((1,), R), _rows((DH,), R), _rows((DH,), R),
            _full((1, 64)), _full((1, 64)),
        ],
        out_specs=[_rows((DH,), R), _rows((1,), R)],
        out_shape=[
            jax.ShapeDtypeStruct((N_PAD, DH), F32),
            jax.ShapeDtypeStruct((N_PAD, 1), F32),
        ],
    )(topo, t0, t1, Wt, bt)


def _tc_gcn(x0, x1, a0, a1, inv, W, b, w0, w1):
    R = 512
    grid = (N_PAD // R,)

    def body(x0_r, x1_r, a0_r, a1_r, inv_r, W_r, b_r, o0_r, o1_r):
        x = jnp.concatenate([x0_r[...][:, :w0], x1_r[...][:, :w1]], axis=1)
        a = jnp.concatenate([a0_r[...][:, :w0], a1_r[...][:, :w1]], axis=1) * inv_r[...]
        y = jax.nn.relu(_mm(x + a, W_r[...]) + b_r[...])
        o0_r[...] = y[:, :128]
        o1_r[...] = y[:, 128:]

    return pl.pallas_call(
        body,
        grid=grid,
        in_specs=[
            _rows((DH,), R), _rows((DH,), R),
            _rows((DH,), R), _rows((DH,), R),
            _rows((1,), R),
            _full((w0 + w1, 256)), _full((1, 256)),
        ],
        out_specs=[_rows((DH,), R), _rows((DH,), R)],
        out_shape=[
            jax.ShapeDtypeStruct((N_PAD, DH), F32),
            jax.ShapeDtypeStruct((N_PAD, DH), F32),
        ],
    )(x0, x1, a0, a1, inv, W, b)


def _tc_final(x0, x1, a0, a1, inv, W3, b3, Wf1, bf1, Wf2, bf2, Wf3, bf3):
    R = 400
    grid = (N // R,)

    def body(x0_r, x1_r, a0_r, a1_r, inv_r,
             W3_r, b3_r, Wf1_r, bf1_r, Wf2_r, bf2_r, Wf3_r, bf3_r, o_r):
        x = jnp.concatenate([x0_r[...], x1_r[...]], axis=1)
        a = jnp.concatenate([a0_r[...], a1_r[...]], axis=1) * inv_r[...]
        x3 = jax.nn.relu(_mm(x + a, W3_r[...]) + b3_r[...])
        h = jax.nn.relu(_mm(x3, Wf1_r[...]) + bf1_r[...])
        h = jax.nn.relu(_mm(h, Wf2_r[...]) + bf2_r[...])
        logits = _mm(h, Wf3_r[...]) + bf3_r[...]
        o_r[...] = jax.nn.sigmoid(logits)

    return pl.pallas_call(
        body,
        grid=grid,
        in_specs=[
            _rows((DH,), R), _rows((DH,), R),
            _rows((DH,), R), _rows((DH,), R),
            _rows((1,), R),
            _full((256, 128)), _full((1, 128)),
            _full((128, 128)), _full((1, 128)),
            _full((128, 64)), _full((1, 64)),
            _full((64, 25)), _full((1, 25)),
        ],
        out_specs=[_rows((25,), R)],
        out_shape=[jax.ShapeDtypeStruct((N, 25), F32)],
    )(x0, x1, a0, a1, inv, W3, b3, Wf1, bf1, Wf2, bf2, Wf3, bf3)[0]



def kernel(geom_feat, boundary_pts, topo_feat, face_edge_index,
           Wg1, bg1, Wg2, bg2, Wb1, bb1, Wb2, bb2, Wt, bt,
           W1, b1, W2, b2, W3, b3, Wf1, bf1, Wf2, bf2, Wf3, bf3):
    fe = face_edge_index.astype(jnp.int32)
    pad = jnp.full((E_PAD - E,), N, jnp.int32)
    src = jnp.concatenate([fe[0], pad])
    dst = jnp.concatenate([fe[1], pad])
    src_big = src.reshape(16, E_PAD // 16 // 128, 128)
    dst_big = dst.reshape(16, E_PAD // 16 // 128, 128)
    src_t = src.reshape(32, E_PAD // 32 // 128, 128)
    dst_t = dst.reshape(32, E_PAD // 32 // 128, 128)

    topo128 = jnp.zeros((N_PAD, DH), F32)
    topo128 = topo128.at[:, 1].set(1.0)
    topo128 = topo128.at[:N, 0].set(topo_feat[:, 0])

    t0, t1 = _make_sc_topo()(topo128, src_t, dst_t)

    x0 = _tc_stage_a1(
        geom_feat, boundary_pts,
        Wg1, bg1.reshape(1, -1), Wg2, bg2.reshape(1, -1),
        Wb1, bb1.reshape(1, -1), Wb2, bb2.reshape(1, -1))
    x1, inv = _tc_stage_a2(topo_feat, t0, t1, Wt, bt.reshape(1, -1))

    a0, a1 = _make_sc_agg()(x0, x1, src_big, dst_big)
    y0, y1 = _tc_gcn(x0, x1, a0, a1, inv, W1, b1.reshape(1, -1), 128, 64)

    a0, a1 = _make_sc_agg()(y0, y1, src_big, dst_big)
    z0, z1 = _tc_gcn(y0, y1, a0, a1, inv, W2, b2.reshape(1, -1), 128, 128)

    a0, a1 = _make_sc_agg()(z0, z1, src_big, dst_big)
    out = _tc_final(z0, z1, a0, a1, inv,
                    W3, b3.reshape(1, -1),
                    Wf1[:128], bf1.reshape(1, -1),
                    Wf2, bf2.reshape(1, -1),
                    Wf3, bf3.reshape(1, -1))
    return out

# --- scband reference (transcript-rebuilt; emitter-appended) ---
"""Pipeline reference for scband-face-operation-gcn-29171417874492 (READ-ONLY COPY).

The authoritative reference and input builder live on the scoring server;
editing this copy changes nothing except your own understanding.
"""

import jax, jax.numpy as jnp
import numpy as np

N_FACES = 10000
N_EDGES = 160000
N_PTS = 64
NUM_CLASSES = 25


def _glorot(key, shape):
    fan_in, fan_out = shape[0], shape[1]
    lim = float(np.sqrt(6.0 / (fan_in + fan_out)))
    return jax.random.uniform(key, shape, jnp.float32, -lim, lim)


def setup_inputs(seed: int = 0) -> dict:
    key = jax.random.key(seed)
    ks = jax.random.split(key, 20)
    inp = {}
    inp['geom_feat'] = jax.random.normal(ks[0], (N_FACES, 13), jnp.float32)
    inp['boundary_pts'] = jax.random.normal(ks[1], (N_FACES, N_PTS, 3), jnp.float32)
    inp['topo_feat'] = jax.random.uniform(ks[2], (N_FACES, 1), jnp.float32)
    inp['face_edge_index'] = jax.random.randint(ks[3], (2, N_EDGES), 0, N_FACES, jnp.int64)
    # GeometricFeatureMLP: 13 -> 32 -> 64
    inp['Wg1'] = _glorot(ks[4], (13, 32)); inp['bg1'] = jnp.zeros((32,), jnp.float32)
    inp['Wg2'] = _glorot(ks[5], (32, 64)); inp['bg2'] = jnp.zeros((64,), jnp.float32)
    # BoundaryPointNet: shared per-point MLP 3 -> 64 -> 64, max-pool over points
    inp['Wb1'] = _glorot(ks[6], (3, 64)); inp['bb1'] = jnp.zeros((64,), jnp.float32)
    inp['Wb2'] = _glorot(ks[7], (64, 64)); inp['bb2'] = jnp.zeros((64,), jnp.float32)
    # TopologyGCN: 1 -> 64 with mean neighbor aggregation
    inp['Wt'] = _glorot(ks[8], (1, 64)); inp['bt'] = jnp.zeros((64,), jnp.float32)
    # GCN blocks
    inp['W1'] = _glorot(ks[9], (192, 256)); inp['b1'] = jnp.zeros((256,), jnp.float32)
    inp['W2'] = _glorot(ks[10], (256, 256)); inp['b2'] = jnp.zeros((256,), jnp.float32)
    inp['W3'] = _glorot(ks[11], (256, 128)); inp['b3'] = jnp.zeros((128,), jnp.float32)
    # Head MLP
    inp['Wf1'] = _glorot(ks[12], (192, 128)); inp['bf1'] = jnp.zeros((128,), jnp.float32)
    inp['Wf2'] = _glorot(ks[13], (128, 64)); inp['bf2'] = jnp.zeros((64,), jnp.float32)
    inp['Wf3'] = _glorot(ks[14], (64, NUM_CLASSES)); inp['bf3'] = jnp.zeros((NUM_CLASSES,), jnp.float32)
    return inp


def _gcn_agg(x, edge_index, n):
    src = edge_index[0]
    dst = edge_index[1]
    msgs = jnp.take(x, src, axis=0)
    agg = jax.ops.segment_sum(msgs, dst, num_segments=n)
    deg = jax.ops.segment_sum(jnp.ones((src.shape[0],), jnp.float32), dst, num_segments=n)
    return agg / jnp.clip(deg, 1.0, None)[:, None]


def reference(geom_feat, boundary_pts, topo_feat, face_edge_index,
              Wg1, bg1, Wg2, bg2, Wb1, bb1, Wb2, bb2, Wt, bt,
              W1, b1, W2, b2, W3, b3, Wf1, bf1, Wf2, bf2, Wf3, bf3):
    n = geom_feat.shape[0]
    # GeometricFeatureMLP
    g = jax.nn.relu(geom_feat @ Wg1 + bg1)
    geom_out = jax.nn.relu(g @ Wg2 + bg2)
    # BoundaryPointNet: per-point MLP + max pool
    p = jax.nn.relu(boundary_pts @ Wb1 + bb1)
    p = jax.nn.relu(p @ Wb2 + bb2)
    boundary_out = jnp.max(p, axis=1)
    # TopologyGCN: mean-aggregate then linear+relu
    t_agg = _gcn_agg(topo_feat, face_edge_index, n)
    topo_out = jax.nn.relu((topo_feat + t_agg) @ Wt + bt)
    x = jnp.concatenate([geom_out, boundary_out, topo_out], axis=1)
    # GCN blocks: h = relu((x + mean_agg(x)) @ W + b)
    x = jax.nn.relu((x + _gcn_agg(x, face_edge_index, n)) @ W1 + b1)
    x = jax.nn.relu((x + _gcn_agg(x, face_edge_index, n)) @ W2 + b2)
    x = jax.nn.relu((x + _gcn_agg(x, face_edge_index, n)) @ W3 + b3)
    # no global/local context -> pad with zeros[:, :64]
    x = jnp.concatenate([x, jnp.zeros_like(x[:, :64])], axis=1)
    x = jax.nn.relu(x @ Wf1 + bf1)
    # dropout p=0.3 is identity in eval mode
    x = jax.nn.relu(x @ Wf2 + bf2)
    x = x @ Wf3 + bf3
    return jax.nn.sigmoid(x)

if __name__ == "__main__":
    import jax
    _d = setup_inputs()
    print(jax.jit(kernel)(*tuple(_d.values())))

</pallas_src>

<mosaic_0001>
#map = affine_map<(d0, d1) -> (0, 0)>
#map1 = affine_map<(d0, d1) -> (0, 0, 0)>
module attributes {stable_mosaic.version = 14 : i64} {
  func.func @agg(%arg0: i32, %arg1: i32, %arg2: memref<10240x128xf32, #tpu.memory_space<hbm>>, %arg3: memref<10240x128xf32, #tpu.memory_space<hbm>>, %arg4: memref<16x80x128xi32, #tpu.memory_space<hbm>>, %arg5: memref<16x80x128xi32, #tpu.memory_space<hbm>>, %arg6: memref<10240x128xf32, #tpu.memory_space<hbm>>, %arg7: memref<10240x128xf32, #tpu.memory_space<hbm>>, %arg8: memref<40x128xi32, #tpu.memory_space<vmem>>, %arg9: memref<40x128xi32, #tpu.memory_space<vmem>>, %arg10: memref<128x128xf32, #tpu.memory_space<vmem>>, %arg11: memref<128x128xf32, #tpu.memory_space<vmem>>, %arg12: memref<10240x128xf32, #tpu.memory_space<vmem_shared>>, %arg13: memref<!tpu.dma_semaphore, #tpu.memory_space<semaphore_mem>>, %arg14: memref<!tpu.dma_semaphore, #tpu.memory_space<semaphore_mem>>) attributes {dimension_semantics = [#tpu.dimension_semantics<core_parallel>, #tpu.dimension_semantics<subcore_parallel>], iteration_bounds = array<i64: 2, 16>, scalar_prefetch = 0 : i64, scratch_operands = 7 : i64, tpu.core_type = #tpu.core_type<sc_vector_subcore>, window_params = [{transform_indices = #map}, {transform_indices = #map}, {transform_indices = #map1}, {transform_indices = #map1}, {transform_indices = #map}, {transform_indices = #map}]} {
    %broadcast_in_dim3A = arith.constant 0.000000e+00 : f32
    %broadcast_in_dim3A_0 = vector.broadcast %broadcast_in_dim3A : f32 to vector<16xf32>
    %scan3A = arith.constant 0 : i32
    %scan3A_1 = arith.constant 0 : i32
    %scan3A_2 = arith.constant 128 : i32
    %scan3A_3 = arith.addi %scan3A_1, %scan3A_2 : i32
    %scan3A_4 = arith.constant 1 : i32
    scf.for %scan3A_44 = %scan3A_1 to %scan3A_3 step %scan3A_4  : i32 {
      %swap3A = arith.index_cast %scan3A_44 : i32 to index
      %swap3A_45 = arith.constant 0 : index
      %swap3A_46 = tpu.vector_load %arg10[%swap3A, %swap3A_45] {strides = array<i32>} : memref<128x128xf32, #tpu.memory_space<vmem>>, vector<1x16xf32>,
      %swap3A_47 = vector.shape_cast %swap3A_46 : vector<1x16xf32> to vector<16xf32>
      %swap3A_48 = vector.shape_cast %broadcast_in_dim3A_0 : vector<16xf32> to vector<1x16xf32>
      tpu.vector_store %arg10[%swap3A, %swap3A_45], %swap3A_48 {strides = array<i32>} : memref<128x128xf32, #tpu.memory_space<vmem>>, vector<1x16xf32>,
      %swap3A_49 = arith.index_cast %scan3A_44 : i32 to index
      %swap3A_50 = arith.constant 16 : index
      %swap3A_51 = tpu.vector_load %arg10[%swap3A_49, %swap3A_50] {strides = array<i32>} : memref<128x128xf32, #tpu.memory_space<vmem>>, vector<1x16xf32>,
      %swap3A_52 = vector.shape_cast %swap3A_51 : vector<1x16xf32> to vector<16xf32>
      %swap3A_53 = vector.shape_cast %broadcast_in_dim3A_0 : vector<16xf32> to vector<1x16xf32>
      tpu.vector_store %arg10[%swap3A_49, %swap3A_50], %swap3A_53 {strides = array<i32>} : memref<128x128xf32, #tpu.memory_space<vmem>>, vector<1x16xf32>,
      %swap3A_54 = arith.index_cast %scan3A_44 : i32 to index
      %swap3A_55 = arith.constant 32 : index
      %swap3A_56 = tpu.vector_load %arg10[%swap3A_54, %swap3A_55] {strides = array<i32>} : memref<128x128xf32, #tpu.memory_space<vmem>>, vector<1x16xf32>,
      %swap3A_57 = vector.shape_cast %swap3A_56 : vector<1x16xf32> to vector<16xf32>
      %swap3A_58 = vector.shape_cast %broadcast_in_dim3A_0 : vector<16xf32> to vector<1x16xf32>
      tpu.vector_store %arg10[%swap3A_54, %swap3A_55], %swap3A_58 {strides = array<i32>} : memref<128x128xf32, #tpu.memory_space<vmem>>, vector<1x16xf32>,
      %swap3A_59 = arith.index_cast %scan3A_44 : i32 to index
      %swap3A_60 = arith.constant 48 : index
      %swap3A_61 = tpu.vector_load %arg10[%swap3A_59, %swap3A_60] {strides = array<i32>} : memref<128x128xf32, #tpu.memory_space<vmem>>, vector<1x16xf32>,
      %swap3A_62 = vector.shape_cast %swap3A_61 : vector<1x16xf32> to vector<16xf32>
      %swap3A_63 = vector.shape_cast %broadcast_in_dim3A_0 : vector<16xf32> to vector<1x16xf32>
      tpu.vector_store %arg10[%swap3A_59, %swap3A_60], %swap3A_63 {strides = array<i32>} : memref<128x128xf32, #tpu.memory_space<vmem>>, vector<1x16xf32>,
      %swap3A_64 = arith.index_cast %scan3A_44 : i32 to index
      %swap3A_65 = arith.constant 64 : index
      %swap3A_66 = tpu.vector_load %arg10[%swap3A_64, %swap3A_65] {strides = array<i32>} : memref<128x128xf32, #tpu.memory_space<vmem>>, vector<1x16xf32>,
      %swap3A_67 = vector.shape_cast %swap3A_66 : vector<1x16xf32> to vector<16xf32>
      %swap3A_68 = vector.shape_cast %broadcast_in_dim3A_0 : vector<16xf32> to vector<1x16xf32>
      tpu.vector_store %arg10[%swap3A_64, %swap3A_65], %swap3A_68 {strides = array<i32>} : memref<128x128xf32, #tpu.memory_space<vmem>>, vector<1x16xf32>,
      %swap3A_69 = arith.index_cast %scan3A_44 : i32 to index
      %swap3A_70 = arith.constant 80 : index
      %swap3A_71 = tpu.vector_load %arg10[%swap3A_69, %swap3A_70] {strides = array<i32>} : memref<128x128xf32, #tpu.memory_space<vmem>>, vector<1x16xf32>,
      %swap3A_72 = vector.shape_cast %swap3A_71 : vector<1x16xf32> to vector<16xf32>
      %swap3A_73 = vector.shape_cast %broadcast_in_dim3A_0 : vector<16xf32> to vector<1x16xf32>
      tpu.vector_store %arg10[%swap3A_69, %swap3A_70], %swap3A_73 {strides = array<i32>} : memref<128x128xf32, #tpu.memory_space<vmem>>, vector<1x16xf32>,
      %swap3A_74 = arith.index_cast %scan3A_44 : i32 to index
      %swap3A_75 = arith.constant 96 : index
      %swap3A_76 = tpu.vector_load %arg10[%swap3A_74, %swap3A_75] {strides = array<i32>} : memref<128x128xf32, #tpu.memory_space<vmem>>, vector<1x16xf32>,
      %swap3A_77 = vector.shape_cast %swap3A_76 : vector<1x16xf32> to vector<16xf32>
      %swap3A_78 = vector.shape_cast %broadcast_in_dim3A_0 : vector<16xf32> to vector<1x16xf32>
      tpu.vector_store %arg10[%swap3A_74, %swap3A_75], %swap3A_78 {strides = array<i32>} : memref<128x128xf32, #tpu.memory_space<vmem>>, vector<1x16xf32>,
      %swap3A_79 = arith.index_cast %scan3A_44 : i32 to index
      %swap3A_80 = arith.constant 112 : index
      %swap3A_81 = tpu.vector_load %arg10[%swap3A_79, %swap3A_80] {strides = array<i32>} : memref<128x128xf32, #tpu.memory_space<vmem>>, vector<1x16xf32>,
      %swap3A_82 = vector.shape_cast %swap3A_81 : vector<1x16xf32> to vector<16xf32>
      %swap3A_83 = vector.shape_cast %broadcast_in_dim3A_0 : vector<16xf32> to vector<1x16xf32>
      tpu.vector_store %arg10[%swap3A_79, %swap3A_80], %swap3A_83 {strides = array<i32>} : memref<128x128xf32, #tpu.memory_space<vmem>>, vector<1x16xf32>,
    }
    %scan3A_5 = arith.constant 128 : i32
    %mul3A = arith.constant 640 : i32
    %mul3A_6 = arith.muli %arg1, %mul3A : i32
    %add3A = arith.constant 0 : i32
    %add3A_7 = arith.addi %mul3A_6, %add3A : i32
    "tpu.region"() ({
      %run_scoped3A = tpu.sem_alloc : memref<!tpu.dma_semaphore, #tpu.memory_space<semaphore_mem>>
      %dma_start3A = arith.constant 0 : i32
      %dma_start3A_44 = tpu.memref_slice %arg12[%add3A_7, %dma_start3A] : memref<10240x128xf32, #tpu.memory_space<vmem_shared>> -> memref<128x128xf32, #tpu.memory_space<vmem_shared>>
      %dma_start3A_45 = arith.constant 0 : i32
      %dma_start3A_46 = tpu.memref_slice %arg12[%add3A_7, %dma_start3A_45] : memref<10240x128xf32, #tpu.memory_space<vmem_shared>> -> memref<128x128xf32, #tpu.memory_space<vmem_shared>>
      tpu.enqueue_dma source(%arg10 : memref<128x128xf32, #tpu.memory_space<vmem>>) target(%dma_start3A_46 : memref<128x128xf32, #tpu.memory_space<vmem_shared>>) target_semaphore(%run_scoped3A : memref<!tpu.dma_semaphore, #tpu.memory_space<semaphore_mem>>)
      %dma_wait3A = arith.constant 0 : i32
      %dma_wait3A_47 = tpu.memref_slice %arg12[%add3A_7, %dma_wait3A] : memref<10240x128xf32, #tpu.memory_space<vmem_shared>> -> memref<128x128xf32, #tpu.memory_space<vmem_shared>>
      %dma_wait3A_48 = arith.constant 0 : i32
      %dma_wait3A_49 = tpu.memref_slice %arg12[%add3A_7, %dma_wait3A_48] : memref<10240x128xf32, #tpu.memory_space<vmem_shared>> -> memref<128x128xf32, #tpu.memory_space<vmem_shared>>
      tpu.wait_dma2 semaphore(%run_scoped3A : memref<!tpu.dma_semaphore, #tpu.memory_space<semaphore_mem>>) src(%arg10 : memref<128x128xf32, #tpu.memory_space<vmem>>) dst(%dma_wait3A_49 : memref<128x128xf32, #tpu.memory_space<vmem_shared>>)
      tpu.yield
    }) : () -> ()
    %mul3A_8 = arith.constant 640 : i32
    %mul3A_9 = arith.muli %arg1, %mul3A_8 : i32
    %add3A_10 = arith.constant 128 : i32
    %add3A_11 = arith.addi %mul3A_9, %add3A_10 : i32
    "tpu.region"() ({
      %run_scoped3A = tpu.sem_alloc : memref<!tpu.dma_semaphore, #tpu.memory_space<semaphore_mem>>
      %dma_start3A = arith.constant 0 : i32
      %dma_start3A_44 = tpu.memref_slice %arg12[%add3A_11, %dma_start3A] : memref<10240x128xf32, #tpu.memory_space<vmem_shared>> -> memref<128x128xf32, #tpu.memory_space<vmem_shared>>
      %dma_start3A_45 = arith.constant 0 : i32
      %dma_start3A_46 = tpu.memref_slice %arg12[%add3A_11, %dma_start3A_45] : memref<10240x128xf32, #tpu.memory_space<vmem_shared>> -> memref<128x128xf32, #tpu.memory_space<vmem_shared>>
      tpu.enqueue_dma source(%arg10 : memref<128x128xf32, #tpu.memory_space<vmem>>) target(%dma_start3A_46 : memref<128x128xf32, #tpu.memory_space<vmem_shared>>) target_semaphore(%run_scoped3A : memref<!tpu.dma_semaphore, #tpu.memory_space<semaphore_mem>>)
      %dma_wait3A = arith.constant 0 : i32
      %dma_wait3A_47 = tpu.memref_slice %arg12[%add3A_11, %dma_wait3A] : memref<10240x128xf32, #tpu.memory_space<vmem_shared>> -> memref<128x128xf32, #tpu.memory_space<vmem_shared>>
      %dma_wait3A_48 = arith.constant 0 : i32
      %dma_wait3A_49 = tpu.memref_slice %arg12[%add3A_11, %dma_wait3A_48] : memref<10240x128xf32, #tpu.memory_space<vmem_shared>> -> memref<128x128xf32, #tpu.memory_space<vmem_shared>>
      tpu.wait_dma2 semaphore(%run_scoped3A : memref<!tpu.dma_semaphore, #tpu.memory_space<semaphore_mem>>) src(%arg10 : memref<128x128xf32, #tpu.memory_space<vmem>>) dst(%dma_wait3A_49 : memref<128x128xf32, #tpu.memory_space<vmem_shared>>)
      tpu.yield
    }) : () -> ()
    %mul3A_12 = arith.constant 640 : i32
    %mul3A_13 = arith.muli %arg1, %mul3A_12 : i32
    %add3A_14 = arith.constant 256 : i32
    %add3A_15 = arith.addi %mul3A_13, %add3A_14 : i32
    "tpu.region"() ({
      %run_scoped3A = tpu.sem_alloc : memref<!tpu.dma_semaphore, #tpu.memory_space<semaphore_mem>>
      %dma_start3A = arith.constant 0 : i32
      %dma_start3A_44 = tpu.memref_slice %arg12[%add3A_15, %dma_start3A] : memref<10240x128xf32, #tpu.memory_space<vmem_shared>> -> memref<128x128xf32, #tpu.memory_space<vmem_shared>>
      %dma_start3A_45 = arith.constant 0 : i32
      %dma_start3A_46 = tpu.memref_slice %arg12[%add3A_15, %dma_start3A_45] : memref<10240x128xf32, #tpu.memory_space<vmem_shared>> -> memref<128x128xf32, #tpu.memory_space<vmem_shared>>
      tpu.enqueue_dma source(%arg10 : memref<128x128xf32, #tpu.memory_space<vmem>>) target(%dma_start3A_46 : memref<128x128xf32, #tpu.memory_space<vmem_shared>>) target_semaphore(%run_scoped3A : memref<!tpu.dma_semaphore, #tpu.memory_space<semaphore_mem>>)
      %dma_wait3A = arith.constant 0 : i32
      %dma_wait3A_47 = tpu.memref_slice %arg12[%add3A_15, %dma_wait3A] : memref<10240x128xf32, #tpu.memory_space<vmem_shared>> -> memref<128x128xf32, #tpu.memory_space<vmem_shared>>
      %dma_wait3A_48 = arith.constant 0 : i32
      %dma_wait3A_49 = tpu.memref_slice %arg12[%add3A_15, %dma_wait3A_48] : memref<10240x128xf32, #tpu.memory_space<vmem_shared>> -> memref<128x128xf32, #tpu.memory_space<vmem_shared>>
      tpu.wait_dma2 semaphore(%run_scoped3A : memref<!tpu.dma_semaphore, #tpu.memory_space<semaphore_mem>>) src(%arg10 : memref<128x128xf32, #tpu.memory_space<vmem>>) dst(%dma_wait3A_49 : memref<128x128xf32, #tpu.memory_space<vmem_shared>>)
      tpu.yield
    }) : () -> ()
    %mul3A_16 = arith.constant 640 : i32
    %mul3A_17 = arith.muli %arg1, %mul3A_16 : i32
    %add3A_18 = arith.constant 384 : i32
    %add3A_19 = arith.addi %mul3A_17, %add3A_18 : i32
    "tpu.region"() ({
      %run_scoped3A = tpu.sem_alloc : memref<!tpu.dma_semaphore, #tpu.memory_space<semaphore_mem>>
      %dma_start3A = arith.constant 0 : i32
      %dma_start3A_44 = tpu.memref_slice %arg12[%add3A_19, %dma_start3A] : memref<10240x128xf32, #tpu.memory_space<vmem_shared>> -> memref<128x128xf32, #tpu.memory_space<vmem_shared>>
      %dma_start3A_45 = arith.constant 0 : i32
      %dma_start3A_46 = tpu.memref_slice %arg12[%add3A_19, %dma_start3A_45] : memref<10240x128xf32, #tpu.memory_space<vmem_shared>> -> memref<128x128xf32, #tpu.memory_space<vmem_shared>>
      tpu.enqueue_dma source(%arg10 : memref<128x128xf32, #tpu.memory_space<vmem>>) target(%dma_start3A_46 : memref<128x128xf32, #tpu.memory_space<vmem_shared>>) target_semaphore(%run_scoped3A : memref<!tpu.dma_semaphore, #tpu.memory_space<semaphore_mem>>)
      %dma_wait3A = arith.constant 0 : i32
      %dma_wait3A_47 = tpu.memref_slice %arg12[%add3A_19, %dma_wait3A] : memref<10240x128xf32, #tpu.memory_space<vmem_shared>> -> memref<128x128xf32, #tpu.memory_space<vmem_shared>>
      %dma_wait3A_48 = arith.constant 0 : i32
      %dma_wait3A_49 = tpu.memref_slice %arg12[%add3A_19, %dma_wait3A_48] : memref<10240x128xf32, #tpu.memory_space<vmem_shared>> -> memref<128x128xf32, #tpu.memory_space<vmem_shared>>
      tpu.wait_dma2 semaphore(%run_scoped3A : memref<!tpu.dma_semaphore, #tpu.memory_space<semaphore_mem>>) src(%arg10 : memref<128x128xf32, #tpu.memory_space<vmem>>) dst(%dma_wait3A_49 : memref<128x128xf32, #tpu.memory_space<vmem_shared>>)
      tpu.yield
    }) : () -> ()
    %mul3A_20 = arith.constant 640 : i32
    %mul3A_21 = arith.muli %arg1, %mul3A_20 : i32
    %add3A_22 = arith.constant 512 : i32
    %add3A_23 = arith.addi %mul3A_21, %add3A_22 : i32
    "tpu.region"() ({
      %run_scoped3A = tpu.sem_alloc : memref<!tpu.dma_semaphore, #tpu.memory_space<semaphore_mem>>
      %dma_start3A = arith.constant 0 : i32
      %dma_start3A_44 = tpu.memref_slice %arg12[%add3A_23, %dma_start3A] : memref<10240x128xf32, #tpu.memory_space<vmem_shared>> -> memref<128x128xf32, #tpu.memory_space<vmem_shared>>
      %dma_start3A_45 = arith.constant 0 : i32
      %dma_start3A_46 = tpu.memref_slice %arg12[%add3A_23, %dma_start3A_45] : memref<10240x128xf32, #tpu.memory_space<vmem_shared>> -> memref<128x128xf32, #tpu.memory_space<vmem_shared>>
      tpu.enqueue_dma source(%arg10 : memref<128x128xf32, #tpu.memory_space<vmem>>) target(%dma_start3A_46 : memref<128x128xf32, #tpu.memory_space<vmem_shared>>) target_semaphore(%run_scoped3A : memref<!tpu.dma_semaphore, #tpu.memory_space<semaphore_mem>>)
      %dma_wait3A = arith.constant 0 : i32
      %dma_wait3A_47 = tpu.memref_slice %arg12[%add3A_23, %dma_wait3A] : memref<10240x128xf32, #tpu.memory_space<vmem_shared>> -> memref<128x128xf32, #tpu.memory_space<vmem_shared>>
      %dma_wait3A_48 = arith.constant 0 : i32
      %dma_wait3A_49 = tpu.memref_slice %arg12[%add3A_23, %dma_wait3A_48] : memref<10240x128xf32, #tpu.memory_space<vmem_shared>> -> memref<128x128xf32, #tpu.memory_space<vmem_shared>>
      tpu.wait_dma2 semaphore(%run_scoped3A : memref<!tpu.dma_semaphore, #tpu.memory_space<semaphore_mem>>) src(%arg10 : memref<128x128xf32, #tpu.memory_space<vmem>>) dst(%dma_wait3A_49 : memref<128x128xf32, #tpu.memory_space<vmem_shared>>)
      tpu.yield
    }) : () -> ()
    %barrier3A = arith.constant 0 : index
    tpu.barrier barrier_id(%barrier3A)
    %eq3A = arith.constant 0 : i32
    %eq3A_24 = arith.cmpi eq, %arg0, %eq3A : i32
    %convert_element_type3A = arith.extui %eq3A_24 : i1 to i32
    %cond3A = arith.constant 0 : i32
    %cond3A_25 = arith.cmpi ne, %convert_element_type3A, %cond3A : i32
    scf.if %cond3A_25 {
      "tpu.region"() ({
        %run_scoped3A = tpu.sem_alloc : memref<!tpu.dma_semaphore, #tpu.memory_space<semaphore_mem>>
        %dma_start3A_96 = arith.constant 0 : i32
        %dma_start3A_97 = arith.constant 0 : i32
        %dma_start3A_98 = tpu.memref_slice %arg4[%arg1, %dma_start3A_96, %dma_start3A_97] : memref<16x80x128xi32, #tpu.memory_space<hbm>> -> memref<1x40x128xi32, #tpu.memory_space<hbm>>
        %dma_start3A_99 = tpu.memref_squeeze %dma_start3A_98 : memref<1x40x128xi32, #tpu.memory_space<hbm>> -> memref<40x128xi32, #tpu.memory_space<hbm>>
        %dma_start3A_100 = arith.constant 0 : i32
        %dma_start3A_101 = arith.constant 0 : i32
        %dma_start3A_102 = tpu.memref_slice %arg4[%arg1, %dma_start3A_100, %dma_start3A_101] : memref<16x80x128xi32, #tpu.memory_space<hbm>> -> memref<1x40x128xi32, #tpu.memory_space<hbm>>
        %dma_start3A_103 = tpu.memref_squeeze %dma_start3A_102 : memref<1x40x128xi32, #tpu.memory_space<hbm>> -> memref<40x128xi32, #tpu.memory_space<hbm>>
        tpu.enqueue_dma source(%dma_start3A_103 : memref<40x128xi32, #tpu.memory_space<hbm>>) target(%arg8 : memref<40x128xi32, #tpu.memory_space<vmem>>) target_semaphore(%run_scoped3A : memref<!tpu.dma_semaphore, #tpu.memory_space<semaphore_mem>>)
        %dma_wait3A_104 = arith.constant 0 : i32
        %dma_wait3A_105 = arith.constant 0 : i32
        %dma_wait3A_106 = tpu.memref_slice %arg4[%arg1, %dma_wait3A_104, %dma_wait3A_105] : memref<16x80x128xi32, #tpu.memory_space<hbm>> -> memref<1x40x128xi32, #tpu.memory_space<hbm>>
        %dma_wait3A_107 = tpu.memref_squeeze %dma_wait3A_106 : memref<1x40x128xi32, #tpu.memory_space<hbm>> -> memref<40x128xi32, #tpu.memory_space<hbm>>
        %dma_wait3A_108 = arith.constant 0 : i32
        %dma_wait3A_109 = arith.constant 0 : i32
        %dma_wait3A_110 = tpu.memref_slice %arg4[%arg1, %dma_wait3A_108, %dma_wait3A_109] : memref<16x80x128xi32, #tpu.memory_space<hbm>> -> memref<1x40x128xi32, #tpu.memory_space<hbm>>
        %dma_wait3A_111 = tpu.memref_squeeze %dma_wait3A_110 : memref<1x40x128xi32, #tpu.memory_space<hbm>> -> memref<40x128xi32, #tpu.memory_space<hbm>>
        tpu.wait_dma2 semaphore(%run_scoped3A : memref<!tpu.dma_semaphore, #tpu.memory_space<semaphore_mem>>) src(%dma_wait3A_111 : memref<40x128xi32, #tpu.memory_space<hbm>>) dst(%arg8 : memref<40x128xi32, #tpu.memory_space<vmem>>)
        tpu.yield
      }) : () -> ()
      "tpu.region"() ({
        %run_scoped3A = tpu.sem_alloc : memref<!tpu.dma_semaphore, #tpu.memory_space<semaphore_mem>>
        %dma_start3A_96 = arith.constant 0 : i32
        %dma_start3A_97 = arith.constant 0 : i32
        %dma_start3A_98 = tpu.memref_slice %arg5[%arg1, %dma_start3A_96, %dma_start3A_97] : memref<16x80x128xi32, #tpu.memory_space<hbm>> -> memref<1x40x128xi32, #tpu.memory_space<hbm>>
        %dma_start3A_99 = tpu.memref_squeeze %dma_start3A_98 : memref<1x40x128xi32, #tpu.memory_space<hbm>> -> memref<40x128xi32, #tpu.memory_space<hbm>>
        %dma_start3A_100 = arith.constant 0 : i32
        %dma_start3A_101 = arith.constant 0 : i32
        %dma_start3A_102 = tpu.memref_slice %arg5[%arg1, %dma_start3A_100, %dma_start3A_101] : memref<16x80x128xi32, #tpu.memory_space<hbm>> -> memref<1x40x128xi32, #tpu.memory_space<hbm>>
        %dma_start3A_103 = tpu.memref_squeeze %dma_start3A_102 : memref<1x40x128xi32, #tpu.memory_space<hbm>> -> memref<40x128xi32, #tpu.memory_space<hbm>>
        tpu.enqueue_dma source(%dma_start3A_103 : memref<40x128xi32, #tpu.memory_space<hbm>>) target(%arg9 : memref<40x128xi32, #tpu.memory_space<vmem>>) target_semaphore(%run_scoped3A : memref<!tpu.dma_semaphore, #tpu.memory_space<semaphore_mem>>)
        %dma_wait3A_104 = arith.constant 0 : i32
        %dma_wait3A_105 = arith.constant 0 : i32
        %dma_wait3A_106 = tpu.memref_slice %arg5[%arg1, %dma_wait3A_104, %dma_wait3A_105] : memref<16x80x128xi32, #tpu.memory_space<hbm>> -> memref<1x40x128xi32, #tpu.memory_space<hbm>>
        %dma_wait3A_107 = tpu.memref_squeeze %dma_wait3A_106 : memref<1x40x128xi32, #tpu.memory_space<hbm>> -> memref<40x128xi32, #tpu.memory_space<hbm>>
        %dma_wait3A_108 = arith.constant 0 : i32
        %dma_wait3A_109 = arith.constant 0 : i32
        %dma_wait3A_110 = tpu.memref_slice %arg5[%arg1, %dma_wait3A_108, %dma_wait3A_109] : memref<16x80x128xi32, #tpu.memory_space<hbm>> -> memref<1x40x128xi32, #tpu.memory_space<hbm>>
        %dma_wait3A_111 = tpu.memref_squeeze %dma_wait3A_110 : memref<1x40x128xi32, #tpu.memory_space<hbm>> -> memref<40x128xi32, #tpu.memory_space<hbm>>
        tpu.wait_dma2 semaphore(%run_scoped3A : memref<!tpu.dma_semaphore, #tpu.memory_space<semaphore_mem>>) src(%dma_wait3A_111 : memref<40x128xi32, #tpu.memory_space<hbm>>) dst(%arg9 : memref<40x128xi32, #tpu.memory_space<vmem>>)
        tpu.yield
      }) : () -> ()
      %dma_start3A = arith.constant 0 : i32
      %dma_start3A_44 = arith.constant 0 : i32
      %dma_start3A_45 = tpu.memref_slice %arg8[%dma_start3A, %dma_start3A_44] : memref<40x128xi32, #tpu.memory_space<vmem>> -> memref<1x128xi32, #tpu.memory_space<vmem>>
      %dma_start3A_46 = tpu.memref_squeeze %dma_start3A_45 : memref<1x128xi32, #tpu.memory_space<vmem>> -> memref<128xi32, #tpu.memory_space<vmem>>
      %dma_start3A_47 = arith.constant 0 : i32
      %dma_start3A_48 = arith.constant 0 : i32
      %dma_start3A_49 = tpu.memref_slice %arg2[%dma_start3A_47, %dma_start3A_48] : memref<10240x128xf32, #tpu.memory_space<hbm>> -> memref<10240x128xf32, #tpu.memory_space<hbm>>
      tpu.enqueue_indirect_dma source(%dma_start3A_49 : memref<10240x128xf32, #tpu.memory_space<hbm>>) target(%arg10 : memref<128x128xf32, #tpu.memory_space<vmem>>) offsets(%dma_start3A_46 : memref<128xi32, #tpu.memory_space<vmem>>) semaphore(%arg13 : memref<!tpu.dma_semaphore, #tpu.memory_space<semaphore_mem>>)
      %scan3A_50 = arith.constant 0 : i32
      %scan3A_51 = arith.constant 0 : i32
      %scan3A_52 = arith.constant 20 : i32
      %scan3A_53 = arith.addi %scan3A_51, %scan3A_52 : i32
      %scan3A_54 = arith.constant 1 : i32
      scf.for %scan3A_96 = %scan3A_51 to %scan3A_53 step %scan3A_54  : i32 {
        %mul3A_97 = arith.constant 2 : i32
        %mul3A_98 = arith.muli %mul3A_97, %scan3A_96 : i32
        %dma_wait3A_99 = arith.constant 0 : i32
        %dma_wait3A_100 = tpu.memref_slice %arg8[%mul3A_98, %dma_wait3A_99] : memref<40x128xi32, #tpu.memory_space<vmem>> -> memref<1x128xi32, #tpu.memory_space<vmem>>
        %dma_wait3A_101 = tpu.memref_squeeze %dma_wait3A_100 : memref<1x128xi32, #tpu.memory_space<vmem>> -> memref<128xi32, #tpu.memory_space<vmem>>
        %dma_wait3A_102 = arith.constant 0 : i32
        %dma_wait3A_103 = arith.constant 0 : i32
        %dma_wait3A_104 = tpu.memref_slice %arg2[%dma_wait3A_102, %dma_wait3A_103] : memref<10240x128xf32, #tpu.memory_space<hbm>> -> memref<10240x128xf32, #tpu.memory_space<hbm>>
        tpu.wait_indirect_dma semaphore(%arg13 : memref<!tpu.dma_semaphore, #tpu.memory_space<semaphore_mem>>) src(%dma_wait3A_104 : memref<10240x128xf32, #tpu.memory_space<hbm>>) dst(%arg10 : memref<128x128xf32, #tpu.memory_space<vmem>>)
        %dma_start3A_105 = arith.constant 0 : i32
        %dma_start3A_106 = tpu.memref_slice %arg9[%mul3A_98, %dma_start3A_105] : memref<40x128xi32, #tpu.memory_space<vmem>> -> memref<1x128xi32, #tpu.memory_space<vmem>>
        %dma_start3A_107 = tpu.memref_squeeze %dma_start3A_106 : memref<1x128xi32, #tpu.memory_space<vmem>> -> memref<128xi32, #tpu.memory_space<vmem>>
        %dma_start3A_108 = arith.constant 0 : i32
        %dma_start3A_109 = arith.constant 0 : i32
        %dma_start3A_110 = tpu.memref_slice %arg12[%dma_start3A_108, %dma_start3A_109] : memref<10240x128xf32, #tpu.memory_space<vmem_shared>> -> memref<10240x128xf32, #tpu.memory_space<vmem_shared>>
        tpu.enqueue_indirect_dma source(%arg10 : memref<128x128xf32, #tpu.memory_space<vmem>>) target(%dma_start3A_110 : memref<10240x128xf32, #tpu.memory_space<vmem_shared>>) offsets(%dma_start3A_107 : memref<128xi32, #tpu.memory_space<vmem>>) semaphore(%arg14 : memref<!tpu.dma_semaphore, #tpu.memory_space<semaphore_mem>>) {add = true}
        %gt3A = arith.constant 0 : i32
        %gt3A_111 = arith.cmpi sgt, %scan3A_96, %gt3A : i32
        %convert_element_type3A_112 = arith.extui %gt3A_111 : i1 to i32
        %cond3A_113 = arith.constant 0 : i32
        %cond3A_114 = arith.cmpi ne, %convert_element_type3A_112, %cond3A_113 : i32
        scf.if %cond3A_114 {
          %dma_wait3A_157 = arith.constant 0 : i32
          %dma_wait3A_158 = tpu.memref_slice %arg9[%mul3A_98, %dma_wait3A_157] : memref<40x128xi32, #tpu.memory_space<vmem>> -> memref<1x128xi32, #tpu.memory_space<vmem>>
          %dma_wait3A_159 = tpu.memref_squeeze %dma_wait3A_158 : memref<1x128xi32, #tpu.memory_space<vmem>> -> memref<128xi32, #tpu.memory_space<vmem>>
          %dma_wait3A_160 = arith.constant 0 : i32
          %dma_wait3A_161 = arith.constant 0 : i32
          %dma_wait3A_162 = tpu.memref_slice %arg12[%dma_wait3A_160, %dma_wait3A_161] : memref<10240x128xf32, #tpu.memory_space<vmem_shared>> -> memref<10240x128xf32, #tpu.memory_space<vmem_shared>>
          tpu.wait_indirect_dma semaphore(%arg14 : memref<!tpu.dma_semaphore, #tpu.memory_space<semaphore_mem>>) src(%arg11 : memref<128x128xf32, #tpu.memory_space<vmem>>) dst(%dma_wait3A_162 : memref<10240x128xf32, #tpu.memory_space<vmem_shared>>)
        } else {
        }
        %add3A_115 = arith.constant 1 : i32
        %add3A_116 = arith.addi %mul3A_98, %add3A_115 : i32
        %dma_start3A_117 = arith.constant 0 : i32
        %dma_start3A_118 = tpu.memref_slice %arg8[%add3A_116, %dma_start3A_117] : memref<40x128xi32, #tpu.memory_space<vmem>> -> memref<1x128xi32, #tpu.memory_space<vmem>>
        %dma_start3A_119 = tpu.memref_squeeze %dma_start3A_118 : memref<1x128xi32, #tpu.memory_space<vmem>> -> memref<128xi32, #tpu.memory_space<vmem>>
        %dma_start3A_120 = arith.constant 0 : i32
        %dma_start3A_121 = arith.constant 0 : i32
        %dma_start3A_122 = tpu.memref_slice %arg2[%dma_start3A_120, %dma_start3A_121] : memref<10240x128xf32, #tpu.memory_space<hbm>> -> memref<10240x128xf32, #tpu.memory_space<hbm>>
        tpu.enqueue_indirect_dma source(%dma_start3A_122 : memref<10240x128xf32, #tpu.memory_space<hbm>>) target(%arg11 : memref<128x128xf32, #tpu.memory_space<vmem>>) offsets(%dma_start3A_119 : memref<128xi32, #tpu.memory_space<vmem>>) semaphore(%arg13 : memref<!tpu.dma_semaphore, #tpu.memory_space<semaphore_mem>>)
        %add3A_123 = arith.constant 1 : i32
        %add3A_124 = arith.addi %mul3A_98, %add3A_123 : i32
        %dma_wait3A_125 = arith.constant 0 : i32
        %dma_wait3A_126 = tpu.memref_slice %arg8[%add3A_124, %dma_wait3A_125] : memref<40x128xi32, #tpu.memory_space<vmem>> -> memref<1x128xi32, #tpu.memory_space<vmem>>
        %dma_wait3A_127 = tpu.memref_squeeze %dma_wait3A_126 : memref<1x128xi32, #tpu.memory_space<vmem>> -> memref<128xi32, #tpu.memory_space<vmem>>
        %dma_wait3A_128 = arith.constant 0 : i32
        %dma_wait3A_129 = arith.constant 0 : i32
        %dma_wait3A_130 = tpu.memref_slice %arg2[%dma_wait3A_128, %dma_wait3A_129] : memref<10240x128xf32, #tpu.memory_space<hbm>> -> memref<10240x128xf32, #tpu.memory_space<hbm>>
        tpu.wait_indirect_dma semaphore(%arg13 : memref<!tpu.dma_semaphore, #tpu.memory_space<semaphore_mem>>) src(%dma_wait3A_130 : memref<10240x128xf32, #tpu.memory_space<hbm>>) dst(%arg11 : memref<128x128xf32, #tpu.memory_space<vmem>>)
        %add3A_131 = arith.constant 1 : i32
        %add3A_132 = arith.addi %mul3A_98, %add3A_131 : i32
        %dma_start3A_133 = arith.constant 0 : i32
        %dma_start3A_134 = tpu.memref_slice %arg9[%add3A_132, %dma_start3A_133] : memref<40x128xi32, #tpu.memory_space<vmem>> -> memref<1x128xi32, #tpu.memory_space<vmem>>
        %dma_start3A_135 = tpu.memref_squeeze %dma_start3A_134 : memref<1x128xi32, #tpu.memory_space<vmem>> -> memref<128xi32, #tpu.memory_space<vmem>>
        %dma_start3A_136 = arith.constant 0 : i32
        %dma_start3A_137 = arith.constant 0 : i32
        %dma_start3A_138 = tpu.memref_slice %arg12[%dma_start3A_136, %dma_start3A_137] : memref<10240x128xf32, #tpu.memory_space<vmem_shared>> -> memref<10240x128xf32, #tpu.memory_space<vmem_shared>>
        tpu.enqueue_indirect_dma source(%arg11 : memref<128x128xf32, #tpu.memory_space<vmem>>) target(%dma_start3A_138 : memref<10240x128xf32, #tpu.memory_space<vmem_shared>>) offsets(%dma_start3A_135 : memref<128xi32, #tpu.memory_space<vmem>>) semaphore(%arg14 : memref<!tpu.dma_semaphore, #tpu.memory_space<semaphore_mem>>) {add = true}
        %dma_wait3A_139 = arith.constant 0 : i32
        %dma_wait3A_140 = tpu.memref_slice %arg9[%mul3A_98, %dma_wait3A_139] : memref<40x128xi32, #tpu.memory_space<vmem>> -> memref<1x128xi32, #tpu.memory_space<vmem>>
        %dma_wait3A_141 = tpu.memref_squeeze %dma_wait3A_140 : memref<1x128xi32, #tpu.memory_space<vmem>> -> memref<128xi32, #tpu.memory_space<vmem>>
        %dma_wait3A_142 = arith.constant 0 : i32
        %dma_wait3A_143 = arith.constant 0 : i32
        %dma_wait3A_144 = tpu.memref_slice %arg12[%dma_wait3A_142, %dma_wait3A_143] : memref<10240x128xf32, #tpu.memory_space<vmem_shared>> -> memref<10240x128xf32, #tpu.memory_space<vmem_shared>>
        tpu.wait_indirect_dma semaphore(%arg14 : memref<!tpu.dma_semaphore, #tpu.memory_space<semaphore_mem>>) src(%arg10 : memref<128x128xf32, #tpu.memory_space<vmem>>) dst(%dma_wait3A_144 : memref<10240x128xf32, #tpu.memory_space<vmem_shared>>)
        %add3A_145 = arith.constant 1 : i32
        %add3A_146 = arith.addi %scan3A_96, %add3A_145 : i32
        %lt3A = arith.constant 20 : i32
        %lt3A_147 = arith.cmpi slt, %add3A_146, %lt3A : i32
        %add3A_148 = arith.constant 2 : i32
        %add3A_149 = arith.addi %mul3A_98, %add3A_148 : i32
        %select_n3A = arith.constant 0 : i32
        %select_n3A_150 = arith.select %lt3A_147, %add3A_149, %select_n3A : i32
        %dma_start3A_151 = arith.constant 0 : i32
        %dma_start3A_152 = tpu.memref_slice %arg8[%select_n3A_150, %dma_start3A_151] : memref<40x128xi32, #tpu.memory_space<vmem>> -> memref<1x128xi32, #tpu.memory_space<vmem>>
        %dma_start3A_153 = tpu.memref_squeeze %dma_start3A_152 : memref<1x128xi32, #tpu.memory_space<vmem>> -> memref<128xi32, #tpu.memory_space<vmem>>
        %dma_start3A_154 = arith.constant 0 : i32
        %dma_start3A_155 = arith.constant 0 : i32
        %dma_start3A_156 = tpu.memref_slice %arg2[%dma_start3A_154, %dma_start3A_155] : memref<10240x128xf32, #tpu.memory_space<hbm>> -> memref<10240x128xf32, #tpu.memory_space<hbm>>
        tpu.enqueue_indirect_dma source(%dma_start3A_156 : memref<10240x128xf32, #tpu.memory_space<hbm>>) target(%arg10 : memref<128x128xf32, #tpu.memory_space<vmem>>) offsets(%dma_start3A_153 : memref<128xi32, #tpu.memory_space<vmem>>) semaphore(%arg13 : memref<!tpu.dma_semaphore, #tpu.memory_space<semaphore_mem>>)
      }
      %scan3A_55 = arith.constant 20 : i32
      %dma_wait3A = arith.constant 0 : i32
      %dma_wait3A_56 = arith.constant 0 : i32
      %dma_wait3A_57 = tpu.memref_slice %arg8[%dma_wait3A, %dma_wait3A_56] : memref<40x128xi32, #tpu.memory_space<vmem>> -> memref<1x128xi32, #tpu.memory_space<vmem>>
      %dma_wait3A_58 = tpu.memref_squeeze %dma_wait3A_57 : memref<1x128xi32, #tpu.memory_space<vmem>> -> memref<128xi32, #tpu.memory_space<vmem>>
      %dma_wait3A_59 = arith.constant 0 : i32
      %dma_wait3A_60 = arith.constant 0 : i32
      %dma_wait3A_61 = tpu.memref_slice %arg2[%dma_wait3A_59, %dma_wait3A_60] : memref<10240x128xf32, #tpu.memory_space<hbm>> -> memref<10240x128xf32, #tpu.memory_space<hbm>>
      tpu.wait_indirect_dma semaphore(%arg13 : memref<!tpu.dma_semaphore, #tpu.memory_space<semaphore_mem>>) src(%dma_wait3A_61 : memref<10240x128xf32, #tpu.memory_space<hbm>>) dst(%arg10 : memref<128x128xf32, #tpu.memory_space<vmem>>)
      %dma_wait3A_62 = arith.constant 0 : i32
      %dma_wait3A_63 = arith.constant 0 : i32
      %dma_wait3A_64 = tpu.memref_slice %arg9[%dma_wait3A_62, %dma_wait3A_63] : memref<40x128xi32, #tpu.memory_space<vmem>> -> memref<1x128xi32, #tpu.memory_space<vmem>>
      %dma_wait3A_65 = tpu.memref_squeeze %dma_wait3A_64 : memref<1x128xi32, #tpu.memory_space<vmem>> -> memref<128xi32, #tpu.memory_space<vmem>>
      %dma_wait3A_66 = arith.constant 0 : i32
      %dma_wait3A_67 = arith.constant 0 : i32
      %dma_wait3A_68 = tpu.memref_slice %arg12[%dma_wait3A_66, %dma_wait3A_67] : memref<10240x128xf32, #tpu.memory_space<vmem_shared>> -> memref<10240x128xf32, #tpu.memory_space<vmem_shared>>
      tpu.wait_indirect_dma semaphore(%arg14 : memref<!tpu.dma_semaphore, #tpu.memory_space<semaphore_mem>>) src(%arg11 : memref<128x128xf32, #tpu.memory_space<vmem>>) dst(%dma_wait3A_68 : memref<10240x128xf32, #tpu.memory_space<vmem_shared>>)
      "tpu.region"() ({
        %run_scoped3A = tpu.sem_alloc : memref<!tpu.dma_semaphore, #tpu.memory_space<semaphore_mem>>
        %dma_start3A_96 = arith.constant 40 : i32
        %dma_start3A_97 = arith.constant 0 : i32
        %dma_start3A_98 = tpu.memref_slice %arg4[%arg1, %dma_start3A_96, %dma_start3A_97] : memref<16x80x128xi32, #tpu.memory_space<hbm>> -> memref<1x40x128xi32, #tpu.memory_space<hbm>>
        %dma_start3A_99 = tpu.memref_squeeze %dma_start3A_98 : memref<1x40x128xi32, #tpu.memory_space<hbm>> -> memref<40x128xi32, #tpu.memory_space<hbm>>
        %dma_start3A_100 = arith.constant 40 : i32
        %dma_start3A_101 = arith.constant 0 : i32
        %dma_start3A_102 = tpu.memref_slice %arg4[%arg1, %dma_start3A_100, %dma_start3A_101] : memref<16x80x128xi32, #tpu.memory_space<hbm>> -> memref<1x40x128xi32, #tpu.memory_space<hbm>>
        %dma_start3A_103 = tpu.memref_squeeze %dma_start3A_102 : memref<1x40x128xi32, #tpu.memory_space<hbm>> -> memref<40x128xi32, #tpu.memory_space<hbm>>
        tpu.enqueue_dma source(%dma_start3A_103 : memref<40x128xi32, #tpu.memory_space<hbm>>) target(%arg8 : memref<40x128xi32, #tpu.memory_space<vmem>>) target_semaphore(%run_scoped3A : memref<!tpu.dma_semaphore, #tpu.memory_space<semaphore_mem>>)
        %dma_wait3A_104 = arith.constant 40 : i32
        %dma_wait3A_105 = arith.constant 0 : i32
        %dma_wait3A_106 = tpu.memref_slice %arg4[%arg1, %dma_wait3A_104, %dma_wait3A_105] : memref<16x80x128xi32, #tpu.memory_space<hbm>> -> memref<1x40x128xi32, #tpu.memory_space<hbm>>
        %dma_wait3A_107 = tpu.memref_squeeze %dma_wait3A_106 : memref<1x40x128xi32, #tpu.memory_space<hbm>> -> memref<40x128xi32, #tpu.memory_space<hbm>>
        %dma_wait3A_108 = arith.constant 40 : i32
        %dma_wait3A_109 = arith.constant 0 : i32
        %dma_wait3A_110 = tpu.memref_slice %arg4[%arg1, %dma_wait3A_108, %dma_wait3A_109] : memref<16x80x128xi32, #tpu.memory_space<hbm>> -> memref<1x40x128xi32, #tpu.memory_space<hbm>>
        %dma_wait3A_111 = tpu.memref_squeeze %dma_wait3A_110 : memref<1x40x128xi32, #tpu.memory_space<hbm>> -> memref<40x128xi32, #tpu.memory_space<hbm>>
        tpu.wait_dma2 semaphore(%run_scoped3A : memref<!tpu.dma_semaphore, #tpu.memory_space<semaphore_mem>>) src(%dma_wait3A_111 : memref<40x128xi32, #tpu.memory_space<hbm>>) dst(%arg8 : memref<40x128xi32, #tpu.memory_space<vmem>>)
        tpu.yield
      }) : () -> ()
      "tpu.region"() ({
        %run_scoped3A = tpu.sem_alloc : memref<!tpu.dma_semaphore, #tpu.memory_space<semaphore_mem>>
        %dma_start3A_96 = arith.constant 40 : i32
        %dma_start3A_97 = arith.constant 0 : i32
        %dma_start3A_98 = tpu.memref_slice %arg5[%arg1, %dma_start3A_96, %dma_start3A_97] : memref<16x80x128xi32, #tpu.memory_space<hbm>> -> memref<1x40x128xi32, #tpu.memory_space<hbm>>
        %dma_start3A_99 = tpu.memref_squeeze %dma_start3A_98 : memref<1x40x128xi32, #tpu.memory_space<hbm>> -> memref<40x128xi32, #tpu.memory_space<hbm>>
        %dma_start3A_100 = arith.constant 40 : i32
        %dma_start3A_101 = arith.constant 0 : i32
        %dma_start3A_102 = tpu.memref_slice %arg5[%arg1, %dma_start3A_100, %dma_start3A_101] : memref<16x80x128xi32, #tpu.memory_space<hbm>> -> memref<1x40x128xi32, #tpu.memory_space<hbm>>
        %dma_start3A_103 = tpu.memref_squeeze %dma_start3A_102 : memref<1x40x128xi32, #tpu.memory_space<hbm>> -> memref<40x128xi32, #tpu.memory_space<hbm>>
        tpu.enqueue_dma source(%dma_start3A_103 : memref<40x128xi32, #tpu.memory_space<hbm>>) target(%arg9 : memref<40x128xi32, #tpu.memory_space<vmem>>) target_semaphore(%run_scoped3A : memref<!tpu.dma_semaphore, #tpu.memory_space<semaphore_mem>>)
        %dma_wait3A_104 = arith.constant 40 : i32
        %dma_wait3A_105 = arith.constant 0 : i32
        %dma_wait3A_106 = tpu.memref_slice %arg5[%arg1, %dma_wait3A_104, %dma_wait3A_105] : memref<16x80x128xi32, #tpu.memory_space<hbm>> -> memref<1x40x128xi32, #tpu.memory_space<hbm>>
        %dma_wait3A_107 = tpu.memref_squeeze %dma_wait3A_106 : memref<1x40x128xi32, #tpu.memory_space<hbm>> -> memref<40x128xi32, #tpu.memory_space<hbm>>
        %dma_wait3A_108 = arith.constant 40 : i32
        %dma_wait3A_109 = arith.constant 0 : i32
        %dma_wait3A_110 = tpu.memref_slice %arg5[%arg1, %dma_wait3A_108, %dma_wait3A_109] : memref<16x80x128xi32, #tpu.memory_space<hbm>> -> memref<1x40x128xi32, #tpu.memory_space<hbm>>
        %dma_wait3A_111 = tpu.memref_squeeze %dma_wait3A_110 : memref<1x40x128xi32, #tpu.memory_space<hbm>> -> memref<40x128xi32, #tpu.memory_space<hbm>>
        tpu.wait_dma2 semaphore(%run_scoped3A : memref<!tpu.dma_semaphore, #tpu.memory_space<semaphore_mem>>) src(%dma_wait3A_111 : memref<40x128xi32, #tpu.memory_space<hbm>>) dst(%arg9 : memref<40x128xi32, #tpu.memory_space<vmem>>)
        tpu.yield
      }) : () -> ()
      %dma_start3A_69 = arith.constant 0 : i32
      %dma_start3A_70 = arith.constant 0 : i32
      %dma_start3A_71 = tpu.memref_slice %arg8[%dma_start3A_69, %dma_start3A_70] : memref<40x128xi32, #tpu.memory_space<vmem>> -> memref<1x128xi32, #tpu.memory_space<vmem>>
      %dma_start3A_72 = tpu.memref_squeeze %dma_start3A_71 : memref<1x128xi32, #tpu.memory_space<vmem>> -> memref<128xi32, #tpu.memory_space<vmem>>
      %dma_start3A_73 = arith.constant 0 : i32
      %dma_start3A_74 = arith.constant 0 : i32
      %dma_start3A_75 = tpu.memref_slice %arg2[%dma_start3A_73, %dma_start3A_74] : memref<10240x128xf32, #tpu.memory_space<hbm>> -> memref<10240x128xf32, #tpu.memory_space<hbm>>
      tpu.enqueue_indirect_dma source(%dma_start3A_75 : memref<10240x128xf32, #tpu.memory_space<hbm>>) target(%arg10 : memref<128x128xf32, #tpu.memory_space<vmem>>) offsets(%dma_start3A_72 : memref<128xi32, #tpu.memory_space<vmem>>) semaphore(%arg13 : memref<!tpu.dma_semaphore, #tpu.memory_space<semaphore_mem>>)
      %scan3A_76 = arith.constant 0 : i32
      %scan3A_77 = arith.constant 0 : i32
      %scan3A_78 = arith.constant 20 : i32
      %scan3A_79 = arith.addi %scan3A_77, %scan3A_78 : i32
      %scan3A_80 = arith.constant 1 : i32
      scf.for %scan3A_96 = %scan3A_77 to %scan3A_79 step %scan3A_80  : i32 {
        %mul3A_97 = arith.constant 2 : i32
        %mul3A_98 = arith.muli %mul3A_97, %scan3A_96 : i32
        %dma_wait3A_99 = arith.constant 0 : i32
        %dma_wait3A_100 = tpu.memref_slice %arg8[%mul3A_98, %dma_wait3A_99] : memref<40x128xi32, #tpu.memory_space<vmem>> -> memref<1x128xi32, #tpu.memory_space<vmem>>
        %dma_wait3A_101 = tpu.memref_squeeze %dma_wait3A_100 : memref<1x128xi32, #tpu.memory_space<vmem>> -> memref<128xi32, #tpu.memory_space<vmem>>
        %dma_wait3A_102 = arith.constant 0 : i32
        %dma_wait3A_103 = arith.constant 0 : i32
        %dma_wait3A_104 = tpu.memref_slice %arg2[%dma_wait3A_102, %dma_wait3A_103] : memref<10240x128xf32, #tpu.memory_space<hbm>> -> memref<10240x128xf32, #tpu.memory_space<hbm>>
        tpu.wait_indirect_dma semaphore(%arg13 : memref<!tpu.dma_semaphore, #tpu.memory_space<semaphore_mem>>) src(%dma_wait3A_104 : memref<10240x128xf32, #tpu.memory_space<hbm>>) dst(%arg10 : memref<128x128xf32, #tpu.memory_space<vmem>>)
        %dma_start3A_105 = arith.constant 0 : i32
        %dma_start3A_106 = tpu.memref_slice %arg9[%mul3A_98, %dma_start3A_105] : memref<40x128xi32, #tpu.memory_space<vmem>> -> memref<1x128xi32, #tpu.memory_space<vmem>>
        %dma_start3A_107 = tpu.memref_squeeze %dma_start3A_106 : memref<1x128xi32, #tpu.memory_space<vmem>> -> memref<128xi32, #tpu.memory_space<vmem>>
        %dma_start3A_108 = arith.constant 0 : i32
        %dma_start3A_109 = arith.constant 0 : i32
        %dma_start3A_110 = tpu.memref_slice %arg12[%dma_start3A_108, %dma_start3A_109] : memref<10240x128xf32, #tpu.memory_space<vmem_shared>> -> memref<10240x128xf32, #tpu.memory_space<vmem_shared>>
        tpu.enqueue_indirect_dma source(%arg10 : memref<128x128xf32, #tpu.memory_space<vmem>>) target(%dma_start3A_110 : memref<10240x128xf32, #tpu.memory_space<vmem_shared>>) offsets(%dma_start3A_107 : memref<128xi32, #tpu.memory_space<vmem>>) semaphore(%arg14 : memref<!tpu.dma_semaphore, #tpu.memory_space<semaphore_mem>>) {add = true}
        %gt3A = arith.constant 0 : i32
        %gt3A_111 = arith.cmpi sgt, %scan3A_96, %gt3A : i32
        %convert_element_type3A_112 = arith.extui %gt3A_111 : i1 to i32
        %cond3A_113 = arith.constant 0 : i32
        %cond3A_114 = arith.cmpi ne, %convert_element_type3A_112, %cond3A_113 : i32
        scf.if %cond3A_114 {
          %dma_wait3A_157 = arith.constant 0 : i32
          %dma_wait3A_158 = tpu.memref_slice %arg9[%mul3A_98, %dma_wait3A_157] : memref<40x128xi32, #tpu.memory_space<vmem>> -> memref<1x128xi32, #tpu.memory_space<vmem>>
          %dma_wait3A_159 = tpu.memref_squeeze %dma_wait3A_158 : memref<1x128xi32, #tpu.memory_space<vmem>> -> memref<128xi32, #tpu.memory_space<vmem>>
          %dma_wait3A_160 = arith.constant 0 : i32
          %dma_wait3A_161 = arith.constant 0 : i32
          %dma_wait3A_162 = tpu.memref_slice %arg12[%dma_wait3A_160, %dma_wait3A_161] : memref<10240x128xf32, #tpu.memory_space<vmem_shared>> -> memref<10240x128xf32, #tpu.memory_space<vmem_shared>>
          tpu.wait_indirect_dma semaphore(%arg14 : memref<!tpu.dma_semaphore, #tpu.memory_space<semaphore_mem>>) src(%arg11 : memref<128x128xf32, #tpu.memory_space<vmem>>) dst(%dma_wait3A_162 : memref<10240x128xf32, #tpu.memory_space<vmem_shared>>)
        } else {
        }
        %add3A_115 = arith.constant 1 : i32
        %add3A_116 = arith.addi %mul3A_98, %add3A_115 : i32
        %dma_start3A_117 = arith.constant 0 : i32
        %dma_start3A_118 = tpu.memref_slice %arg8[%add3A_116, %dma_start3A_117] : memref<40x128xi32, #tpu.memory_space<vmem>> -> memref<1x128xi32, #tpu.memory_space<vmem>>
        %dma_start3A_119 = tpu.memref_squeeze %dma_start3A_118 : memref<1x128xi32, #tpu.memory_space<vmem>> -> memref<128xi32, #tpu.memory_space<vmem>>
        %dma_start3A_120 = arith.constant 0 : i32
        %dma_start3A_121 = arith.constant 0 : i32
        %dma_start3A_122 = tpu.memref_slice %arg2[%dma_start3A_120, %dma_start3A_121] : memref<10240x128xf32, #tpu.memory_space<hbm>> -> memref<10240x128xf32, #tpu.memory_space<hbm>>
        tpu.enqueue_indirect_dma source(%dma_start3A_122 : memref<10240x128xf32, #tpu.memory_space<hbm>>) target(%arg11 : memref<128x128xf32, #tpu.memory_space<vmem>>) offsets(%dma_start3A_119 : memref<128xi32, #tpu.memory_space<vmem>>) semaphore(%arg13 : memref<!tpu.dma_semaphore, #tpu.memory_space<semaphore_mem>>)
        %add3A_123 = arith.constant 1 : i32
        %add3A_124 = arith.addi %mul3A_98, %add3A_123 : i32
        %dma_wait3A_125 = arith.constant 0 : i32
        %dma_wait3A_126 = tpu.memref_slice %arg8[%add3A_124, %dma_wait3A_125] : memref<40x128xi32, #tpu.memory_space<vmem>> -> memref<1x128xi32, #tpu.memory_space<vmem>>
        %dma_wait3A_127 = tpu.memref_squeeze %dma_wait3A_126 : memref<1x128xi32, #tpu.memory_space<vmem>> -> memref<128xi32, #tpu.memory_space<vmem>>
        %dma_wait3A_128 = arith.constant 0 : i32
        %dma_wait3A_129 = arith.constant 0 : i32
        %dma_wait3A_130 = tpu.memref_slice %arg2[%dma_wait3A_128, %dma_wait3A_129] : memref<10240x128xf32, #tpu.memory_space<hbm>> -> memref<10240x128xf32, #tpu.memory_space<hbm>>
        tpu.wait_indirect_dma semaphore(%arg13 : memref<!tpu.dma_semaphore, #tpu.memory_space<semaphore_mem>>) src(%dma_wait3A_130 : memref<10240x128xf32, #tpu.memory_space<hbm>>) dst(%arg11 : memref<128x128xf32, #tpu.memory_space<vmem>>)
        %add3A_131 = arith.constant 1 : i32
        %add3A_132 = arith.addi %mul3A_98, %add3A_131 : i32
        %dma_start3A_133 = arith.constant 0 : i32
        %dma_start3A_134 = tpu.memref_slice %arg9[%add3A_132, %dma_start3A_133] : memref<40x128xi32, #tpu.memory_space<vmem>> -> memref<1x128xi32, #tpu.memory_space<vmem>>
        %dma_start3A_135 = tpu.memref_squeeze %dma_start3A_134 : memref<1x128xi32, #tpu.memory_space<vmem>> -> memref<128xi32, #tpu.memory_space<vmem>>
        %dma_start3A_136 = arith.constant 0 : i32
        %dma_start3A_137 = arith.constant 0 : i32
        %dma_start3A_138 = tpu.memref_slice %arg12[%dma_start3A_136, %dma_start3A_137] : memref<10240x128xf32, #tpu.memory_space<vmem_shared>> -> memref<10240x128xf32, #tpu.memory_space<vmem_shared>>
        tpu.enqueue_indirect_dma source(%arg11 : memref<128x128xf32, #tpu.memory_space<vmem>>) target(%dma_start3A_138 : memref<10240x128xf32, #tpu.memory_space<vmem_shared>>) offsets(%dma_start3A_135 : memref<128xi32, #tpu.memory_space<vmem>>) semaphore(%arg14 : memref<!tpu.dma_semaphore, #tpu.memory_space<semaphore_mem>>) {add = true}
        %dma_wait3A_139 = arith.constant 0 : i32
        %dma_wait3A_140 = tpu.memref_slice %arg9[%mul3A_98, %dma_wait3A_139] : memref<40x128xi32, #tpu.memory_space<vmem>> -> memref<1x128xi32, #tpu.memory_space<vmem>>
        %dma_wait3A_141 = tpu.memref_squeeze %dma_wait3A_140 : memref<1x128xi32, #tpu.memory_space<vmem>> -> memref<128xi32, #tpu.memory_space<vmem>>
        %dma_wait3A_142 = arith.constant 0 : i32
        %dma_wait3A_143 = arith.constant 0 : i32
        %dma_wait3A_144 = tpu.memref_slice %arg12[%dma_wait3A_142, %dma_wait3A_143] : memref<10240x128xf32, #tpu.memory_space<vmem_shared>> -> memref<10240x128xf32, #tpu.memory_space<vmem_shared>>
        tpu.wait_indirect_dma semaphore(%arg14 : memref<!tpu.dma_semaphore, #tpu.memory_space<semaphore_mem>>) src(%arg10 : memref<128x128xf32, #tpu.memory_space<vmem>>) dst(%dma_wait3A_144 : memref<10240x128xf32, #tpu.memory_space<vmem_shared>>)
        %add3A_145 = arith.constant 1 : i32
        %add3A_146 = arith.addi %scan3A_96, %add3A_145 : i32
        %lt3A = arith.constant 20 : i32
        %lt3A_147 = arith.cmpi slt, %add3A_146, %lt3A : i32
        %add3A_148 = arith.constant 2 : i32
        %add3A_149 = arith.addi %mul3A_98, %add3A_148 : i32
        %select_n3A = arith.constant 0 : i32
        %select_n3A_150 = arith.select %lt3A_147, %add3A_149, %select_n3A : i32
        %dma_start3A_151 = arith.constant 0 : i32
        %dma_start3A_152 = tpu.memref_slice %arg8[%select_n3A_150, %dma_start3A_151] : memref<40x128xi32, #tpu.memory_space<vmem>> -> memref<1x128xi32, #tpu.memory_space<vmem>>
        %dma_start3A_153 = tpu.memref_squeeze %dma_start3A_152 : memref<1x128xi32, #tpu.memory_space<vmem>> -> memref<128xi32, #tpu.memory_space<vmem>>
        %dma_start3A_154 = arith.constant 0 : i32
        %dma_start3A_155 = arith.constant 0 : i32
        %dma_start3A_156 = tpu.memref_slice %arg2[%dma_start3A_154, %dma_start3A_155] : memref<10240x128xf32, #tpu.memory_space<hbm>> -> memref<10240x128xf32, #tpu.memory_space<hbm>>
        tpu.enqueue_indirect_dma source(%dma_start3A_156 : memref<10240x128xf32, #tpu.memory_space<hbm>>) target(%arg10 : memref<128x128xf32, #tpu.memory_space<vmem>>) offsets(%dma_start3A_153 : memref<128xi32, #tpu.memory_space<vmem>>) semaphore(%arg13 : memref<!tpu.dma_semaphore, #tpu.memory_space<semaphore_mem>>)
      }
      %scan3A_81 = arith.constant 20 : i32
      %dma_wait3A_82 = arith.constant 0 : i32
      %dma_wait3A_83 = arith.constant 0 : i32
      %dma_wait3A_84 = tpu.memref_slice %arg8[%dma_wait3A_82, %dma_wait3A_83] : memref<40x128xi32, #tpu.memory_space<vmem>> -> memref<1x128xi32, #tpu.memory_space<vmem>>
      %dma_wait3A_85 = tpu.memref_squeeze %dma_wait3A_84 : memref<1x128xi32, #tpu.memory_space<vmem>> -> memref<128xi32, #tpu.memory_space<vmem>>
      %dma_wait3A_86 = arith.constant 0 : i32
      %dma_wait3A_87 = arith.constant 0 : i32
      %dma_wait3A_88 = tpu.memref_slice %arg2[%dma_wait3A_86, %dma_wait3A_87] : memref<10240x128xf32, #tpu.memory_space<hbm>> -> memref<10240x128xf32, #tpu.memory_space<hbm>>
      tpu.wait_indirect_dma semaphore(%arg13 : memref<!tpu.dma_semaphore, #tpu.memory_space<semaphore_mem>>) src(%dma_wait3A_88 : memref<10240x128xf32, #tpu.memory_space<hbm>>) dst(%arg10 : memref<128x128xf32, #tpu.memory_space<vmem>>)
      %dma_wait3A_89 = arith.constant 0 : i32
      %dma_wait3A_90 = arith.constant 0 : i32
      %dma_wait3A_91 = tpu.memref_slice %arg9[%dma_wait3A_89, %dma_wait3A_90] : memref<40x128xi32, #tpu.memory_space<vmem>> -> memref<1x128xi32, #tpu.memory_space<vmem>>
      %dma_wait3A_92 = tpu.memref_squeeze %dma_wait3A_91 : memref<1x128xi32, #tpu.memory_space<vmem>> -> memref<128xi32, #tpu.memory_space<vmem>>
      %dma_wait3A_93 = arith.constant 0 : i32
      %dma_wait3A_94 = arith.constant 0 : i32
      %dma_wait3A_95 = tpu.memref_slice %arg12[%dma_wait3A_93, %dma_wait3A_94] : memref<10240x128xf32, #tpu.memory_space<vmem_shared>> -> memref<10240x128xf32, #tpu.memory_space<vmem_shared>>
      tpu.wait_indirect_dma semaphore(%arg14 : memref<!tpu.dma_semaphore, #tpu.memory_space<semaphore_mem>>) src(%arg11 : memref<128x128xf32, #tpu.memory_space<vmem>>) dst(%dma_wait3A_95 : memref<10240x128xf32, #tpu.memory_space<vmem_shared>>)
    } else {
    }
    %eq3A_26 = arith.constant 1 : i32
    %eq3A_27 = arith.cmpi eq, %arg0, %eq3A_26 : i32
    %convert_element_type3A_28 = arith.extui %eq3A_27 : i1 to i32
    %cond3A_29 = arith.constant 0 : i32
    %cond3A_30 = arith.cmpi ne, %convert_element_type3A_28, %cond3A_29 : i32
    scf.if %cond3A_30 {
      "tpu.region"() ({
        %run_scoped3A = tpu.sem_alloc : memref<!tpu.dma_semaphore, #tpu.memory_space<semaphore_mem>>
        %dma_start3A_96 = arith.constant 0 : i32
        %dma_start3A_97 = arith.constant 0 : i32
        %dma_start3A_98 = tpu.memref_slice %arg4[%arg1, %dma_start3A_96, %dma_start3A_97] : memref<16x80x128xi32, #tpu.memory_space<hbm>> -> memref<1x40x128xi32, #tpu.memory_space<hbm>>
        %dma_start3A_99 = tpu.memref_squeeze %dma_start3A_98 : memref<1x40x128xi32, #tpu.memory_space<hbm>> -> memref<40x128xi32, #tpu.memory_space<hbm>>
        %dma_start3A_100 = arith.constant 0 : i32
        %dma_start3A_101 = arith.constant 0 : i32
        %dma_start3A_102 = tpu.memref_slice %arg4[%arg1, %dma_start3A_100, %dma_start3A_101] : memref<16x80x128xi32, #tpu.memory_space<hbm>> -> memref<1x40x128xi32, #tpu.memory_space<hbm>>
        %dma_start3A_103 = tpu.memref_squeeze %dma_start3A_102 : memref<1x40x128xi32, #tpu.memory_space<hbm>> -> memref<40x128xi32, #tpu.memory_space<hbm>>
        tpu.enqueue_dma source(%dma_start3A_103 : memref<40x128xi32, #tpu.memory_space<hbm>>) target(%arg8 : memref<40x128xi32, #tpu.memory_space<vmem>>) target_semaphore(%run_scoped3A : memref<!tpu.dma_semaphore, #tpu.memory_space<semaphore_mem>>)
        %dma_wait3A_104 = arith.constant 0 : i32
        %dma_wait3A_105 = arith.constant 0 : i32
        %dma_wait3A_106 = tpu.memref_slice %arg4[%arg1, %dma_wait3A_104, %dma_wait3A_105] : memref<16x80x128xi32, #tpu.memory_space<hbm>> -> memref<1x40x128xi32, #tpu.memory_space<hbm>>
        %dma_wait3A_107 = tpu.memref_squeeze %dma_wait3A_106 : memref<1x40x128xi32, #tpu.memory_space<hbm>> -> memref<40x128xi32, #tpu.memory_space<hbm>>
        %dma_wait3A_108 = arith.constant 0 : i32
        %dma_wait3A_109 = arith.constant 0 : i32
        %dma_wait3A_110 = tpu.memref_slice %arg4[%arg1, %dma_wait3A_108, %dma_wait3A_109] : memref<16x80x128xi32, #tpu.memory_space<hbm>> -> memref<1x40x128xi32, #tpu.memory_space<hbm>>
        %dma_wait3A_111 = tpu.memref_squeeze %dma_wait3A_110 : memref<1x40x128xi32, #tpu.memory_space<hbm>> -> memref<40x128xi32, #tpu.memory_space<hbm>>
        tpu.wait_dma2 semaphore(%run_scoped3A : memref<!tpu.dma_semaphore, #tpu.memory_space<semaphore_mem>>) src(%dma_wait3A_111 : memref<40x128xi32, #tpu.memory_space<hbm>>) dst(%arg8 : memref<40x128xi32, #tpu.memory_space<vmem>>)
        tpu.yield
      }) : () -> ()
      "tpu.region"() ({
        %run_scoped3A = tpu.sem_alloc : memref<!tpu.dma_semaphore, #tpu.memory_space<semaphore_mem>>
        %dma_start3A_96 = arith.constant 0 : i32
        %dma_start3A_97 = arith.constant 0 : i32
        %dma_start3A_98 = tpu.memref_slice %arg5[%arg1, %dma_start3A_96, %dma_start3A_97] : memref<16x80x128xi32, #tpu.memory_space<hbm>> -> memref<1x40x128xi32, #tpu.memory_space<hbm>>
        %dma_start3A_99 = tpu.memref_squeeze %dma_start3A_98 : memref<1x40x128xi32, #tpu.memory_space<hbm>> -> memref<40x128xi32, #tpu.memory_space<hbm>>
        %dma_start3A_100 = arith.constant 0 : i32
        %dma_start3A_101 = arith.constant 0 : i32
        %dma_start3A_102 = tpu.memref_slice %arg5[%arg1, %dma_start3A_100, %dma_start3A_101] : memref<16x80x128xi32, #tpu.memory_space<hbm>> -> memref<1x40x128xi32, #tpu.memory_space<hbm>>
        %dma_start3A_103 = tpu.memref_squeeze %dma_start3A_102 : memref<1x40x128xi32, #tpu.memory_space<hbm>> -> memref<40x128xi32, #tpu.memory_space<hbm>>
        tpu.enqueue_dma source(%dma_start3A_103 : memref<40x128xi32, #tpu.memory_space<hbm>>) target(%arg9 : memref<40x128xi32, #tpu.memory_space<vmem>>) target_semaphore(%run_scoped3A : memref<!tpu.dma_semaphore, #tpu.memory_space<semaphore_mem>>)
        %dma_wait3A_104 = arith.constant 0 : i32
        %dma_wait3A_105 = arith.constant 0 : i32
        %dma_wait3A_106 = tpu.memref_slice %arg5[%arg1, %dma_wait3A_104, %dma_wait3A_105] : memref<16x80x128xi32, #tpu.memory_space<hbm>> -> memref<1x40x128xi32, #tpu.memory_space<hbm>>
        %dma_wait3A_107 = tpu.memref_squeeze %dma_wait3A_106 : memref<1x40x128xi32, #tpu.memory_space<hbm>> -> memref<40x128xi32, #tpu.memory_space<hbm>>
        %dma_wait3A_108 = arith.constant 0 : i32
        %dma_wait3A_109 = arith.constant 0 : i32
        %dma_wait3A_110 = tpu.memref_slice %arg5[%arg1, %dma_wait3A_108, %dma_wait3A_109] : memref<16x80x128xi32, #tpu.memory_space<hbm>> -> memref<1x40x128xi32, #tpu.memory_space<hbm>>
        %dma_wait3A_111 = tpu.memref_squeeze %dma_wait3A_110 : memref<1x40x128xi32, #tpu.memory_space<hbm>> -> memref<40x128xi32, #tpu.memory_space<hbm>>
        tpu.wait_dma2 semaphore(%run_scoped3A : memref<!tpu.dma_semaphore, #tpu.memory_space<semaphore_mem>>) src(%dma_wait3A_111 : memref<40x128xi32, #tpu.memory_space<hbm>>) dst(%arg9 : memref<40x128xi32, #tpu.memory_space<vmem>>)
        tpu.yield
      }) : () -> ()
      %dma_start3A = arith.constant 0 : i32
      %dma_start3A_44 = arith.constant 0 : i32
      %dma_start3A_45 = tpu.memref_slice %arg8[%dma_start3A, %dma_start3A_44] : memref<40x128xi32, #tpu.memory_space<vmem>> -> memref<1x128xi32, #tpu.memory_space<vmem>>
      %dma_start3A_46 = tpu.memref_squeeze %dma_start3A_45 : memref<1x128xi32, #tpu.memory_space<vmem>> -> memref<128xi32, #tpu.memory_space<vmem>>
      %dma_start3A_47 = arith.constant 0 : i32
      %dma_start3A_48 = arith.constant 0 : i32
      %dma_start3A_49 = tpu.memref_slice %arg3[%dma_start3A_47, %dma_start3A_48] : memref<10240x128xf32, #tpu.memory_space<hbm>> -> memref<10240x128xf32, #tpu.memory_space<hbm>>
      tpu.enqueue_indirect_dma source(%dma_start3A_49 : memref<10240x128xf32, #tpu.memory_space<hbm>>) target(%arg10 : memref<128x128xf32, #tpu.memory_space<vmem>>) offsets(%dma_start3A_46 : memref<128xi32, #tpu.memory_space<vmem>>) semaphore(%arg13 : memref<!tpu.dma_semaphore, #tpu.memory_space<semaphore_mem>>)
      %scan3A_50 = arith.constant 0 : i32
      %scan3A_51 = arith.constant 0 : i32
      %scan3A_52 = arith.constant 20 : i32
      %scan3A_53 = arith.addi %scan3A_51, %scan3A_52 : i32
      %scan3A_54 = arith.constant 1 : i32
      scf.for %scan3A_96 = %scan3A_51 to %scan3A_53 step %scan3A_54  : i32 {
        %mul3A_97 = arith.constant 2 : i32
        %mul3A_98 = arith.muli %mul3A_97, %scan3A_96 : i32
        %dma_wait3A_99 = arith.constant 0 : i32
        %dma_wait3A_100 = tpu.memref_slice %arg8[%mul3A_98, %dma_wait3A_99] : memref<40x128xi32, #tpu.memory_space<vmem>> -> memref<1x128xi32, #tpu.memory_space<vmem>>
        %dma_wait3A_101 = tpu.memref_squeeze %dma_wait3A_100 : memref<1x128xi32, #tpu.memory_space<vmem>> -> memref<128xi32, #tpu.memory_space<vmem>>
        %dma_wait3A_102 = arith.constant 0 : i32
        %dma_wait3A_103 = arith.constant 0 : i32
        %dma_wait3A_104 = tpu.memref_slice %arg3[%dma_wait3A_102, %dma_wait3A_103] : memref<10240x128xf32, #tpu.memory_space<hbm>> -> memref<10240x128xf32, #tpu.memory_space<hbm>>
        tpu.wait_indirect_dma semaphore(%arg13 : memref<!tpu.dma_semaphore, #tpu.memory_space<semaphore_mem>>) src(%dma_wait3A_104 : memref<10240x128xf32, #tpu.memory_space<hbm>>) dst(%arg10 : memref<128x128xf32, #tpu.memory_space<vmem>>)
        %dma_start3A_105 = arith.constant 0 : i32
        %dma_start3A_106 = tpu.memref_slice %arg9[%mul3A_98, %dma_start3A_105] : memref<40x128xi32, #tpu.memory_space<vmem>> -> memref<1x128xi32, #tpu.memory_space<vmem>>
        %dma_start3A_107 = tpu.memref_squeeze %dma_start3A_106 : memref<1x128xi32, #tpu.memory_space<vmem>> -> memref<128xi32, #tpu.memory_space<vmem>>
        %dma_start3A_108 = arith.constant 0 : i32
        %dma_start3A_109 = arith.constant 0 : i32
        %dma_start3A_110 = tpu.memref_slice %arg12[%dma_start3A_108, %dma_start3A_109] : memref<10240x128xf32, #tpu.memory_space<vmem_shared>> -> memref<10240x128xf32, #tpu.memory_space<vmem_shared>>
        tpu.enqueue_indirect_dma source(%arg10 : memref<128x128xf32, #tpu.memory_space<vmem>>) target(%dma_start3A_110 : memref<10240x128xf32, #tpu.memory_space<vmem_shared>>) offsets(%dma_start3A_107 : memref<128xi32, #tpu.memory_space<vmem>>) semaphore(%arg14 : memref<!tpu.dma_semaphore, #tpu.memory_space<semaphore_mem>>) {add = true}
        %gt3A = arith.constant 0 : i32
        %gt3A_111 = arith.cmpi sgt, %scan3A_96, %gt3A : i32
        %convert_element_type3A_112 = arith.extui %gt3A_111 : i1 to i32
        %cond3A_113 = arith.constant 0 : i32
        %cond3A_114 = arith.cmpi ne, %convert_element_type3A_112, %cond3A_113 : i32
        scf.if %cond3A_114 {
          %dma_wait3A_157 = arith.constant 0 : i32
          %dma_wait3A_158 = tpu.memref_slice %arg9[%mul3A_98, %dma_wait3A_157] : memref<40x128xi32, #tpu.memory_space<vmem>> -> memref<1x128xi32, #tpu.memory_space<vmem>>
          %dma_wait3A_159 = tpu.memref_squeeze %dma_wait3A_158 : memref<1x128xi32, #tpu.memory_space<vmem>> -> memref<128xi32, #tpu.memory_space<vmem>>
          %dma_wait3A_160 = arith.constant 0 : i32
          %dma_wait3A_161 = arith.constant 0 : i32
          %dma_wait3A_162 = tpu.memref_slice %arg12[%dma_wait3A_160, %dma_wait3A_161] : memref<10240x128xf32, #tpu.memory_space<vmem_shared>> -> memref<10240x128xf32, #tpu.memory_space<vmem_shared>>
          tpu.wait_indirect_dma semaphore(%arg14 : memref<!tpu.dma_semaphore, #tpu.memory_space<semaphore_mem>>) src(%arg11 : memref<128x128xf32, #tpu.memory_space<vmem>>) dst(%dma_wait3A_162 : memref<10240x128xf32, #tpu.memory_space<vmem_shared>>)
        } else {
        }
        %add3A_115 = arith.constant 1 : i32
        %add3A_116 = arith.addi %mul3A_98, %add3A_115 : i32
        %dma_start3A_117 = arith.constant 0 : i32
        %dma_start3A_118 = tpu.memref_slice %arg8[%add3A_116, %dma_start3A_117] : memref<40x128xi32, #tpu.memory_space<vmem>> -> memref<1x128xi32, #tpu.memory_space<vmem>>
        %dma_start3A_119 = tpu.memref_squeeze %dma_start3A_118 : memref<1x128xi32, #tpu.memory_space<vmem>> -> memref<128xi32, #tpu.memory_space<vmem>>
        %dma_start3A_120 = arith.constant 0 : i32
        %dma_start3A_121 = arith.constant 0 : i32
        %dma_start3A_122 = tpu.memref_slice %arg3[%dma_start3A_120, %dma_start3A_121] : memref<10240x128xf32, #tpu.memory_space<hbm>> -> memref<10240x128xf32, #tpu.memory_space<hbm>>
        tpu.enqueue_indirect_dma source(%dma_start3A_122 : memref<10240x128xf32, #tpu.memory_space<hbm>>) target(%arg11 : memref<128x128xf32, #tpu.memory_space<vmem>>) offsets(%dma_start3A_119 : memref<128xi32, #tpu.memory_space<vmem>>) semaphore(%arg13 : memref<!tpu.dma_semaphore, #tpu.memory_space<semaphore_mem>>)
        %add3A_123 = arith.constant 1 : i32
        %add3A_124 = arith.addi %mul3A_98, %add3A_123 : i32
        %dma_wait3A_125 = arith.constant 0 : i32
        %dma_wait3A_126 = tpu.memref_slice %arg8[%add3A_124, %dma_wait3A_125] : memref<40x128xi32, #tpu.memory_space<vmem>> -> memref<1x128xi32, #tpu.memory_space<vmem>>
        %dma_wait3A_127 = tpu.memref_squeeze %dma_wait3A_126 : memref<1x128xi32, #tpu.memory_space<vmem>> -> memref<128xi32, #tpu.memory_space<vmem>>
        %dma_wait3A_128 = arith.constant 0 : i32
        %dma_wait3A_129 = arith.constant 0 : i32
        %dma_wait3A_130 = tpu.memref_slice %arg3[%dma_wait3A_128, %dma_wait3A_129] : memref<10240x128xf32, #tpu.memory_space<hbm>> -> memref<10240x128xf32, #tpu.memory_space<hbm>>
        tpu.wait_indirect_dma semaphore(%arg13 : memref<!tpu.dma_semaphore, #tpu.memory_space<semaphore_mem>>) src(%dma_wait3A_130 : memref<10240x128xf32, #tpu.memory_space<hbm>>) dst(%arg11 : memref<128x128xf32, #tpu.memory_space<vmem>>)
        %add3A_131 = arith.constant 1 : i32
        %add3A_132 = arith.addi %mul3A_98, %add3A_131 : i32
        %dma_start3A_133 = arith.constant 0 : i32
        %dma_start3A_134 = tpu.memref_slice %arg9[%add3A_132, %dma_start3A_133] : memref<40x128xi32, #tpu.memory_space<vmem>> -> memref<1x128xi32, #tpu.memory_space<vmem>>
        %dma_start3A_135 = tpu.memref_squeeze %dma_start3A_134 : memref<1x128xi32, #tpu.memory_space<vmem>> -> memref<128xi32, #tpu.memory_space<vmem>>
        %dma_start3A_136 = arith.constant 0 : i32
        %dma_start3A_137 = arith.constant 0 : i32
        %dma_start3A_138 = tpu.memref_slice %arg12[%dma_start3A_136, %dma_start3A_137] : memref<10240x128xf32, #tpu.memory_space<vmem_shared>> -> memref<10240x128xf32, #tpu.memory_space<vmem_shared>>
        tpu.enqueue_indirect_dma source(%arg11 : memref<128x128xf32, #tpu.memory_space<vmem>>) target(%dma_start3A_138 : memref<10240x128xf32, #tpu.memory_space<vmem_shared>>) offsets(%dma_start3A_135 : memref<128xi32, #tpu.memory_space<vmem>>) semaphore(%arg14 : memref<!tpu.dma_semaphore, #tpu.memory_space<semaphore_mem>>) {add = true}
        %dma_wait3A_139 = arith.constant 0 : i32
        %dma_wait3A_140 = tpu.memref_slice %arg9[%mul3A_98, %dma_wait3A_139] : memref<40x128xi32, #tpu.memory_space<vmem>> -> memref<1x128xi32, #tpu.memory_space<vmem>>
        %dma_wait3A_141 = tpu.memref_squeeze %dma_wait3A_140 : memref<1x128xi32, #tpu.memory_space<vmem>> -> memref<128xi32, #tpu.memory_space<vmem>>
        %dma_wait3A_142 = arith.constant 0 : i32
        %dma_wait3A_143 = arith.constant 0 : i32
        %dma_wait3A_144 = tpu.memref_slice %arg12[%dma_wait3A_142, %dma_wait3A_143] : memref<10240x128xf32, #tpu.memory_space<vmem_shared>> -> memref<10240x128xf32, #tpu.memory_space<vmem_shared>>
        tpu.wait_indirect_dma semaphore(%arg14 : memref<!tpu.dma_semaphore, #tpu.memory_space<semaphore_mem>>) src(%arg10 : memref<128x128xf32, #tpu.memory_space<vmem>>) dst(%dma_wait3A_144 : memref<10240x128xf32, #tpu.memory_space<vmem_shared>>)
        %add3A_145 = arith.constant 1 : i32
        %add3A_146 = arith.addi %scan3A_96, %add3A_145 : i32
        %lt3A = arith.constant 20 : i32
        %lt3A_147 = arith.cmpi slt, %add3A_146, %lt3A : i32
        %add3A_148 = arith.constant 2 : i32
        %add3A_149 = arith.addi %mul3A_98, %add3A_148 : i32
        %select_n3A = arith.constant 0 : i32
        %select_n3A_150 = arith.select %lt3A_147, %add3A_149, %select_n3A : i32
        %dma_start3A_151 = arith.constant 0 : i32
        %dma_start3A_152 = tpu.memref_slice %arg8[%select_n3A_150, %dma_start3A_151] : memref<40x128xi32, #tpu.memory_space<vmem>> -> memref<1x128xi32, #tpu.memory_space<vmem>>
        %dma_start3A_153 = tpu.memref_squeeze %dma_start3A_152 : memref<1x128xi32, #tpu.memory_space<vmem>> -> memref<128xi32, #tpu.memory_space<vmem>>
        %dma_start3A_154 = arith.constant 0 : i32
        %dma_start3A_155 = arith.constant 0 : i32
        %dma_start3A_156 = tpu.memref_slice %arg3[%dma_start3A_154, %dma_start3A_155] : memref<10240x128xf32, #tpu.memory_space<hbm>> -> memref<10240x128xf32, #tpu.memory_space<hbm>>
        tpu.enqueue_indirect_dma source(%dma_start3A_156 : memref<10240x128xf32, #tpu.memory_space<hbm>>) target(%arg10 : memref<128x128xf32, #tpu.memory_space<vmem>>) offsets(%dma_start3A_153 : memref<128xi32, #tpu.memory_space<vmem>>) semaphore(%arg13 : memref<!tpu.dma_semaphore, #tpu.memory_space<semaphore_mem>>)
      }
      %scan3A_55 = arith.constant 20 : i32
      %dma_wait3A = arith.constant 0 : i32
      %dma_wait3A_56 = arith.constant 0 : i32
      %dma_wait3A_57 = tpu.memref_slice %arg8[%dma_wait3A, %dma_wait3A_56] : memref<40x128xi32, #tpu.memory_space<vmem>> -> memref<1x128xi32, #tpu.memory_space<vmem>>
      %dma_wait3A_58 = tpu.memref_squeeze %dma_wait3A_57 : memref<1x128xi32, #tpu.memory_space<vmem>> -> memref<128xi32, #tpu.memory_space<vmem>>
      %dma_wait3A_59 = arith.constant 0 : i32
      %dma_wait3A_60 = arith.constant 0 : i32
      %dma_wait3A_61 = tpu.memref_slice %arg3[%dma_wait3A_59, %dma_wait3A_60] : memref<10240x128xf32, #tpu.memory_space<hbm>> -> memref<10240x128xf32, #tpu.memory_space<hbm>>
      tpu.wait_indirect_dma semaphore(%arg13 : memref<!tpu.dma_semaphore, #tpu.memory_space<semaphore_mem>>) src(%dma_wait3A_61 : memref<10240x128xf32, #tpu.memory_space<hbm>>) dst(%arg10 : memref<128x128xf32, #tpu.memory_space<vmem>>)
      %dma_wait3A_62 = arith.constant 0 : i32
      %dma_wait3A_63 = arith.constant 0 : i32
      %dma_wait3A_64 = tpu.memref_slice %arg9[%dma_wait3A_62, %dma_wait3A_63] : memref<40x128xi32, #tpu.memory_space<vmem>> -> memref<1x128xi32, #tpu.memory_space<vmem>>
      %dma_wait3A_65 = tpu.memref_squeeze %dma_wait3A_64 : memref<1x128xi32, #tpu.memory_space<vmem>> -> memref<128xi32, #tpu.memory_space<vmem>>
      %dma_wait3A_66 = arith.constant 0 : i32
      %dma_wait3A_67 = arith.constant 0 : i32
      %dma_wait3A_68 = tpu.memref_slice %arg12[%dma_wait3A_66, %dma_wait3A_67] : memref<10240x128xf32, #tpu.memory_space<vmem_shared>> -> memref<10240x128xf32, #tpu.memory_space<vmem_shared>>
      tpu.wait_indirect_dma semaphore(%arg14 : memref<!tpu.dma_semaphore, #tpu.memory_space<semaphore_mem>>) src(%arg11 : memref<128x128xf32, #tpu.memory_space<vmem>>) dst(%dma_wait3A_68 : memref<10240x128xf32, #tpu.memory_space<vmem_shared>>)
      "tpu.region"() ({
        %run_scoped3A = tpu.sem_alloc : memref<!tpu.dma_semaphore, #tpu.memory_space<semaphore_mem>>
        %dma_start3A_96 = arith.constant 40 : i32
        %dma_start3A_97 = arith.constant 0 : i32
        %dma_start3A_98 = tpu.memref_slice %arg4[%arg1, %dma_start3A_96, %dma_start3A_97] : memref<16x80x128xi32, #tpu.memory_space<hbm>> -> memref<1x40x128xi32, #tpu.memory_space<hbm>>
        %dma_start3A_99 = tpu.memref_squeeze %dma_start3A_98 : memref<1x40x128xi32, #tpu.memory_space<hbm>> -> memref<40x128xi32, #tpu.memory_space<hbm>>
        %dma_start3A_100 = arith.constant 40 : i32
        %dma_start3A_101 = arith.constant 0 : i32
        %dma_start3A_102 = tpu.memref_slice %arg4[%arg1, %dma_start3A_100, %dma_start3A_101] : memref<16x80x128xi32, #tpu.memory_space<hbm>> -> memref<1x40x128xi32, #tpu.memory_space<hbm>>
        %dma_start3A_103 = tpu.memref_squeeze %dma_start3A_102 : memref<1x40x128xi32, #tpu.memory_space<hbm>> -> memref<40x128xi32, #tpu.memory_space<hbm>>
        tpu.enqueue_dma source(%dma_start3A_103 : memref<40x128xi32, #tpu.memory_space<hbm>>) target(%arg8 : memref<40x128xi32, #tpu.memory_space<vmem>>) target_semaphore(%run_scoped3A : memref<!tpu.dma_semaphore, #tpu.memory_space<semaphore_mem>>)
        %dma_wait3A_104 = arith.constant 40 : i32
        %dma_wait3A_105 = arith.constant 0 : i32
        %dma_wait3A_106 = tpu.memref_slice %arg4[%arg1, %dma_wait3A_104, %dma_wait3A_105] : memref<16x80x128xi32, #tpu.memory_space<hbm>> -> memref<1x40x128xi32, #tpu.memory_space<hbm>>
        %dma_wait3A_107 = tpu.memref_squeeze %dma_wait3A_106 : memref<1x40x128xi32, #tpu.memory_space<hbm>> -> memref<40x128xi32, #tpu.memory_space<hbm>>
        %dma_wait3A_108 = arith.constant 40 : i32
        %dma_wait3A_109 = arith.constant 0 : i32
        %dma_wait3A_110 = tpu.memref_slice %arg4[%arg1, %dma_wait3A_108, %dma_wait3A_109] : memref<16x80x128xi32, #tpu.memory_space<hbm>> -> memref<1x40x128xi32, #tpu.memory_space<hbm>>
        %dma_wait3A_111 = tpu.memref_squeeze %dma_wait3A_110 : memref<1x40x128xi32, #tpu.memory_space<hbm>> -> memref<40x128xi32, #tpu.memory_space<hbm>>
        tpu.wait_dma2 semaphore(%run_scoped3A : memref<!tpu.dma_semaphore, #tpu.memory_space<semaphore_mem>>) src(%dma_wait3A_111 : memref<40x128xi32, #tpu.memory_space<hbm>>) dst(%arg8 : memref<40x128xi32, #tpu.memory_space<vmem>>)
        tpu.yield
      }) : () -> ()
      "tpu.region"() ({
        %run_scoped3A = tpu.sem_alloc : memref<!tpu.dma_semaphore, #tpu.memory_space<semaphore_mem>>
        %dma_start3A_96 = arith.constant 40 : i32
        %dma_start3A_97 = arith.constant 0 : i32
        %dma_start3A_98 = tpu.memref_slice %arg5[%arg1, %dma_start3A_96, %dma_start3A_97] : memref<16x80x128xi32, #tpu.memory_space<hbm>> -> memref<1x40x128xi32, #tpu.memory_space<hbm>>
        %dma_start3A_99 = tpu.memref_squeeze %dma_start3A_98 : memref<1x40x128xi32, #tpu.memory_space<hbm>> -> memref<40x128xi32, #tpu.memory_space<hbm>>
        %dma_start3A_100 = arith.constant 40 : i32
        %dma_start3A_101 = arith.constant 0 : i32
        %dma_start3A_102 = tpu.memref_slice %arg5[%arg1, %dma_start3A_100, %dma_start3A_101] : memref<16x80x128xi32, #tpu.memory_space<hbm>> -> memref<1x40x128xi32, #tpu.memory_space<hbm>>
        %dma_start3A_103 = tpu.memref_squeeze %dma_start3A_102 : memref<1x40x128xi32, #tpu.memory_space<hbm>> -> memref<40x128xi32, #tpu.memory_space<hbm>>
        tpu.enqueue_dma source(%dma_start3A_103 : memref<40x128xi32, #tpu.memory_space<hbm>>) target(%arg9 : memref<40x128xi32, #tpu.memory_space<vmem>>) target_semaphore(%run_scoped3A : memref<!tpu.dma_semaphore, #tpu.memory_space<semaphore_mem>>)
        %dma_wait3A_104 = arith.constant 40 : i32
        %dma_wait3A_105 = arith.constant 0 : i32
        %dma_wait3A_106 = tpu.memref_slice %arg5[%arg1, %dma_wait3A_104, %dma_wait3A_105] : memref<16x80x128xi32, #tpu.memory_space<hbm>> -> memref<1x40x128xi32, #tpu.memory_space<hbm>>
        %dma_wait3A_107 = tpu.memref_squeeze %dma_wait3A_106 : memref<1x40x128xi32, #tpu.memory_space<hbm>> -> memref<40x128xi32, #tpu.memory_space<hbm>>
        %dma_wait3A_108 = arith.constant 40 : i32
        %dma_wait3A_109 = arith.constant 0 : i32
        %dma_wait3A_110 = tpu.memref_slice %arg5[%arg1, %dma_wait3A_108, %dma_wait3A_109] : memref<16x80x128xi32, #tpu.memory_space<hbm>> -> memref<1x40x128xi32, #tpu.memory_space<hbm>>
        %dma_wait3A_111 = tpu.memref_squeeze %dma_wait3A_110 : memref<1x40x128xi32, #tpu.memory_space<hbm>> -> memref<40x128xi32, #tpu.memory_space<hbm>>
        tpu.wait_dma2 semaphore(%run_scoped3A : memref<!tpu.dma_semaphore, #tpu.memory_space<semaphore_mem>>) src(%dma_wait3A_111 : memref<40x128xi32, #tpu.memory_space<hbm>>) dst(%arg9 : memref<40x128xi32, #tpu.memory_space<vmem>>)
        tpu.yield
      }) : () -> ()
      %dma_start3A_69 = arith.constant 0 : i32
      %dma_start3A_70 = arith.constant 0 : i32
      %dma_start3A_71 = tpu.memref_slice %arg8[%dma_start3A_69, %dma_start3A_70] : memref<40x128xi32, #tpu.memory_space<vmem>> -> memref<1x128xi32, #tpu.memory_space<vmem>>
      %dma_start3A_72 = tpu.memref_squeeze %dma_start3A_71 : memref<1x128xi32, #tpu.memory_space<vmem>> -> memref<128xi32, #tpu.memory_space<vmem>>
      %dma_start3A_73 = arith.constant 0 : i32
      %dma_start3A_74 = arith.constant 0 : i32
      %dma_start3A_75 = tpu.memref_slice %arg3[%dma_start3A_73, %dma_start3A_74] : memref<10240x128xf32, #tpu.memory_space<hbm>> -> memref<10240x128xf32, #tpu.memory_space<hbm>>
      tpu.enqueue_indirect_dma source(%dma_start3A_75 : memref<10240x128xf32, #tpu.memory_space<hbm>>) target(%arg10 : memref<128x128xf32, #tpu.memory_space<vmem>>) offsets(%dma_start3A_72 : memref<128xi32, #tpu.memory_space<vmem>>) semaphore(%arg13 : memref<!tpu.dma_semaphore, #tpu.memory_space<semaphore_mem>>)
      %scan3A_76 = arith.constant 0 : i32
      %scan3A_77 = arith.constant 0 : i32
      %scan3A_78 = arith.constant 20 : i32
      %scan3A_79 = arith.addi %scan3A_77, %scan3A_78 : i32
      %scan3A_80 = arith.constant 1 : i32
      scf.for %scan3A_96 = %scan3A_77 to %scan3A_79 step %scan3A_80  : i32 {
        %mul3A_97 = arith.constant 2 : i32
        %mul3A_98 = arith.muli %mul3A_97, %scan3A_96 : i32
        %dma_wait3A_99 = arith.constant 0 : i32
        %dma_wait3A_100 = tpu.memref_slice %arg8[%mul3A_98, %dma_wait3A_99] : memref<40x128xi32, #tpu.memory_space<vmem>> -> memref<1x128xi32, #tpu.memory_space<vmem>>
        %dma_wait3A_101 = tpu.memref_squeeze %dma_wait3A_100 : memref<1x128xi32, #tpu.memory_space<vmem>> -> memref<128xi32, #tpu.memory_space<vmem>>
        %dma_wait3A_102 = arith.constant 0 : i32
        %dma_wait3A_103 = arith.constant 0 : i32
        %dma_wait3A_104 = tpu.memref_slice %arg3[%dma_wait3A_102, %dma_wait3A_103] : memref<10240x128xf32, #tpu.memory_space<hbm>> -> memref<10240x128xf32, #tpu.memory_space<hbm>>
        tpu.wait_indirect_dma semaphore(%arg13 : memref<!tpu.dma_semaphore, #tpu.memory_space<semaphore_mem>>) src(%dma_wait3A_104 : memref<10240x128xf32, #tpu.memory_space<hbm>>) dst(%arg10 : memref<128x128xf32, #tpu.memory_space<vmem>>)
        %dma_start3A_105 = arith.constant 0 : i32
        %dma_start3A_106 = tpu.memref_slice %arg9[%mul3A_98, %dma_start3A_105] : memref<40x128xi32, #tpu.memory_space<vmem>> -> memref<1x128xi32, #tpu.memory_space<vmem>>
        %dma_start3A_107 = tpu.memref_squeeze %dma_start3A_106 : memref<1x128xi32, #tpu.memory_space<vmem>> -> memref<128xi32, #tpu.memory_space<vmem>>
        %dma_start3A_108 = arith.constant 0 : i32
        %dma_start3A_109 = arith.constant 0 : i32
        %dma_start3A_110 = tpu.memref_slice %arg12[%dma_start3A_108, %dma_start3A_109] : memref<10240x128xf32, #tpu.memory_space<vmem_shared>> -> memref<10240x128xf32, #tpu.memory_space<vmem_shared>>
        tpu.enqueue_indirect_dma source(%arg10 : memref<128x128xf32, #tpu.memory_space<vmem>>) target(%dma_start3A_110 : memref<10240x128xf32, #tpu.memory_space<vmem_shared>>) offsets(%dma_start3A_107 : memref<128xi32, #tpu.memory_space<vmem>>) semaphore(%arg14 : memref<!tpu.dma_semaphore, #tpu.memory_space<semaphore_mem>>) {add = true}
        %gt3A = arith.constant 0 : i32
        %gt3A_111 = arith.cmpi sgt, %scan3A_96, %gt3A : i32
        %convert_element_type3A_112 = arith.extui %gt3A_111 : i1 to i32
        %cond3A_113 = arith.constant 0 : i32
        %cond3A_114 = arith.cmpi ne, %convert_element_type3A_112, %cond3A_113 : i32
        scf.if %cond3A_114 {
          %dma_wait3A_157 = arith.constant 0 : i32
          %dma_wait3A_158 = tpu.memref_slice %arg9[%mul3A_98, %dma_wait3A_157] : memref<40x128xi32, #tpu.memory_space<vmem>> -> memref<1x128xi32, #tpu.memory_space<vmem>>
          %dma_wait3A_159 = tpu.memref_squeeze %dma_wait3A_158 : memref<1x128xi32, #tpu.memory_space<vmem>> -> memref<128xi32, #tpu.memory_space<vmem>>
          %dma_wait3A_160 = arith.constant 0 : i32
          %dma_wait3A_161 = arith.constant 0 : i32
          %dma_wait3A_162 = tpu.memref_slice %arg12[%dma_wait3A_160, %dma_wait3A_161] : memref<10240x128xf32, #tpu.memory_space<vmem_shared>> -> memref<10240x128xf32, #tpu.memory_space<vmem_shared>>
          tpu.wait_indirect_dma semaphore(%arg14 : memref<!tpu.dma_semaphore, #tpu.memory_space<semaphore_mem>>) src(%arg11 : memref<128x128xf32, #tpu.memory_space<vmem>>) dst(%dma_wait3A_162 : memref<10240x128xf32, #tpu.memory_space<vmem_shared>>)
        } else {
        }
        %add3A_115 = arith.constant 1 : i32
        %add3A_116 = arith.addi %mul3A_98, %add3A_115 : i32
        %dma_start3A_117 = arith.constant 0 : i32
        %dma_start3A_118 = tpu.memref_slice %arg8[%add3A_116, %dma_start3A_117] : memref<40x128xi32, #tpu.memory_space<vmem>> -> memref<1x128xi32, #tpu.memory_space<vmem>>
        %dma_start3A_119 = tpu.memref_squeeze %dma_start3A_118 : memref<1x128xi32, #tpu.memory_space<vmem>> -> memref<128xi32, #tpu.memory_space<vmem>>
        %dma_start3A_120 = arith.constant 0 : i32
        %dma_start3A_121 = arith.constant 0 : i32
        %dma_start3A_122 = tpu.memref_slice %arg3[%dma_start3A_120, %dma_start3A_121] : memref<10240x128xf32, #tpu.memory_space<hbm>> -> memref<10240x128xf32, #tpu.memory_space<hbm>>
        tpu.enqueue_indirect_dma source(%dma_start3A_122 : memref<10240x128xf32, #tpu.memory_space<hbm>>) target(%arg11 : memref<128x128xf32, #tpu.memory_space<vmem>>) offsets(%dma_start3A_119 : memref<128xi32, #tpu.memory_space<vmem>>) semaphore(%arg13 : memref<!tpu.dma_semaphore, #tpu.memory_space<semaphore_mem>>)
        %add3A_123 = arith.constant 1 : i32
        %add3A_124 = arith.addi %mul3A_98, %add3A_123 : i32
        %dma_wait3A_125 = arith.constant 0 : i32
        %dma_wait3A_126 = tpu.memref_slice %arg8[%add3A_124, %dma_wait3A_125] : memref<40x128xi32, #tpu.memory_space<vmem>> -> memref<1x128xi32, #tpu.memory_space<vmem>>
        %dma_wait3A_127 = tpu.memref_squeeze %dma_wait3A_126 : memref<1x128xi32, #tpu.memory_space<vmem>> -> memref<128xi32, #tpu.memory_space<vmem>>
        %dma_wait3A_128 = arith.constant 0 : i32
        %dma_wait3A_129 = arith.constant 0 : i32
        %dma_wait3A_130 = tpu.memref_slice %arg3[%dma_wait3A_128, %dma_wait3A_129] : memref<10240x128xf32, #tpu.memory_space<hbm>> -> memref<10240x128xf32, #tpu.memory_space<hbm>>
        tpu.wait_indirect_dma semaphore(%arg13 : memref<!tpu.dma_semaphore, #tpu.memory_space<semaphore_mem>>) src(%dma_wait3A_130 : memref<10240x128xf32, #tpu.memory_space<hbm>>) dst(%arg11 : memref<128x128xf32, #tpu.memory_space<vmem>>)
        %add3A_131 = arith.constant 1 : i32
        %add3A_132 = arith.addi %mul3A_98, %add3A_131 : i32
        %dma_start3A_133 = arith.constant 0 : i32
        %dma_start3A_134 = tpu.memref_slice %arg9[%add3A_132, %dma_start3A_133] : memref<40x128xi32, #tpu.memory_space<vmem>> -> memref<1x128xi32, #tpu.memory_space<vmem>>
        %dma_start3A_135 = tpu.memref_squeeze %dma_start3A_134 : memref<1x128xi32, #tpu.memory_space<vmem>> -> memref<128xi32, #tpu.memory_space<vmem>>
        %dma_start3A_136 = arith.constant 0 : i32
        %dma_start3A_137 = arith.constant 0 : i32
        %dma_start3A_138 = tpu.memref_slice %arg12[%dma_start3A_136, %dma_start3A_137] : memref<10240x128xf32, #tpu.memory_space<vmem_shared>> -> memref<10240x128xf32, #tpu.memory_space<vmem_shared>>
        tpu.enqueue_indirect_dma source(%arg11 : memref<128x128xf32, #tpu.memory_space<vmem>>) target(%dma_start3A_138 : memref<10240x128xf32, #tpu.memory_space<vmem_shared>>) offsets(%dma_start3A_135 : memref<128xi32, #tpu.memory_space<vmem>>) semaphore(%arg14 : memref<!tpu.dma_semaphore, #tpu.memory_space<semaphore_mem>>) {add = true}
        %dma_wait3A_139 = arith.constant 0 : i32
        %dma_wait3A_140 = tpu.memref_slice %arg9[%mul3A_98, %dma_wait3A_139] : memref<40x128xi32, #tpu.memory_space<vmem>> -> memref<1x128xi32, #tpu.memory_space<vmem>>
        %dma_wait3A_141 = tpu.memref_squeeze %dma_wait3A_140 : memref<1x128xi32, #tpu.memory_space<vmem>> -> memref<128xi32, #tpu.memory_space<vmem>>
        %dma_wait3A_142 = arith.constant 0 : i32
        %dma_wait3A_143 = arith.constant 0 : i32
        %dma_wait3A_144 = tpu.memref_slice %arg12[%dma_wait3A_142, %dma_wait3A_143] : memref<10240x128xf32, #tpu.memory_space<vmem_shared>> -> memref<10240x128xf32, #tpu.memory_space<vmem_shared>>
        tpu.wait_indirect_dma semaphore(%arg14 : memref<!tpu.dma_semaphore, #tpu.memory_space<semaphore_mem>>) src(%arg10 : memref<128x128xf32, #tpu.memory_space<vmem>>) dst(%dma_wait3A_144 : memref<10240x128xf32, #tpu.memory_space<vmem_shared>>)
        %add3A_145 = arith.constant 1 : i32
        %add3A_146 = arith.addi %scan3A_96, %add3A_145 : i32
        %lt3A = arith.constant 20 : i32
        %lt3A_147 = arith.cmpi slt, %add3A_146, %lt3A : i32
        %add3A_148 = arith.constant 2 : i32
        %add3A_149 = arith.addi %mul3A_98, %add3A_148 : i32
        %select_n3A = arith.constant 0 : i32
        %select_n3A_150 = arith.select %lt3A_147, %add3A_149, %select_n3A : i32
        %dma_start3A_151 = arith.constant 0 : i32
        %dma_start3A_152 = tpu.memref_slice %arg8[%select_n3A_150, %dma_start3A_151] : memref<40x128xi32, #tpu.memory_space<vmem>> -> memref<1x128xi32, #tpu.memory_space<vmem>>
        %dma_start3A_153 = tpu.memref_squeeze %dma_start3A_152 : memref<1x128xi32, #tpu.memory_space<vmem>> -> memref<128xi32, #tpu.memory_space<vmem>>
        %dma_start3A_154 = arith.constant 0 : i32
        %dma_start3A_155 = arith.constant 0 : i32
        %dma_start3A_156 = tpu.memref_slice %arg3[%dma_start3A_154, %dma_start3A_155] : memref<10240x128xf32, #tpu.memory_space<hbm>> -> memref<10240x128xf32, #tpu.memory_space<hbm>>
        tpu.enqueue_indirect_dma source(%dma_start3A_156 : memref<10240x128xf32, #tpu.memory_space<hbm>>) target(%arg10 : memref<128x128xf32, #tpu.memory_space<vmem>>) offsets(%dma_start3A_153 : memref<128xi32, #tpu.memory_space<vmem>>) semaphore(%arg13 : memref<!tpu.dma_semaphore, #tpu.memory_space<semaphore_mem>>)
      }
      %scan3A_81 = arith.constant 20 : i32
      %dma_wait3A_82 = arith.constant 0 : i32
      %dma_wait3A_83 = arith.constant 0 : i32
      %dma_wait3A_84 = tpu.memref_slice %arg8[%dma_wait3A_82, %dma_wait3A_83] : memref<40x128xi32, #tpu.memory_space<vmem>> -> memref<1x128xi32, #tpu.memory_space<vmem>>
      %dma_wait3A_85 = tpu.memref_squeeze %dma_wait3A_84 : memref<1x128xi32, #tpu.memory_space<vmem>> -> memref<128xi32, #tpu.memory_space<vmem>>
      %dma_wait3A_86 = arith.constant 0 : i32
      %dma_wait3A_87 = arith.constant 0 : i32
      %dma_wait3A_88 = tpu.memref_slice %arg3[%dma_wait3A_86, %dma_wait3A_87] : memref<10240x128xf32, #tpu.memory_space<hbm>> -> memref<10240x128xf32, #tpu.memory_space<hbm>>
      tpu.wait_indirect_dma semaphore(%arg13 : memref<!tpu.dma_semaphore, #tpu.memory_space<semaphore_mem>>) src(%dma_wait3A_88 : memref<10240x128xf32, #tpu.memory_space<hbm>>) dst(%arg10 : memref<128x128xf32, #tpu.memory_space<vmem>>)
      %dma_wait3A_89 = arith.constant 0 : i32
      %dma_wait3A_90 = arith.constant 0 : i32
      %dma_wait3A_91 = tpu.memref_slice %arg9[%dma_wait3A_89, %dma_wait3A_90] : memref<40x128xi32, #tpu.memory_space<vmem>> -> memref<1x128xi32, #tpu.memory_space<vmem>>
      %dma_wait3A_92 = tpu.memref_squeeze %dma_wait3A_91 : memref<1x128xi32, #tpu.memory_space<vmem>> -> memref<128xi32, #tpu.memory_space<vmem>>
      %dma_wait3A_93 = arith.constant 0 : i32
      %dma_wait3A_94 = arith.constant 0 : i32
      %dma_wait3A_95 = tpu.memref_slice %arg12[%dma_wait3A_93, %dma_wait3A_94] : memref<10240x128xf32, #tpu.memory_space<vmem_shared>> -> memref<10240x128xf32, #tpu.memory_space<vmem_shared>>
      tpu.wait_indirect_dma semaphore(%arg14 : memref<!tpu.dma_semaphore, #tpu.memory_space<semaphore_mem>>) src(%arg11 : memref<128x128xf32, #tpu.memory_space<vmem>>) dst(%dma_wait3A_95 : memref<10240x128xf32, #tpu.memory_space<vmem_shared>>)
    } else {
    }
    %barrier3A_31 = arith.constant 0 : index
    tpu.barrier barrier_id(%barrier3A_31)
    %mul3A_32 = arith.constant 640 : i32
    %mul3A_33 = arith.muli %arg1, %mul3A_32 : i32
    %eq3A_34 = arith.constant 0 : i32
    %eq3A_35 = arith.cmpi eq, %arg0, %eq3A_34 : i32
    %convert_element_type3A_36 = arith.extui %eq3A_35 : i1 to i32
    %cond3A_37 = arith.constant 0 : i32
    %cond3A_38 = arith.cmpi ne, %convert_element_type3A_36, %cond3A_37 : i32
    scf.if %cond3A_38 {
      "tpu.region"() ({
        %run_scoped3A = tpu.sem_alloc : memref<!tpu.dma_semaphore, #tpu.memory_space<semaphore_mem>>
        %dma_start3A = arith.constant 0 : i32
        %dma_start3A_44 = tpu.memref_slice %arg6[%mul3A_33, %dma_start3A] : memref<10240x128xf32, #tpu.memory_space<hbm>> -> memref<640x128xf32, #tpu.memory_space<hbm>>
        %dma_start3A_45 = arith.constant 0 : i32
        %dma_start3A_46 = tpu.memref_slice %arg12[%mul3A_33, %dma_start3A_45] : memref<10240x128xf32, #tpu.memory_space<vmem_shared>> -> memref<640x128xf32, #tpu.memory_space<vmem_shared>>
        tpu.enqueue_dma source(%dma_start3A_46 : memref<640x128xf32, #tpu.memory_space<vmem_shared>>) target(%dma_start3A_44 : memref<640x128xf32, #tpu.memory_space<hbm>>) target_semaphore(%run_scoped3A : memref<!tpu.dma_semaphore, #tpu.memory_space<semaphore_mem>>)
        %dma_wait3A = arith.constant 0 : i32
        %dma_wait3A_47 = tpu.memref_slice %arg6[%mul3A_33, %dma_wait3A] : memref<10240x128xf32, #tpu.memory_space<hbm>> -> memref<640x128xf32, #tpu.memory_space<hbm>>
        %dma_wait3A_48 = arith.constant 0 : i32
        %dma_wait3A_49 = tpu.memref_slice %arg12[%mul3A_33, %dma_wait3A_48] : memref<10240x128xf32, #tpu.memory_space<vmem_shared>> -> memref<640x128xf32, #tpu.memory_space<vmem_shared>>
        tpu.wait_dma2 semaphore(%run_scoped3A : memref<!tpu.dma_semaphore, #tpu.memory_space<semaphore_mem>>) src(%dma_wait3A_49 : memref<640x128xf32, #tpu.memory_space<vmem_shared>>) dst(%dma_wait3A_47 : memref<640x128xf32, #tpu.memory_space<hbm>>)
        tpu.yield
      }) : () -> ()
    } else {
    }
    %eq3A_39 = arith.constant 1 : i32
    %eq3A_40 = arith.cmpi eq, %arg0, %eq3A_39 : i32
    %convert_element_type3A_41 = arith.extui %eq3A_40 : i1 to i32
    %cond3A_42 = arith.constant 0 : i32
    %cond3A_43 = arith.cmpi ne, %convert_element_type3A_41, %cond3A_42 : i32
    scf.if %cond3A_43 {
      "tpu.region"() ({
        %run_scoped3A = tpu.sem_alloc : memref<!tpu.dma_semaphore, #tpu.memory_space<semaphore_mem>>
        %dma_start3A = arith.constant 0 : i32
        %dma_start3A_44 = tpu.memref_slice %arg7[%mul3A_33, %dma_start3A] : memref<10240x128xf32, #tpu.memory_space<hbm>> -> memref<640x128xf32, #tpu.memory_space<hbm>>
        %dma_start3A_45 = arith.constant 0 : i32
        %dma_start3A_46 = tpu.memref_slice %arg12[%mul3A_33, %dma_start3A_45] : memref<10240x128xf32, #tpu.memory_space<vmem_shared>> -> memref<640x128xf32, #tpu.memory_space<vmem_shared>>
        tpu.enqueue_dma source(%dma_start3A_46 : memref<640x128xf32, #tpu.memory_space<vmem_shared>>) target(%dma_start3A_44 : memref<640x128xf32, #tpu.memory_space<hbm>>) target_semaphore(%run_scoped3A : memref<!tpu.dma_semaphore, #tpu.memory_space<semaphore_mem>>)
        %dma_wait3A = arith.constant 0 : i32
        %dma_wait3A_47 = tpu.memref_slice %arg7[%mul3A_33, %dma_wait3A] : memref<10240x128xf32, #tpu.memory_space<hbm>> -> memref<640x128xf32, #tpu.memory_space<hbm>>
        %dma_wait3A_48 = arith.constant 0 : i32
        %dma_wait3A_49 = tpu.memref_slice %arg12[%mul3A_33, %dma_wait3A_48] : memref<10240x128xf32, #tpu.memory_space<vmem_shared>> -> memref<640x128xf32, #tpu.memory_space<vmem_shared>>
        tpu.wait_dma2 semaphore(%run_scoped3A : memref<!tpu.dma_semaphore, #tpu.memory_space<semaphore_mem>>) src(%dma_wait3A_49 : memref<640x128xf32, #tpu.memory_space<vmem_shared>>) dst(%dma_wait3A_47 : memref<640x128xf32, #tpu.memory_space<hbm>>)
        tpu.yield
      }) : () -> ()
    } else {
    }
    return
  }
}

#map = affine_map<(d0, d1) -> (0, 0)>
#map1 = affine_map<(d0, d1) -> (0, 0, 0)>
module attributes {stable_mosaic.version = 14 : i64} {
  func.func @agg(%arg0: i32, %arg1: i32, %arg2: memref<10240x128xf32, #tpu.memory_space<hbm>>, %arg3: memref<10240x128xf32, #tpu.memory_space<hbm>>, %arg4: memref<16x80x128xi32, #tpu.memory_space<hbm>>, %arg5: memref<16x80x128xi32, #tpu.memory_space<hbm>>, %arg6: memref<10240x128xf32, #tpu.memory_space<hbm>>, %arg7: memref<10240x128xf32, #tpu.memory_space<hbm>>, %arg8: memref<40x128xi32, #tpu.memory_space<vmem>>, %arg9: memref<40x128xi32, #tpu.memory_space<vmem>>, %arg10: memref<128x128xf32, #tpu.memory_space<vmem>>, %arg11: memref<128x128xf32, #tpu.memory_space<vmem>>, %arg12: memref<10240x128xf32, #tpu.memory_space<vmem_shared>>, %arg13: memref<!tpu.dma_semaphore, #tpu.memory_space<semaphore_mem>>, %arg14: memref<!tpu.dma_semaphore, #tpu.memory_space<semaphore_mem>>) attributes {dimension_semantics = [#tpu.dimension_semantics<core_parallel>, #tpu.dimension_semantics<subcore_parallel>], iteration_bounds = array<i64: 2, 16>, scalar_prefetch = 0 : i64, scratch_operands = 7 : i64, tpu.core_type = #tpu.core_type<sc_vector_subcore>, window_params = [{transform_indices = #map}, {transform_indices = #map}, {transform_indices = #map1}, {transform_indices = #map1}, {transform_indices = #map}, {transform_indices = #map}]} {
    %broadcast_in_dim3A = arith.constant 0.000000e+00 : f32
    %broadcast_in_dim3A_0 = vector.broadcast %broadcast_in_dim3A : f32 to vector<16xf32>
    %scan3A = arith.constant 0 : i32
    %scan3A_1 = arith.constant 0 : i32
    %scan3A_2 = arith.constant 128 : i32
    %scan3A_3 = arith.addi %scan3A_1, %scan3A_2 : i32
    %scan3A_4 = arith.constant 1 : i32
    scf.for %scan3A_44 = %scan3A_1 to %scan3A_3 step %scan3A_4  : i32 {
      %swap3A = arith.index_cast %scan3A_44 : i32 to index
      %swap3A_45 = arith.constant 0 : index
      %swap3A_46 = tpu.vector_load %arg10[%swap3A, %swap3A_45] {strides = array<i32>} : memref<128x128xf32, #tpu.memory_space<vmem>>, vector<1x16xf32>,
      %swap3A_47 = vector.shape_cast %swap3A_46 : vector<1x16xf32> to vector<16xf32>
      %swap3A_48 = vector.shape_cast %broadcast_in_dim3A_0 : vector<16xf32> to vector<1x16xf32>
      tpu.vector_store %arg10[%swap3A, %swap3A_45], %swap3A_48 {strides = array<i32>} : memref<128x128xf32, #tpu.memory_space<vmem>>, vector<1x16xf32>,
      %swap3A_49 = arith.index_cast %scan3A_44 : i32 to index
      %swap3A_50 = arith.constant 16 : index
      %swap3A_51 = tpu.vector_load %arg10[%swap3A_49, %swap3A_50] {strides = array<i32>} : memref<128x128xf32, #tpu.memory_space<vmem>>, vector<1x16xf32>,
      %swap3A_52 = vector.shape_cast %swap3A_51 : vector<1x16xf32> to vector<16xf32>
      %swap3A_53 = vector.shape_cast %broadcast_in_dim3A_0 : vector<16xf32> to vector<1x16xf32>
      tpu.vector_store %arg10[%swap3A_49, %swap3A_50], %swap3A_53 {strides = array<i32>} : memref<128x128xf32, #tpu.memory_space<vmem>>, vector<1x16xf32>,
      %swap3A_54 = arith.index_cast %scan3A_44 : i32 to index
      %swap3A_55 = arith.constant 32 : index
      %swap3A_56 = tpu.vector_load %arg10[%swap3A_54, %swap3A_55] {strides = array<i32>} : memref<128x128xf32, #tpu.memory_space<vmem>>, vector<1x16xf32>,
      %swap3A_57 = vector.shape_cast %swap3A_56 : vector<1x16xf32> to vector<16xf32>
      %swap3A_58 = vector.shape_cast %broadcast_in_dim3A_0 : vector<16xf32> to vector<1x16xf32>
      tpu.vector_store %arg10[%swap3A_54, %swap3A_55], %swap3A_58 {strides = array<i32>} : memref<128x128xf32, #tpu.memory_space<vmem>>, vector<1x16xf32>,
      %swap3A_59 = arith.index_cast %scan3A_44 : i32 to index
      %swap3A_60 = arith.constant 48 : index
      %swap3A_61 = tpu.vector_load %arg10[%swap3A_59, %swap3A_60] {strides = array<i32>} : memref<128x128xf32, #tpu.memory_space<vmem>>, vector<1x16xf32>,
      %swap3A_62 = vector.shape_cast %swap3A_61 : vector<1x16xf32> to vector<16xf32>
      %swap3A_63 = vector.shape_cast %broadcast_in_dim3A_0 : vector<16xf32> to vector<1x16xf32>
      tpu.vector_store %arg10[%swap3A_59, %swap3A_60], %swap3A_63 {strides = array<i32>} : memref<128x128xf32, #tpu.memory_space<vmem>>, vector<1x16xf32>,
      %swap3A_64 = arith.index_cast %scan3A_44 : i32 to index
      %swap3A_65 = arith.constant 64 : index
      %swap3A_66 = tpu.vector_load %arg10[%swap3A_64, %swap3A_65] {strides = array<i32>} : memref<128x128xf32, #tpu.memory_space<vmem>>, vector<1x16xf32>,
      %swap3A_67 = vector.shape_cast %swap3A_66 : vector<1x16xf32> to vector<16xf32>
      %swap3A_68 = vector.shape_cast %broadcast_in_dim3A_0 : vector<16xf32> to vector<1x16xf32>
      tpu.vector_store %arg10[%swap3A_64, %swap3A_65], %swap3A_68 {strides = array<i32>} : memref<128x128xf32, #tpu.memory_space<vmem>>, vector<1x16xf32>,
      %swap3A_69 = arith.index_cast %scan3A_44 : i32 to index
      %swap3A_70 = arith.constant 80 : index
      %swap3A_71 = tpu.vector_load %arg10[%swap3A_69, %swap3A_70] {strides = array<i32>} : memref<128x128xf32, #tpu.memory_space<vmem>>, vector<1x16xf32>,
      %swap3A_72 = vector.shape_cast %swap3A_71 : vector<1x16xf32> to vector<16xf32>
      %swap3A_73 = vector.shape_cast %broadcast_in_dim3A_0 : vector<16xf32> to vector<1x16xf32>
      tpu.vector_store %arg10[%swap3A_69, %swap3A_70], %swap3A_73 {strides = array<i32>} : memref<128x128xf32, #tpu.memory_space<vmem>>, vector<1x16xf32>,
      %swap3A_74 = arith.index_cast %scan3A_44 : i32 to index
      %swap3A_75 = arith.constant 96 : index
      %swap3A_76 = tpu.vector_load %arg10[%swap3A_74, %swap3A_75] {strides = array<i32>} : memref<128x128xf32, #tpu.memory_space<vmem>>, vector<1x16xf32>,
      %swap3A_77 = vector.shape_cast %swap3A_76 : vector<1x16xf32> to vector<16xf32>
      %swap3A_78 = vector.shape_cast %broadcast_in_dim3A_0 : vector<16xf32> to vector<1x16xf32>
      tpu.vector_store %arg10[%swap3A_74, %swap3A_75], %swap3A_78 {strides = array<i32>} : memref<128x128xf32, #tpu.memory_space<vmem>>, vector<1x16xf32>,
      %swap3A_79 = arith.index_cast %scan3A_44 : i32 to index
      %swap3A_80 = arith.constant 112 : index
      %swap3A_81 = tpu.vector_load %arg10[%swap3A_79, %swap3A_80] {strides = array<i32>} : memref<128x128xf32, #tpu.memory_space<vmem>>, vector<1x16xf32>,
      %swap3A_82 = vector.shape_cast %swap3A_81 : vector<1x16xf32> to vector<16xf32>
      %swap3A_83 = vector.shape_cast %broadcast_in_dim3A_0 : vector<16xf32> to vector<1x16xf32>
      tpu.vector_store %arg10[%swap3A_79, %swap3A_80], %swap3A_83 {strides = array<i32>} : memref<128x128xf32, #tpu.memory_space<vmem>>, vector<1x16xf32>,
    }
    %scan3A_5 = arith.constant 128 : i32
    %mul3A = arith.constant 640 : i32
    %mul3A_6 = arith.muli %arg1, %mul3A : i32
    %add3A = arith.constant 0 : i32
    %add3A_7 = arith.addi %mul3A_6, %add3A : i32
    "tpu.region"() ({
      %run_scoped3A = tpu.sem_alloc : memref<!tpu.dma_semaphore, #tpu.memory_space<semaphore_mem>>
      %dma_start3A = arith.constant 0 : i32
      %dma_start3A_44 = tpu.memref_slice %arg12[%add3A_7, %dma_start3A] : memref<10240x128xf32, #tpu.memory_space<vmem_shared>> -> memref<128x128xf32, #tpu.memory_space<vmem_shared>>
      %dma_start3A_45 = arith.constant 0 : i32
      %dma_start3A_46 = tpu.memref_slice %arg12[%add3A_7, %dma_start3A_45] : memref<10240x128xf32, #tpu.memory_space<vmem_shared>> -> memref<128x128xf32, #tpu.memory_space<vmem_shared>>
      tpu.enqueue_dma source(%arg10 : memref<128x128xf32, #tpu.memory_space<vmem>>) target(%dma_start3A_46 : memref<128x128xf32, #tpu.memory_space<vmem_shared>>) target_semaphore(%run_scoped3A : memref<!tpu.dma_semaphore, #tpu.memory_space<semaphore_mem>>)
      %dma_wait3A = arith.constant 0 : i32
      %dma_wait3A_47 = tpu.memref_slice %arg12[%add3A_7, %dma_wait3A] : memref<10240x128xf32, #tpu.memory_space<vmem_shared>> -> memref<128x128xf32, #tpu.memory_space<vmem_shared>>
      %dma_wait3A_48 = arith.constant 0 : i32
      %dma_wait3A_49 = tpu.memref_slice %arg12[%add3A_7, %dma_wait3A_48] : memref<10240x128xf32, #tpu.memory_space<vmem_shared>> -> memref<128x128xf32, #tpu.memory_space<vmem_shared>>
      tpu.wait_dma2 semaphore(%run_scoped3A : memref<!tpu.dma_semaphore, #tpu.memory_space<semaphore_mem>>) src(%arg10 : memref<128x128xf32, #tpu.memory_space<vmem>>) dst(%dma_wait3A_49 : memref<128x128xf32, #tpu.memory_space<vmem_shared>>)
      tpu.yield
    }) : () -> ()
    %mul3A_8 = arith.constant 640 : i32
    %mul3A_9 = arith.muli %arg1, %mul3A_8 : i32
    %add3A_10 = arith.constant 128 : i32
    %add3A_11 = arith.addi %mul3A_9, %add3A_10 : i32
    "tpu.region"() ({
      %run_scoped3A = tpu.sem_alloc : memref<!tpu.dma_semaphore, #tpu.memory_space<semaphore_mem>>
      %dma_start3A = arith.constant 0 : i32
      %dma_start3A_44 = tpu.memref_slice %arg12[%add3A_11, %dma_start3A] : memref<10240x128xf32, #tpu.memory_space<vmem_shared>> -> memref<128x128xf32, #tpu.memory_space<vmem_shared>>
      %dma_start3A_45 = arith.constant 0 : i32
      %dma_start3A_46 = tpu.memref_slice %arg12[%add3A_11, %dma_start3A_45] : memref<10240x128xf32, #tpu.memory_space<vmem_shared>> -> memref<128x128xf32, #tpu.memory_space<vmem_shared>>
      tpu.enqueue_dma source(%arg10 : memref<128x128xf32, #tpu.memory_space<vmem>>) target(%dma_start3A_46 : memref<128x128xf32, #tpu.memory_space<vmem_shared>>) target_semaphore(%run_scoped3A : memref<!tpu.dma_semaphore, #tpu.memory_space<semaphore_mem>>)
      %dma_wait3A = arith.constant 0 : i32
      %dma_wait3A_47 = tpu.memref_slice %arg12[%add3A_11, %dma_wait3A] : memref<10240x128xf32, #tpu.memory_space<vmem_shared>> -> memref<128x128xf32, #tpu.memory_space<vmem_shared>>
      %dma_wait3A_48 = arith.constant 0 : i32
      %dma_wait3A_49 = tpu.memref_slice %arg12[%add3A_11, %dma_wait3A_48] : memref<10240x128xf32, #tpu.memory_space<vmem_shared>> -> memref<128x128xf32, #tpu.memory_space<vmem_shared>>
      tpu.wait_dma2 semaphore(%run_scoped3A : memref<!tpu.dma_semaphore, #tpu.memory_space<semaphore_mem>>) src(%arg10 : memref<128x128xf32, #tpu.memory_space<vmem>>) dst(%dma_wait3A_49 : memref<128x128xf32, #tpu.memory_space<vmem_shared>>)
      tpu.yield
    }) : () -> ()
    %mul3A_12 = arith.constant 640 : i32
    %mul3A_13 = arith.muli %arg1, %mul3A_12 : i32
    %add3A_14 = arith.constant 256 : i32
    %add3A_15 = arith.addi %mul3A_13, %add3A_14 : i32
    "tpu.region"() ({
      %run_scoped3A = tpu.sem_alloc : memref<!tpu.dma_semaphore, #tpu.memory_space<semaphore_mem>>
      %dma_start3A = arith.constant 0 : i32
      %dma_start3A_44 = tpu.memref_slice %arg12[%add3A_15, %dma_start3A] : memref<10240x128xf32, #tpu.memory_space<vmem_shared>> -> memref<128x128xf32, #tpu.memory_space<vmem_shared>>
      %dma_start3A_45 = arith.constant 0 : i32
      %dma_start3A_46 = tpu.memref_slice %arg12[%add3A_15, %dma_start3A_45] : memref<10240x128xf32, #tpu.memory_space<vmem_shared>> -> memref<128x128xf32, #tpu.memory_space<vmem_shared>>
      tpu.enqueue_dma source(%arg10 : memref<128x128xf32, #tpu.memory_space<vmem>>) target(%dma_start3A_46 : memref<128x128xf32, #tpu.memory_space<vmem_shared>>) target_semaphore(%run_scoped3A : memref<!tpu.dma_semaphore, #tpu.memory_space<semaphore_mem>>)
      %dma_wait3A = arith.constant 0 : i32
      %dma_wait3A_47 = tpu.memref_slice %arg12[%add3A_15, %dma_wait3A] : memref<10240x128xf32, #tpu.memory_space<vmem_shared>> -> memref<128x128xf32, #tpu.memory_space<vmem_shared>>
      %dma_wait3A_48 = arith.constant 0 : i32
      %dma_wait3A_49 = tpu.memref_slice %arg12[%add3A_15, %dma_wait3A_48] : memref<10240x128xf32, #tpu.memory_space<vmem_shared>> -> memref<128x128xf32, #tpu.memory_space<vmem_shared>>
      tpu.wait_dma2 semaphore(%run_scoped3A : memref<!tpu.dma_semaphore, #tpu.memory_space<semaphore_mem>>) src(%arg10 : memref<128x128xf32, #tpu.memory_space<vmem>>) dst(%dma_wait3A_49 : memref<128x128xf32, #tpu.memory_space<vmem_shared>>)
      tpu.yield
    }) : () -> ()
    %mul3A_16 = arith.constant 640 : i32
    %mul3A_17 = arith.muli %arg1, %mul3A_16 : i32
    %add3A_18 = arith.constant 384 : i32
    %add3A_19 = arith.addi %mul3A_17, %add3A_18 : i32
    "tpu.region"() ({
      %run_scoped3A = tpu.sem_alloc : memref<!tpu.dma_semaphore, #tpu.memory_space<semaphore_mem>>
      %dma_start3A = arith.constant 0 : i32
      %dma_start3A_44 = tpu.memref_slice %arg12[%add3A_19, %dma_start3A] : memref<10240x128xf32, #tpu.memory_space<vmem_shared>> -> memref<128x128xf32, #tpu.memory_space<vmem_shared>>
      %dma_start3A_45 = arith.constant 0 : i32
      %dma_start3A_46 = tpu.memref_slice %arg12[%add3A_19, %dma_start3A_45] : memref<10240x128xf32, #tpu.memory_space<vmem_shared>> -> memref<128x128xf32, #tpu.memory_space<vmem_shared>>
      tpu.enqueue_dma source(%arg10 : memref<128x128xf32, #tpu.memory_space<vmem>>) target(%dma_start3A_46 : memref<128x128xf32, #tpu.memory_space<vmem_shared>>) target_semaphore(%run_scoped3A : memref<!tpu.dma_semaphore, #tpu.memory_space<semaphore_mem>>)
      %dma_wait3A = arith.constant 0 : i32
      %dma_wait3A_47 = tpu.memref_slice %arg12[%add3A_19, %dma_wait3A] : memref<10240x128xf32, #tpu.memory_space<vmem_shared>> -> memref<128x128xf32, #tpu.memory_space<vmem_shared>>
      %dma_wait3A_48 = arith.constant 0 : i32
      %dma_wait3A_49 = tpu.memref_slice %arg12[%add3A_19, %dma_wait3A_48] : memref<10240x128xf32, #tpu.memory_space<vmem_shared>> -> memref<128x128xf32, #tpu.memory_space<vmem_shared>>
      tpu.wait_dma2 semaphore(%run_scoped3A : memref<!tpu.dma_semaphore, #tpu.memory_space<semaphore_mem>>) src(%arg10 : memref<128x128xf32, #tpu.memory_space<vmem>>) dst(%dma_wait3A_49 : memref<128x128xf32, #tpu.memory_space<vmem_shared>>)
      tpu.yield
    }) : () -> ()
    %mul3A_20 = arith.constant 640 : i32
    %mul3A_21 = arith.muli %arg1, %mul3A_20 : i32
    %add3A_22 = arith.constant 512 : i32
    %add3A_23 = arith.addi %mul3A_21, %add3A_22 : i32
    "tpu.region"() ({
      %run_scoped3A = tpu.sem_alloc : memref<!tpu.dma_semaphore, #tpu.memory_space<semaphore_mem>>
      %dma_start3A = arith.constant 0 : i32
      %dma_start3A_44 = tpu.memref_slice %arg12[%add3A_23, %dma_start3A] : memref<10240x128xf32, #tpu.memory_space<vmem_shared>> -> memref<128x128xf32, #tpu.memory_space<vmem_shared>>
      %dma_start3A_45 = arith.constant 0 : i32
      %dma_start3A_46 = tpu.memref_slice %arg12[%add3A_23, %dma_start3A_45] : memref<10240x128xf32, #tpu.memory_space<vmem_shared>> -> memref<128x128xf32, #tpu.memory_space<vmem_shared>>
      tpu.enqueue_dma source(%arg10 : memref<128x128xf32, #tpu.memory_space<vmem>>) target(%dma_start3A_46 : memref<128x128xf32, #tpu.memory_space<vmem_shared>>) target_semaphore(%run_scoped3A : memref<!tpu.dma_semaphore, #tpu.memory_space<semaphore_mem>>)
      %dma_wait3A = arith.constant 0 : i32
      %dma_wait3A_47 = tpu.memref_slice %arg12[%add3A_23, %dma_wait3A] : memref<10240x128xf32, #tpu.memory_space<vmem_shared>> -> memref<128x128xf32, #tpu.memory_space<vmem_shared>>
      %dma_wait3A_48 = arith.constant 0 : i32
      %dma_wait3A_49 = tpu.memref_slice %arg12[%add3A_23, %dma_wait3A_48] : memref<10240x128xf32, #tpu.memory_space<vmem_shared>> -> memref<128x128xf32, #tpu.memory_space<vmem_shared>>
      tpu.wait_dma2 semaphore(%run_scoped3A : memref<!tpu.dma_semaphore, #tpu.memory_space<semaphore_mem>>) src(%arg10 : memref<128x128xf32, #tpu.memory_space<vmem>>) dst(%dma_wait3A_49 : memref<128x128xf32, #tpu.memory_space<vmem_shared>>)
      tpu.yield
    }) : () -> ()
    %barrier3A = arith.constant 0 : index
    tpu.barrier barrier_id(%barrier3A)
    %eq3A = arith.constant 0 : i32
    %eq3A_24 = arith.cmpi eq, %arg0, %eq3A : i32
    %convert_element_type3A = arith.extui %eq3A_24 : i1 to i32
    %cond3A = arith.constant 0 : i32
    %cond3A_25 = arith.cmpi ne, %convert_element_type3A, %cond3A : i32
    scf.if %cond3A_25 {
      "tpu.region"() ({
        %run_scoped3A = tpu.sem_alloc : memref<!tpu.dma_semaphore, #tpu.memory_space<semaphore_mem>>
        %dma_start3A_96 = arith.constant 0 : i32
        %dma_start3A_97 = arith.constant 0 : i32
        %dma_start3A_98 = tpu.memref_slice %arg4[%arg1, %dma_start3A_96, %dma_start3A_97] : memref<16x80x128xi32, #tpu.memory_space<hbm>> -> memref<1x40x128xi32, #tpu.memory_space<hbm>>
        %dma_start3A_99 = tpu.memref_squeeze %dma_start3A_98 : memref<1x40x128xi32, #tpu.memory_space<hbm>> -> memref<40x128xi32, #tpu.memory_space<hbm>>
        %dma_start3A_100 = arith.constant 0 : i32
        %dma_start3A_101 = arith.constant 0 : i32
        %dma_start3A_102 = tpu.memref_slice %arg4[%arg1, %dma_start3A_100, %dma_start3A_101] : memref<16x80x128xi32, #tpu.memory_space<hbm>> -> memref<1x40x128xi32, #tpu.memory_space<hbm>>
        %dma_start3A_103 = tpu.memref_squeeze %dma_start3A_102 : memref<1x40x128xi32, #tpu.memory_space<hbm>> -> memref<40x128xi32, #tpu.memory_space<hbm>>
        tpu.enqueue_dma source(%dma_start3A_103 : memref<40x128xi32, #tpu.memory_space<hbm>>) target(%arg8 : memref<40x128xi32, #tpu.memory_space<vmem>>) target_semaphore(%run_scoped3A : memref<!tpu.dma_semaphore, #tpu.memory_space<semaphore_mem>>)
        %dma_wait3A_104 = arith.constant 0 : i32
        %dma_wait3A_105 = arith.constant 0 : i32
        %dma_wait3A_106 = tpu.memref_slice %arg4[%arg1, %dma_wait3A_104, %dma_wait3A_105] : memref<16x80x128xi32, #tpu.memory_space<hbm>> -> memref<1x40x128xi32, #tpu.memory_space<hbm>>
        %dma_wait3A_107 = tpu.memref_squeeze %dma_wait3A_106 : memref<1x40x128xi32, #tpu.memory_space<hbm>> -> memref<40x128xi32, #tpu.memory_space<hbm>>
        %dma_wait3A_108 = arith.constant 0 : i32
        %dma_wait3A_109 = arith.constant 0 : i32
        %dma_wait3A_110 = tpu.memref_slice %arg4[%arg1, %dma_wait3A_108, %dma_wait3A_109] : memref<16x80x128xi32, #tpu.memory_space<hbm>> -> memref<1x40x128xi32, #tpu.memory_space<hbm>>
        %dma_wait3A_111 = tpu.memref_squeeze %dma_wait3A_110 : memref<1x40x128xi32, #tpu.memory_space<hbm>> -> memref<40x128xi32, #tpu.memory_space<hbm>>
        tpu.wait_dma2 semaphore(%run_scoped3A : memref<!tpu.dma_semaphore, #tpu.memory_space<semaphore_mem>>) src(%dma_wait3A_111 : memref<40x128xi32, #tpu.memory_space<hbm>>) dst(%arg8 : memref<40x128xi32, #tpu.memory_space<vmem>>)
        tpu.yield
      }) : () -> ()
      "tpu.region"() ({
        %run_scoped3A = tpu.sem_alloc : memref<!tpu.dma_semaphore, #tpu.memory_space<semaphore_mem>>
        %dma_start3A_96 = arith.constant 0 : i32
        %dma_start3A_97 = arith.constant 0 : i32
        %dma_start3A_98 = tpu.memref_slice %arg5[%arg1, %dma_start3A_96, %dma_start3A_97] : memref<16x80x128xi32, #tpu.memory_space<hbm>> -> memref<1x40x128xi32, #tpu.memory_space<hbm>>
        %dma_start3A_99 = tpu.memref_squeeze %dma_start3A_98 : memref<1x40x128xi32, #tpu.memory_space<hbm>> -> memref<40x128xi32, #tpu.memory_space<hbm>>
        %dma_start3A_100 = arith.constant 0 : i32
        %dma_start3A_101 = arith.constant 0 : i32
        %dma_start3A_102 = tpu.memref_slice %arg5[%arg1, %dma_start3A_100, %dma_start3A_101] : memref<16x80x128xi32, #tpu.memory_space<hbm>> -> memref<1x40x128xi32, #tpu.memory_space<hbm>>
        %dma_start3A_103 = tpu.memref_squeeze %dma_start3A_102 : memref<1x40x128xi32, #tpu.memory_space<hbm>> -> memref<40x128xi32, #tpu.memory_space<hbm>>
        tpu.enqueue_dma source(%dma_start3A_103 : memref<40x128xi32, #tpu.memory_space<hbm>>) target(%arg9 : memref<40x128xi32, #tpu.memory_space<vmem>>) target_semaphore(%run_scoped3A : memref<!tpu.dma_semaphore, #tpu.memory_space<semaphore_mem>>)
        %dma_wait3A_104 = arith.constant 0 : i32
        %dma_wait3A_105 = arith.constant 0 : i32
        %dma_wait3A_106 = tpu.memref_slice %arg5[%arg1, %dma_wait3A_104, %dma_wait3A_105] : memref<16x80x128xi32, #tpu.memory_space<hbm>> -> memref<1x40x128xi32, #tpu.memory_space<hbm>>
        %dma_wait3A_107 = tpu.memref_squeeze %dma_wait3A_106 : memref<1x40x128xi32, #tpu.memory_space<hbm>> -> memref<40x128xi32, #tpu.memory_space<hbm>>
        %dma_wait3A_108 = arith.constant 0 : i32
        %dma_wait3A_109 = arith.constant 0 : i32
        %dma_wait3A_110 = tpu.memref_slice %arg5[%arg1, %dma_wait3A_108, %dma_wait3A_109] : memref<16x80x128xi32, #tpu.memory_space<hbm>> -> memref<1x40x128xi32, #tpu.memory_space<hbm>>
        %dma_wait3A_111 = tpu.memref_squeeze %dma_wait3A_110 : memref<1x40x128xi32, #tpu.memory_space<hbm>> -> memref<40x128xi32, #tpu.memory_space<hbm>>
        tpu.wait_dma2 semaphore(%run_scoped3A : memref<!tpu.dma_semaphore, #tpu.memory_space<semaphore_mem>>) src(%dma_wait3A_111 : memref<40x128xi32, #tpu.memory_space<hbm>>) dst(%arg9 : memref<40x128xi32, #tpu.memory_space<vmem>>)
        tpu.yield
      }) : () -> ()
      %dma_start3A = arith.constant 0 : i32
      %dma_start3A_44 = arith.constant 0 : i32
      %dma_start3A_45 = tpu.memref_slice %arg8[%dma_start3A, %dma_start3A_44] : memref<40x128xi32, #tpu.memory_space<vmem>> -> memref<1x128xi32, #tpu.memory_space<vmem>>
      %dma_start3A_46 = tpu.memref_squeeze %dma_start3A_45 : memref<1x128xi32, #tpu.memory_space<vmem>> -> memref<128xi32, #tpu.memory_space<vmem>>
      %dma_start3A_47 = arith.constant 0 : i32
      %dma_start3A_48 = arith.constant 0 : i32
      %dma_start3A_49 = tpu.memref_slice %arg2[%dma_start3A_47, %dma_start3A_48] : memref<10240x128xf32, #tpu.memory_space<hbm>> -> memref<10240x128xf32, #tpu.memory_space<hbm>>
      tpu.enqueue_indirect_dma source(%dma_start3A_49 : memref<10240x128xf32, #tpu.memory_space<hbm>>) target(%arg10 : memref<128x128xf32, #tpu.memory_space<vmem>>) offsets(%dma_start3A_46 : memref<128xi32, #tpu.memory_space<vmem>>) semaphore(%arg13 : memref<!tpu.dma_semaphore, #tpu.memory_space<semaphore_mem>>)
      %scan3A_50 = arith.constant 0 : i32
      %scan3A_51 = arith.constant 0 : i32
      %scan3A_52 = arith.constant 20 : i32
      %scan3A_53 = arith.addi %scan3A_51, %scan3A_52 : i32
      %scan3A_54 = arith.constant 1 : i32
      scf.for %scan3A_96 = %scan3A_51 to %scan3A_53 step %scan3A_54  : i32 {
        %mul3A_97 = arith.constant 2 : i32
        %mul3A_98 = arith.muli %mul3A_97, %scan3A_96 : i32
        %dma_wait3A_99 = arith.constant 0 : i32
        %dma_wait3A_100 = tpu.memref_slice %arg8[%mul3A_98, %dma_wait3A_99] : memref<40x128xi32, #tpu.memory_space<vmem>> -> memref<1x128xi32, #tpu.memory_space<vmem>>
        %dma_wait3A_101 = tpu.memref_squeeze %dma_wait3A_100 : memref<1x128xi32, #tpu.memory_space<vmem>> -> memref<128xi32, #tpu.memory_space<vmem>>
        %dma_wait3A_102 = arith.constant 0 : i32
        %dma_wait3A_103 = arith.constant 0 : i32
        %dma_wait3A_104 = tpu.memref_slice %arg2[%dma_wait3A_102, %dma_wait3A_103] : memref<10240x128xf32, #tpu.memory_space<hbm>> -> memref<10240x128xf32, #tpu.memory_space<hbm>>
        tpu.wait_indirect_dma semaphore(%arg13 : memref<!tpu.dma_semaphore, #tpu.memory_space<semaphore_mem>>) src(%dma_wait3A_104 : memref<10240x128xf32, #tpu.memory_space<hbm>>) dst(%arg10 : memref<128x128xf32, #tpu.memory_space<vmem>>)
        %dma_start3A_105 = arith.constant 0 : i32
        %dma_start3A_106 = tpu.memref_slice %arg9[%mul3A_98, %dma_start3A_105] : memref<40x128xi32, #tpu.memory_space<vmem>> -> memref<1x128xi32, #tpu.memory_space<vmem>>
        %dma_start3A_107 = tpu.memref_squeeze %dma_start3A_106 : memref<1x128xi32, #tpu.memory_space<vmem>> -> memref<128xi32, #tpu.memory_space<vmem>>
        %dma_start3A_108 = arith.constant 0 : i32
        %dma_start3A_109 = arith.constant 0 : i32
        %dma_start3A_110 = tpu.memref_slice %arg12[%dma_start3A_108, %dma_start3A_109] : memref<10240x128xf32, #tpu.memory_space<vmem_shared>> -> memref<10240x128xf32, #tpu.memory_space<vmem_shared>>
        tpu.enqueue_indirect_dma source(%arg10 : memref<128x128xf32, #tpu.memory_space<vmem>>) target(%dma_start3A_110 : memref<10240x128xf32, #tpu.memory_space<vmem_shared>>) offsets(%dma_start3A_107 : memref<128xi32, #tpu.memory_space<vmem>>) semaphore(%arg14 : memref<!tpu.dma_semaphore, #tpu.memory_space<semaphore_mem>>) {add = true}
        %gt3A = arith.constant 0 : i32
        %gt3A_111 = arith.cmpi sgt, %scan3A_96, %gt3A : i32
        %convert_element_type3A_112 = arith.extui %gt3A_111 : i1 to i32
        %cond3A_113 = arith.constant 0 : i32
        %cond3A_114 = arith.cmpi ne, %convert_element_type3A_112, %cond3A_113 : i32
        scf.if %cond3A_114 {
          %dma_wait3A_157 = arith.constant 0 : i32
          %dma_wait3A_158 = tpu.memref_slice %arg9[%mul3A_98, %dma_wait3A_157] : memref<40x128xi32, #tpu.memory_space<vmem>> -> memref<1x128xi32, #tpu.memory_space<vmem>>
          %dma_wait3A_159 = tpu.memref_squeeze %dma_wait3A_158 : memref<1x128xi32, #tpu.memory_space<vmem>> -> memref<128xi32, #tpu.memory_space<vmem>>
          %dma_wait3A_160 = arith.constant 0 : i32
          %dma_wait3A_161 = arith.constant 0 : i32
          %dma_wait3A_162 = tpu.memref_slice %arg12[%dma_wait3A_160, %dma_wait3A_161] : memref<10240x128xf32, #tpu.memory_space<vmem_shared>> -> memref<10240x128xf32, #tpu.memory_space<vmem_shared>>
          tpu.wait_indirect_dma semaphore(%arg14 : memref<!tpu.dma_semaphore, #tpu.memory_space<semaphore_mem>>) src(%arg11 : memref<128x128xf32, #tpu.memory_space<vmem>>) dst(%dma_wait3A_162 : memref<10240x128xf32, #tpu.memory_space<vmem_shared>>)
        } else {
        }
        %add3A_115 = arith.constant 1 : i32
        %add3A_116 = arith.addi %mul3A_98, %add3A_115 : i32
        %dma_start3A_117 = arith.constant 0 : i32
        %dma_start3A_118 = tpu.memref_slice %arg8[%add3A_116, %dma_start3A_117] : memref<40x128xi32, #tpu.memory_space<vmem>> -> memref<1x128xi32, #tpu.memory_space<vmem>>
        %dma_start3A_119 = tpu.memref_squeeze %dma_start3A_118 : memref<1x128xi32, #tpu.memory_space<vmem>> -> memref<128xi32, #tpu.memory_space<vmem>>
        %dma_start3A_120 = arith.constant 0 : i32
        %dma_start3A_121 = arith.constant 0 : i32
        %dma_start3A_122 = tpu.memref_slice %arg2[%dma_start3A_120, %dma_start3A_121] : memref<10240x128xf32, #tpu.memory_space<hbm>> -> memref<10240x128xf32, #tpu.memory_space<hbm>>
        tpu.enqueue_indirect_dma source(%dma_start3A_122 : memref<10240x128xf32, #tpu.memory_space<hbm>>) target(%arg11 : memref<128x128xf32, #tpu.memory_space<vmem>>) offsets(%dma_start3A_119 : memref<128xi32, #tpu.memory_space<vmem>>) semaphore(%arg13 : memref<!tpu.dma_semaphore, #tpu.memory_space<semaphore_mem>>)
        %add3A_123 = arith.constant 1 : i32
        %add3A_124 = arith.addi %mul3A_98, %add3A_123 : i32
        %dma_wait3A_125 = arith.constant 0 : i32
        %dma_wait3A_126 = tpu.memref_slice %arg8[%add3A_124, %dma_wait3A_125] : memref<40x128xi32, #tpu.memory_space<vmem>> -> memref<1x128xi32, #tpu.memory_space<vmem>>
        %dma_wait3A_127 = tpu.memref_squeeze %dma_wait3A_126 : memref<1x128xi32, #tpu.memory_space<vmem>> -> memref<128xi32, #tpu.memory_space<vmem>>
        %dma_wait3A_128 = arith.constant 0 : i32
        %dma_wait3A_129 = arith.constant 0 : i32
        %dma_wait3A_130 = tpu.memref_slice %arg2[%dma_wait3A_128, %dma_wait3A_129] : memref<10240x128xf32, #tpu.memory_space<hbm>> -> memref<10240x128xf32, #tpu.memory_space<hbm>>
        tpu.wait_indirect_dma semaphore(%arg13 : memref<!tpu.dma_semaphore, #tpu.memory_space<semaphore_mem>>) src(%dma_wait3A_130 : memref<10240x128xf32, #tpu.memory_space<hbm>>) dst(%arg11 : memref<128x128xf32, #tpu.memory_space<vmem>>)
        %add3A_131 = arith.constant 1 : i32
        %add3A_132 = arith.addi %mul3A_98, %add3A_131 : i32
        %dma_start3A_133 = arith.constant 0 : i32
        %dma_start3A_134 = tpu.memref_slice %arg9[%add3A_132, %dma_start3A_133] : memref<40x128xi32, #tpu.memory_space<vmem>> -> memref<1x128xi32, #tpu.memory_space<vmem>>
        %dma_start3A_135 = tpu.memref_squeeze %dma_start3A_134 : memref<1x128xi32, #tpu.memory_space<vmem>> -> memref<128xi32, #tpu.memory_space<vmem>>
        %dma_start3A_136 = arith.constant 0 : i32
        %dma_start3A_137 = arith.constant 0 : i32
        %dma_start3A_138 = tpu.memref_slice %arg12[%dma_start3A_136, %dma_start3A_137] : memref<10240x128xf32, #tpu.memory_space<vmem_shared>> -> memref<10240x128xf32, #tpu.memory_space<vmem_shared>>
        tpu.enqueue_indirect_dma source(%arg11 : memref<128x128xf32, #tpu.memory_space<vmem>>) target(%dma_start3A_138 : memref<10240x128xf32, #tpu.memory_space<vmem_shared>>) offsets(%dma_start3A_135 : memref<128xi32, #tpu.memory_space<vmem>>) semaphore(%arg14 : memref<!tpu.dma_semaphore, #tpu.memory_space<semaphore_mem>>) {add = true}
        %dma_wait3A_139 = arith.constant 0 : i32
        %dma_wait3A_140 = tpu.memref_slice %arg9[%mul3A_98, %dma_wait3A_139] : memref<40x128xi32, #tpu.memory_space<vmem>> -> memref<1x128xi32, #tpu.memory_space<vmem>>
        %dma_wait3A_141 = tpu.memref_squeeze %dma_wait3A_140 : memref<1x128xi32, #tpu.memory_space<vmem>> -> memref<128xi32, #tpu.memory_space<vmem>>
        %dma_wait3A_142 = arith.constant 0 : i32
        %dma_wait3A_143 = arith.constant 0 : i32
        %dma_wait3A_144 = tpu.memref_slice %arg12[%dma_wait3A_142, %dma_wait3A_143] : memref<10240x128xf32, #tpu.memory_space<vmem_shared>> -> memref<10240x128xf32, #tpu.memory_space<vmem_shared>>
        tpu.wait_indirect_dma semaphore(%arg14 : memref<!tpu.dma_semaphore, #tpu.memory_space<semaphore_mem>>) src(%arg10 : memref<128x128xf32, #tpu.memory_space<vmem>>) dst(%dma_wait3A_144 : memref<10240x128xf32, #tpu.memory_space<vmem_shared>>)
        %add3A_145 = arith.constant 1 : i32
        %add3A_146 = arith.addi %scan3A_96, %add3A_145 : i32
        %lt3A = arith.constant 20 : i32
        %lt3A_147 = arith.cmpi slt, %add3A_146, %lt3A : i32
        %add3A_148 = arith.constant 2 : i32
        %add3A_149 = arith.addi %mul3A_98, %add3A_148 : i32
        %select_n3A = arith.constant 0 : i32
        %select_n3A_150 = arith.select %lt3A_147, %add3A_149, %select_n3A : i32
        %dma_start3A_151 = arith.constant 0 : i32
        %dma_start3A_152 = tpu.memref_slice %arg8[%select_n3A_150, %dma_start3A_151] : memref<40x128xi32, #tpu.memory_space<vmem>> -> memref<1x128xi32, #tpu.memory_space<vmem>>
        %dma_start3A_153 = tpu.memref_squeeze %dma_start3A_152 : memref<1x128xi32, #tpu.memory_space<vmem>> -> memref<128xi32, #tpu.memory_space<vmem>>
        %dma_start3A_154 = arith.constant 0 : i32
        %dma_start3A_155 = arith.constant 0 : i32
        %dma_start3A_156 = tpu.memref_slice %arg2[%dma_start3A_154, %dma_start3A_155] : memref<10240x128xf32, #tpu.memory_space<hbm>> -> memref<10240x128xf32, #tpu.memory_space<hbm>>
        tpu.enqueue_indirect_dma source(%dma_start3A_156 : memref<10240x128xf32, #tpu.memory_space<hbm>>) target(%arg10 : memref<128x128xf32, #tpu.memory_space<vmem>>) offsets(%dma_start3A_153 : memref<128xi32, #tpu.memory_space<vmem>>) semaphore(%arg13 : memref<!tpu.dma_semaphore, #tpu.memory_space<semaphore_mem>>)
      }
      %scan3A_55 = arith.constant 20 : i32
      %dma_wait3A = arith.constant 0 : i32
      %dma_wait3A_56 = arith.constant 0 : i32
      %dma_wait3A_57 = tpu.memref_slice %arg8[%dma_wait3A, %dma_wait3A_56] : memref<40x128xi32, #tpu.memory_space<vmem>> -> memref<1x128xi32, #tpu.memory_space<vmem>>
      %dma_wait3A_58 = tpu.memref_squeeze %dma_wait3A_57 : memref<1x128xi32, #tpu.memory_space<vmem>> -> memref<128xi32, #tpu.memory_space<vmem>>
      %dma_wait3A_59 = arith.constant 0 : i32
      %dma_wait3A_60 = arith.constant 0 : i32
      %dma_wait3A_61 = tpu.memref_slice %arg2[%dma_wait3A_59, %dma_wait3A_60] : memref<10240x128xf32, #tpu.memory_space<hbm>> -> memref<10240x128xf32, #tpu.memory_space<hbm>>
      tpu.wait_indirect_dma semaphore(%arg13 : memref<!tpu.dma_semaphore, #tpu.memory_space<semaphore_mem>>) src(%dma_wait3A_61 : memref<10240x128xf32, #tpu.memory_space<hbm>>) dst(%arg10 : memref<128x128xf32, #tpu.memory_space<vmem>>)
      %dma_wait3A_62 = arith.constant 0 : i32
      %dma_wait3A_63 = arith.constant 0 : i32
      %dma_wait3A_64 = tpu.memref_slice %arg9[%dma_wait3A_62, %dma_wait3A_63] : memref<40x128xi32, #tpu.memory_space<vmem>> -> memref<1x128xi32, #tpu.memory_space<vmem>>
      %dma_wait3A_65 = tpu.memref_squeeze %dma_wait3A_64 : memref<1x128xi32, #tpu.memory_space<vmem>> -> memref<128xi32, #tpu.memory_space<vmem>>
      %dma_wait3A_66 = arith.constant 0 : i32
      %dma_wait3A_67 = arith.constant 0 : i32
      %dma_wait3A_68 = tpu.memref_slice %arg12[%dma_wait3A_66, %dma_wait3A_67] : memref<10240x128xf32, #tpu.memory_space<vmem_shared>> -> memref<10240x128xf32, #tpu.memory_space<vmem_shared>>
      tpu.wait_indirect_dma semaphore(%arg14 : memref<!tpu.dma_semaphore, #tpu.memory_space<semaphore_mem>>) src(%arg11 : memref<128x128xf32, #tpu.memory_space<vmem>>) dst(%dma_wait3A_68 : memref<10240x128xf32, #tpu.memory_space<vmem_shared>>)
      "tpu.region"() ({
        %run_scoped3A = tpu.sem_alloc : memref<!tpu.dma_semaphore, #tpu.memory_space<semaphore_mem>>
        %dma_start3A_96 = arith.constant 40 : i32
        %dma_start3A_97 = arith.constant 0 : i32
        %dma_start3A_98 = tpu.memref_slice %arg4[%arg1, %dma_start3A_96, %dma_start3A_97] : memref<16x80x128xi32, #tpu.memory_space<hbm>> -> memref<1x40x128xi32, #tpu.memory_space<hbm>>
        %dma_start3A_99 = tpu.memref_squeeze %dma_start3A_98 : memref<1x40x128xi32, #tpu.memory_space<hbm>> -> memref<40x128xi32, #tpu.memory_space<hbm>>
        %dma_start3A_100 = arith.constant 40 : i32
        %dma_start3A_101 = arith.constant 0 : i32
        %dma_start3A_102 = tpu.memref_slice %arg4[%arg1, %dma_start3A_100, %dma_start3A_101] : memref<16x80x128xi32, #tpu.memory_space<hbm>> -> memref<1x40x128xi32, #tpu.memory_space<hbm>>
        %dma_start3A_103 = tpu.memref_squeeze %dma_start3A_102 : memref<1x40x128xi32, #tpu.memory_space<hbm>> -> memref<40x128xi32, #tpu.memory_space<hbm>>
        tpu.enqueue_dma source(%dma_start3A_103 : memref<40x128xi32, #tpu.memory_space<hbm>>) target(%arg8 : memref<40x128xi32, #tpu.memory_space<vmem>>) target_semaphore(%run_scoped3A : memref<!tpu.dma_semaphore, #tpu.memory_space<semaphore_mem>>)
        %dma_wait3A_104 = arith.constant 40 : i32
        %dma_wait3A_105 = arith.constant 0 : i32
        %dma_wait3A_106 = tpu.memref_slice %arg4[%arg1, %dma_wait3A_104, %dma_wait3A_105] : memref<16x80x128xi32, #tpu.memory_space<hbm>> -> memref<1x40x128xi32, #tpu.memory_space<hbm>>
        %dma_wait3A_107 = tpu.memref_squeeze %dma_wait3A_106 : memref<1x40x128xi32, #tpu.memory_space<hbm>> -> memref<40x128xi32, #tpu.memory_space<hbm>>
        %dma_wait3A_108 = arith.constant 40 : i32
        %dma_wait3A_109 = arith.constant 0 : i32
        %dma_wait3A_110 = tpu.memref_slice %arg4[%arg1, %dma_wait3A_108, %dma_wait3A_109] : memref<16x80x128xi32, #tpu.memory_space<hbm>> -> memref<1x40x128xi32, #tpu.memory_space<hbm>>
        %dma_wait3A_111 = tpu.memref_squeeze %dma_wait3A_110 : memref<1x40x128xi32, #tpu.memory_space<hbm>> -> memref<40x128xi32, #tpu.memory_space<hbm>>
        tpu.wait_dma2 semaphore(%run_scoped3A : memref<!tpu.dma_semaphore, #tpu.memory_space<semaphore_mem>>) src(%dma_wait3A_111 : memref<40x128xi32, #tpu.memory_space<hbm>>) dst(%arg8 : memref<40x128xi32, #tpu.memory_space<vmem>>)
        tpu.yield
      }) : () -> ()
      "tpu.region"() ({
        %run_scoped3A = tpu.sem_alloc : memref<!tpu.dma_semaphore, #tpu.memory_space<semaphore_mem>>
        %dma_start3A_96 = arith.constant 40 : i32
        %dma_start3A_97 = arith.constant 0 : i32
        %dma_start3A_98 = tpu.memref_slice %arg5[%arg1, %dma_start3A_96, %dma_start3A_97] : memref<16x80x128xi32, #tpu.memory_space<hbm>> -> memref<1x40x128xi32, #tpu.memory_space<hbm>>
        %dma_start3A_99 = tpu.memref_squeeze %dma_start3A_98 : memref<1x40x128xi32, #tpu.memory_space<hbm>> -> memref<40x128xi32, #tpu.memory_space<hbm>>
        %dma_start3A_100 = arith.constant 40 : i32
        %dma_start3A_101 = arith.constant 0 : i32
        %dma_start3A_102 = tpu.memref_slice %arg5[%arg1, %dma_start3A_100, %dma_start3A_101] : memref<16x80x128xi32, #tpu.memory_space<hbm>> -> memref<1x40x128xi32, #tpu.memory_space<hbm>>
        %dma_start3A_103 = tpu.memref_squeeze %dma_start3A_102 : memref<1x40x128xi32, #tpu.memory_space<hbm>> -> memref<40x128xi32, #tpu.memory_space<hbm>>
        tpu.enqueue_dma source(%dma_start3A_103 : memref<40x128xi32, #tpu.memory_space<hbm>>) target(%arg9 : memref<40x128xi32, #tpu.memory_space<vmem>>) target_semaphore(%run_scoped3A : memref<!tpu.dma_semaphore, #tpu.memory_space<semaphore_mem>>)
        %dma_wait3A_104 = arith.constant 40 : i32
        %dma_wait3A_105 = arith.constant 0 : i32
        %dma_wait3A_106 = tpu.memref_slice %arg5[%arg1, %dma_wait3A_104, %dma_wait3A_105] : memref<16x80x128xi32, #tpu.memory_space<hbm>> -> memref<1x40x128xi32, #tpu.memory_space<hbm>>
        %dma_wait3A_107 = tpu.memref_squeeze %dma_wait3A_106 : memref<1x40x128xi32, #tpu.memory_space<hbm>> -> memref<40x128xi32, #tpu.memory_space<hbm>>
        %dma_wait3A_108 = arith.constant 40 : i32
        %dma_wait3A_109 = arith.constant 0 : i32
        %dma_wait3A_110 = tpu.memref_slice %arg5[%arg1, %dma_wait3A_108, %dma_wait3A_109] : memref<16x80x128xi32, #tpu.memory_space<hbm>> -> memref<1x40x128xi32, #tpu.memory_space<hbm>>
        %dma_wait3A_111 = tpu.memref_squeeze %dma_wait3A_110 : memref<1x40x128xi32, #tpu.memory_space<hbm>> -> memref<40x128xi32, #tpu.memory_space<hbm>>
        tpu.wait_dma2 semaphore(%run_scoped3A : memref<!tpu.dma_semaphore, #tpu.memory_space<semaphore_mem>>) src(%dma_wait3A_111 : memref<40x128xi32, #tpu.memory_space<hbm>>) dst(%arg9 : memref<40x128xi32, #tpu.memory_space<vmem>>)
        tpu.yield
      }) : () -> ()
      %dma_start3A_69 = arith.constant 0 : i32
      %dma_start3A_70 = arith.constant 0 : i32
      %dma_start3A_71 = tpu.memref_slice %arg8[%dma_start3A_69, %dma_start3A_70] : memref<40x128xi32, #tpu.memory_space<vmem>> -> memref<1x128xi32, #tpu.memory_space<vmem>>
      %dma_start3A_72 = tpu.memref_squeeze %dma_start3A_71 : memref<1x128xi32, #tpu.memory_space<vmem>> -> memref<128xi32, #tpu.memory_space<vmem>>
      %dma_start3A_73 = arith.constant 0 : i32
      %dma_start3A_74 = arith.constant 0 : i32
      %dma_start3A_75 = tpu.memref_slice %arg2[%dma_start3A_73, %dma_start3A_74] : memref<10240x128xf32, #tpu.memory_space<hbm>> -> memref<10240x128xf32, #tpu.memory_space<hbm>>
      tpu.enqueue_indirect_dma source(%dma_start3A_75 : memref<10240x128xf32, #tpu.memory_space<hbm>>) target(%arg10 : memref<128x128xf32, #tpu.memory_space<vmem>>) offsets(%dma_start3A_72 : memref<128xi32, #tpu.memory_space<vmem>>) semaphore(%arg13 : memref<!tpu.dma_semaphore, #tpu.memory_space<semaphore_mem>>)
      %scan3A_76 = arith.constant 0 : i32
      %scan3A_77 = arith.constant 0 : i32
      %scan3A_78 = arith.constant 20 : i32
      %scan3A_79 = arith.addi %scan3A_77, %scan3A_78 : i32
      %scan3A_80 = arith.constant 1 : i32
      scf.for %scan3A_96 = %scan3A_77 to %scan3A_79 step %scan3A_80  : i32 {
        %mul3A_97 = arith.constant 2 : i32
        %mul3A_98 = arith.muli %mul3A_97, %scan3A_96 : i32
        %dma_wait3A_99 = arith.constant 0 : i32
        %dma_wait3A_100 = tpu.memref_slice %arg8[%mul3A_98, %dma_wait3A_99] : memref<40x128xi32, #tpu.memory_space<vmem>> -> memref<1x128xi32, #tpu.memory_space<vmem>>
        %dma_wait3A_101 = tpu.memref_squeeze %dma_wait3A_100 : memref<1x128xi32, #tpu.memory_space<vmem>> -> memref<128xi32, #tpu.memory_space<vmem>>
        %dma_wait3A_102 = arith.constant 0 : i32
        %dma_wait3A_103 = arith.constant 0 : i32
        %dma_wait3A_104 = tpu.memref_slice %arg2[%dma_wait3A_102, %dma_wait3A_103] : memref<10240x128xf32, #tpu.memory_space<hbm>> -> memref<10240x128xf32, #tpu.memory_space<hbm>>
        tpu.wait_indirect_dma semaphore(%arg13 : memref<!tpu.dma_semaphore, #tpu.memory_space<semaphore_mem>>) src(%dma_wait3A_104 : memref<10240x128xf32, #tpu.memory_space<hbm>>) dst(%arg10 : memref<128x128xf32, #tpu.memory_space<vmem>>)
        %dma_start3A_105 = arith.constant 0 : i32
        %dma_start3A_106 = tpu.memref_slice %arg9[%mul3A_98, %dma_start3A_105] : memref<40x128xi32, #tpu.memory_space<vmem>> -> memref<1x128xi32, #tpu.memory_space<vmem>>
        %dma_start3A_107 = tpu.memref_squeeze %dma_start3A_106 : memref<1x128xi32, #tpu.memory_space<vmem>> -> memref<128xi32, #tpu.memory_space<vmem>>
        %dma_start3A_108 = arith.constant 0 : i32
        %dma_start3A_109 = arith.constant 0 : i32
        %dma_start3A_110 = tpu.memref_slice %arg12[%dma_start3A_108, %dma_start3A_109] : memref<10240x128xf32, #tpu.memory_space<vmem_shared>> -> memref<10240x128xf32, #tpu.memory_space<vmem_shared>>
        tpu.enqueue_indirect_dma source(%arg10 : memref<128x128xf32, #tpu.memory_space<vmem>>) target(%dma_start3A_110 : memref<10240x128xf32, #tpu.memory_space<vmem_shared>>) offsets(%dma_start3A_107 : memref<128xi32, #tpu.memory_space<vmem>>) semaphore(%arg14 : memref<!tpu.dma_semaphore, #tpu.memory_space<semaphore_mem>>) {add = true}
        %gt3A = arith.constant 0 : i32
        %gt3A_111 = arith.cmpi sgt, %scan3A_96, %gt3A : i32
        %convert_element_type3A_112 = arith.extui %gt3A_111 : i1 to i32
        %cond3A_113 = arith.constant 0 : i32
        %cond3A_114 = arith.cmpi ne, %convert_element_type3A_112, %cond3A_113 : i32
        scf.if %cond3A_114 {
          %dma_wait3A_157 = arith.constant 0 : i32
          %dma_wait3A_158 = tpu.memref_slice %arg9[%mul3A_98, %dma_wait3A_157] : memref<40x128xi32, #tpu.memory_space<vmem>> -> memref<1x128xi32, #tpu.memory_space<vmem>>
          %dma_wait3A_159 = tpu.memref_squeeze %dma_wait3A_158 : memref<1x128xi32, #tpu.memory_space<vmem>> -> memref<128xi32, #tpu.memory_space<vmem>>
          %dma_wait3A_160 = arith.constant 0 : i32
          %dma_wait3A_161 = arith.constant 0 : i32
          %dma_wait3A_162 = tpu.memref_slice %arg12[%dma_wait3A_160, %dma_wait3A_161] : memref<10240x128xf32, #tpu.memory_space<vmem_shared>> -> memref<10240x128xf32, #tpu.memory_space<vmem_shared>>
          tpu.wait_indirect_dma semaphore(%arg14 : memref<!tpu.dma_semaphore, #tpu.memory_space<semaphore_mem>>) src(%arg11 : memref<128x128xf32, #tpu.memory_space<vmem>>) dst(%dma_wait3A_162 : memref<10240x128xf32, #tpu.memory_space<vmem_shared>>)
        } else {
        }
        %add3A_115 = arith.constant 1 : i32
        %add3A_116 = arith.addi %mul3A_98, %add3A_115 : i32
        %dma_start3A_117 = arith.constant 0 : i32
        %dma_start3A_118 = tpu.memref_slice %arg8[%add3A_116, %dma_start3A_117] : memref<40x128xi32, #tpu.memory_space<vmem>> -> memref<1x128xi32, #tpu.memory_space<vmem>>
        %dma_start3A_119 = tpu.memref_squeeze %dma_start3A_118 : memref<1x128xi32, #tpu.memory_space<vmem>> -> memref<128xi32, #tpu.memory_space<vmem>>
        %dma_start3A_120 = arith.constant 0 : i32
        %dma_start3A_121 = arith.constant 0 : i32
        %dma_start3A_122 = tpu.memref_slice %arg2[%dma_start3A_120, %dma_start3A_121] : memref<10240x128xf32, #tpu.memory_space<hbm>> -> memref<10240x128xf32, #tpu.memory_space<hbm>>
        tpu.enqueue_indirect_dma source(%dma_start3A_122 : memref<10240x128xf32, #tpu.memory_space<hbm>>) target(%arg11 : memref<128x128xf32, #tpu.memory_space<vmem>>) offsets(%dma_start3A_119 : memref<128xi32, #tpu.memory_space<vmem>>) semaphore(%arg13 : memref<!tpu.dma_semaphore, #tpu.memory_space<semaphore_mem>>)
        %add3A_123 = arith.constant 1 : i32
        %add3A_124 = arith.addi %mul3A_98, %add3A_123 : i32
        %dma_wait3A_125 = arith.constant 0 : i32
        %dma_wait3A_126 = tpu.memref_slice %arg8[%add3A_124, %dma_wait3A_125] : memref<40x128xi32, #tpu.memory_space<vmem>> -> memref<1x128xi32, #tpu.memory_space<vmem>>
        %dma_wait3A_127 = tpu.memref_squeeze %dma_wait3A_126 : memref<1x128xi32, #tpu.memory_space<vmem>> -> memref<128xi32, #tpu.memory_space<vmem>>
        %dma_wait3A_128 = arith.constant 0 : i32
        %dma_wait3A_129 = arith.constant 0 : i32
        %dma_wait3A_130 = tpu.memref_slice %arg2[%dma_wait3A_128, %dma_wait3A_129] : memref<10240x128xf32, #tpu.memory_space<hbm>> -> memref<10240x128xf32, #tpu.memory_space<hbm>>
        tpu.wait_indirect_dma semaphore(%arg13 : memref<!tpu.dma_semaphore, #tpu.memory_space<semaphore_mem>>) src(%dma_wait3A_130 : memref<10240x128xf32, #tpu.memory_space<hbm>>) dst(%arg11 : memref<128x128xf32, #tpu.memory_space<vmem>>)
        %add3A_131 = arith.constant 1 : i32
        %add3A_132 = arith.addi %mul3A_98, %add3A_131 : i32
        %dma_start3A_133 = arith.constant 0 : i32
        %dma_start3A_134 = tpu.memref_slice %arg9[%add3A_132, %dma_start3A_133] : memref<40x128xi32, #tpu.memory_space<vmem>> -> memref<1x128xi32, #tpu.memory_space<vmem>>
        %dma_start3A_135 = tpu.memref_squeeze %dma_start3A_134 : memref<1x128xi32, #tpu.memory_space<vmem>> -> memref<128xi32, #tpu.memory_space<vmem>>
        %dma_start3A_136 = arith.constant 0 : i32
        %dma_start3A_137 = arith.constant 0 : i32
        %dma_start3A_138 = tpu.memref_slice %arg12[%dma_start3A_136, %dma_start3A_137] : memref<10240x128xf32, #tpu.memory_space<vmem_shared>> -> memref<10240x128xf32, #tpu.memory_space<vmem_shared>>
        tpu.enqueue_indirect_dma source(%arg11 : memref<128x128xf32, #tpu.memory_space<vmem>>) target(%dma_start3A_138 : memref<10240x128xf32, #tpu.memory_space<vmem_shared>>) offsets(%dma_start3A_135 : memref<128xi32, #tpu.memory_space<vmem>>) semaphore(%arg14 : memref<!tpu.dma_semaphore, #tpu.memory_space<semaphore_mem>>) {add = true}
        %dma_wait3A_139 = arith.constant 0 : i32
        %dma_wait3A_140 = tpu.memref_slice %arg9[%mul3A_98, %dma_wait3A_139] : memref<40x128xi32, #tpu.memory_space<vmem>> -> memref<1x128xi32, #tpu.memory_space<vmem>>
        %dma_wait3A_141 = tpu.memref_squeeze %dma_wait3A_140 : memref<1x128xi32, #tpu.memory_space<vmem>> -> memref<128xi32, #tpu.memory_space<vmem>>
        %dma_wait3A_142 = arith.constant 0 : i32
        %dma_wait3A_143 = arith.constant 0 : i32
        %dma_wait3A_144 = tpu.memref_slice %arg12[%dma_wait3A_142, %dma_wait3A_143] : memref<10240x128xf32, #tpu.memory_space<vmem_shared>> -> memref<10240x128xf32, #tpu.memory_space<vmem_shared>>
        tpu.wait_indirect_dma semaphore(%arg14 : memref<!tpu.dma_semaphore, #tpu.memory_space<semaphore_mem>>) src(%arg10 : memref<128x128xf32, #tpu.memory_space<vmem>>) dst(%dma_wait3A_144 : memref<10240x128xf32, #tpu.memory_space<vmem_shared>>)
        %add3A_145 = arith.constant 1 : i32
        %add3A_146 = arith.addi %scan3A_96, %add3A_145 : i32
        %lt3A = arith.constant 20 : i32
        %lt3A_147 = arith.cmpi slt, %add3A_146, %lt3A : i32
        %add3A_148 = arith.constant 2 : i32
        %add3A_149 = arith.addi %mul3A_98, %add3A_148 : i32
        %select_n3A = arith.constant 0 : i32
        %select_n3A_150 = arith.select %lt3A_147, %add3A_149, %select_n3A : i32
        %dma_start3A_151 = arith.constant 0 : i32
        %dma_start3A_152 = tpu.memref_slice %arg8[%select_n3A_150, %dma_start3A_151] : memref<40x128xi32, #tpu.memory_space<vmem>> -> memref<1x128xi32, #tpu.memory_space<vmem>>
        %dma_start3A_153 = tpu.memref_squeeze %dma_start3A_152 : memref<1x128xi32, #tpu.memory_space<vmem>> -> memref<128xi32, #tpu.memory_space<vmem>>
        %dma_start3A_154 = arith.constant 0 : i32
        %dma_start3A_155 = arith.constant 0 : i32
        %dma_start3A_156 = tpu.memref_slice %arg2[%dma_start3A_154, %dma_start3A_155] : memref<10240x128xf32, #tpu.memory_space<hbm>> -> memref<10240x128xf32, #tpu.memory_space<hbm>>
        tpu.enqueue_indirect_dma source(%dma_start3A_156 : memref<10240x128xf32, #tpu.memory_space<hbm>>) target(%arg10 : memref<128x128xf32, #tpu.memory_space<vmem>>) offsets(%dma_start3A_153 : memref<128xi32, #tpu.memory_space<vmem>>) semaphore(%arg13 : memref<!tpu.dma_semaphore, #tpu.memory_space<semaphore_mem>>)
      }
      %scan3A_81 = arith.constant 20 : i32
      %dma_wait3A_82 = arith.constant 0 : i32
      %dma_wait3A_83 = arith.constant 0 : i32
      %dma_wait3A_84 = tpu.memref_slice %arg8[%dma_wait3A_82, %dma_wait3A_83] : memref<40x128xi32, #tpu.memory_space<vmem>> -> memref<1x128xi32, #tpu.memory_space<vmem>>
      %dma_wait3A_85 = tpu.memref_squeeze %dma_wait3A_84 : memref<1x128xi32, #tpu.memory_space<vmem>> -> memref<128xi32, #tpu.memory_space<vmem>>
      %dma_wait3A_86 = arith.constant 0 : i32
      %dma_wait3A_87 = arith.constant 0 : i32
      %dma_wait3A_88 = tpu.memref_slice %arg2[%dma_wait3A_86, %dma_wait3A_87] : memref<10240x128xf32, #tpu.memory_space<hbm>> -> memref<10240x128xf32, #tpu.memory_space<hbm>>
      tpu.wait_indirect_dma semaphore(%arg13 : memref<!tpu.dma_semaphore, #tpu.memory_space<semaphore_mem>>) src(%dma_wait3A_88 : memref<10240x128xf32, #tpu.memory_space<hbm>>) dst(%arg10 : memref<128x128xf32, #tpu.memory_space<vmem>>)
      %dma_wait3A_89 = arith.constant 0 : i32
      %dma_wait3A_90 = arith.constant 0 : i32
      %dma_wait3A_91 = tpu.memref_slice %arg9[%dma_wait3A_89, %dma_wait3A_90] : memref<40x128xi32, #tpu.memory_space<vmem>> -> memref<1x128xi32, #tpu.memory_space<vmem>>
      %dma_wait3A_92 = tpu.memref_squeeze %dma_wait3A_91 : memref<1x128xi32, #tpu.memory_space<vmem>> -> memref<128xi32, #tpu.memory_space<vmem>>
      %dma_wait3A_93 = arith.constant 0 : i32
      %dma_wait3A_94 = arith.constant 0 : i32
      %dma_wait3A_95 = tpu.memref_slice %arg12[%dma_wait3A_93, %dma_wait3A_94] : memref<10240x128xf32, #tpu.memory_space<vmem_shared>> -> memref<10240x128xf32, #tpu.memory_space<vmem_shared>>
      tpu.wait_indirect_dma semaphore(%arg14 : memref<!tpu.dma_semaphore, #tpu.memory_space<semaphore_mem>>) src(%arg11 : memref<128x128xf32, #tpu.memory_space<vmem>>) dst(%dma_wait3A_95 : memref<10240x128xf32, #tpu.memory_space<vmem_shared>>)
    } else {
    }
    %eq3A_26 = arith.constant 1 : i32
    %eq3A_27 = arith.cmpi eq, %arg0, %eq3A_26 : i32
    %convert_element_type3A_28 = arith.extui %eq3A_27 : i1 to i32
    %cond3A_29 = arith.constant 0 : i32
    %cond3A_30 = arith.cmpi ne, %convert_element_type3A_28, %cond3A_29 : i32
    scf.if %cond3A_30 {
      "tpu.region"() ({
        %run_scoped3A = tpu.sem_alloc : memref<!tpu.dma_semaphore, #tpu.memory_space<semaphore_mem>>
        %dma_start3A_96 = arith.constant 0 : i32
        %dma_start3A_97 = arith.constant 0 : i32
        %dma_start3A_98 = tpu.memref_slice %arg4[%arg1, %dma_start3A_96, %dma_start3A_97] : memref<16x80x128xi32, #tpu.memory_space<hbm>> -> memref<1x40x128xi32, #tpu.memory_space<hbm>>
        %dma_start3A_99 = tpu.memref_squeeze %dma_start3A_98 : memref<1x40x128xi32, #tpu.memory_space<hbm>> -> memref<40x128xi32, #tpu.memory_space<hbm>>
        %dma_start3A_100 = arith.constant 0 : i32
        %dma_start3A_101 = arith.constant 0 : i32
        %dma_start3A_102 = tpu.memref_slice %arg4[%arg1, %dma_start3A_100, %dma_start3A_101] : memref<16x80x128xi32, #tpu.memory_space<hbm>> -> memref<1x40x128xi32, #tpu.memory_space<hbm>>
        %dma_start3A_103 = tpu.memref_squeeze %dma_start3A_102 : memref<1x40x128xi32, #tpu.memory_space<hbm>> -> memref<40x128xi32, #tpu.memory_space<hbm>>
        tpu.enqueue_dma source(%dma_start3A_103 : memref<40x128xi32, #tpu.memory_space<hbm>>) target(%arg8 : memref<40x128xi32, #tpu.memory_space<vmem>>) target_semaphore(%run_scoped3A : memref<!tpu.dma_semaphore, #tpu.memory_space<semaphore_mem>>)
        %dma_wait3A_104 = arith.constant 0 : i32
        %dma_wait3A_105 = arith.constant 0 : i32
        %dma_wait3A_106 = tpu.memref_slice %arg4[%arg1, %dma_wait3A_104, %dma_wait3A_105] : memref<16x80x128xi32, #tpu.memory_space<hbm>> -> memref<1x40x128xi32, #tpu.memory_space<hbm>>
        %dma_wait3A_107 = tpu.memref_squeeze %dma_wait3A_106 : memref<1x40x128xi32, #tpu.memory_space<hbm>> -> memref<40x128xi32, #tpu.memory_space<hbm>>
        %dma_wait3A_108 = arith.constant 0 : i32
        %dma_wait3A_109 = arith.constant 0 : i32
        %dma_wait3A_110 = tpu.memref_slice %arg4[%arg1, %dma_wait3A_108, %dma_wait3A_109] : memref<16x80x128xi32, #tpu.memory_space<hbm>> -> memref<1x40x128xi32, #tpu.memory_space<hbm>>
        %dma_wait3A_111 = tpu.memref_squeeze %dma_wait3A_110 : memref<1x40x128xi32, #tpu.memory_space<hbm>> -> memref<40x128xi32, #tpu.memory_space<hbm>>
        tpu.wait_dma2 semaphore(%run_scoped3A : memref<!tpu.dma_semaphore, #tpu.memory_space<semaphore_mem>>) src(%dma_wait3A_111 : memref<40x128xi32, #tpu.memory_space<hbm>>) dst(%arg8 : memref<40x128xi32, #tpu.memory_space<vmem>>)
        tpu.yield
      }) : () -> ()
      "tpu.region"() ({
        %run_scoped3A = tpu.sem_alloc : memref<!tpu.dma_semaphore, #tpu.memory_space<semaphore_mem>>
        %dma_start3A_96 = arith.constant 0 : i32
        %dma_start3A_97 = arith.constant 0 : i32
        %dma_start3A_98 = tpu.memref_slice %arg5[%arg1, %dma_start3A_96, %dma_start3A_97] : memref<16x80x128xi32, #tpu.memory_space<hbm>> -> memref<1x40x128xi32, #tpu.memory_space<hbm>>
        %dma_start3A_99 = tpu.memref_squeeze %dma_start3A_98 : memref<1x40x128xi32, #tpu.memory_space<hbm>> -> memref<40x128xi32, #tpu.memory_space<hbm>>
        %dma_start3A_100 = arith.constant 0 : i32
        %dma_start3A_101 = arith.constant 0 : i32
        %dma_start3A_102 = tpu.memref_slice %arg5[%arg1, %dma_start3A_100, %dma_start3A_101] : memref<16x80x128xi32, #tpu.memory_space<hbm>> -> memref<1x40x128xi32, #tpu.memory_space<hbm>>
        %dma_start3A_103 = tpu.memref_squeeze %dma_start3A_102 : memref<1x40x128xi32, #tpu.memory_space<hbm>> -> memref<40x128xi32, #tpu.memory_space<hbm>>
        tpu.enqueue_dma source(%dma_start3A_103 : memref<40x128xi32, #tpu.memory_space<hbm>>) target(%arg9 : memref<40x128xi32, #tpu.memory_space<vmem>>) target_semaphore(%run_scoped3A : memref<!tpu.dma_semaphore, #tpu.memory_space<semaphore_mem>>)
        %dma_wait3A_104 = arith.constant 0 : i32
        %dma_wait3A_105 = arith.constant 0 : i32
        %dma_wait3A_106 = tpu.memref_slice %arg5[%arg1, %dma_wait3A_104, %dma_wait3A_105] : memref<16x80x128xi32, #tpu.memory_space<hbm>> -> memref<1x40x128xi32, #tpu.memory_space<hbm>>
        %dma_wait3A_107 = tpu.memref_squeeze %dma_wait3A_106 : memref<1x40x128xi32, #tpu.memory_space<hbm>> -> memref<40x128xi32, #tpu.memory_space<hbm>>
        %dma_wait3A_108 = arith.constant 0 : i32
        %dma_wait3A_109 = arith.constant 0 : i32
        %dma_wait3A_110 = tpu.memref_slice %arg5[%arg1, %dma_wait3A_108, %dma_wait3A_109] : memref<16x80x128xi32, #tpu.memory_space<hbm>> -> memref<1x40x128xi32, #tpu.memory_space<hbm>>
        %dma_wait3A_111 = tpu.memref_squeeze %dma_wait3A_110 : memref<1x40x128xi32, #tpu.memory_space<hbm>> -> memref<40x128xi32, #tpu.memory_space<hbm>>
        tpu.wait_dma2 semaphore(%run_scoped3A : memref<!tpu.dma_semaphore, #tpu.memory_space<semaphore_mem>>) src(%dma_wait3A_111 : memref<40x128xi32, #tpu.memory_space<hbm>>) dst(%arg9 : memref<40x128xi32, #tpu.memory_space<vmem>>)
        tpu.yield
      }) : () -> ()
      %dma_start3A = arith.constant 0 : i32
      %dma_start3A_44 = arith.constant 0 : i32
      %dma_start3A_45 = tpu.memref_slice %arg8[%dma_start3A, %dma_start3A_44] : memref<40x128xi32, #tpu.memory_space<vmem>> -> memref<1x128xi32, #tpu.memory_space<vmem>>
      %dma_start3A_46 = tpu.memref_squeeze %dma_start3A_45 : memref<1x128xi32, #tpu.memory_space<vmem>> -> memref<128xi32, #tpu.memory_space<vmem>>
      %dma_start3A_47 = arith.constant 0 : i32
      %dma_start3A_48 = arith.constant 0 : i32
      %dma_start3A_49 = tpu.memref_slice %arg3[%dma_start3A_47, %dma_start3A_48] : memref<10240x128xf32, #tpu.memory_space<hbm>> -> memref<10240x128xf32, #tpu.memory_space<hbm>>
      tpu.enqueue_indirect_dma source(%dma_start3A_49 : memref<10240x128xf32, #tpu.memory_space<hbm>>) target(%arg10 : memref<128x128xf32, #tpu.memory_space<vmem>>) offsets(%dma_start3A_46 : memref<128xi32, #tpu.memory_space<vmem>>) semaphore(%arg13 : memref<!tpu.dma_semaphore, #tpu.memory_space<semaphore_mem>>)
      %scan3A_50 = arith.constant 0 : i32
      %scan3A_51 = arith.constant 0 : i32
      %scan3A_52 = arith.constant 20 : i32
      %scan3A_53 = arith.addi %scan3A_51, %scan3A_52 : i32
      %scan3A_54 = arith.constant 1 : i32
      scf.for %scan3A_96 = %scan3A_51 to %scan3A_53 step %scan3A_54  : i32 {
        %mul3A_97 = arith.constant 2 : i32
        %mul3A_98 = arith.muli %mul3A_97, %scan3A_96 : i32
        %dma_wait3A_99 = arith.constant 0 : i32
        %dma_wait3A_100 = tpu.memref_slice %arg8[%mul3A_98, %dma_wait3A_99] : memref<40x128xi32, #tpu.memory_space<vmem>> -> memref<1x128xi32, #tpu.memory_space<vmem>>
        %dma_wait3A_101 = tpu.memref_squeeze %dma_wait3A_100 : memref<1x128xi32, #tpu.memory_space<vmem>> -> memref<128xi32, #tpu.memory_space<vmem>>
        %dma_wait3A_102 = arith.constant 0 : i32
        %dma_wait3A_103 = arith.constant 0 : i32
        %dma_wait3A_104 = tpu.memref_slice %arg3[%dma_wait3A_102, %dma_wait3A_103] : memref<10240x128xf32, #tpu.memory_space<hbm>> -> memref<10240x128xf32, #tpu.memory_space<hbm>>
        tpu.wait_indirect_dma semaphore(%arg13 : memref<!tpu.dma_semaphore, #tpu.memory_space<semaphore_mem>>) src(%dma_wait3A_104 : memref<10240x128xf32, #tpu.memory_space<hbm>>) dst(%arg10 : memref<128x128xf32, #tpu.memory_space<vmem>>)
        %dma_start3A_105 = arith.constant 0 : i32
        %dma_start3A_106 = tpu.memref_slice %arg9[%mul3A_98, %dma_start3A_105] : memref<40x128xi32, #tpu.memory_space<vmem>> -> memref<1x128xi32, #tpu.memory_space<vmem>>
        %dma_start3A_107 = tpu.memref_squeeze %dma_start3A_106 : memref<1x128xi32, #tpu.memory_space<vmem>> -> memref<128xi32, #tpu.memory_space<vmem>>
        %dma_start3A_108 = arith.constant 0 : i32
        %dma_start3A_109 = arith.constant 0 : i32
        %dma_start3A_110 = tpu.memref_slice %arg12[%dma_start3A_108, %dma_start3A_109] : memref<10240x128xf32, #tpu.memory_space<vmem_shared>> -> memref<10240x128xf32, #tpu.memory_space<vmem_shared>>
        tpu.enqueue_indirect_dma source(%arg10 : memref<128x128xf32, #tpu.memory_space<vmem>>) target(%dma_start3A_110 : memref<10240x128xf32, #tpu.memory_space<vmem_shared>>) offsets(%dma_start3A_107 : memref<128xi32, #tpu.memory_space<vmem>>) semaphore(%arg14 : memref<!tpu.dma_semaphore, #tpu.memory_space<semaphore_mem>>) {add = true}
        %gt3A = arith.constant 0 : i32
        %gt3A_111 = arith.cmpi sgt, %scan3A_96, %gt3A : i32
        %convert_element_type3A_112 = arith.extui %gt3A_111 : i1 to i32
        %cond3A_113 = arith.constant 0 : i32
        %cond3A_114 = arith.cmpi ne, %convert_element_type3A_112, %cond3A_113 : i32
        scf.if %cond3A_114 {
          %dma_wait3A_157 = arith.constant 0 : i32
          %dma_wait3A_158 = tpu.memref_slice %arg9[%mul3A_98, %dma_wait3A_157] : memref<40x128xi32, #tpu.memory_space<vmem>> -> memref<1x128xi32, #tpu.memory_space<vmem>>
          %dma_wait3A_159 = tpu.memref_squeeze %dma_wait3A_158 : memref<1x128xi32, #tpu.memory_space<vmem>> -> memref<128xi32, #tpu.memory_space<vmem>>
          %dma_wait3A_160 = arith.constant 0 : i32
          %dma_wait3A_161 = arith.constant 0 : i32
          %dma_wait3A_162 = tpu.memref_slice %arg12[%dma_wait3A_160, %dma_wait3A_161] : memref<10240x128xf32, #tpu.memory_space<vmem_shared>> -> memref<10240x128xf32, #tpu.memory_space<vmem_shared>>
          tpu.wait_indirect_dma semaphore(%arg14 : memref<!tpu.dma_semaphore, #tpu.memory_space<semaphore_mem>>) src(%arg11 : memref<128x128xf32, #tpu.memory_space<vmem>>) dst(%dma_wait3A_162 : memref<10240x128xf32, #tpu.memory_space<vmem_shared>>)
        } else {
        }
        %add3A_115 = arith.constant 1 : i32
        %add3A_116 = arith.addi %mul3A_98, %add3A_115 : i32
        %dma_start3A_117 = arith.constant 0 : i32
        %dma_start3A_118 = tpu.memref_slice %arg8[%add3A_116, %dma_start3A_117] : memref<40x128xi32, #tpu.memory_space<vmem>> -> memref<1x128xi32, #tpu.memory_space<vmem>>
        %dma_start3A_119 = tpu.memref_squeeze %dma_start3A_118 : memref<1x128xi32, #tpu.memory_space<vmem>> -> memref<128xi32, #tpu.memory_space<vmem>>
        %dma_start3A_120 = arith.constant 0 : i32
        %dma_start3A_121 = arith.constant 0 : i32
        %dma_start3A_122 = tpu.memref_slice %arg3[%dma_start3A_120, %dma_start3A_121] : memref<10240x128xf32, #tpu.memory_space<hbm>> -> memref<10240x128xf32, #tpu.memory_space<hbm>>
        tpu.enqueue_indirect_dma source(%dma_start3A_122 : memref<10240x128xf32, #tpu.memory_space<hbm>>) target(%arg11 : memref<128x128xf32, #tpu.memory_space<vmem>>) offsets(%dma_start3A_119 : memref<128xi32, #tpu.memory_space<vmem>>) semaphore(%arg13 : memref<!tpu.dma_semaphore, #tpu.memory_space<semaphore_mem>>)
        %add3A_123 = arith.constant 1 : i32
        %add3A_124 = arith.addi %mul3A_98, %add3A_123 : i32
        %dma_wait3A_125 = arith.constant 0 : i32
        %dma_wait3A_126 = tpu.memref_slice %arg8[%add3A_124, %dma_wait3A_125] : memref<40x128xi32, #tpu.memory_space<vmem>> -> memref<1x128xi32, #tpu.memory_space<vmem>>
        %dma_wait3A_127 = tpu.memref_squeeze %dma_wait3A_126 : memref<1x128xi32, #tpu.memory_space<vmem>> -> memref<128xi32, #tpu.memory_space<vmem>>
        %dma_wait3A_128 = arith.constant 0 : i32
        %dma_wait3A_129 = arith.constant 0 : i32
        %dma_wait3A_130 = tpu.memref_slice %arg3[%dma_wait3A_128, %dma_wait3A_129] : memref<10240x128xf32, #tpu.memory_space<hbm>> -> memref<10240x128xf32, #tpu.memory_space<hbm>>
        tpu.wait_indirect_dma semaphore(%arg13 : memref<!tpu.dma_semaphore, #tpu.memory_space<semaphore_mem>>) src(%dma_wait3A_130 : memref<10240x128xf32, #tpu.memory_space<hbm>>) dst(%arg11 : memref<128x128xf32, #tpu.memory_space<vmem>>)
        %add3A_131 = arith.constant 1 : i32
        %add3A_132 = arith.addi %mul3A_98, %add3A_131 : i32
        %dma_start3A_133 = arith.constant 0 : i32
        %dma_start3A_134 = tpu.memref_slice %arg9[%add3A_132, %dma_start3A_133] : memref<40x128xi32, #tpu.memory_space<vmem>> -> memref<1x128xi32, #tpu.memory_space<vmem>>
        %dma_start3A_135 = tpu.memref_squeeze %dma_start3A_134 : memref<1x128xi32, #tpu.memory_space<vmem>> -> memref<128xi32, #tpu.memory_space<vmem>>
        %dma_start3A_136 = arith.constant 0 : i32
        %dma_start3A_137 = arith.constant 0 : i32
        %dma_start3A_138 = tpu.memref_slice %arg12[%dma_start3A_136, %dma_start3A_137] : memref<10240x128xf32, #tpu.memory_space<vmem_shared>> -> memref<10240x128xf32, #tpu.memory_space<vmem_shared>>
        tpu.enqueue_indirect_dma source(%arg11 : memref<128x128xf32, #tpu.memory_space<vmem>>) target(%dma_start3A_138 : memref<10240x128xf32, #tpu.memory_space<vmem_shared>>) offsets(%dma_start3A_135 : memref<128xi32, #tpu.memory_space<vmem>>) semaphore(%arg14 : memref<!tpu.dma_semaphore, #tpu.memory_space<semaphore_mem>>) {add = true}
        %dma_wait3A_139 = arith.constant 0 : i32
        %dma_wait3A_140 = tpu.memref_slice %arg9[%mul3A_98, %dma_wait3A_139] : memref<40x128xi32, #tpu.memory_space<vmem>> -> memref<1x128xi32, #tpu.memory_space<vmem>>
        %dma_wait3A_141 = tpu.memref_squeeze %dma_wait3A_140 : memref<1x128xi32, #tpu.memory_space<vmem>> -> memref<128xi32, #tpu.memory_space<vmem>>
        %dma_wait3A_142 = arith.constant 0 : i32
        %dma_wait3A_143 = arith.constant 0 : i32
        %dma_wait3A_144 = tpu.memref_slice %arg12[%dma_wait3A_142, %dma_wait3A_143] : memref<10240x128xf32, #tpu.memory_space<vmem_shared>> -> memref<10240x128xf32, #tpu.memory_space<vmem_shared>>
        tpu.wait_indirect_dma semaphore(%arg14 : memref<!tpu.dma_semaphore, #tpu.memory_space<semaphore_mem>>) src(%arg10 : memref<128x128xf32, #tpu.memory_space<vmem>>) dst(%dma_wait3A_144 : memref<10240x128xf32, #tpu.memory_space<vmem_shared>>)
        %add3A_145 = arith.constant 1 : i32
        %add3A_146 = arith.addi %scan3A_96, %add3A_145 : i32
        %lt3A = arith.constant 20 : i32
        %lt3A_147 = arith.cmpi slt, %add3A_146, %lt3A : i32
        %add3A_148 = arith.constant 2 : i32
        %add3A_149 = arith.addi %mul3A_98, %add3A_148 : i32
        %select_n3A = arith.constant 0 : i32
        %select_n3A_150 = arith.select %lt3A_147, %add3A_149, %select_n3A : i32
        %dma_start3A_151 = arith.constant 0 : i32
        %dma_start3A_152 = tpu.memref_slice %arg8[%select_n3A_150, %dma_start3A_151] : memref<40x128xi32, #tpu.memory_space<vmem>> -> memref<1x128xi32, #tpu.memory_space<vmem>>
        %dma_start3A_153 = tpu.memref_squeeze %dma_start3A_152 : memref<1x128xi32, #tpu.memory_space<vmem>> -> memref<128xi32, #tpu.memory_space<vmem>>
        %dma_start3A_154 = arith.constant 0 : i32
        %dma_start3A_155 = arith.constant 0 : i32
        %dma_start3A_156 = tpu.memref_slice %arg3[%dma_start3A_154, %dma_start3A_155] : memref<10240x128xf32, #tpu.memory_space<hbm>> -> memref<10240x128xf32, #tpu.memory_space<hbm>>
        tpu.enqueue_indirect_dma source(%dma_start3A_156 : memref<10240x128xf32, #tpu.memory_space<hbm>>) target(%arg10 : memref<128x128xf32, #tpu.memory_space<vmem>>) offsets(%dma_start3A_153 : memref<128xi32, #tpu.memory_space<vmem>>) semaphore(%arg13 : memref<!tpu.dma_semaphore, #tpu.memory_space<semaphore_mem>>)
      }
      %scan3A_55 = arith.constant 20 : i32
      %dma_wait3A = arith.constant 0 : i32
      %dma_wait3A_56 = arith.constant 0 : i32
      %dma_wait3A_57 = tpu.memref_slice %arg8[%dma_wait3A, %dma_wait3A_56] : memref<40x128xi32, #tpu.memory_space<vmem>> -> memref<1x128xi32, #tpu.memory_space<vmem>>
      %dma_wait3A_58 = tpu.memref_squeeze %dma_wait3A_57 : memref<1x128xi32, #tpu.memory_space<vmem>> -> memref<128xi32, #tpu.memory_space<vmem>>
      %dma_wait3A_59 = arith.constant 0 : i32
      %dma_wait3A_60 = arith.constant 0 : i32
      %dma_wait3A_61 = tpu.memref_slice %arg3[%dma_wait3A_59, %dma_wait3A_60] : memref<10240x128xf32, #tpu.memory_space<hbm>> -> memref<10240x128xf32, #tpu.memory_space<hbm>>
      tpu.wait_indirect_dma semaphore(%arg13 : memref<!tpu.dma_semaphore, #tpu.memory_space<semaphore_mem>>) src(%dma_wait3A_61 : memref<10240x128xf32, #tpu.memory_space<hbm>>) dst(%arg10 : memref<128x128xf32, #tpu.memory_space<vmem>>)
      %dma_wait3A_62 = arith.constant 0 : i32
      %dma_wait3A_63 = arith.constant 0 : i32
      %dma_wait3A_64 = tpu.memref_slice %arg9[%dma_wait3A_62, %dma_wait3A_63] : memref<40x128xi32, #tpu.memory_space<vmem>> -> memref<1x128xi32, #tpu.memory_space<vmem>>
      %dma_wait3A_65 = tpu.memref_squeeze %dma_wait3A_64 : memref<1x128xi32, #tpu.memory_space<vmem>> -> memref<128xi32, #tpu.memory_space<vmem>>
      %dma_wait3A_66 = arith.constant 0 : i32
      %dma_wait3A_67 = arith.constant 0 : i32
      %dma_wait3A_68 = tpu.memref_slice %arg12[%dma_wait3A_66, %dma_wait3A_67] : memref<10240x128xf32, #tpu.memory_space<vmem_shared>> -> memref<10240x128xf32, #tpu.memory_space<vmem_shared>>
      tpu.wait_indirect_dma semaphore(%arg14 : memref<!tpu.dma_semaphore, #tpu.memory_space<semaphore_mem>>) src(%arg11 : memref<128x128xf32, #tpu.memory_space<vmem>>) dst(%dma_wait3A_68 : memref<10240x128xf32, #tpu.memory_space<vmem_shared>>)
      "tpu.region"() ({
        %run_scoped3A = tpu.sem_alloc : memref<!tpu.dma_semaphore, #tpu.memory_space<semaphore_mem>>
        %dma_start3A_96 = arith.constant 40 : i32
        %dma_start3A_97 = arith.constant 0 : i32
        %dma_start3A_98 = tpu.memref_slice %arg4[%arg1, %dma_start3A_96, %dma_start3A_97] : memref<16x80x128xi32, #tpu.memory_space<hbm>> -> memref<1x40x128xi32, #tpu.memory_space<hbm>>
        %dma_start3A_99 = tpu.memref_squeeze %dma_start3A_98 : memref<1x40x128xi32, #tpu.memory_space<hbm>> -> memref<40x128xi32, #tpu.memory_space<hbm>>
        %dma_start3A_100 = arith.constant 40 : i32
        %dma_start3A_101 = arith.constant 0 : i32
        %dma_start3A_102 = tpu.memref_slice %arg4[%arg1, %dma_start3A_100, %dma_start3A_101] : memref<16x80x128xi32, #tpu.memory_space<hbm>> -> memref<1x40x128xi32, #tpu.memory_space<hbm>>
        %dma_start3A_103 = tpu.memref_squeeze %dma_start3A_102 : memref<1x40x128xi32, #tpu.memory_space<hbm>> -> memref<40x128xi32, #tpu.memory_space<hbm>>
        tpu.enqueue_dma source(%dma_start3A_103 : memref<40x128xi32, #tpu.memory_space<hbm>>) target(%arg8 : memref<40x128xi32, #tpu.memory_space<vmem>>) target_semaphore(%run_scoped3A : memref<!tpu.dma_semaphore, #tpu.memory_space<semaphore_mem>>)
        %dma_wait3A_104 = arith.constant 40 : i32
        %dma_wait3A_105 = arith.constant 0 : i32
        %dma_wait3A_106 = tpu.memref_slice %arg4[%arg1, %dma_wait3A_104, %dma_wait3A_105] : memref<16x80x128xi32, #tpu.memory_space<hbm>> -> memref<1x40x128xi32, #tpu.memory_space<hbm>>
        %dma_wait3A_107 = tpu.memref_squeeze %dma_wait3A_106 : memref<1x40x128xi32, #tpu.memory_space<hbm>> -> memref<40x128xi32, #tpu.memory_space<hbm>>
        %dma_wait3A_108 = arith.constant 40 : i32
        %dma_wait3A_109 = arith.constant 0 : i32
        %dma_wait3A_110 = tpu.memref_slice %arg4[%arg1, %dma_wait3A_108, %dma_wait3A_109] : memref<16x80x128xi32, #tpu.memory_space<hbm>> -> memref<1x40x128xi32, #tpu.memory_space<hbm>>
        %dma_wait3A_111 = tpu.memref_squeeze %dma_wait3A_110 : memref<1x40x128xi32, #tpu.memory_space<hbm>> -> memref<40x128xi32, #tpu.memory_space<hbm>>
        tpu.wait_dma2 semaphore(%run_scoped3A : memref<!tpu.dma_semaphore, #tpu.memory_space<semaphore_mem>>) src(%dma_wait3A_111 : memref<40x128xi32, #tpu.memory_space<hbm>>) dst(%arg8 : memref<40x128xi32, #tpu.memory_space<vmem>>)
        tpu.yield
      }) : () -> ()
      "tpu.region"() ({
        %run_scoped3A = tpu.sem_alloc : memref<!tpu.dma_semaphore, #tpu.memory_space<semaphore_mem>>
        %dma_start3A_96 = arith.constant 40 : i32
        %dma_start3A_97 = arith.constant 0 : i32
        %dma_start3A_98 = tpu.memref_slice %arg5[%arg1, %dma_start3A_96, %dma_start3A_97] : memref<16x80x128xi32, #tpu.memory_space<hbm>> -> memref<1x40x128xi32, #tpu.memory_space<hbm>>
        %dma_start3A_99 = tpu.memref_squeeze %dma_start3A_98 : memref<1x40x128xi32, #tpu.memory_space<hbm>> -> memref<40x128xi32, #tpu.memory_space<hbm>>
        %dma_start3A_100 = arith.constant 40 : i32
        %dma_start3A_101 = arith.constant 0 : i32
        %dma_start3A_102 = tpu.memref_slice %arg5[%arg1, %dma_start3A_100, %dma_start3A_101] : memref<16x80x128xi32, #tpu.memory_space<hbm>> -> memref<1x40x128xi32, #tpu.memory_space<hbm>>
        %dma_start3A_103 = tpu.memref_squeeze %dma_start3A_102 : memref<1x40x128xi32, #tpu.memory_space<hbm>> -> memref<40x128xi32, #tpu.memory_space<hbm>>
        tpu.enqueue_dma source(%dma_start3A_103 : memref<40x128xi32, #tpu.memory_space<hbm>>) target(%arg9 : memref<40x128xi32, #tpu.memory_space<vmem>>) target_semaphore(%run_scoped3A : memref<!tpu.dma_semaphore, #tpu.memory_space<semaphore_mem>>)
        %dma_wait3A_104 = arith.constant 40 : i32
        %dma_wait3A_105 = arith.constant 0 : i32
        %dma_wait3A_106 = tpu.memref_slice %arg5[%arg1, %dma_wait3A_104, %dma_wait3A_105] : memref<16x80x128xi32, #tpu.memory_space<hbm>> -> memref<1x40x128xi32, #tpu.memory_space<hbm>>
        %dma_wait3A_107 = tpu.memref_squeeze %dma_wait3A_106 : memref<1x40x128xi32, #tpu.memory_space<hbm>> -> memref<40x128xi32, #tpu.memory_space<hbm>>
        %dma_wait3A_108 = arith.constant 40 : i32
        %dma_wait3A_109 = arith.constant 0 : i32
        %dma_wait3A_110 = tpu.memref_slice %arg5[%arg1, %dma_wait3A_108, %dma_wait3A_109] : memref<16x80x128xi32, #tpu.memory_space<hbm>> -> memref<1x40x128xi32, #tpu.memory_space<hbm>>
        %dma_wait3A_111 = tpu.memref_squeeze %dma_wait3A_110 : memref<1x40x128xi32, #tpu.memory_space<hbm>> -> memref<40x128xi32, #tpu.memory_space<hbm>>
        tpu.wait_dma2 semaphore(%run_scoped3A : memref<!tpu.dma_semaphore, #tpu.memory_space<semaphore_mem>>) src(%dma_wait3A_111 : memref<40x128xi32, #tpu.memory_space<hbm>>) dst(%arg9 : memref<40x128xi32, #tpu.memory_space<vmem>>)
        tpu.yield
      }) : () -> ()
      %dma_start3A_69 = arith.constant 0 : i32
      %dma_start3A_70 = arith.constant 0 : i32
      %dma_start3A_71 = tpu.memref_slice %arg8[%dma_start3A_69, %dma_start3A_70] : memref<40x128xi32, #tpu.memory_space<vmem>> -> memref<1x128xi32, #tpu.memory_space<vmem>>
      %dma_start3A_72 = tpu.memref_squeeze %dma_start3A_71 : memref<1x128xi32, #tpu.memory_space<vmem>> -> memref<128xi32, #tpu.memory_space<vmem>>
      %dma_start3A_73 = arith.constant 0 : i32
      %dma_start3A_74 = arith.constant 0 : i32
      %dma_start3A_75 = tpu.memref_slice %arg3[%dma_start3A_73, %dma_start3A_74] : memref<10240x128xf32, #tpu.memory_space<hbm>> -> memref<10240x128xf32, #tpu.memory_space<hbm>>
      tpu.enqueue_indirect_dma source(%dma_start3A_75 : memref<10240x128xf32, #tpu.memory_space<hbm>>) target(%arg10 : memref<128x128xf32, #tpu.memory_space<vmem>>) offsets(%dma_start3A_72 : memref<128xi32, #tpu.memory_space<vmem>>) semaphore(%arg13 : memref<!tpu.dma_semaphore, #tpu.memory_space<semaphore_mem>>)
      %scan3A_76 = arith.constant 0 : i32
      %scan3A_77 = arith.constant 0 : i32
      %scan3A_78 = arith.constant 20 : i32
      %scan3A_79 = arith.addi %scan3A_77, %scan3A_78 : i32
      %scan3A_80 = arith.constant 1 : i32
      scf.for %scan3A_96 = %scan3A_77 to %scan3A_79 step %scan3A_80  : i32 {
        %mul3A_97 = arith.constant 2 : i32
        %mul3A_98 = arith.muli %mul3A_97, %scan3A_96 : i32
        %dma_wait3A_99 = arith.constant 0 : i32
        %dma_wait3A_100 = tpu.memref_slice %arg8[%mul3A_98, %dma_wait3A_99] : memref<40x128xi32, #tpu.memory_space<vmem>> -> memref<1x128xi32, #tpu.memory_space<vmem>>
        %dma_wait3A_101 = tpu.memref_squeeze %dma_wait3A_100 : memref<1x128xi32, #tpu.memory_space<vmem>> -> memref<128xi32, #tpu.memory_space<vmem>>
        %dma_wait3A_102 = arith.constant 0 : i32
        %dma_wait3A_103 = arith.constant 0 : i32
        %dma_wait3A_104 = tpu.memref_slice %arg3[%dma_wait3A_102, %dma_wait3A_103] : memref<10240x128xf32, #tpu.memory_space<hbm>> -> memref<10240x128xf32, #tpu.memory_space<hbm>>
        tpu.wait_indirect_dma semaphore(%arg13 : memref<!tpu.dma_semaphore, #tpu.memory_space<semaphore_mem>>) src(%dma_wait3A_104 : memref<10240x128xf32, #tpu.memory_space<hbm>>) dst(%arg10 : memref<128x128xf32, #tpu.memory_space<vmem>>)
        %dma_start3A_105 = arith.constant 0 : i32
        %dma_start3A_106 = tpu.memref_slice %arg9[%mul3A_98, %dma_start3A_105] : memref<40x128xi32, #tpu.memory_space<vmem>> -> memref<1x128xi32, #tpu.memory_space<vmem>>
        %dma_start3A_107 = tpu.memref_squeeze %dma_start3A_106 : memref<1x128xi32, #tpu.memory_space<vmem>> -> memref<128xi32, #tpu.memory_space<vmem>>
        %dma_start3A_108 = arith.constant 0 : i32
        %dma_start3A_109 = arith.constant 0 : i32
        %dma_start3A_110 = tpu.memref_slice %arg12[%dma_start3A_108, %dma_start3A_109] : memref<10240x128xf32, #tpu.memory_space<vmem_shared>> -> memref<10240x128xf32, #tpu.memory_space<vmem_shared>>
        tpu.enqueue_indirect_dma source(%arg10 : memref<128x128xf32, #tpu.memory_space<vmem>>) target(%dma_start3A_110 : memref<10240x128xf32, #tpu.memory_space<vmem_shared>>) offsets(%dma_start3A_107 : memref<128xi32, #tpu.memory_space<vmem>>) semaphore(%arg14 : memref<!tpu.dma_semaphore, #tpu.memory_space<semaphore_mem>>) {add = true}
        %gt3A = arith.constant 0 : i32
        %gt3A_111 = arith.cmpi sgt, %scan3A_96, %gt3A : i32
        %convert_element_type3A_112 = arith.extui %gt3A_111 : i1 to i32
        %cond3A_113 = arith.constant 0 : i32
        %cond3A_114 = arith.cmpi ne, %convert_element_type3A_112, %cond3A_113 : i32
        scf.if %cond3A_114 {
          %dma_wait3A_157 = arith.constant 0 : i32
          %dma_wait3A_158 = tpu.memref_slice %arg9[%mul3A_98, %dma_wait3A_157] : memref<40x128xi32, #tpu.memory_space<vmem>> -> memref<1x128xi32, #tpu.memory_space<vmem>>
          %dma_wait3A_159 = tpu.memref_squeeze %dma_wait3A_158 : memref<1x128xi32, #tpu.memory_space<vmem>> -> memref<128xi32, #tpu.memory_space<vmem>>
          %dma_wait3A_160 = arith.constant 0 : i32
          %dma_wait3A_161 = arith.constant 0 : i32
          %dma_wait3A_162 = tpu.memref_slice %arg12[%dma_wait3A_160, %dma_wait3A_161] : memref<10240x128xf32, #tpu.memory_space<vmem_shared>> -> memref<10240x128xf32, #tpu.memory_space<vmem_shared>>
          tpu.wait_indirect_dma semaphore(%arg14 : memref<!tpu.dma_semaphore, #tpu.memory_space<semaphore_mem>>) src(%arg11 : memref<128x128xf32, #tpu.memory_space<vmem>>) dst(%dma_wait3A_162 : memref<10240x128xf32, #tpu.memory_space<vmem_shared>>)
        } else {
        }
        %add3A_115 = arith.constant 1 : i32
        %add3A_116 = arith.addi %mul3A_98, %add3A_115 : i32
        %dma_start3A_117 = arith.constant 0 : i32
        %dma_start3A_118 = tpu.memref_slice %arg8[%add3A_116, %dma_start3A_117] : memref<40x128xi32, #tpu.memory_space<vmem>> -> memref<1x128xi32, #tpu.memory_space<vmem>>
        %dma_start3A_119 = tpu.memref_squeeze %dma_start3A_118 : memref<1x128xi32, #tpu.memory_space<vmem>> -> memref<128xi32, #tpu.memory_space<vmem>>
        %dma_start3A_120 = arith.constant 0 : i32
        %dma_start3A_121 = arith.constant 0 : i32
        %dma_start3A_122 = tpu.memref_slice %arg3[%dma_start3A_120, %dma_start3A_121] : memref<10240x128xf32, #tpu.memory_space<hbm>> -> memref<10240x128xf32, #tpu.memory_space<hbm>>
        tpu.enqueue_indirect_dma source(%dma_start3A_122 : memref<10240x128xf32, #tpu.memory_space<hbm>>) target(%arg11 : memref<128x128xf32, #tpu.memory_space<vmem>>) offsets(%dma_start3A_119 : memref<128xi32, #tpu.memory_space<vmem>>) semaphore(%arg13 : memref<!tpu.dma_semaphore, #tpu.memory_space<semaphore_mem>>)
        %add3A_123 = arith.constant 1 : i32
        %add3A_124 = arith.addi %mul3A_98, %add3A_123 : i32
        %dma_wait3A_125 = arith.constant 0 : i32
        %dma_wait3A_126 = tpu.memref_slice %arg8[%add3A_124, %dma_wait3A_125] : memref<40x128xi32, #tpu.memory_space<vmem>> -> memref<1x128xi32, #tpu.memory_space<vmem>>
        %dma_wait3A_127 = tpu.memref_squeeze %dma_wait3A_126 : memref<1x128xi32, #tpu.memory_space<vmem>> -> memref<128xi32, #tpu.memory_space<vmem>>
        %dma_wait3A_128 = arith.constant 0 : i32
        %dma_wait3A_129 = arith.constant 0 : i32
        %dma_wait3A_130 = tpu.memref_slice %arg3[%dma_wait3A_128, %dma_wait3A_129] : memref<10240x128xf32, #tpu.memory_space<hbm>> -> memref<10240x128xf32, #tpu.memory_space<hbm>>
        tpu.wait_indirect_dma semaphore(%arg13 : memref<!tpu.dma_semaphore, #tpu.memory_space<semaphore_mem>>) src(%dma_wait3A_130 : memref<10240x128xf32, #tpu.memory_space<hbm>>) dst(%arg11 : memref<128x128xf32, #tpu.memory_space<vmem>>)
        %add3A_131 = arith.constant 1 : i32
        %add3A_132 = arith.addi %mul3A_98, %add3A_131 : i32
        %dma_start3A_133 = arith.constant 0 : i32
        %dma_start3A_134 = tpu.memref_slice %arg9[%add3A_132, %dma_start3A_133] : memref<40x128xi32, #tpu.memory_space<vmem>> -> memref<1x128xi32, #tpu.memory_space<vmem>>
        %dma_start3A_135 = tpu.memref_squeeze %dma_start3A_134 : memref<1x128xi32, #tpu.memory_space<vmem>> -> memref<128xi32, #tpu.memory_space<vmem>>
        %dma_start3A_136 = arith.constant 0 : i32
        %dma_start3A_137 = arith.constant 0 : i32
        %dma_start3A_138 = tpu.memref_slice %arg12[%dma_start3A_136, %dma_start3A_137] : memref<10240x128xf32, #tpu.memory_space<vmem_shared>> -> memref<10240x128xf32, #tpu.memory_space<vmem_shared>>
        tpu.enqueue_indirect_dma source(%arg11 : memref<128x128xf32, #tpu.memory_space<vmem>>) target(%dma_start3A_138 : memref<10240x128xf32, #tpu.memory_space<vmem_shared>>) offsets(%dma_start3A_135 : memref<128xi32, #tpu.memory_space<vmem>>) semaphore(%arg14 : memref<!tpu.dma_semaphore, #tpu.memory_space<semaphore_mem>>) {add = true}
        %dma_wait3A_139 = arith.constant 0 : i32
        %dma_wait3A_140 = tpu.memref_slice %arg9[%mul3A_98, %dma_wait3A_139] : memref<40x128xi32, #tpu.memory_space<vmem>> -> memref<1x128xi32, #tpu.memory_space<vmem>>
        %dma_wait3A_141 = tpu.memref_squeeze %dma_wait3A_140 : memref<1x128xi32, #tpu.memory_space<vmem>> -> memref<128xi32, #tpu.memory_space<vmem>>
        %dma_wait3A_142 = arith.constant 0 : i32
        %dma_wait3A_143 = arith.constant 0 : i32
        %dma_wait3A_144 = tpu.memref_slice %arg12[%dma_wait3A_142, %dma_wait3A_143] : memref<10240x128xf32, #tpu.memory_space<vmem_shared>> -> memref<10240x128xf32, #tpu.memory_space<vmem_shared>>
        tpu.wait_indirect_dma semaphore(%arg14 : memref<!tpu.dma_semaphore, #tpu.memory_space<semaphore_mem>>) src(%arg10 : memref<128x128xf32, #tpu.memory_space<vmem>>) dst(%dma_wait3A_144 : memref<10240x128xf32, #tpu.memory_space<vmem_shared>>)
        %add3A_145 = arith.constant 1 : i32
        %add3A_146 = arith.addi %scan3A_96, %add3A_145 : i32
        %lt3A = arith.constant 20 : i32
        %lt3A_147 = arith.cmpi slt, %add3A_146, %lt3A : i32
        %add3A_148 = arith.constant 2 : i32
        %add3A_149 = arith.addi %mul3A_98, %add3A_148 : i32
        %select_n3A = arith.constant 0 : i32
        %select_n3A_150 = arith.select %lt3A_147, %add3A_149, %select_n3A : i32
        %dma_start3A_151 = arith.constant 0 : i32
        %dma_start3A_152 = tpu.memref_slice %arg8[%select_n3A_150, %dma_start3A_151] : memref<40x128xi32, #tpu.memory_space<vmem>> -> memref<1x128xi32, #tpu.memory_space<vmem>>
        %dma_start3A_153 = tpu.memref_squeeze %dma_start3A_152 : memref<1x128xi32, #tpu.memory_space<vmem>> -> memref<128xi32, #tpu.memory_space<vmem>>
        %dma_start3A_154 = arith.constant 0 : i32
        %dma_start3A_155 = arith.constant 0 : i32
        %dma_start3A_156 = tpu.memref_slice %arg3[%dma_start3A_154, %dma_start3A_155] : memref<10240x128xf32, #tpu.memory_space<hbm>> -> memref<10240x128xf32, #tpu.memory_space<hbm>>
        tpu.enqueue_indirect_dma source(%dma_start3A_156 : memref<10240x128xf32, #tpu.memory_space<hbm>>) target(%arg10 : memref<128x128xf32, #tpu.memory_space<vmem>>) offsets(%dma_start3A_153 : memref<128xi32, #tpu.memory_space<vmem>>) semaphore(%arg13 : memref<!tpu.dma_semaphore, #tpu.memory_space<semaphore_mem>>)
      }
      %scan3A_81 = arith.constant 20 : i32
      %dma_wait3A_82 = arith.constant 0 : i32
      %dma_wait3A_83 = arith.constant 0 : i32
      %dma_wait3A_84 = tpu.memref_slice %arg8[%dma_wait3A_82, %dma_wait3A_83] : memref<40x128xi32, #tpu.memory_space<vmem>> -> memref<1x128xi32, #tpu.memory_space<vmem>>
      %dma_wait3A_85 = tpu.memref_squeeze %dma_wait3A_84 : memref<1x128xi32, #tpu.memory_space<vmem>> -> memref<128xi32, #tpu.memory_space<vmem>>
      %dma_wait3A_86 = arith.constant 0 : i32
      %dma_wait3A_87 = arith.constant 0 : i32
      %dma_wait3A_88 = tpu.memref_slice %arg3[%dma_wait3A_86, %dma_wait3A_87] : memref<10240x128xf32, #tpu.memory_space<hbm>> -> memref<10240x128xf32, #tpu.memory_space<hbm>>
      tpu.wait_indirect_dma semaphore(%arg13 : memref<!tpu.dma_semaphore, #tpu.memory_space<semaphore_mem>>) src(%dma_wait3A_88 : memref<10240x128xf32, #tpu.memory_space<hbm>>) dst(%arg10 : memref<128x128xf32, #tpu.memory_space<vmem>>)
      %dma_wait3A_89 = arith.constant 0 : i32
      %dma_wait3A_90 = arith.constant 0 : i32
      %dma_wait3A_91 = tpu.memref_slice %arg9[%dma_wait3A_89, %dma_wait3A_90] : memref<40x128xi32, #tpu.memory_space<vmem>> -> memref<1x128xi32, #tpu.memory_space<vmem>>
      %dma_wait3A_92 = tpu.memref_squeeze %dma_wait3A_91 : memref<1x128xi32, #tpu.memory_space<vmem>> -> memref<128xi32, #tpu.memory_space<vmem>>
      %dma_wait3A_93 = arith.constant 0 : i32
      %dma_wait3A_94 = arith.constant 0 : i32
      %dma_wait3A_95 = tpu.memref_slice %arg12[%dma_wait3A_93, %dma_wait3A_94] : memref<10240x128xf32, #tpu.memory_space<vmem_shared>> -> memref<10240x128xf32, #tpu.memory_space<vmem_shared>>
      tpu.wait_indirect_dma semaphore(%arg14 : memref<!tpu.dma_semaphore, #tpu.memory_space<semaphore_mem>>) src(%arg11 : memref<128x128xf32, #tpu.memory_space<vmem>>) dst(%dma_wait3A_95 : memref<10240x128xf32, #tpu.memory_space<vmem_shared>>)
    } else {
    }
    %barrier3A_31 = arith.constant 0 : index
    tpu.barrier barrier_id(%barrier3A_31)
    %mul3A_32 = arith.constant 640 : i32
    %mul3A_33 = arith.muli %arg1, %mul3A_32 : i32
    %eq3A_34 = arith.constant 0 : i32
    %eq3A_35 = arith.cmpi eq, %arg0, %eq3A_34 : i32
    %convert_element_type3A_36 = arith.extui %eq3A_35 : i1 to i32
    %cond3A_37 = arith.constant 0 : i32
    %cond3A_38 = arith.cmpi ne, %convert_element_type3A_36, %cond3A_37 : i32
    scf.if %cond3A_38 {
      "tpu.region"() ({
        %run_scoped3A = tpu.sem_alloc : memref<!tpu.dma_semaphore, #tpu.memory_space<semaphore_mem>>
        %dma_start3A = arith.constant 0 : i32
        %dma_start3A_44 = tpu.memref_slice %arg6[%mul3A_33, %dma_start3A] : memref<10240x128xf32, #tpu.memory_space<hbm>> -> memref<640x128xf32, #tpu.memory_space<hbm>>
        %dma_start3A_45 = arith.constant 0 : i32
        %dma_start3A_46 = tpu.memref_slice %arg12[%mul3A_33, %dma_start3A_45] : memref<10240x128xf32, #tpu.memory_space<vmem_shared>> -> memref<640x128xf32, #tpu.memory_space<vmem_shared>>
        tpu.enqueue_dma source(%dma_start3A_46 : memref<640x128xf32, #tpu.memory_space<vmem_shared>>) target(%dma_start3A_44 : memref<640x128xf32, #tpu.memory_space<hbm>>) target_semaphore(%run_scoped3A : memref<!tpu.dma_semaphore, #tpu.memory_space<semaphore_mem>>)
        %dma_wait3A = arith.constant 0 : i32
        %dma_wait3A_47 = tpu.memref_slice %arg6[%mul3A_33, %dma_wait3A] : memref<10240x128xf32, #tpu.memory_space<hbm>> -> memref<640x128xf32, #tpu.memory_space<hbm>>
        %dma_wait3A_48 = arith.constant 0 : i32
        %dma_wait3A_49 = tpu.memref_slice %arg12[%mul3A_33, %dma_wait3A_48] : memref<10240x128xf32, #tpu.memory_space<vmem_shared>> -> memref<640x128xf32, #tpu.memory_space<vmem_shared>>
        tpu.wait_dma2 semaphore(%run_scoped3A : memref<!tpu.dma_semaphore, #tpu.memory_space<semaphore_mem>>) src(%dma_wait3A_49 : memref<640x128xf32, #tpu.memory_space<vmem_shared>>) dst(%dma_wait3A_47 : memref<640x128xf32, #tpu.memory_space<hbm>>)
        tpu.yield
      }) : () -> ()
    } else {
    }
    %eq3A_39 = arith.constant 1 : i32
    %eq3A_40 = arith.cmpi eq, %arg0, %eq3A_39 : i32
    %convert_element_type3A_41 = arith.extui %eq3A_40 : i1 to i32
    %cond3A_42 = arith.constant 0 : i32
    %cond3A_43 = arith.cmpi ne, %convert_element_type3A_41, %cond3A_42 : i32
    scf.if %cond3A_43 {
      "tpu.region"() ({
        %run_scoped3A = tpu.sem_alloc : memref<!tpu.dma_semaphore, #tpu.memory_space<semaphore_mem>>
        %dma_start3A = arith.constant 0 : i32
        %dma_start3A_44 = tpu.memref_slice %arg7[%mul3A_33, %dma_start3A] : memref<10240x128xf32, #tpu.memory_space<hbm>> -> memref<640x128xf32, #tpu.memory_space<hbm>>
        %dma_start3A_45 = arith.constant 0 : i32
        %dma_start3A_46 = tpu.memref_slice %arg12[%mul3A_33, %dma_start3A_45] : memref<10240x128xf32, #tpu.memory_space<vmem_shared>> -> memref<640x128xf32, #tpu.memory_space<vmem_shared>>
        tpu.enqueue_dma source(%dma_start3A_46 : memref<640x128xf32, #tpu.memory_space<vmem_shared>>) target(%dma_start3A_44 : memref<640x128xf32, #tpu.memory_space<hbm>>) target_semaphore(%run_scoped3A : memref<!tpu.dma_semaphore, #tpu.memory_space<semaphore_mem>>)
        %dma_wait3A = arith.constant 0 : i32
        %dma_wait3A_47 = tpu.memref_slice %arg7[%mul3A_33, %dma_wait3A] : memref<10240x128xf32, #tpu.memory_space<hbm>> -> memref<640x128xf32, #tpu.memory_space<hbm>>
        %dma_wait3A_48 = arith.constant 0 : i32
        %dma_wait3A_49 = tpu.memref_slice %arg12[%mul3A_33, %dma_wait3A_48] : memref<10240x128xf32, #tpu.memory_space<vmem_shared>> -> memref<640x128xf32, #tpu.memory_space<vmem_shared>>
        tpu.wait_dma2 semaphore(%run_scoped3A : memref<!tpu.dma_semaphore, #tpu.memory_space<semaphore_mem>>) src(%dma_wait3A_49 : memref<640x128xf32, #tpu.memory_space<vmem_shared>>) dst(%dma_wait3A_47 : memref<640x128xf32, #tpu.memory_space<hbm>>)
        tpu.yield
      }) : () -> ()
    } else {
    }
    return
  }
}

#map = affine_map<(d0, d1) -> (0, 0)>
#map1 = affine_map<(d0, d1) -> (0, 0, 0)>
module attributes {stable_mosaic.version = 14 : i64} {
  func.func @topo_agg(%arg0: i32, %arg1: i32, %arg2: memref<10240x128xf32, #tpu.memory_space<hbm>>, %arg3: memref<32x40x128xi32, #tpu.memory_space<hbm>>, %arg4: memref<32x40x128xi32, #tpu.memory_space<hbm>>, %arg5: memref<10240x128xf32, #tpu.memory_space<hbm>>, %arg6: memref<10240x128xf32, #tpu.memory_space<hbm>>, %arg7: memref<40x128xi32, #tpu.memory_space<vmem>>, %arg8: memref<40x128xi32, #tpu.memory_space<vmem>>, %arg9: memref<128x128xf32, #tpu.memory_space<vmem>>, %arg10: memref<128x128xf32, #tpu.memory_space<vmem>>, %arg11: memref<10240x128xf32, #tpu.memory_space<vmem_shared>>, %arg12: memref<!tpu.dma_semaphore, #tpu.memory_space<semaphore_mem>>, %arg13: memref<!tpu.dma_semaphore, #tpu.memory_space<semaphore_mem>>) attributes {dimension_semantics = [#tpu.dimension_semantics<core_parallel>, #tpu.dimension_semantics<subcore_parallel>], iteration_bounds = array<i64: 2, 16>, scalar_prefetch = 0 : i64, scratch_operands = 7 : i64, tpu.core_type = #tpu.core_type<sc_vector_subcore>, window_params = [{transform_indices = #map}, {transform_indices = #map1}, {transform_indices = #map1}, {transform_indices = #map}, {transform_indices = #map}]} {
    %mul3A = arith.constant 2 : i32
    %mul3A_0 = arith.muli %arg1, %mul3A : i32
    %add3A = arith.addi %mul3A_0, %arg0 : i32
    %broadcast_in_dim3A = arith.constant 0.000000e+00 : f32
    %broadcast_in_dim3A_1 = vector.broadcast %broadcast_in_dim3A : f32 to vector<16xf32>
    %scan3A = arith.constant 0 : i32
    %scan3A_2 = arith.constant 0 : i32
    %scan3A_3 = arith.constant 128 : i32
    %scan3A_4 = arith.addi %scan3A_2, %scan3A_3 : i32
    %scan3A_5 = arith.constant 1 : i32
    scf.for %scan3A_62 = %scan3A_2 to %scan3A_4 step %scan3A_5  : i32 {
      %swap3A = arith.index_cast %scan3A_62 : i32 to index
      %swap3A_63 = arith.constant 0 : index
      %swap3A_64 = tpu.vector_load %arg9[%swap3A, %swap3A_63] {strides = array<i32>} : memref<128x128xf32, #tpu.memory_space<vmem>>, vector<1x16xf32>,
      %swap3A_65 = vector.shape_cast %swap3A_64 : vector<1x16xf32> to vector<16xf32>
      %swap3A_66 = vector.shape_cast %broadcast_in_dim3A_1 : vector<16xf32> to vector<1x16xf32>
      tpu.vector_store %arg9[%swap3A, %swap3A_63], %swap3A_66 {strides = array<i32>} : memref<128x128xf32, #tpu.memory_space<vmem>>, vector<1x16xf32>,
      %swap3A_67 = arith.index_cast %scan3A_62 : i32 to index
      %swap3A_68 = arith.constant 16 : index
      %swap3A_69 = tpu.vector_load %arg9[%swap3A_67, %swap3A_68] {strides = array<i32>} : memref<128x128xf32, #tpu.memory_space<vmem>>, vector<1x16xf32>,
      %swap3A_70 = vector.shape_cast %swap3A_69 : vector<1x16xf32> to vector<16xf32>
      %swap3A_71 = vector.shape_cast %broadcast_in_dim3A_1 : vector<16xf32> to vector<1x16xf32>
      tpu.vector_store %arg9[%swap3A_67, %swap3A_68], %swap3A_71 {strides = array<i32>} : memref<128x128xf32, #tpu.memory_space<vmem>>, vector<1x16xf32>,
      %swap3A_72 = arith.index_cast %scan3A_62 : i32 to index
      %swap3A_73 = arith.constant 32 : index
      %swap3A_74 = tpu.vector_load %arg9[%swap3A_72, %swap3A_73] {strides = array<i32>} : memref<128x128xf32, #tpu.memory_space<vmem>>, vector<1x16xf32>,
      %swap3A_75 = vector.shape_cast %swap3A_74 : vector<1x16xf32> to vector<16xf32>
      %swap3A_76 = vector.shape_cast %broadcast_in_dim3A_1 : vector<16xf32> to vector<1x16xf32>
      tpu.vector_store %arg9[%swap3A_72, %swap3A_73], %swap3A_76 {strides = array<i32>} : memref<128x128xf32, #tpu.memory_space<vmem>>, vector<1x16xf32>,
      %swap3A_77 = arith.index_cast %scan3A_62 : i32 to index
      %swap3A_78 = arith.constant 48 : index
      %swap3A_79 = tpu.vector_load %arg9[%swap3A_77, %swap3A_78] {strides = array<i32>} : memref<128x128xf32, #tpu.memory_space<vmem>>, vector<1x16xf32>,
      %swap3A_80 = vector.shape_cast %swap3A_79 : vector<1x16xf32> to vector<16xf32>
      %swap3A_81 = vector.shape_cast %broadcast_in_dim3A_1 : vector<16xf32> to vector<1x16xf32>
      tpu.vector_store %arg9[%swap3A_77, %swap3A_78], %swap3A_81 {strides = array<i32>} : memref<128x128xf32, #tpu.memory_space<vmem>>, vector<1x16xf32>,
      %swap3A_82 = arith.index_cast %scan3A_62 : i32 to index
      %swap3A_83 = arith.constant 64 : index
      %swap3A_84 = tpu.vector_load %arg9[%swap3A_82, %swap3A_83] {strides = array<i32>} : memref<128x128xf32, #tpu.memory_space<vmem>>, vector<1x16xf32>,
      %swap3A_85 = vector.shape_cast %swap3A_84 : vector<1x16xf32> to vector<16xf32>
      %swap3A_86 = vector.shape_cast %broadcast_in_dim3A_1 : vector<16xf32> to vector<1x16xf32>
      tpu.vector_store %arg9[%swap3A_82, %swap3A_83], %swap3A_86 {strides = array<i32>} : memref<128x128xf32, #tpu.memory_space<vmem>>, vector<1x16xf32>,
      %swap3A_87 = arith.index_cast %scan3A_62 : i32 to index
      %swap3A_88 = arith.constant 80 : index
      %swap3A_89 = tpu.vector_load %arg9[%swap3A_87, %swap3A_88] {strides = array<i32>} : memref<128x128xf32, #tpu.memory_space<vmem>>, vector<1x16xf32>,
      %swap3A_90 = vector.shape_cast %swap3A_89 : vector<1x16xf32> to vector<16xf32>
      %swap3A_91 = vector.shape_cast %broadcast_in_dim3A_1 : vector<16xf32> to vector<1x16xf32>
      tpu.vector_store %arg9[%swap3A_87, %swap3A_88], %swap3A_91 {strides = array<i32>} : memref<128x128xf32, #tpu.memory_space<vmem>>, vector<1x16xf32>,
      %swap3A_92 = arith.index_cast %scan3A_62 : i32 to index
      %swap3A_93 = arith.constant 96 : index
      %swap3A_94 = tpu.vector_load %arg9[%swap3A_92, %swap3A_93] {strides = array<i32>} : memref<128x128xf32, #tpu.memory_space<vmem>>, vector<1x16xf32>,
      %swap3A_95 = vector.shape_cast %swap3A_94 : vector<1x16xf32> to vector<16xf32>
      %swap3A_96 = vector.shape_cast %broadcast_in_dim3A_1 : vector<16xf32> to vector<1x16xf32>
      tpu.vector_store %arg9[%swap3A_92, %swap3A_93], %swap3A_96 {strides = array<i32>} : memref<128x128xf32, #tpu.memory_space<vmem>>, vector<1x16xf32>,
      %swap3A_97 = arith.index_cast %scan3A_62 : i32 to index
      %swap3A_98 = arith.constant 112 : index
      %swap3A_99 = tpu.vector_load %arg9[%swap3A_97, %swap3A_98] {strides = array<i32>} : memref<128x128xf32, #tpu.memory_space<vmem>>, vector<1x16xf32>,
      %swap3A_100 = vector.shape_cast %swap3A_99 : vector<1x16xf32> to vector<16xf32>
      %swap3A_101 = vector.shape_cast %broadcast_in_dim3A_1 : vector<16xf32> to vector<1x16xf32>
      tpu.vector_store %arg9[%swap3A_97, %swap3A_98], %swap3A_101 {strides = array<i32>} : memref<128x128xf32, #tpu.memory_space<vmem>>, vector<1x16xf32>,
    }
    %scan3A_6 = arith.constant 128 : i32
    %mul3A_7 = arith.constant 640 : i32
    %mul3A_8 = arith.muli %arg1, %mul3A_7 : i32
    %add3A_9 = arith.constant 0 : i32
    %add3A_10 = arith.addi %mul3A_8, %add3A_9 : i32
    "tpu.region"() ({
      %run_scoped3A = tpu.sem_alloc : memref<!tpu.dma_semaphore, #tpu.memory_space<semaphore_mem>>
      %dma_start3A_62 = arith.constant 0 : i32
      %dma_start3A_63 = tpu.memref_slice %arg11[%add3A_10, %dma_start3A_62] : memref<10240x128xf32, #tpu.memory_space<vmem_shared>> -> memref<128x128xf32, #tpu.memory_space<vmem_shared>>
      %dma_start3A_64 = arith.constant 0 : i32
      %dma_start3A_65 = tpu.memref_slice %arg11[%add3A_10, %dma_start3A_64] : memref<10240x128xf32, #tpu.memory_space<vmem_shared>> -> memref<128x128xf32, #tpu.memory_space<vmem_shared>>
      tpu.enqueue_dma source(%arg9 : memref<128x128xf32, #tpu.memory_space<vmem>>) target(%dma_start3A_65 : memref<128x128xf32, #tpu.memory_space<vmem_shared>>) target_semaphore(%run_scoped3A : memref<!tpu.dma_semaphore, #tpu.memory_space<semaphore_mem>>)
      %dma_wait3A_66 = arith.constant 0 : i32
      %dma_wait3A_67 = tpu.memref_slice %arg11[%add3A_10, %dma_wait3A_66] : memref<10240x128xf32, #tpu.memory_space<vmem_shared>> -> memref<128x128xf32, #tpu.memory_space<vmem_shared>>
      %dma_wait3A_68 = arith.constant 0 : i32
      %dma_wait3A_69 = tpu.memref_slice %arg11[%add3A_10, %dma_wait3A_68] : memref<10240x128xf32, #tpu.memory_space<vmem_shared>> -> memref<128x128xf32, #tpu.memory_space<vmem_shared>>
      tpu.wait_dma2 semaphore(%run_scoped3A : memref<!tpu.dma_semaphore, #tpu.memory_space<semaphore_mem>>) src(%arg9 : memref<128x128xf32, #tpu.memory_space<vmem>>) dst(%dma_wait3A_69 : memref<128x128xf32, #tpu.memory_space<vmem_shared>>)
      tpu.yield
    }) : () -> ()
    %mul3A_11 = arith.constant 640 : i32
    %mul3A_12 = arith.muli %arg1, %mul3A_11 : i32
    %add3A_13 = arith.constant 128 : i32
    %add3A_14 = arith.addi %mul3A_12, %add3A_13 : i32
    "tpu.region"() ({
      %run_scoped3A = tpu.sem_alloc : memref<!tpu.dma_semaphore, #tpu.memory_space<semaphore_mem>>
      %dma_start3A_62 = arith.constant 0 : i32
      %dma_start3A_63 = tpu.memref_slice %arg11[%add3A_14, %dma_start3A_62] : memref<10240x128xf32, #tpu.memory_space<vmem_shared>> -> memref<128x128xf32, #tpu.memory_space<vmem_shared>>
      %dma_start3A_64 = arith.constant 0 : i32
      %dma_start3A_65 = tpu.memref_slice %arg11[%add3A_14, %dma_start3A_64] : memref<10240x128xf32, #tpu.memory_space<vmem_shared>> -> memref<128x128xf32, #tpu.memory_space<vmem_shared>>
      tpu.enqueue_dma source(%arg9 : memref<128x128xf32, #tpu.memory_space<vmem>>) target(%dma_start3A_65 : memref<128x128xf32, #tpu.memory_space<vmem_shared>>) target_semaphore(%run_scoped3A : memref<!tpu.dma_semaphore, #tpu.memory_space<semaphore_mem>>)
      %dma_wait3A_66 = arith.constant 0 : i32
      %dma_wait3A_67 = tpu.memref_slice %arg11[%add3A_14, %dma_wait3A_66] : memref<10240x128xf32, #tpu.memory_space<vmem_shared>> -> memref<128x128xf32, #tpu.memory_space<vmem_shared>>
      %dma_wait3A_68 = arith.constant 0 : i32
      %dma_wait3A_69 = tpu.memref_slice %arg11[%add3A_14, %dma_wait3A_68] : memref<10240x128xf32, #tpu.memory_space<vmem_shared>> -> memref<128x128xf32, #tpu.memory_space<vmem_shared>>
      tpu.wait_dma2 semaphore(%run_scoped3A : memref<!tpu.dma_semaphore, #tpu.memory_space<semaphore_mem>>) src(%arg9 : memref<128x128xf32, #tpu.memory_space<vmem>>) dst(%dma_wait3A_69 : memref<128x128xf32, #tpu.memory_space<vmem_shared>>)
      tpu.yield
    }) : () -> ()
    %mul3A_15 = arith.constant 640 : i32
    %mul3A_16 = arith.muli %arg1, %mul3A_15 : i32
    %add3A_17 = arith.constant 256 : i32
    %add3A_18 = arith.addi %mul3A_16, %add3A_17 : i32
    "tpu.region"() ({
      %run_scoped3A = tpu.sem_alloc : memref<!tpu.dma_semaphore, #tpu.memory_space<semaphore_mem>>
      %dma_start3A_62 = arith.constant 0 : i32
      %dma_start3A_63 = tpu.memref_slice %arg11[%add3A_18, %dma_start3A_62] : memref<10240x128xf32, #tpu.memory_space<vmem_shared>> -> memref<128x128xf32, #tpu.memory_space<vmem_shared>>
      %dma_start3A_64 = arith.constant 0 : i32
      %dma_start3A_65 = tpu.memref_slice %arg11[%add3A_18, %dma_start3A_64] : memref<10240x128xf32, #tpu.memory_space<vmem_shared>> -> memref<128x128xf32, #tpu.memory_space<vmem_shared>>
      tpu.enqueue_dma source(%arg9 : memref<128x128xf32, #tpu.memory_space<vmem>>) target(%dma_start3A_65 : memref<128x128xf32, #tpu.memory_space<vmem_shared>>) target_semaphore(%run_scoped3A : memref<!tpu.dma_semaphore, #tpu.memory_space<semaphore_mem>>)
      %dma_wait3A_66 = arith.constant 0 : i32
      %dma_wait3A_67 = tpu.memref_slice %arg11[%add3A_18, %dma_wait3A_66] : memref<10240x128xf32, #tpu.memory_space<vmem_shared>> -> memref<128x128xf32, #tpu.memory_space<vmem_shared>>
      %dma_wait3A_68 = arith.constant 0 : i32
      %dma_wait3A_69 = tpu.memref_slice %arg11[%add3A_18, %dma_wait3A_68] : memref<10240x128xf32, #tpu.memory_space<vmem_shared>> -> memref<128x128xf32, #tpu.memory_space<vmem_shared>>
      tpu.wait_dma2 semaphore(%run_scoped3A : memref<!tpu.dma_semaphore, #tpu.memory_space<semaphore_mem>>) src(%arg9 : memref<128x128xf32, #tpu.memory_space<vmem>>) dst(%dma_wait3A_69 : memref<128x128xf32, #tpu.memory_space<vmem_shared>>)
      tpu.yield
    }) : () -> ()
    %mul3A_19 = arith.constant 640 : i32
    %mul3A_20 = arith.muli %arg1, %mul3A_19 : i32
    %add3A_21 = arith.constant 384 : i32
    %add3A_22 = arith.addi %mul3A_20, %add3A_21 : i32
    "tpu.region"() ({
      %run_scoped3A = tpu.sem_alloc : memref<!tpu.dma_semaphore, #tpu.memory_space<semaphore_mem>>
      %dma_start3A_62 = arith.constant 0 : i32
      %dma_start3A_63 = tpu.memref_slice %arg11[%add3A_22, %dma_start3A_62] : memref<10240x128xf32, #tpu.memory_space<vmem_shared>> -> memref<128x128xf32, #tpu.memory_space<vmem_shared>>
      %dma_start3A_64 = arith.constant 0 : i32
      %dma_start3A_65 = tpu.memref_slice %arg11[%add3A_22, %dma_start3A_64] : memref<10240x128xf32, #tpu.memory_space<vmem_shared>> -> memref<128x128xf32, #tpu.memory_space<vmem_shared>>
      tpu.enqueue_dma source(%arg9 : memref<128x128xf32, #tpu.memory_space<vmem>>) target(%dma_start3A_65 : memref<128x128xf32, #tpu.memory_space<vmem_shared>>) target_semaphore(%run_scoped3A : memref<!tpu.dma_semaphore, #tpu.memory_space<semaphore_mem>>)
      %dma_wait3A_66 = arith.constant 0 : i32
      %dma_wait3A_67 = tpu.memref_slice %arg11[%add3A_22, %dma_wait3A_66] : memref<10240x128xf32, #tpu.memory_space<vmem_shared>> -> memref<128x128xf32, #tpu.memory_space<vmem_shared>>
      %dma_wait3A_68 = arith.constant 0 : i32
      %dma_wait3A_69 = tpu.memref_slice %arg11[%add3A_22, %dma_wait3A_68] : memref<10240x128xf32, #tpu.memory_space<vmem_shared>> -> memref<128x128xf32, #tpu.memory_space<vmem_shared>>
      tpu.wait_dma2 semaphore(%run_scoped3A : memref<!tpu.dma_semaphore, #tpu.memory_space<semaphore_mem>>) src(%arg9 : memref<128x128xf32, #tpu.memory_space<vmem>>) dst(%dma_wait3A_69 : memref<128x128xf32, #tpu.memory_space<vmem_shared>>)
      tpu.yield
    }) : () -> ()
    %mul3A_23 = arith.constant 640 : i32
    %mul3A_24 = arith.muli %arg1, %mul3A_23 : i32
    %add3A_25 = arith.constant 512 : i32
    %add3A_26 = arith.addi %mul3A_24, %add3A_25 : i32
    "tpu.region"() ({
      %run_scoped3A = tpu.sem_alloc : memref<!tpu.dma_semaphore, #tpu.memory_space<semaphore_mem>>
      %dma_start3A_62 = arith.constant 0 : i32
      %dma_start3A_63 = tpu.memref_slice %arg11[%add3A_26, %dma_start3A_62] : memref<10240x128xf32, #tpu.memory_space<vmem_shared>> -> memref<128x128xf32, #tpu.memory_space<vmem_shared>>
      %dma_start3A_64 = arith.constant 0 : i32
      %dma_start3A_65 = tpu.memref_slice %arg11[%add3A_26, %dma_start3A_64] : memref<10240x128xf32, #tpu.memory_space<vmem_shared>> -> memref<128x128xf32, #tpu.memory_space<vmem_shared>>
      tpu.enqueue_dma source(%arg9 : memref<128x128xf32, #tpu.memory_space<vmem>>) target(%dma_start3A_65 : memref<128x128xf32, #tpu.memory_space<vmem_shared>>) target_semaphore(%run_scoped3A : memref<!tpu.dma_semaphore, #tpu.memory_space<semaphore_mem>>)
      %dma_wait3A_66 = arith.constant 0 : i32
      %dma_wait3A_67 = tpu.memref_slice %arg11[%add3A_26, %dma_wait3A_66] : memref<10240x128xf32, #tpu.memory_space<vmem_shared>> -> memref<128x128xf32, #tpu.memory_space<vmem_shared>>
      %dma_wait3A_68 = arith.constant 0 : i32
      %dma_wait3A_69 = tpu.memref_slice %arg11[%add3A_26, %dma_wait3A_68] : memref<10240x128xf32, #tpu.memory_space<vmem_shared>> -> memref<128x128xf32, #tpu.memory_space<vmem_shared>>
      tpu.wait_dma2 semaphore(%run_scoped3A : memref<!tpu.dma_semaphore, #tpu.memory_space<semaphore_mem>>) src(%arg9 : memref<128x128xf32, #tpu.memory_space<vmem>>) dst(%dma_wait3A_69 : memref<128x128xf32, #tpu.memory_space<vmem_shared>>)
      tpu.yield
    }) : () -> ()
    %barrier3A = arith.constant 0 : index
    tpu.barrier barrier_id(%barrier3A)
    "tpu.region"() ({
      %run_scoped3A = tpu.sem_alloc : memref<!tpu.dma_semaphore, #tpu.memory_space<semaphore_mem>>
      %dma_start3A_62 = arith.constant 0 : i32
      %dma_start3A_63 = arith.constant 0 : i32
      %dma_start3A_64 = tpu.memref_slice %arg3[%add3A, %dma_start3A_62, %dma_start3A_63] : memref<32x40x128xi32, #tpu.memory_space<hbm>> -> memref<1x40x128xi32, #tpu.memory_space<hbm>>
      %dma_start3A_65 = tpu.memref_squeeze %dma_start3A_64 : memref<1x40x128xi32, #tpu.memory_space<hbm>> -> memref<40x128xi32, #tpu.memory_space<hbm>>
      %dma_start3A_66 = arith.constant 0 : i32
      %dma_start3A_67 = arith.constant 0 : i32
      %dma_start3A_68 = tpu.memref_slice %arg3[%add3A, %dma_start3A_66, %dma_start3A_67] : memref<32x40x128xi32, #tpu.memory_space<hbm>> -> memref<1x40x128xi32, #tpu.memory_space<hbm>>
      %dma_start3A_69 = tpu.memref_squeeze %dma_start3A_68 : memref<1x40x128xi32, #tpu.memory_space<hbm>> -> memref<40x128xi32, #tpu.memory_space<hbm>>
      tpu.enqueue_dma source(%dma_start3A_69 : memref<40x128xi32, #tpu.memory_space<hbm>>) target(%arg7 : memref<40x128xi32, #tpu.memory_space<vmem>>) target_semaphore(%run_scoped3A : memref<!tpu.dma_semaphore, #tpu.memory_space<semaphore_mem>>)
      %dma_wait3A_70 = arith.constant 0 : i32
      %dma_wait3A_71 = arith.constant 0 : i32
      %dma_wait3A_72 = tpu.memref_slice %arg3[%add3A, %dma_wait3A_70, %dma_wait3A_71] : memref<32x40x128xi32, #tpu.memory_space<hbm>> -> memref<1x40x128xi32, #tpu.memory_space<hbm>>
      %dma_wait3A_73 = tpu.memref_squeeze %dma_wait3A_72 : memref<1x40x128xi32, #tpu.memory_space<hbm>> -> memref<40x128xi32, #tpu.memory_space<hbm>>
      %dma_wait3A_74 = arith.constant 0 : i32
      %dma_wait3A_75 = arith.constant 0 : i32
      %dma_wait3A_76 = tpu.memref_slice %arg3[%add3A, %dma_wait3A_74, %dma_wait3A_75] : memref<32x40x128xi32, #tpu.memory_space<hbm>> -> memref<1x40x128xi32, #tpu.memory_space<hbm>>
      %dma_wait3A_77 = tpu.memref_squeeze %dma_wait3A_76 : memref<1x40x128xi32, #tpu.memory_space<hbm>> -> memref<40x128xi32, #tpu.memory_space<hbm>>
      tpu.wait_dma2 semaphore(%run_scoped3A : memref<!tpu.dma_semaphore, #tpu.memory_space<semaphore_mem>>) src(%dma_wait3A_77 : memref<40x128xi32, #tpu.memory_space<hbm>>) dst(%arg7 : memref<40x128xi32, #tpu.memory_space<vmem>>)
      tpu.yield
    }) : () -> ()
    "tpu.region"() ({
      %run_scoped3A = tpu.sem_alloc : memref<!tpu.dma_semaphore, #tpu.memory_space<semaphore_mem>>
      %dma_start3A_62 = arith.constant 0 : i32
      %dma_start3A_63 = arith.constant 0 : i32
      %dma_start3A_64 = tpu.memref_slice %arg4[%add3A, %dma_start3A_62, %dma_start3A_63] : memref<32x40x128xi32, #tpu.memory_space<hbm>> -> memref<1x40x128xi32, #tpu.memory_space<hbm>>
      %dma_start3A_65 = tpu.memref_squeeze %dma_start3A_64 : memref<1x40x128xi32, #tpu.memory_space<hbm>> -> memref<40x128xi32, #tpu.memory_space<hbm>>
      %dma_start3A_66 = arith.constant 0 : i32
      %dma_start3A_67 = arith.constant 0 : i32
      %dma_start3A_68 = tpu.memref_slice %arg4[%add3A, %dma_start3A_66, %dma_start3A_67] : memref<32x40x128xi32, #tpu.memory_space<hbm>> -> memref<1x40x128xi32, #tpu.memory_space<hbm>>
      %dma_start3A_69 = tpu.memref_squeeze %dma_start3A_68 : memref<1x40x128xi32, #tpu.memory_space<hbm>> -> memref<40x128xi32, #tpu.memory_space<hbm>>
      tpu.enqueue_dma source(%dma_start3A_69 : memref<40x128xi32, #tpu.memory_space<hbm>>) target(%arg8 : memref<40x128xi32, #tpu.memory_space<vmem>>) target_semaphore(%run_scoped3A : memref<!tpu.dma_semaphore, #tpu.memory_space<semaphore_mem>>)
      %dma_wait3A_70 = arith.constant 0 : i32
      %dma_wait3A_71 = arith.constant 0 : i32
      %dma_wait3A_72 = tpu.memref_slice %arg4[%add3A, %dma_wait3A_70, %dma_wait3A_71] : memref<32x40x128xi32, #tpu.memory_space<hbm>> -> memref<1x40x128xi32, #tpu.memory_space<hbm>>
      %dma_wait3A_73 = tpu.memref_squeeze %dma_wait3A_72 : memref<1x40x128xi32, #tpu.memory_space<hbm>> -> memref<40x128xi32, #tpu.memory_space<hbm>>
      %dma_wait3A_74 = arith.constant 0 : i32
      %dma_wait3A_75 = arith.constant 0 : i32
      %dma_wait3A_76 = tpu.memref_slice %arg4[%add3A, %dma_wait3A_74, %dma_wait3A_75] : memref<32x40x128xi32, #tpu.memory_space<hbm>> -> memref<1x40x128xi32, #tpu.memory_space<hbm>>
      %dma_wait3A_77 = tpu.memref_squeeze %dma_wait3A_76 : memref<1x40x128xi32, #tpu.memory_space<hbm>> -> memref<40x128xi32, #tpu.memory_space<hbm>>
      tpu.wait_dma2 semaphore(%run_scoped3A : memref<!tpu.dma_semaphore, #tpu.memory_space<semaphore_mem>>) src(%dma_wait3A_77 : memref<40x128xi32, #tpu.memory_space<hbm>>) dst(%arg8 : memref<40x128xi32, #tpu.memory_space<vmem>>)
      tpu.yield
    }) : () -> ()
    %dma_start3A = arith.constant 0 : i32
    %dma_start3A_27 = arith.constant 0 : i32
    %dma_start3A_28 = tpu.memref_slice %arg7[%dma_start3A, %dma_start3A_27] : memref<40x128xi32, #tpu.memory_space<vmem>> -> memref<1x128xi32, #tpu.memory_space<vmem>>
    %dma_start3A_29 = tpu.memref_squeeze %dma_start3A_28 : memref<1x128xi32, #tpu.memory_space<vmem>> -> memref<128xi32, #tpu.memory_space<vmem>>
    %dma_start3A_30 = arith.constant 0 : i32
    %dma_start3A_31 = arith.constant 0 : i32
    %dma_start3A_32 = tpu.memref_slice %arg2[%dma_start3A_30, %dma_start3A_31] : memref<10240x128xf32, #tpu.memory_space<hbm>> -> memref<10240x128xf32, #tpu.memory_space<hbm>>
    tpu.enqueue_indirect_dma source(%dma_start3A_32 : memref<10240x128xf32, #tpu.memory_space<hbm>>) target(%arg9 : memref<128x128xf32, #tpu.memory_space<vmem>>) offsets(%dma_start3A_29 : memref<128xi32, #tpu.memory_space<vmem>>) semaphore(%arg12 : memref<!tpu.dma_semaphore, #tpu.memory_space<semaphore_mem>>)
    %scan3A_33 = arith.constant 0 : i32
    %scan3A_34 = arith.constant 0 : i32
    %scan3A_35 = arith.constant 20 : i32
    %scan3A_36 = arith.addi %scan3A_34, %scan3A_35 : i32
    %scan3A_37 = arith.constant 1 : i32
    scf.for %scan3A_62 = %scan3A_34 to %scan3A_36 step %scan3A_37  : i32 {
      %mul3A_63 = arith.constant 2 : i32
      %mul3A_64 = arith.muli %mul3A_63, %scan3A_62 : i32
      %dma_wait3A_65 = arith.constant 0 : i32
      %dma_wait3A_66 = tpu.memref_slice %arg7[%mul3A_64, %dma_wait3A_65] : memref<40x128xi32, #tpu.memory_space<vmem>> -> memref<1x128xi32, #tpu.memory_space<vmem>>
      %dma_wait3A_67 = tpu.memref_squeeze %dma_wait3A_66 : memref<1x128xi32, #tpu.memory_space<vmem>> -> memref<128xi32, #tpu.memory_space<vmem>>
      %dma_wait3A_68 = arith.constant 0 : i32
      %dma_wait3A_69 = arith.constant 0 : i32
      %dma_wait3A_70 = tpu.memref_slice %arg2[%dma_wait3A_68, %dma_wait3A_69] : memref<10240x128xf32, #tpu.memory_space<hbm>> -> memref<10240x128xf32, #tpu.memory_space<hbm>>
      tpu.wait_indirect_dma semaphore(%arg12 : memref<!tpu.dma_semaphore, #tpu.memory_space<semaphore_mem>>) src(%dma_wait3A_70 : memref<10240x128xf32, #tpu.memory_space<hbm>>) dst(%arg9 : memref<128x128xf32, #tpu.memory_space<vmem>>)
      %dma_start3A_71 = arith.constant 0 : i32
      %dma_start3A_72 = tpu.memref_slice %arg8[%mul3A_64, %dma_start3A_71] : memref<40x128xi32, #tpu.memory_space<vmem>> -> memref<1x128xi32, #tpu.memory_space<vmem>>
      %dma_start3A_73 = tpu.memref_squeeze %dma_start3A_72 : memref<1x128xi32, #tpu.memory_space<vmem>> -> memref<128xi32, #tpu.memory_space<vmem>>
      %dma_start3A_74 = arith.constant 0 : i32
      %dma_start3A_75 = arith.constant 0 : i32
      %dma_start3A_76 = tpu.memref_slice %arg11[%dma_start3A_74, %dma_start3A_75] : memref<10240x128xf32, #tpu.memory_space<vmem_shared>> -> memref<10240x128xf32, #tpu.memory_space<vmem_shared>>
      tpu.enqueue_indirect_dma source(%arg9 : memref<128x128xf32, #tpu.memory_space<vmem>>) target(%dma_start3A_76 : memref<10240x128xf32, #tpu.memory_space<vmem_shared>>) offsets(%dma_start3A_73 : memref<128xi32, #tpu.memory_space<vmem>>) semaphore(%arg13 : memref<!tpu.dma_semaphore, #tpu.memory_space<semaphore_mem>>) {add = true}
      %gt3A = arith.constant 0 : i32
      %gt3A_77 = arith.cmpi sgt, %scan3A_62, %gt3A : i32
      %convert_element_type3A_78 = arith.extui %gt3A_77 : i1 to i32
      %cond3A_79 = arith.constant 0 : i32
      %cond3A_80 = arith.cmpi ne, %convert_element_type3A_78, %cond3A_79 : i32
      scf.if %cond3A_80 {
        %dma_wait3A_123 = arith.constant 0 : i32
        %dma_wait3A_124 = tpu.memref_slice %arg8[%mul3A_64, %dma_wait3A_123] : memref<40x128xi32, #tpu.memory_space<vmem>> -> memref<1x128xi32, #tpu.memory_space<vmem>>
        %dma_wait3A_125 = tpu.memref_squeeze %dma_wait3A_124 : memref<1x128xi32, #tpu.memory_space<vmem>> -> memref<128xi32, #tpu.memory_space<vmem>>
        %dma_wait3A_126 = arith.constant 0 : i32
        %dma_wait3A_127 = arith.constant 0 : i32
        %dma_wait3A_128 = tpu.memref_slice %arg11[%dma_wait3A_126, %dma_wait3A_127] : memref<10240x128xf32, #tpu.memory_space<vmem_shared>> -> memref<10240x128xf32, #tpu.memory_space<vmem_shared>>
        tpu.wait_indirect_dma semaphore(%arg13 : memref<!tpu.dma_semaphore, #tpu.memory_space<semaphore_mem>>) src(%arg10 : memref<128x128xf32, #tpu.memory_space<vmem>>) dst(%dma_wait3A_128 : memref<10240x128xf32, #tpu.memory_space<vmem_shared>>)
      } else {
      }
      %add3A_81 = arith.constant 1 : i32
      %add3A_82 = arith.addi %mul3A_64, %add3A_81 : i32
      %dma_start3A_83 = arith.constant 0 : i32
      %dma_start3A_84 = tpu.memref_slice %arg7[%add3A_82, %dma_start3A_83] : memref<40x128xi32, #tpu.memory_space<vmem>> -> memref<1x128xi32, #tpu.memory_space<vmem>>
      %dma_start3A_85 = tpu.memref_squeeze %dma_start3A_84 : memref<1x128xi32, #tpu.memory_space<vmem>> -> memref<128xi32, #tpu.memory_space<vmem>>
      %dma_start3A_86 = arith.constant 0 : i32
      %dma_start3A_87 = arith.constant 0 : i32
      %dma_start3A_88 = tpu.memref_slice %arg2[%dma_start3A_86, %dma_start3A_87] : memref<10240x128xf32, #tpu.memory_space<hbm>> -> memref<10240x128xf32, #tpu.memory_space<hbm>>
      tpu.enqueue_indirect_dma source(%dma_start3A_88 : memref<10240x128xf32, #tpu.memory_space<hbm>>) target(%arg10 : memref<128x128xf32, #tpu.memory_space<vmem>>) offsets(%dma_start3A_85 : memref<128xi32, #tpu.memory_space<vmem>>) semaphore(%arg12 : memref<!tpu.dma_semaphore, #tpu.memory_space<semaphore_mem>>)
      %add3A_89 = arith.constant 1 : i32
      %add3A_90 = arith.addi %mul3A_64, %add3A_89 : i32
      %dma_wait3A_91 = arith.constant 0 : i32
      %dma_wait3A_92 = tpu.memref_slice %arg7[%add3A_90, %dma_wait3A_91] : memref<40x128xi32, #tpu.memory_space<vmem>> -> memref<1x128xi32, #tpu.memory_space<vmem>>
      %dma_wait3A_93 = tpu.memref_squeeze %dma_wait3A_92 : memref<1x128xi32, #tpu.memory_space<vmem>> -> memref<128xi32, #tpu.memory_space<vmem>>
      %dma_wait3A_94 = arith.constant 0 : i32
      %dma_wait3A_95 = arith.constant 0 : i32
      %dma_wait3A_96 = tpu.memref_slice %arg2[%dma_wait3A_94, %dma_wait3A_95] : memref<10240x128xf32, #tpu.memory_space<hbm>> -> memref<10240x128xf32, #tpu.memory_space<hbm>>
      tpu.wait_indirect_dma semaphore(%arg12 : memref<!tpu.dma_semaphore, #tpu.memory_space<semaphore_mem>>) src(%dma_wait3A_96 : memref<10240x128xf32, #tpu.memory_space<hbm>>) dst(%arg10 : memref<128x128xf32, #tpu.memory_space<vmem>>)
      %add3A_97 = arith.constant 1 : i32
      %add3A_98 = arith.addi %mul3A_64, %add3A_97 : i32
      %dma_start3A_99 = arith.constant 0 : i32
      %dma_start3A_100 = tpu.memref_slice %arg8[%add3A_98, %dma_start3A_99] : memref<40x128xi32, #tpu.memory_space<vmem>> -> memref<1x128xi32, #tpu.memory_space<vmem>>
      %dma_start3A_101 = tpu.memref_squeeze %dma_start3A_100 : memref<1x128xi32, #tpu.memory_space<vmem>> -> memref<128xi32, #tpu.memory_space<vmem>>
      %dma_start3A_102 = arith.constant 0 : i32
      %dma_start3A_103 = arith.constant 0 : i32
      %dma_start3A_104 = tpu.memref_slice %arg11[%dma_start3A_102, %dma_start3A_103] : memref<10240x128xf32, #tpu.memory_space<vmem_shared>> -> memref<10240x128xf32, #tpu.memory_space<vmem_shared>>
      tpu.enqueue_indirect_dma source(%arg10 : memref<128x128xf32, #tpu.memory_space<vmem>>) target(%dma_start3A_104 : memref<10240x128xf32, #tpu.memory_space<vmem_shared>>) offsets(%dma_start3A_101 : memref<128xi32, #tpu.memory_space<vmem>>) semaphore(%arg13 : memref<!tpu.dma_semaphore, #tpu.memory_space<semaphore_mem>>) {add = true}
      %dma_wait3A_105 = arith.constant 0 : i32
      %dma_wait3A_106 = tpu.memref_slice %arg8[%mul3A_64, %dma_wait3A_105] : memref<40x128xi32, #tpu.memory_space<vmem>> -> memref<1x128xi32, #tpu.memory_space<vmem>>
      %dma_wait3A_107 = tpu.memref_squeeze %dma_wait3A_106 : memref<1x128xi32, #tpu.memory_space<vmem>> -> memref<128xi32, #tpu.memory_space<vmem>>
      %dma_wait3A_108 = arith.constant 0 : i32
      %dma_wait3A_109 = arith.constant 0 : i32
      %dma_wait3A_110 = tpu.memref_slice %arg11[%dma_wait3A_108, %dma_wait3A_109] : memref<10240x128xf32, #tpu.memory_space<vmem_shared>> -> memref<10240x128xf32, #tpu.memory_space<vmem_shared>>
      tpu.wait_indirect_dma semaphore(%arg13 : memref<!tpu.dma_semaphore, #tpu.memory_space<semaphore_mem>>) src(%arg9 : memref<128x128xf32, #tpu.memory_space<vmem>>) dst(%dma_wait3A_110 : memref<10240x128xf32, #tpu.memory_space<vmem_shared>>)
      %add3A_111 = arith.constant 1 : i32
      %add3A_112 = arith.addi %scan3A_62, %add3A_111 : i32
      %lt3A = arith.constant 20 : i32
      %lt3A_113 = arith.cmpi slt, %add3A_112, %lt3A : i32
      %add3A_114 = arith.constant 2 : i32
      %add3A_115 = arith.addi %mul3A_64, %add3A_114 : i32
      %select_n3A = arith.constant 0 : i32
      %select_n3A_116 = arith.select %lt3A_113, %add3A_115, %select_n3A : i32
      %dma_start3A_117 = arith.constant 0 : i32
      %dma_start3A_118 = tpu.memref_slice %arg7[%select_n3A_116, %dma_start3A_117] : memref<40x128xi32, #tpu.memory_space<vmem>> -> memref<1x128xi32, #tpu.memory_space<vmem>>
      %dma_start3A_119 = tpu.memref_squeeze %dma_start3A_118 : memref<1x128xi32, #tpu.memory_space<vmem>> -> memref<128xi32, #tpu.memory_space<vmem>>
      %dma_start3A_120 = arith.constant 0 : i32
      %dma_start3A_121 = arith.constant 0 : i32
      %dma_start3A_122 = tpu.memref_slice %arg2[%dma_start3A_120, %dma_start3A_121] : memref<10240x128xf32, #tpu.memory_space<hbm>> -> memref<10240x128xf32, #tpu.memory_space<hbm>>
      tpu.enqueue_indirect_dma source(%dma_start3A_122 : memref<10240x128xf32, #tpu.memory_space<hbm>>) target(%arg9 : memref<128x128xf32, #tpu.memory_space<vmem>>) offsets(%dma_start3A_119 : memref<128xi32, #tpu.memory_space<vmem>>) semaphore(%arg12 : memref<!tpu.dma_semaphore, #tpu.memory_space<semaphore_mem>>)
    }
    %scan3A_38 = arith.constant 20 : i32
    %dma_wait3A = arith.constant 0 : i32
    %dma_wait3A_39 = arith.constant 0 : i32
    %dma_wait3A_40 = tpu.memref_slice %arg7[%dma_wait3A, %dma_wait3A_39] : memref<40x128xi32, #tpu.memory_space<vmem>> -> memref<1x128xi32, #tpu.memory_space<vmem>>
    %dma_wait3A_41 = tpu.memref_squeeze %dma_wait3A_40 : memref<1x128xi32, #tpu.memory_space<vmem>> -> memref<128xi32, #tpu.memory_space<vmem>>
    %dma_wait3A_42 = arith.constant 0 : i32
    %dma_wait3A_43 = arith.constant 0 : i32
    %dma_wait3A_44 = tpu.memref_slice %arg2[%dma_wait3A_42, %dma_wait3A_43] : memref<10240x128xf32, #tpu.memory_space<hbm>> -> memref<10240x128xf32, #tpu.memory_space<hbm>>
    tpu.wait_indirect_dma semaphore(%arg12 : memref<!tpu.dma_semaphore, #tpu.memory_space<semaphore_mem>>) src(%dma_wait3A_44 : memref<10240x128xf32, #tpu.memory_space<hbm>>) dst(%arg9 : memref<128x128xf32, #tpu.memory_space<vmem>>)
    %dma_wait3A_45 = arith.constant 0 : i32
    %dma_wait3A_46 = arith.constant 0 : i32
    %dma_wait3A_47 = tpu.memref_slice %arg8[%dma_wait3A_45, %dma_wait3A_46] : memref<40x128xi32, #tpu.memory_space<vmem>> -> memref<1x128xi32, #tpu.memory_space<vmem>>
    %dma_wait3A_48 = tpu.memref_squeeze %dma_wait3A_47 : memref<1x128xi32, #tpu.memory_space<vmem>> -> memref<128xi32, #tpu.memory_space<vmem>>
    %dma_wait3A_49 = arith.constant 0 : i32
    %dma_wait3A_50 = arith.constant 0 : i32
    %dma_wait3A_51 = tpu.memref_slice %arg11[%dma_wait3A_49, %dma_wait3A_50] : memref<10240x128xf32, #tpu.memory_space<vmem_shared>> -> memref<10240x128xf32, #tpu.memory_space<vmem_shared>>
    tpu.wait_indirect_dma semaphore(%arg13 : memref<!tpu.dma_semaphore, #tpu.memory_space<semaphore_mem>>) src(%arg10 : memref<128x128xf32, #tpu.memory_space<vmem>>) dst(%dma_wait3A_51 : memref<10240x128xf32, #tpu.memory_space<vmem_shared>>)
    %barrier3A_52 = arith.constant 0 : index
    tpu.barrier barrier_id(%barrier3A_52)
    %mul3A_53 = arith.constant 640 : i32
    %mul3A_54 = arith.muli %arg1, %mul3A_53 : i32
    %eq3A = arith.constant 0 : i32
    %eq3A_55 = arith.cmpi eq, %arg0, %eq3A : i32
    %convert_element_type3A = arith.extui %eq3A_55 : i1 to i32
    %cond3A = arith.constant 0 : i32
    %cond3A_56 = arith.cmpi ne, %convert_element_type3A, %cond3A : i32
    scf.if %cond3A_56 {
      "tpu.region"() ({
        %run_scoped3A = tpu.sem_alloc : memref<!tpu.dma_semaphore, #tpu.memory_space<semaphore_mem>>
        %dma_start3A_62 = arith.constant 0 : i32
        %dma_start3A_63 = tpu.memref_slice %arg5[%mul3A_54, %dma_start3A_62] : memref<10240x128xf32, #tpu.memory_space<hbm>> -> memref<640x128xf32, #tpu.memory_space<hbm>>
        %dma_start3A_64 = arith.constant 0 : i32
        %dma_start3A_65 = tpu.memref_slice %arg11[%mul3A_54, %dma_start3A_64] : memref<10240x128xf32, #tpu.memory_space<vmem_shared>> -> memref<640x128xf32, #tpu.memory_space<vmem_shared>>
        tpu.enqueue_dma source(%dma_start3A_65 : memref<640x128xf32, #tpu.memory_space<vmem_shared>>) target(%dma_start3A_63 : memref<640x128xf32, #tpu.memory_space<hbm>>) target_semaphore(%run_scoped3A : memref<!tpu.dma_semaphore, #tpu.memory_space<semaphore_mem>>)
        %dma_wait3A_66 = arith.constant 0 : i32
        %dma_wait3A_67 = tpu.memref_slice %arg5[%mul3A_54, %dma_wait3A_66] : memref<10240x128xf32, #tpu.memory_space<hbm>> -> memref<640x128xf32, #tpu.memory_space<hbm>>
        %dma_wait3A_68 = arith.constant 0 : i32
        %dma_wait3A_69 = tpu.memref_slice %arg11[%mul3A_54, %dma_wait3A_68] : memref<10240x128xf32, #tpu.memory_space<vmem_shared>> -> memref<640x128xf32, #tpu.memory_space<vmem_shared>>
        tpu.wait_dma2 semaphore(%run_scoped3A : memref<!tpu.dma_semaphore, #tpu.memory_space<semaphore_mem>>) src(%dma_wait3A_69 : memref<640x128xf32, #tpu.memory_space<vmem_shared>>) dst(%dma_wait3A_67 : memref<640x128xf32, #tpu.memory_space<hbm>>)
        tpu.yield
      }) : () -> ()
    } else {
    }
    %eq3A_57 = arith.constant 1 : i32
    %eq3A_58 = arith.cmpi eq, %arg0, %eq3A_57 : i32
    %convert_element_type3A_59 = arith.extui %eq3A_58 : i1 to i32
    %cond3A_60 = arith.constant 0 : i32
    %cond3A_61 = arith.cmpi ne, %convert_element_type3A_59, %cond3A_60 : i32
    scf.if %cond3A_61 {
      "tpu.region"() ({
        %run_scoped3A = tpu.sem_alloc : memref<!tpu.dma_semaphore, #tpu.memory_space<semaphore_mem>>
        %dma_start3A_62 = arith.constant 0 : i32
        %dma_start3A_63 = tpu.memref_slice %arg6[%mul3A_54, %dma_start3A_62] : memref<10240x128xf32, #tpu.memory_space<hbm>> -> memref<640x128xf32, #tpu.memory_space<hbm>>
        %dma_start3A_64 = arith.constant 0 : i32
        %dma_start3A_65 = tpu.memref_slice %arg11[%mul3A_54, %dma_start3A_64] : memref<10240x128xf32, #tpu.memory_space<vmem_shared>> -> memref<640x128xf32, #tpu.memory_space<vmem_shared>>
        tpu.enqueue_dma source(%dma_start3A_65 : memref<640x128xf32, #tpu.memory_space<vmem_shared>>) target(%dma_start3A_63 : memref<640x128xf32, #tpu.memory_space<hbm>>) target_semaphore(%run_scoped3A : memref<!tpu.dma_semaphore, #tpu.memory_space<semaphore_mem>>)
        %dma_wait3A_66 = arith.constant 0 : i32
        %dma_wait3A_67 = tpu.memref_slice %arg6[%mul3A_54, %dma_wait3A_66] : memref<10240x128xf32, #tpu.memory_space<hbm>> -> memref<640x128xf32, #tpu.memory_space<hbm>>
        %dma_wait3A_68 = arith.constant 0 : i32
        %dma_wait3A_69 = tpu.memref_slice %arg11[%mul3A_54, %dma_wait3A_68] : memref<10240x128xf32, #tpu.memory_space<vmem_shared>> -> memref<640x128xf32, #tpu.memory_space<vmem_shared>>
        tpu.wait_dma2 semaphore(%run_scoped3A : memref<!tpu.dma_semaphore, #tpu.memory_space<semaphore_mem>>) src(%dma_wait3A_69 : memref<640x128xf32, #tpu.memory_space<vmem_shared>>) dst(%dma_wait3A_67 : memref<640x128xf32, #tpu.memory_space<hbm>>)
        tpu.yield
      }) : () -> ()
    } else {
    }
    return
  }
}

#map = affine_map<(d0, d1) -> (0, 0)>
#map1 = affine_map<(d0, d1) -> (0, 0, 0)>
module attributes {stable_mosaic.version = 14 : i64} {
  func.func @agg(%arg0: i32, %arg1: i32, %arg2: memref<10240x128xf32, #tpu.memory_space<hbm>>, %arg3: memref<10240x128xf32, #tpu.memory_space<hbm>>, %arg4: memref<16x80x128xi32, #tpu.memory_space<hbm>>, %arg5: memref<16x80x128xi32, #tpu.memory_space<hbm>>, %arg6: memref<10240x128xf32, #tpu.memory_space<hbm>>, %arg7: memref<10240x128xf32, #tpu.memory_space<hbm>>, %arg8: memref<40x128xi32, #tpu.memory_space<vmem>>, %arg9: memref<40x128xi32, #tpu.memory_space<vmem>>, %arg10: memref<128x128xf32, #tpu.memory_space<vmem>>, %arg11: memref<128x128xf32, #tpu.memory_space<vmem>>, %arg12: memref<10240x128xf32, #tpu.memory_space<vmem_shared>>, %arg13: memref<!tpu.dma_semaphore, #tpu.memory_space<semaphore_mem>>, %arg14: memref<!tpu.dma_semaphore, #tpu.memory_space<semaphore_mem>>) attributes {dimension_semantics = [#tpu.dimension_semantics<core_parallel>, #tpu.dimension_semantics<subcore_parallel>], iteration_bounds = array<i64: 2, 16>, scalar_prefetch = 0 : i64, scratch_operands = 7 : i64, tpu.core_type = #tpu.core_type<sc_vector_subcore>, window_params = [{transform_indices = #map}, {transform_indices = #map}, {transform_indices = #map1}, {transform_indices = #map1}, {transform_indices = #map}, {transform_indices = #map}]} {
    %broadcast_in_dim3A = arith.constant 0.000000e+00 : f32
    %broadcast_in_dim3A_0 = vector.broadcast %broadcast_in_dim3A : f32 to vector<16xf32>
    %scan3A = arith.constant 0 : i32
    %scan3A_1 = arith.constant 0 : i32
    %scan3A_2 = arith.constant 128 : i32
    %scan3A_3 = arith.addi %scan3A_1, %scan3A_2 : i32
    %scan3A_4 = arith.constant 1 : i32
    scf.for %scan3A_44 = %scan3A_1 to %scan3A_3 step %scan3A_4  : i32 {
      %swap3A = arith.index_cast %scan3A_44 : i32 to index
      %swap3A_45 = arith.constant 0 : index
      %swap3A_46 = tpu.vector_load %arg10[%swap3A, %swap3A_45] {strides = array<i32>} : memref<128x128xf32, #tpu.memory_space<vmem>>, vector<1x16xf32>,
      %swap3A_47 = vector.shape_cast %swap3A_46 : vector<1x16xf32> to vector<16xf32>
      %swap3A_48 = vector.shape_cast %broadcast_in_dim3A_0 : vector<16xf32> to vector<1x16xf32>
      tpu.vector_store %arg10[%swap3A, %swap3A_45], %swap3A_48 {strides = array<i32>} : memref<128x128xf32, #tpu.memory_space<vmem>>, vector<1x16xf32>,
      %swap3A_49 = arith.index_cast %scan3A_44 : i32 to index
      %swap3A_50 = arith.constant 16 : index
      %swap3A_51 = tpu.vector_load %arg10[%swap3A_49, %swap3A_50] {strides = array<i32>} : memref<128x128xf32, #tpu.memory_space<vmem>>, vector<1x16xf32>,
      %swap3A_52 = vector.shape_cast %swap3A_51 : vector<1x16xf32> to vector<16xf32>
      %swap3A_53 = vector.shape_cast %broadcast_in_dim3A_0 : vector<16xf32> to vector<1x16xf32>
      tpu.vector_store %arg10[%swap3A_49, %swap3A_50], %swap3A_53 {strides = array<i32>} : memref<128x128xf32, #tpu.memory_space<vmem>>, vector<1x16xf32>,
      %swap3A_54 = arith.index_cast %scan3A_44 : i32 to index
      %swap3A_55 = arith.constant 32 : index
      %swap3A_56 = tpu.vector_load %arg10[%swap3A_54, %swap3A_55] {strides = array<i32>} : memref<128x128xf32, #tpu.memory_space<vmem>>, vector<1x16xf32>,
      %swap3A_57 = vector.shape_cast %swap3A_56 : vector<1x16xf32> to vector<16xf32>
      %swap3A_58 = vector.shape_cast %broadcast_in_dim3A_0 : vector<16xf32> to vector<1x16xf32>
      tpu.vector_store %arg10[%swap3A_54, %swap3A_55], %swap3A_58 {strides = array<i32>} : memref<128x128xf32, #tpu.memory_space<vmem>>, vector<1x16xf32>,
      %swap3A_59 = arith.index_cast %scan3A_44 : i32 to index
      %swap3A_60 = arith.constant 48 : index
      %swap3A_61 = tpu.vector_load %arg10[%swap3A_59, %swap3A_60] {strides = array<i32>} : memref<128x128xf32, #tpu.memory_space<vmem>>, vector<1x16xf32>,
      %swap3A_62 = vector.shape_cast %swap3A_61 : vector<1x16xf32> to vector<16xf32>
      %swap3A_63 = vector.shape_cast %broadcast_in_dim3A_0 : vector<16xf32> to vector<1x16xf32>
      tpu.vector_store %arg10[%swap3A_59, %swap3A_60], %swap3A_63 {strides = array<i32>} : memref<128x128xf32, #tpu.memory_space<vmem>>, vector<1x16xf32>,
      %swap3A_64 = arith.index_cast %scan3A_44 : i32 to index
      %swap3A_65 = arith.constant 64 : index
      %swap3A_66 = tpu.vector_load %arg10[%swap3A_64, %swap3A_65] {strides = array<i32>} : memref<128x128xf32, #tpu.memory_space<vmem>>, vector<1x16xf32>,
      %swap3A_67 = vector.shape_cast %swap3A_66 : vector<1x16xf32> to vector<16xf32>
      %swap3A_68 = vector.shape_cast %broadcast_in_dim3A_0 : vector<16xf32> to vector<1x16xf32>
      tpu.vector_store %arg10[%swap3A_64, %swap3A_65], %swap3A_68 {strides = array<i32>} : memref<128x128xf32, #tpu.memory_space<vmem>>, vector<1x16xf32>,
      %swap3A_69 = arith.index_cast %scan3A_44 : i32 to index
      %swap3A_70 = arith.constant 80 : index
      %swap3A_71 = tpu.vector_load %arg10[%swap3A_69, %swap3A_70] {strides = array<i32>} : memref<128x128xf32, #tpu.memory_space<vmem>>, vector<1x16xf32>,
      %swap3A_72 = vector.shape_cast %swap3A_71 : vector<1x16xf32> to vector<16xf32>
      %swap3A_73 = vector.shape_cast %broadcast_in_dim3A_0 : vector<16xf32> to vector<1x16xf32>
      tpu.vector_store %arg10[%swap3A_69, %swap3A_70], %swap3A_73 {strides = array<i32>} : memref<128x128xf32, #tpu.memory_space<vmem>>, vector<1x16xf32>,
      %swap3A_74 = arith.index_cast %scan3A_44 : i32 to index
      %swap3A_75 = arith.constant 96 : index
      %swap3A_76 = tpu.vector_load %arg10[%swap3A_74, %swap3A_75] {strides = array<i32>} : memref<128x128xf32, #tpu.memory_space<vmem>>, vector<1x16xf32>,
      %swap3A_77 = vector.shape_cast %swap3A_76 : vector<1x16xf32> to vector<16xf32>
      %swap3A_78 = vector.shape_cast %broadcast_in_dim3A_0 : vector<16xf32> to vector<1x16xf32>
      tpu.vector_store %arg10[%swap3A_74, %swap3A_75], %swap3A_78 {strides = array<i32>} : memref<128x128xf32, #tpu.memory_space<vmem>>, vector<1x16xf32>,
      %swap3A_79 = arith.index_cast %scan3A_44 : i32 to index
      %swap3A_80 = arith.constant 112 : index
      %swap3A_81 = tpu.vector_load %arg10[%swap3A_79, %swap3A_80] {strides = array<i32>} : memref<128x128xf32, #tpu.memory_space<vmem>>, vector<1x16xf32>,
      %swap3A_82 = vector.shape_cast %swap3A_81 : vector<1x16xf32> to vector<16xf32>
      %swap3A_83 = vector.shape_cast %broadcast_in_dim3A_0 : vector<16xf32> to vector<1x16xf32>
      tpu.vector_store %arg10[%swap3A_79, %swap3A_80], %swap3A_83 {strides = array<i32>} : memref<128x128xf32, #tpu.memory_space<vmem>>, vector<1x16xf32>,
    }
    %scan3A_5 = arith.constant 128 : i32
    %mul3A = arith.constant 640 : i32
    %mul3A_6 = arith.muli %arg1, %mul3A : i32
    %add3A = arith.constant 0 : i32
    %add3A_7 = arith.addi %mul3A_6, %add3A : i32
    "tpu.region"() ({
      %run_scoped3A = tpu.sem_alloc : memref<!tpu.dma_semaphore, #tpu.memory_space<semaphore_mem>>
      %dma_start3A = arith.constant 0 : i32
      %dma_start3A_44 = tpu.memref_slice %arg12[%add3A_7, %dma_start3A] : memref<10240x128xf32, #tpu.memory_space<vmem_shared>> -> memref<128x128xf32, #tpu.memory_space<vmem_shared>>
      %dma_start3A_45 = arith.constant 0 : i32
      %dma_start3A_46 = tpu.memref_slice %arg12[%add3A_7, %dma_start3A_45] : memref<10240x128xf32, #tpu.memory_space<vmem_shared>> -> memref<128x128xf32, #tpu.memory_space<vmem_shared>>
      tpu.enqueue_dma source(%arg10 : memref<128x128xf32, #tpu.memory_space<vmem>>) target(%dma_start3A_46 : memref<128x128xf32, #tpu.memory_space<vmem_shared>>) target_semaphore(%run_scoped3A : memref<!tpu.dma_semaphore, #tpu.memory_space<semaphore_mem>>)
      %dma_wait3A = arith.constant 0 : i32
      %dma_wait3A_47 = tpu.memref_slice %arg12[%add3A_7, %dma_wait3A] : memref<10240x128xf32, #tpu.memory_space<vmem_shared>> -> memref<128x128xf32, #tpu.memory_space<vmem_shared>>
      %dma_wait3A_48 = arith.constant 0 : i32
      %dma_wait3A_49 = tpu.memref_slice %arg12[%add3A_7, %dma_wait3A_48] : memref<10240x128xf32, #tpu.memory_space<vmem_shared>> -> memref<128x128xf32, #tpu.memory_space<vmem_shared>>
      tpu.wait_dma2 semaphore(%run_scoped3A : memref<!tpu.dma_semaphore, #tpu.memory_space<semaphore_mem>>) src(%arg10 : memref<128x128xf32, #tpu.memory_space<vmem>>) dst(%dma_wait3A_49 : memref<128x128xf32, #tpu.memory_space<vmem_shared>>)
      tpu.yield
    }) : () -> ()
    %mul3A_8 = arith.constant 640 : i32
    %mul3A_9 = arith.muli %arg1, %mul3A_8 : i32
    %add3A_10 = arith.constant 128 : i32
    %add3A_11 = arith.addi %mul3A_9, %add3A_10 : i32
    "tpu.region"() ({
      %run_scoped3A = tpu.sem_alloc : memref<!tpu.dma_semaphore, #tpu.memory_space<semaphore_mem>>
      %dma_start3A = arith.constant 0 : i32
      %dma_start3A_44 = tpu.memref_slice %arg12[%add3A_11, %dma_start3A] : memref<10240x128xf32, #tpu.memory_space<vmem_shared>> -> memref<128x128xf32, #tpu.memory_space<vmem_shared>>
      %dma_start3A_45 = arith.constant 0 : i32
      %dma_start3A_46 = tpu.memref_slice %arg12[%add3A_11, %dma_start3A_45] : memref<10240x128xf32, #tpu.memory_space<vmem_shared>> -> memref<128x128xf32, #tpu.memory_space<vmem_shared>>
      tpu.enqueue_dma source(%arg10 : memref<128x128xf32, #tpu.memory_space<vmem>>) target(%dma_start3A_46 : memref<128x128xf32, #tpu.memory_space<vmem_shared>>) target_semaphore(%run_scoped3A : memref<!tpu.dma_semaphore, #tpu.memory_space<semaphore_mem>>)
      %dma_wait3A = arith.constant 0 : i32
      %dma_wait3A_47 = tpu.memref_slice %arg12[%add3A_11, %dma_wait3A] : memref<10240x128xf32, #tpu.memory_space<vmem_shared>> -> memref<128x128xf32, #tpu.memory_space<vmem_shared>>
      %dma_wait3A_48 = arith.constant 0 : i32
      %dma_wait3A_49 = tpu.memref_slice %arg12[%add3A_11, %dma_wait3A_48] : memref<10240x128xf32, #tpu.memory_space<vmem_shared>> -> memref<128x128xf32, #tpu.memory_space<vmem_shared>>
      tpu.wait_dma2 semaphore(%run_scoped3A : memref<!tpu.dma_semaphore, #tpu.memory_space<semaphore_mem>>) src(%arg10 : memref<128x128xf32, #tpu.memory_space<vmem>>) dst(%dma_wait3A_49 : memref<128x128xf32, #tpu.memory_space<vmem_shared>>)
      tpu.yield
    }) : () -> ()
    %mul3A_12 = arith.constant 640 : i32
    %mul3A_13 = arith.muli %arg1, %mul3A_12 : i32
    %add3A_14 = arith.constant 256 : i32
    %add3A_15 = arith.addi %mul3A_13, %add3A_14 : i32
    "tpu.region"() ({
      %run_scoped3A = tpu.sem_alloc : memref<!tpu.dma_semaphore, #tpu.memory_space<semaphore_mem>>
      %dma_start3A = arith.constant 0 : i32
      %dma_start3A_44 = tpu.memref_slice %arg12[%add3A_15, %dma_start3A] : memref<10240x128xf32, #tpu.memory_space<vmem_shared>> -> memref<128x128xf32, #tpu.memory_space<vmem_shared>>
      %dma_start3A_45 = arith.constant 0 : i32
      %dma_start3A_46 = tpu.memref_slice %arg12[%add3A_15, %dma_start3A_45] : memref<10240x128xf32, #tpu.memory_space<vmem_shared>> -> memref<128x128xf32, #tpu.memory_space<vmem_shared>>
      tpu.enqueue_dma source(%arg10 : memref<128x128xf32, #tpu.memory_space<vmem>>) target(%dma_start3A_46 : memref<128x128xf32, #tpu.memory_space<vmem_shared>>) target_semaphore(%run_scoped3A : memref<!tpu.dma_semaphore, #tpu.memory_space<semaphore_mem>>)
      %dma_wait3A = arith.constant 0 : i32
      %dma_wait3A_47 = tpu.memref_slice %arg12[%add3A_15, %dma_wait3A] : memref<10240x128xf32, #tpu.memory_space<vmem_shared>> -> memref<128x128xf32, #tpu.memory_space<vmem_shared>>
      %dma_wait3A_48 = arith.constant 0 : i32
      %dma_wait3A_49 = tpu.memref_slice %arg12[%add3A_15, %dma_wait3A_48] : memref<10240x128xf32, #tpu.memory_space<vmem_shared>> -> memref<128x128xf32, #tpu.memory_space<vmem_shared>>
      tpu.wait_dma2 semaphore(%run_scoped3A : memref<!tpu.dma_semaphore, #tpu.memory_space<semaphore_mem>>) src(%arg10 : memref<128x128xf32, #tpu.memory_space<vmem>>) dst(%dma_wait3A_49 : memref<128x128xf32, #tpu.memory_space<vmem_shared>>)
      tpu.yield
    }) : () -> ()
    %mul3A_16 = arith.constant 640 : i32
    %mul3A_17 = arith.muli %arg1, %mul3A_16 : i32
    %add3A_18 = arith.constant 384 : i32
    %add3A_19 = arith.addi %mul3A_17, %add3A_18 : i32
    "tpu.region"() ({
      %run_scoped3A = tpu.sem_alloc : memref<!tpu.dma_semaphore, #tpu.memory_space<semaphore_mem>>
      %dma_start3A = arith.constant 0 : i32
      %dma_start3A_44 = tpu.memref_slice %arg12[%add3A_19, %dma_start3A] : memref<10240x128xf32, #tpu.memory_space<vmem_shared>> -> memref<128x128xf32, #tpu.memory_space<vmem_shared>>
      %dma_start3A_45 = arith.constant 0 : i32
      %dma_start3A_46 = tpu.memref_slice %arg12[%add3A_19, %dma_start3A_45] : memref<10240x128xf32, #tpu.memory_space<vmem_shared>> -> memref<128x128xf32, #tpu.memory_space<vmem_shared>>
      tpu.enqueue_dma source(%arg10 : memref<128x128xf32, #tpu.memory_space<vmem>>) target(%dma_start3A_46 : memref<128x128xf32, #tpu.memory_space<vmem_shared>>) target_semaphore(%run_scoped3A : memref<!tpu.dma_semaphore, #tpu.memory_space<semaphore_mem>>)
      %dma_wait3A = arith.constant 0 : i32
      %dma_wait3A_47 = tpu.memref_slice %arg12[%add3A_19, %dma_wait3A] : memref<10240x128xf32, #tpu.memory_space<vmem_shared>> -> memref<128x128xf32, #tpu.memory_space<vmem_shared>>
      %dma_wait3A_48 = arith.constant 0 : i32
      %dma_wait3A_49 = tpu.memref_slice %arg12[%add3A_19, %dma_wait3A_48] : memref<10240x128xf32, #tpu.memory_space<vmem_shared>> -> memref<128x128xf32, #tpu.memory_space<vmem_shared>>
      tpu.wait_dma2 semaphore(%run_scoped3A : memref<!tpu.dma_semaphore, #tpu.memory_space<semaphore_mem>>) src(%arg10 : memref<128x128xf32, #tpu.memory_space<vmem>>) dst(%dma_wait3A_49 : memref<128x128xf32, #tpu.memory_space<vmem_shared>>)
      tpu.yield
    }) : () -> ()
    %mul3A_20 = arith.constant 640 : i32
    %mul3A_21 = arith.muli %arg1, %mul3A_20 : i32
    %add3A_22 = arith.constant 512 : i32
    %add3A_23 = arith.addi %mul3A_21, %add3A_22 : i32
    "tpu.region"() ({
      %run_scoped3A = tpu.sem_alloc : memref<!tpu.dma_semaphore, #tpu.memory_space<semaphore_mem>>
      %dma_start3A = arith.constant 0 : i32
      %dma_start3A_44 = tpu.memref_slice %arg12[%add3A_23, %dma_start3A] : memref<10240x128xf32, #tpu.memory_space<vmem_shared>> -> memref<128x128xf32, #tpu.memory_space<vmem_shared>>
      %dma_start3A_45 = arith.constant 0 : i32
      %dma_start3A_46 = tpu.memref_slice %arg12[%add3A_23, %dma_start3A_45] : memref<10240x128xf32, #tpu.memory_space<vmem_shared>> -> memref<128x128xf32, #tpu.memory_space<vmem_shared>>
      tpu.enqueue_dma source(%arg10 : memref<128x128xf32, #tpu.memory_space<vmem>>) target(%dma_start3A_46 : memref<128x128xf32, #tpu.memory_space<vmem_shared>>) target_semaphore(%run_scoped3A : memref<!tpu.dma_semaphore, #tpu.memory_space<semaphore_mem>>)
      %dma_wait3A = arith.constant 0 : i32
      %dma_wait3A_47 = tpu.memref_slice %arg12[%add3A_23, %dma_wait3A] : memref<10240x128xf32, #tpu.memory_space<vmem_shared>> -> memref<128x128xf32, #tpu.memory_space<vmem_shared>>
      %dma_wait3A_48 = arith.constant 0 : i32
      %dma_wait3A_49 = tpu.memref_slice %arg12[%add3A_23, %dma_wait3A_48] : memref<10240x128xf32, #tpu.memory_space<vmem_shared>> -> memref<128x128xf32, #tpu.memory_space<vmem_shared>>
      tpu.wait_dma2 semaphore(%run_scoped3A : memref<!tpu.dma_semaphore, #tpu.memory_space<semaphore_mem>>) src(%arg10 : memref<128x128xf32, #tpu.memory_space<vmem>>) dst(%dma_wait3A_49 : memref<128x128xf32, #tpu.memory_space<vmem_shared>>)
      tpu.yield
    }) : () -> ()
    %barrier3A = arith.constant 0 : index
    tpu.barrier barrier_id(%barrier3A)
    %eq3A = arith.constant 0 : i32
    %eq3A_24 = arith.cmpi eq, %arg0, %eq3A : i32
    %convert_element_type3A = arith.extui %eq3A_24 : i1 to i32
    %cond3A = arith.constant 0 : i32
    %cond3A_25 = arith.cmpi ne, %convert_element_type3A, %cond3A : i32
    scf.if %cond3A_25 {
      "tpu.region"() ({
        %run_scoped3A = tpu.sem_alloc : memref<!tpu.dma_semaphore, #tpu.memory_space<semaphore_mem>>
        %dma_start3A_96 = arith.constant 0 : i32
        %dma_start3A_97 = arith.constant 0 : i32
        %dma_start3A_98 = tpu.memref_slice %arg4[%arg1, %dma_start3A_96, %dma_start3A_97] : memref<16x80x128xi32, #tpu.memory_space<hbm>> -> memref<1x40x128xi32, #tpu.memory_space<hbm>>
        %dma_start3A_99 = tpu.memref_squeeze %dma_start3A_98 : memref<1x40x128xi32, #tpu.memory_space<hbm>> -> memref<40x128xi32, #tpu.memory_space<hbm>>
        %dma_start3A_100 = arith.constant 0 : i32
        %dma_start3A_101 = arith.constant 0 : i32
        %dma_start3A_102 = tpu.memref_slice %arg4[%arg1, %dma_start3A_100, %dma_start3A_101] : memref<16x80x128xi32, #tpu.memory_space<hbm>> -> memref<1x40x128xi32, #tpu.memory_space<hbm>>
        %dma_start3A_103 = tpu.memref_squeeze %dma_start3A_102 : memref<1x40x128xi32, #tpu.memory_space<hbm>> -> memref<40x128xi32, #tpu.memory_space<hbm>>
        tpu.enqueue_dma source(%dma_start3A_103 : memref<40x128xi32, #tpu.memory_space<hbm>>) target(%arg8 : memref<40x128xi32, #tpu.memory_space<vmem>>) target_semaphore(%run_scoped3A : memref<!tpu.dma_semaphore, #tpu.memory_space<semaphore_mem>>)
        %dma_wait3A_104 = arith.constant 0 : i32
        %dma_wait3A_105 = arith.constant 0 : i32
        %dma_wait3A_106 = tpu.memref_slice %arg4[%arg1, %dma_wait3A_104, %dma_wait3A_105] : memref<16x80x128xi32, #tpu.memory_space<hbm>> -> memref<1x40x128xi32, #tpu.memory_space<hbm>>
        %dma_wait3A_107 = tpu.memref_squeeze %dma_wait3A_106 : memref<1x40x128xi32, #tpu.memory_space<hbm>> -> memref<40x128xi32, #tpu.memory_space<hbm>>
        %dma_wait3A_108 = arith.constant 0 : i32
        %dma_wait3A_109 = arith.constant 0 : i32
        %dma_wait3A_110 = tpu.memref_slice %arg4[%arg1, %dma_wait3A_108, %dma_wait3A_109] : memref<16x80x128xi32, #tpu.memory_space<hbm>> -> memref<1x40x128xi32, #tpu.memory_space<hbm>>
        %dma_wait3A_111 = tpu.memref_squeeze %dma_wait3A_110 : memref<1x40x128xi32, #tpu.memory_space<hbm>> -> memref<40x128xi32, #tpu.memory_space<hbm>>
        tpu.wait_dma2 semaphore(%run_scoped3A : memref<!tpu.dma_semaphore, #tpu.memory_space<semaphore_mem>>) src(%dma_wait3A_111 : memref<40x128xi32, #tpu.memory_space<hbm>>) dst(%arg8 : memref<40x128xi32, #tpu.memory_space<vmem>>)
        tpu.yield
      }) : () -> ()
      "tpu.region"() ({
        %run_scoped3A = tpu.sem_alloc : memref<!tpu.dma_semaphore, #tpu.memory_space<semaphore_mem>>
        %dma_start3A_96 = arith.constant 0 : i32
        %dma_start3A_97 = arith.constant 0 : i32
        %dma_start3A_98 = tpu.memref_slice %arg5[%arg1, %dma_start3A_96, %dma_start3A_97] : memref<16x80x128xi32, #tpu.memory_space<hbm>> -> memref<1x40x128xi32, #tpu.memory_space<hbm>>
        %dma_start3A_99 = tpu.memref_squeeze %dma_start3A_98 : memref<1x40x128xi32, #tpu.memory_space<hbm>> -> memref<40x128xi32, #tpu.memory_space<hbm>>
        %dma_start3A_100 = arith.constant 0 : i32
        %dma_start3A_101 = arith.constant 0 : i32
        %dma_start3A_102 = tpu.memref_slice %arg5[%arg1, %dma_start3A_100, %dma_start3A_101] : memref<16x80x128xi32, #tpu.memory_space<hbm>> -> memref<1x40x128xi32, #tpu.memory_space<hbm>>
        %dma_start3A_103 = tpu.memref_squeeze %dma_start3A_102 : memref<1x40x128xi32, #tpu.memory_space<hbm>> -> memref<40x128xi32, #tpu.memory_space<hbm>>
        tpu.enqueue_dma source(%dma_start3A_103 : memref<40x128xi32, #tpu.memory_space<hbm>>) target(%arg9 : memref<40x128xi32, #tpu.memory_space<vmem>>) target_semaphore(%run_scoped3A : memref<!tpu.dma_semaphore, #tpu.memory_space<semaphore_mem>>)
        %dma_wait3A_104 = arith.constant 0 : i32
        %dma_wait3A_105 = arith.constant 0 : i32
        %dma_wait3A_106 = tpu.memref_slice %arg5[%arg1, %dma_wait3A_104, %dma_wait3A_105] : memref<16x80x128xi32, #tpu.memory_space<hbm>> -> memref<1x40x128xi32, #tpu.memory_space<hbm>>
        %dma_wait3A_107 = tpu.memref_squeeze %dma_wait3A_106 : memref<1x40x128xi32, #tpu.memory_space<hbm>> -> memref<40x128xi32, #tpu.memory_space<hbm>>
        %dma_wait3A_108 = arith.constant 0 : i32
        %dma_wait3A_109 = arith.constant 0 : i32
        %dma_wait3A_110 = tpu.memref_slice %arg5[%arg1, %dma_wait3A_108, %dma_wait3A_109] : memref<16x80x128xi32, #tpu.memory_space<hbm>> -> memref<1x40x128xi32, #tpu.memory_space<hbm>>
        %dma_wait3A_111 = tpu.memref_squeeze %dma_wait3A_110 : memref<1x40x128xi32, #tpu.memory_space<hbm>> -> memref<40x128xi32, #tpu.memory_space<hbm>>
        tpu.wait_dma2 semaphore(%run_scoped3A : memref<!tpu.dma_semaphore, #tpu.memory_space<semaphore_mem>>) src(%dma_wait3A_111 : memref<40x128xi32, #tpu.memory_space<hbm>>) dst(%arg9 : memref<40x128xi32, #tpu.memory_space<vmem>>)
        tpu.yield
      }) : () -> ()
      %dma_start3A = arith.constant 0 : i32
      %dma_start3A_44 = arith.constant 0 : i32
      %dma_start3A_45 = tpu.memref_slice %arg8[%dma_start3A, %dma_start3A_44] : memref<40x128xi32, #tpu.memory_space<vmem>> -> memref<1x128xi32, #tpu.memory_space<vmem>>
      %dma_start3A_46 = tpu.memref_squeeze %dma_start3A_45 : memref<1x128xi32, #tpu.memory_space<vmem>> -> memref<128xi32, #tpu.memory_space<vmem>>
      %dma_start3A_47 = arith.constant 0 : i32
      %dma_start3A_48 = arith.constant 0 : i32
      %dma_start3A_49 = tpu.memref_slice %arg2[%dma_start3A_47, %dma_start3A_48] : memref<10240x128xf32, #tpu.memory_space<hbm>> -> memref<10240x128xf32, #tpu.memory_space<hbm>>
      tpu.enqueue_indirect_dma source(%dma_start3A_49 : memref<10240x128xf32, #tpu.memory_space<hbm>>) target(%arg10 : memref<128x128xf32, #tpu.memory_space<vmem>>) offsets(%dma_start3A_46 : memref<128xi32, #tpu.memory_space<vmem>>) semaphore(%arg13 : memref<!tpu.dma_semaphore, #tpu.memory_space<semaphore_mem>>)
      %scan3A_50 = arith.constant 0 : i32
      %scan3A_51 = arith.constant 0 : i32
      %scan3A_52 = arith.constant 20 : i32
      %scan3A_53 = arith.addi %scan3A_51, %scan3A_52 : i32
      %scan3A_54 = arith.constant 1 : i32
      scf.for %scan3A_96 = %scan3A_51 to %scan3A_53 step %scan3A_54  : i32 {
        %mul3A_97 = arith.constant 2 : i32
        %mul3A_98 = arith.muli %mul3A_97, %scan3A_96 : i32
        %dma_wait3A_99 = arith.constant 0 : i32
        %dma_wait3A_100 = tpu.memref_slice %arg8[%mul3A_98, %dma_wait3A_99] : memref<40x128xi32, #tpu.memory_space<vmem>> -> memref<1x128xi32, #tpu.memory_space<vmem>>
        %dma_wait3A_101 = tpu.memref_squeeze %dma_wait3A_100 : memref<1x128xi32, #tpu.memory_space<vmem>> -> memref<128xi32, #tpu.memory_space<vmem>>
        %dma_wait3A_102 = arith.constant 0 : i32
        %dma_wait3A_103 = arith.constant 0 : i32
        %dma_wait3A_104 = tpu.memref_slice %arg2[%dma_wait3A_102, %dma_wait3A_103] : memref<10240x128xf32, #tpu.memory_space<hbm>> -> memref<10240x128xf32, #tpu.memory_space<hbm>>
        tpu.wait_indirect_dma semaphore(%arg13 : memref<!tpu.dma_semaphore, #tpu.memory_space<semaphore_mem>>) src(%dma_wait3A_104 : memref<10240x128xf32, #tpu.memory_space<hbm>>) dst(%arg10 : memref<128x128xf32, #tpu.memory_space<vmem>>)
        %dma_start3A_105 = arith.constant 0 : i32
        %dma_start3A_106 = tpu.memref_slice %arg9[%mul3A_98, %dma_start3A_105] : memref<40x128xi32, #tpu.memory_space<vmem>> -> memref<1x128xi32, #tpu.memory_space<vmem>>
        %dma_start3A_107 = tpu.memref_squeeze %dma_start3A_106 : memref<1x128xi32, #tpu.memory_space<vmem>> -> memref<128xi32, #tpu.memory_space<vmem>>
        %dma_start3A_108 = arith.constant 0 : i32
        %dma_start3A_109 = arith.constant 0 : i32
        %dma_start3A_110 = tpu.memref_slice %arg12[%dma_start3A_108, %dma_start3A_109] : memref<10240x128xf32, #tpu.memory_space<vmem_shared>> -> memref<10240x128xf32, #tpu.memory_space<vmem_shared>>
        tpu.enqueue_indirect_dma source(%arg10 : memref<128x128xf32, #tpu.memory_space<vmem>>) target(%dma_start3A_110 : memref<10240x128xf32, #tpu.memory_space<vmem_shared>>) offsets(%dma_start3A_107 : memref<128xi32, #tpu.memory_space<vmem>>) semaphore(%arg14 : memref<!tpu.dma_semaphore, #tpu.memory_space<semaphore_mem>>) {add = true}
        %gt3A = arith.constant 0 : i32
        %gt3A_111 = arith.cmpi sgt, %scan3A_96, %gt3A : i32
        %convert_element_type3A_112 = arith.extui %gt3A_111 : i1 to i32
        %cond3A_113 = arith.constant 0 : i32
        %cond3A_114 = arith.cmpi ne, %convert_element_type3A_112, %cond3A_113 : i32
        scf.if %cond3A_114 {
          %dma_wait3A_157 = arith.constant 0 : i32
          %dma_wait3A_158 = tpu.memref_slice %arg9[%mul3A_98, %dma_wait3A_157] : memref<40x128xi32, #tpu.memory_space<vmem>> -> memref<1x128xi32, #tpu.memory_space<vmem>>
          %dma_wait3A_159 = tpu.memref_squeeze %dma_wait3A_158 : memref<1x128xi32, #tpu.memory_space<vmem>> -> memref<128xi32, #tpu.memory_space<vmem>>
          %dma_wait3A_160 = arith.constant 0 : i32
          %dma_wait3A_161 = arith.constant 0 : i32
          %dma_wait3A_162 = tpu.memref_slice %arg12[%dma_wait3A_160, %dma_wait3A_161] : memref<10240x128xf32, #tpu.memory_space<vmem_shared>> -> memref<10240x128xf32, #tpu.memory_space<vmem_shared>>
          tpu.wait_indirect_dma semaphore(%arg14 : memref<!tpu.dma_semaphore, #tpu.memory_space<semaphore_mem>>) src(%arg11 : memref<128x128xf32, #tpu.memory_space<vmem>>) dst(%dma_wait3A_162 : memref<10240x128xf32, #tpu.memory_space<vmem_shared>>)
        } else {
        }
        %add3A_115 = arith.constant 1 : i32
        %add3A_116 = arith.addi %mul3A_98, %add3A_115 : i32
        %dma_start3A_117 = arith.constant 0 : i32
        %dma_start3A_118 = tpu.memref_slice %arg8[%add3A_116, %dma_start3A_117] : memref<40x128xi32, #tpu.memory_space<vmem>> -> memref<1x128xi32, #tpu.memory_space<vmem>>
        %dma_start3A_119 = tpu.memref_squeeze %dma_start3A_118 : memref<1x128xi32, #tpu.memory_space<vmem>> -> memref<128xi32, #tpu.memory_space<vmem>>
        %dma_start3A_120 = arith.constant 0 : i32
        %dma_start3A_121 = arith.constant 0 : i32
        %dma_start3A_122 = tpu.memref_slice %arg2[%dma_start3A_120, %dma_start3A_121] : memref<10240x128xf32, #tpu.memory_space<hbm>> -> memref<10240x128xf32, #tpu.memory_space<hbm>>
        tpu.enqueue_indirect_dma source(%dma_start3A_122 : memref<10240x128xf32, #tpu.memory_space<hbm>>) target(%arg11 : memref<128x128xf32, #tpu.memory_space<vmem>>) offsets(%dma_start3A_119 : memref<128xi32, #tpu.memory_space<vmem>>) semaphore(%arg13 : memref<!tpu.dma_semaphore, #tpu.memory_space<semaphore_mem>>)
        %add3A_123 = arith.constant 1 : i32
        %add3A_124 = arith.addi %mul3A_98, %add3A_123 : i32
        %dma_wait3A_125 = arith.constant 0 : i32
        %dma_wait3A_126 = tpu.memref_slice %arg8[%add3A_124, %dma_wait3A_125] : memref<40x128xi32, #tpu.memory_space<vmem>> -> memref<1x128xi32, #tpu.memory_space<vmem>>
        %dma_wait3A_127 = tpu.memref_squeeze %dma_wait3A_126 : memref<1x128xi32, #tpu.memory_space<vmem>> -> memref<128xi32, #tpu.memory_space<vmem>>
        %dma_wait3A_128 = arith.constant 0 : i32
        %dma_wait3A_129 = arith.constant 0 : i32
        %dma_wait3A_130 = tpu.memref_slice %arg2[%dma_wait3A_128, %dma_wait3A_129] : memref<10240x128xf32, #tpu.memory_space<hbm>> -> memref<10240x128xf32, #tpu.memory_space<hbm>>
        tpu.wait_indirect_dma semaphore(%arg13 : memref<!tpu.dma_semaphore, #tpu.memory_space<semaphore_mem>>) src(%dma_wait3A_130 : memref<10240x128xf32, #tpu.memory_space<hbm>>) dst(%arg11 : memref<128x128xf32, #tpu.memory_space<vmem>>)
        %add3A_131 = arith.constant 1 : i32
        %add3A_132 = arith.addi %mul3A_98, %add3A_131 : i32
        %dma_start3A_133 = arith.constant 0 : i32
        %dma_start3A_134 = tpu.memref_slice %arg9[%add3A_132, %dma_start3A_133] : memref<40x128xi32, #tpu.memory_space<vmem>> -> memref<1x128xi32, #tpu.memory_space<vmem>>
        %dma_start3A_135 = tpu.memref_squeeze %dma_start3A_134 : memref<1x128xi32, #tpu.memory_space<vmem>> -> memref<128xi32, #tpu.memory_space<vmem>>
        %dma_start3A_136 = arith.constant 0 : i32
        %dma_start3A_137 = arith.constant 0 : i32
        %dma_start3A_138 = tpu.memref_slice %arg12[%dma_start3A_136, %dma_start3A_137] : memref<10240x128xf32, #tpu.memory_space<vmem_shared>> -> memref<10240x128xf32, #tpu.memory_space<vmem_shared>>
        tpu.enqueue_indirect_dma source(%arg11 : memref<128x128xf32, #tpu.memory_space<vmem>>) target(%dma_start3A_138 : memref<10240x128xf32, #tpu.memory_space<vmem_shared>>) offsets(%dma_start3A_135 : memref<128xi32, #tpu.memory_space<vmem>>) semaphore(%arg14 : memref<!tpu.dma_semaphore, #tpu.memory_space<semaphore_mem>>) {add = true}
        %dma_wait3A_139 = arith.constant 0 : i32
        %dma_wait3A_140 = tpu.memref_slice %arg9[%mul3A_98, %dma_wait3A_139] : memref<40x128xi32, #tpu.memory_space<vmem>> -> memref<1x128xi32, #tpu.memory_space<vmem>>
        %dma_wait3A_141 = tpu.memref_squeeze %dma_wait3A_140 : memref<1x128xi32, #tpu.memory_space<vmem>> -> memref<128xi32, #tpu.memory_space<vmem>>
        %dma_wait3A_142 = arith.constant 0 : i32
        %dma_wait3A_143 = arith.constant 0 : i32
        %dma_wait3A_144 = tpu.memref_slice %arg12[%dma_wait3A_142, %dma_wait3A_143] : memref<10240x128xf32, #tpu.memory_space<vmem_shared>> -> memref<10240x128xf32, #tpu.memory_space<vmem_shared>>
        tpu.wait_indirect_dma semaphore(%arg14 : memref<!tpu.dma_semaphore, #tpu.memory_space<semaphore_mem>>) src(%arg10 : memref<128x128xf32, #tpu.memory_space<vmem>>) dst(%dma_wait3A_144 : memref<10240x128xf32, #tpu.memory_space<vmem_shared>>)
        %add3A_145 = arith.constant 1 : i32
        %add3A_146 = arith.addi %scan3A_96, %add3A_145 : i32
        %lt3A = arith.constant 20 : i32
        %lt3A_147 = arith.cmpi slt, %add3A_146, %lt3A : i32
        %add3A_148 = arith.constant 2 : i32
        %add3A_149 = arith.addi %mul3A_98, %add3A_148 : i32
        %select_n3A = arith.constant 0 : i32
        %select_n3A_150 = arith.select %lt3A_147, %add3A_149, %select_n3A : i32
        %dma_start3A_151 = arith.constant 0 : i32
        %dma_start3A_152 = tpu.memref_slice %arg8[%select_n3A_150, %dma_start3A_151] : memref<40x128xi32, #tpu.memory_space<vmem>> -> memref<1x128xi32, #tpu.memory_space<vmem>>
        %dma_start3A_153 = tpu.memref_squeeze %dma_start3A_152 : memref<1x128xi32, #tpu.memory_space<vmem>> -> memref<128xi32, #tpu.memory_space<vmem>>
        %dma_start3A_154 = arith.constant 0 : i32
        %dma_start3A_155 = arith.constant 0 : i32
        %dma_start3A_156 = tpu.memref_slice %arg2[%dma_start3A_154, %dma_start3A_155] : memref<10240x128xf32, #tpu.memory_space<hbm>> -> memref<10240x128xf32, #tpu.memory_space<hbm>>
        tpu.enqueue_indirect_dma source(%dma_start3A_156 : memref<10240x128xf32, #tpu.memory_space<hbm>>) target(%arg10 : memref<128x128xf32, #tpu.memory_space<vmem>>) offsets(%dma_start3A_153 : memref<128xi32, #tpu.memory_space<vmem>>) semaphore(%arg13 : memref<!tpu.dma_semaphore, #tpu.memory_space<semaphore_mem>>)
      }
      %scan3A_55 = arith.constant 20 : i32
      %dma_wait3A = arith.constant 0 : i32
      %dma_wait3A_56 = arith.constant 0 : i32
      %dma_wait3A_57 = tpu.memref_slice %arg8[%dma_wait3A, %dma_wait3A_56] : memref<40x128xi32, #tpu.memory_space<vmem>> -> memref<1x128xi32, #tpu.memory_space<vmem>>
      %dma_wait3A_58 = tpu.memref_squeeze %dma_wait3A_57 : memref<1x128xi32, #tpu.memory_space<vmem>> -> memref<128xi32, #tpu.memory_space<vmem>>
      %dma_wait3A_59 = arith.constant 0 : i32
      %dma_wait3A_60 = arith.constant 0 : i32
      %dma_wait3A_61 = tpu.memref_slice %arg2[%dma_wait3A_59, %dma_wait3A_60] : memref<10240x128xf32, #tpu.memory_space<hbm>> -> memref<10240x128xf32, #tpu.memory_space<hbm>>
      tpu.wait_indirect_dma semaphore(%arg13 : memref<!tpu.dma_semaphore, #tpu.memory_space<semaphore_mem>>) src(%dma_wait3A_61 : memref<10240x128xf32, #tpu.memory_space<hbm>>) dst(%arg10 : memref<128x128xf32, #tpu.memory_space<vmem>>)
      %dma_wait3A_62 = arith.constant 0 : i32
      %dma_wait3A_63 = arith.constant 0 : i32
      %dma_wait3A_64 = tpu.memref_slice %arg9[%dma_wait3A_62, %dma_wait3A_63] : memref<40x128xi32, #tpu.memory_space<vmem>> -> memref<1x128xi32, #tpu.memory_space<vmem>>
      %dma_wait3A_65 = tpu.memref_squeeze %dma_wait3A_64 : memref<1x128xi32, #tpu.memory_space<vmem>> -> memref<128xi32, #tpu.memory_space<vmem>>
      %dma_wait3A_66 = arith.constant 0 : i32
      %dma_wait3A_67 = arith.constant 0 : i32
      %dma_wait3A_68 = tpu.memref_slice %arg12[%dma_wait3A_66, %dma_wait3A_67] : memref<10240x128xf32, #tpu.memory_space<vmem_shared>> -> memref<10240x128xf32, #tpu.memory_space<vmem_shared>>
      tpu.wait_indirect_dma semaphore(%arg14 : memref<!tpu.dma_semaphore, #tpu.memory_space<semaphore_mem>>) src(%arg11 : memref<128x128xf32, #tpu.memory_space<vmem>>) dst(%dma_wait3A_68 : memref<10240x128xf32, #tpu.memory_space<vmem_shared>>)
      "tpu.region"() ({
        %run_scoped3A = tpu.sem_alloc : memref<!tpu.dma_semaphore, #tpu.memory_space<semaphore_mem>>
        %dma_start3A_96 = arith.constant 40 : i32
        %dma_start3A_97 = arith.constant 0 : i32
        %dma_start3A_98 = tpu.memref_slice %arg4[%arg1, %dma_start3A_96, %dma_start3A_97] : memref<16x80x128xi32, #tpu.memory_space<hbm>> -> memref<1x40x128xi32, #tpu.memory_space<hbm>>
        %dma_start3A_99 = tpu.memref_squeeze %dma_start3A_98 : memref<1x40x128xi32, #tpu.memory_space<hbm>> -> memref<40x128xi32, #tpu.memory_space<hbm>>
        %dma_start3A_100 = arith.constant 40 : i32
        %dma_start3A_101 = arith.constant 0 : i32
        %dma_start3A_102 = tpu.memref_slice %arg4[%arg1, %dma_start3A_100, %dma_start3A_101] : memref<16x80x128xi32, #tpu.memory_space<hbm>> -> memref<1x40x128xi32, #tpu.memory_space<hbm>>
        %dma_start3A_103 = tpu.memref_squeeze %dma_start3A_102 : memref<1x40x128xi32, #tpu.memory_space<hbm>> -> memref<40x128xi32, #tpu.memory_space<hbm>>
        tpu.enqueue_dma source(%dma_start3A_103 : memref<40x128xi32, #tpu.memory_space<hbm>>) target(%arg8 : memref<40x128xi32, #tpu.memory_space<vmem>>) target_semaphore(%run_scoped3A : memref<!tpu.dma_semaphore, #tpu.memory_space<semaphore_mem>>)
        %dma_wait3A_104 = arith.constant 40 : i32
        %dma_wait3A_105 = arith.constant 0 : i32
        %dma_wait3A_106 = tpu.memref_slice %arg4[%arg1, %dma_wait3A_104, %dma_wait3A_105] : memref<16x80x128xi32, #tpu.memory_space<hbm>> -> memref<1x40x128xi32, #tpu.memory_space<hbm>>
        %dma_wait3A_107 = tpu.memref_squeeze %dma_wait3A_106 : memref<1x40x128xi32, #tpu.memory_space<hbm>> -> memref<40x128xi32, #tpu.memory_space<hbm>>
        %dma_wait3A_108 = arith.constant 40 : i32
        %dma_wait3A_109 = arith.constant 0 : i32
        %dma_wait3A_110 = tpu.memref_slice %arg4[%arg1, %dma_wait3A_108, %dma_wait3A_109] : memref<16x80x128xi32, #tpu.memory_space<hbm>> -> memref<1x40x128xi32, #tpu.memory_space<hbm>>
        %dma_wait3A_111 = tpu.memref_squeeze %dma_wait3A_110 : memref<1x40x128xi32, #tpu.memory_space<hbm>> -> memref<40x128xi32, #tpu.memory_space<hbm>>
        tpu.wait_dma2 semaphore(%run_scoped3A : memref<!tpu.dma_semaphore, #tpu.memory_space<semaphore_mem>>) src(%dma_wait3A_111 : memref<40x128xi32, #tpu.memory_space<hbm>>) dst(%arg8 : memref<40x128xi32, #tpu.memory_space<vmem>>)
        tpu.yield
      }) : () -> ()
      "tpu.region"() ({
        %run_scoped3A = tpu.sem_alloc : memref<!tpu.dma_semaphore, #tpu.memory_space<semaphore_mem>>
        %dma_start3A_96 = arith.constant 40 : i32
        %dma_start3A_97 = arith.constant 0 : i32
        %dma_start3A_98 = tpu.memref_slice %arg5[%arg1, %dma_start3A_96, %dma_start3A_97] : memref<16x80x128xi32, #tpu.memory_space<hbm>> -> memref<1x40x128xi32, #tpu.memory_space<hbm>>
        %dma_start3A_99 = tpu.memref_squeeze %dma_start3A_98 : memref<1x40x128xi32, #tpu.memory_space<hbm>> -> memref<40x128xi32, #tpu.memory_space<hbm>>
        %dma_start3A_100 = arith.constant 40 : i32
        %dma_start3A_101 = arith.constant 0 : i32
        %dma_start3A_102 = tpu.memref_slice %arg5[%arg1, %dma_start3A_100, %dma_start3A_101] : memref<16x80x128xi32, #tpu.memory_space<hbm>> -> memref<1x40x128xi32, #tpu.memory_space<hbm>>
        %dma_start3A_103 = tpu.memref_squeeze %dma_start3A_102 : memref<1x40x128xi32, #tpu.memory_space<hbm>> -> memref<40x128xi32, #tpu.memory_space<hbm>>
        tpu.enqueue_dma source(%dma_start3A_103 : memref<40x128xi32, #tpu.memory_space<hbm>>) target(%arg9 : memref<40x128xi32, #tpu.memory_space<vmem>>) target_semaphore(%run_scoped3A : memref<!tpu.dma_semaphore, #tpu.memory_space<semaphore_mem>>)
        %dma_wait3A_104 = arith.constant 40 : i32
        %dma_wait3A_105 = arith.constant 0 : i32
        %dma_wait3A_106 = tpu.memref_slice %arg5[%arg1, %dma_wait3A_104, %dma_wait3A_105] : memref<16x80x128xi32, #tpu.memory_space<hbm>> -> memref<1x40x128xi32, #tpu.memory_space<hbm>>
        %dma_wait3A_107 = tpu.memref_squeeze %dma_wait3A_106 : memref<1x40x128xi32, #tpu.memory_space<hbm>> -> memref<40x128xi32, #tpu.memory_space<hbm>>
        %dma_wait3A_108 = arith.constant 40 : i32
        %dma_wait3A_109 = arith.constant 0 : i32
        %dma_wait3A_110 = tpu.memref_slice %arg5[%arg1, %dma_wait3A_108, %dma_wait3A_109] : memref<16x80x128xi32, #tpu.memory_space<hbm>> -> memref<1x40x128xi32, #tpu.memory_space<hbm>>
        %dma_wait3A_111 = tpu.memref_squeeze %dma_wait3A_110 : memref<1x40x128xi32, #tpu.memory_space<hbm>> -> memref<40x128xi32, #tpu.memory_space<hbm>>
        tpu.wait_dma2 semaphore(%run_scoped3A : memref<!tpu.dma_semaphore, #tpu.memory_space<semaphore_mem>>) src(%dma_wait3A_111 : memref<40x128xi32, #tpu.memory_space<hbm>>) dst(%arg9 : memref<40x128xi32, #tpu.memory_space<vmem>>)
        tpu.yield
      }) : () -> ()
      %dma_start3A_69 = arith.constant 0 : i32
      %dma_start3A_70 = arith.constant 0 : i32
      %dma_start3A_71 = tpu.memref_slice %arg8[%dma_start3A_69, %dma_start3A_70] : memref<40x128xi32, #tpu.memory_space<vmem>> -> memref<1x128xi32, #tpu.memory_space<vmem>>
      %dma_start3A_72 = tpu.memref_squeeze %dma_start3A_71 : memref<1x128xi32, #tpu.memory_space<vmem>> -> memref<128xi32, #tpu.memory_space<vmem>>
      %dma_start3A_73 = arith.constant 0 : i32
      %dma_start3A_74 = arith.constant 0 : i32
      %dma_start3A_75 = tpu.memref_slice %arg2[%dma_start3A_73, %dma_start3A_74] : memref<10240x128xf32, #tpu.memory_space<hbm>> -> memref<10240x128xf32, #tpu.memory_space<hbm>>
      tpu.enqueue_indirect_dma source(%dma_start3A_75 : memref<10240x128xf32, #tpu.memory_space<hbm>>) target(%arg10 : memref<128x128xf32, #tpu.memory_space<vmem>>) offsets(%dma_start3A_72 : memref<128xi32, #tpu.memory_space<vmem>>) semaphore(%arg13 : memref<!tpu.dma_semaphore, #tpu.memory_space<semaphore_mem>>)
      %scan3A_76 = arith.constant 0 : i32
      %scan3A_77 = arith.constant 0 : i32
      %scan3A_78 = arith.constant 20 : i32
      %scan3A_79 = arith.addi %scan3A_77, %scan3A_78 : i32
      %scan3A_80 = arith.constant 1 : i32
      scf.for %scan3A_96 = %scan3A_77 to %scan3A_79 step %scan3A_80  : i32 {
        %mul3A_97 = arith.constant 2 : i32
        %mul3A_98 = arith.muli %mul3A_97, %scan3A_96 : i32
        %dma_wait3A_99 = arith.constant 0 : i32
        %dma_wait3A_100 = tpu.memref_slice %arg8[%mul3A_98, %dma_wait3A_99] : memref<40x128xi32, #tpu.memory_space<vmem>> -> memref<1x128xi32, #tpu.memory_space<vmem>>
        %dma_wait3A_101 = tpu.memref_squeeze %dma_wait3A_100 : memref<1x128xi32, #tpu.memory_space<vmem>> -> memref<128xi32, #tpu.memory_space<vmem>>
        %dma_wait3A_102 = arith.constant 0 : i32
        %dma_wait3A_103 = arith.constant 0 : i32
        %dma_wait3A_104 = tpu.memref_slice %arg2[%dma_wait3A_102, %dma_wait3A_103] : memref<10240x128xf32, #tpu.memory_space<hbm>> -> memref<10240x128xf32, #tpu.memory_space<hbm>>
        tpu.wait_indirect_dma semaphore(%arg13 : memref<!tpu.dma_semaphore, #tpu.memory_space<semaphore_mem>>) src(%dma_wait3A_104 : memref<10240x128xf32, #tpu.memory_space<hbm>>) dst(%arg10 : memref<128x128xf32, #tpu.memory_space<vmem>>)
        %dma_start3A_105 = arith.constant 0 : i32
        %dma_start3A_106 = tpu.memref_slice %arg9[%mul3A_98, %dma_start3A_105] : memref<40x128xi32, #tpu.memory_space<vmem>> -> memref<1x128xi32, #tpu.memory_space<vmem>>
        %dma_start3A_107 = tpu.memref_squeeze %dma_start3A_106 : memref<1x128xi32, #tpu.memory_space<vmem>> -> memref<128xi32, #tpu.memory_space<vmem>>
        %dma_start3A_108 = arith.constant 0 : i32
        %dma_start3A_109 = arith.constant 0 : i32
        %dma_start3A_110 = tpu.memref_slice %arg12[%dma_start3A_108, %dma_start3A_109] : memref<10240x128xf32, #tpu.memory_space<vmem_shared>> -> memref<10240x128xf32, #tpu.memory_space<vmem_shared>>
        tpu.enqueue_indirect_dma source(%arg10 : memref<128x128xf32, #tpu.memory_space<vmem>>) target(%dma_start3A_110 : memref<10240x128xf32, #tpu.memory_space<vmem_shared>>) offsets(%dma_start3A_107 : memref<128xi32, #tpu.memory_space<vmem>>) semaphore(%arg14 : memref<!tpu.dma_semaphore, #tpu.memory_space<semaphore_mem>>) {add = true}
        %gt3A = arith.constant 0 : i32
        %gt3A_111 = arith.cmpi sgt, %scan3A_96, %gt3A : i32
        %convert_element_type3A_112 = arith.extui %gt3A_111 : i1 to i32
        %cond3A_113 = arith.constant 0 : i32
        %cond3A_114 = arith.cmpi ne, %convert_element_type3A_112, %cond3A_113 : i32
        scf.if %cond3A_114 {
          %dma_wait3A_157 = arith.constant 0 : i32
          %dma_wait3A_158 = tpu.memref_slice %arg9[%mul3A_98, %dma_wait3A_157] : memref<40x128xi32, #tpu.memory_space<vmem>> -> memref<1x128xi32, #tpu.memory_space<vmem>>
          %dma_wait3A_159 = tpu.memref_squeeze %dma_wait3A_158 : memref<1x128xi32, #tpu.memory_space<vmem>> -> memref<128xi32, #tpu.memory_space<vmem>>
          %dma_wait3A_160 = arith.constant 0 : i32
          %dma_wait3A_161 = arith.constant 0 : i32
          %dma_wait3A_162 = tpu.memref_slice %arg12[%dma_wait3A_160, %dma_wait3A_161] : memref<10240x128xf32, #tpu.memory_space<vmem_shared>> -> memref<10240x128xf32, #tpu.memory_space<vmem_shared>>
          tpu.wait_indirect_dma semaphore(%arg14 : memref<!tpu.dma_semaphore, #tpu.memory_space<semaphore_mem>>) src(%arg11 : memref<128x128xf32, #tpu.memory_space<vmem>>) dst(%dma_wait3A_162 : memref<10240x128xf32, #tpu.memory_space<vmem_shared>>)
        } else {
        }
        %add3A_115 = arith.constant 1 : i32
        %add3A_116 = arith.addi %mul3A_98, %add3A_115 : i32
        %dma_start3A_117 = arith.constant 0 : i32
        %dma_start3A_118 = tpu.memref_slice %arg8[%add3A_116, %dma_start3A_117] : memref<40x128xi32, #tpu.memory_space<vmem>> -> memref<1x128xi32, #tpu.memory_space<vmem>>
        %dma_start3A_119 = tpu.memref_squeeze %dma_start3A_118 : memref<1x128xi32, #tpu.memory_space<vmem>> -> memref<128xi32, #tpu.memory_space<vmem>>
        %dma_start3A_120 = arith.constant 0 : i32
        %dma_start3A_121 = arith.constant 0 : i32
        %dma_start3A_122 = tpu.memref_slice %arg2[%dma_start3A_120, %dma_start3A_121] : memref<10240x128xf32, #tpu.memory_space<hbm>> -> memref<10240x128xf32, #tpu.memory_space<hbm>>
        tpu.enqueue_indirect_dma source(%dma_start3A_122 : memref<10240x128xf32, #tpu.memory_space<hbm>>) target(%arg11 : memref<128x128xf32, #tpu.memory_space<vmem>>) offsets(%dma_start3A_119 : memref<128xi32, #tpu.memory_space<vmem>>) semaphore(%arg13 : memref<!tpu.dma_semaphore, #tpu.memory_space<semaphore_mem>>)
        %add3A_123 = arith.constant 1 : i32
        %add3A_124 = arith.addi %mul3A_98, %add3A_123 : i32
        %dma_wait3A_125 = arith.constant 0 : i32
        %dma_wait3A_126 = tpu.memref_slice %arg8[%add3A_124, %dma_wait3A_125] : memref<40x128xi32, #tpu.memory_space<vmem>> -> memref<1x128xi32, #tpu.memory_space<vmem>>
        %dma_wait3A_127 = tpu.memref_squeeze %dma_wait3A_126 : memref<1x128xi32, #tpu.memory_space<vmem>> -> memref<128xi32, #tpu.memory_space<vmem>>
        %dma_wait3A_128 = arith.constant 0 : i32
        %dma_wait3A_129 = arith.constant 0 : i32
        %dma_wait3A_130 = tpu.memref_slice %arg2[%dma_wait3A_128, %dma_wait3A_129] : memref<10240x128xf32, #tpu.memory_space<hbm>> -> memref<10240x128xf32, #tpu.memory_space<hbm>>
        tpu.wait_indirect_dma semaphore(%arg13 : memref<!tpu.dma_semaphore, #tpu.memory_space<semaphore_mem>>) src(%dma_wait3A_130 : memref<10240x128xf32, #tpu.memory_space<hbm>>) dst(%arg11 : memref<128x128xf32, #tpu.memory_space<vmem>>)
        %add3A_131 = arith.constant 1 : i32
        %add3A_132 = arith.addi %mul3A_98, %add3A_131 : i32
        %dma_start3A_133 = arith.constant 0 : i32
        %dma_start3A_134 = tpu.memref_slice %arg9[%add3A_132, %dma_start3A_133] : memref<40x128xi32, #tpu.memory_space<vmem>> -> memref<1x128xi32, #tpu.memory_space<vmem>>
        %dma_start3A_135 = tpu.memref_squeeze %dma_start3A_134 : memref<1x128xi32, #tpu.memory_space<vmem>> -> memref<128xi32, #tpu.memory_space<vmem>>
        %dma_start3A_136 = arith.constant 0 : i32
        %dma_start3A_137 = arith.constant 0 : i32
        %dma_start3A_138 = tpu.memref_slice %arg12[%dma_start3A_136, %dma_start3A_137] : memref<10240x128xf32, #tpu.memory_space<vmem_shared>> -> memref<10240x128xf32, #tpu.memory_space<vmem_shared>>
        tpu.enqueue_indirect_dma source(%arg11 : memref<128x128xf32, #tpu.memory_space<vmem>>) target(%dma_start3A_138 : memref<10240x128xf32, #tpu.memory_space<vmem_shared>>) offsets(%dma_start3A_135 : memref<128xi32, #tpu.memory_space<vmem>>) semaphore(%arg14 : memref<!tpu.dma_semaphore, #tpu.memory_space<semaphore_mem>>) {add = true}
        %dma_wait3A_139 = arith.constant 0 : i32
        %dma_wait3A_140 = tpu.memref_slice %arg9[%mul3A_98, %dma_wait3A_139] : memref<40x128xi32, #tpu.memory_space<vmem>> -> memref<1x128xi32, #tpu.memory_space<vmem>>
        %dma_wait3A_141 = tpu.memref_squeeze %dma_wait3A_140 : memref<1x128xi32, #tpu.memory_space<vmem>> -> memref<128xi32, #tpu.memory_space<vmem>>
        %dma_wait3A_142 = arith.constant 0 : i32
        %dma_wait3A_143 = arith.constant 0 : i32
        %dma_wait3A_144 = tpu.memref_slice %arg12[%dma_wait3A_142, %dma_wait3A_143] : memref<10240x128xf32, #tpu.memory_space<vmem_shared>> -> memref<10240x128xf32, #tpu.memory_space<vmem_shared>>
        tpu.wait_indirect_dma semaphore(%arg14 : memref<!tpu.dma_semaphore, #tpu.memory_space<semaphore_mem>>) src(%arg10 : memref<128x128xf32, #tpu.memory_space<vmem>>) dst(%dma_wait3A_144 : memref<10240x128xf32, #tpu.memory_space<vmem_shared>>)
        %add3A_145 = arith.constant 1 : i32
        %add3A_146 = arith.addi %scan3A_96, %add3A_145 : i32
        %lt3A = arith.constant 20 : i32
        %lt3A_147 = arith.cmpi slt, %add3A_146, %lt3A : i32
        %add3A_148 = arith.constant 2 : i32
        %add3A_149 = arith.addi %mul3A_98, %add3A_148 : i32
        %select_n3A = arith.constant 0 : i32
        %select_n3A_150 = arith.select %lt3A_147, %add3A_149, %select_n3A : i32
        %dma_start3A_151 = arith.constant 0 : i32
        %dma_start3A_152 = tpu.memref_slice %arg8[%select_n3A_150, %dma_start3A_151] : memref<40x128xi32, #tpu.memory_space<vmem>> -> memref<1x128xi32, #tpu.memory_space<vmem>>
        %dma_start3A_153 = tpu.memref_squeeze %dma_start3A_152 : memref<1x128xi32, #tpu.memory_space<vmem>> -> memref<128xi32, #tpu.memory_space<vmem>>
        %dma_start3A_154 = arith.constant 0 : i32
        %dma_start3A_155 = arith.constant 0 : i32
        %dma_start3A_156 = tpu.memref_slice %arg2[%dma_start3A_154, %dma_start3A_155] : memref<10240x128xf32, #tpu.memory_space<hbm>> -> memref<10240x128xf32, #tpu.memory_space<hbm>>
        tpu.enqueue_indirect_dma source(%dma_start3A_156 : memref<10240x128xf32, #tpu.memory_space<hbm>>) target(%arg10 : memref<128x128xf32, #tpu.memory_space<vmem>>) offsets(%dma_start3A_153 : memref<128xi32, #tpu.memory_space<vmem>>) semaphore(%arg13 : memref<!tpu.dma_semaphore, #tpu.memory_space<semaphore_mem>>)
      }
      %scan3A_81 = arith.constant 20 : i32
      %dma_wait3A_82 = arith.constant 0 : i32
      %dma_wait3A_83 = arith.constant 0 : i32
      %dma_wait3A_84 = tpu.memref_slice %arg8[%dma_wait3A_82, %dma_wait3A_83] : memref<40x128xi32, #tpu.memory_space<vmem>> -> memref<1x128xi32, #tpu.memory_space<vmem>>
      %dma_wait3A_85 = tpu.memref_squeeze %dma_wait3A_84 : memref<1x128xi32, #tpu.memory_space<vmem>> -> memref<128xi32, #tpu.memory_space<vmem>>
      %dma_wait3A_86 = arith.constant 0 : i32
      %dma_wait3A_87 = arith.constant 0 : i32
      %dma_wait3A_88 = tpu.memref_slice %arg2[%dma_wait3A_86, %dma_wait3A_87] : memref<10240x128xf32, #tpu.memory_space<hbm>> -> memref<10240x128xf32, #tpu.memory_space<hbm>>
      tpu.wait_indirect_dma semaphore(%arg13 : memref<!tpu.dma_semaphore, #tpu.memory_space<semaphore_mem>>) src(%dma_wait3A_88 : memref<10240x128xf32, #tpu.memory_space<hbm>>) dst(%arg10 : memref<128x128xf32, #tpu.memory_space<vmem>>)
      %dma_wait3A_89 = arith.constant 0 : i32
      %dma_wait3A_90 = arith.constant 0 : i32
      %dma_wait3A_91 = tpu.memref_slice %arg9[%dma_wait3A_89, %dma_wait3A_90] : memref<40x128xi32, #tpu.memory_space<vmem>> -> memref<1x128xi32, #tpu.memory_space<vmem>>
      %dma_wait3A_92 = tpu.memref_squeeze %dma_wait3A_91 : memref<1x128xi32, #tpu.memory_space<vmem>> -> memref<128xi32, #tpu.memory_space<vmem>>
      %dma_wait3A_93 = arith.constant 0 : i32
      %dma_wait3A_94 = arith.constant 0 : i32
      %dma_wait3A_95 = tpu.memref_slice %arg12[%dma_wait3A_93, %dma_wait3A_94] : memref<10240x128xf32, #tpu.memory_space<vmem_shared>> -> memref<10240x128xf32, #tpu.memory_space<vmem_shared>>
      tpu.wait_indirect_dma semaphore(%arg14 : memref<!tpu.dma_semaphore, #tpu.memory_space<semaphore_mem>>) src(%arg11 : memref<128x128xf32, #tpu.memory_space<vmem>>) dst(%dma_wait3A_95 : memref<10240x128xf32, #tpu.memory_space<vmem_shared>>)
    } else {
    }
    %eq3A_26 = arith.constant 1 : i32
    %eq3A_27 = arith.cmpi eq, %arg0, %eq3A_26 : i32
    %convert_element_type3A_28 = arith.extui %eq3A_27 : i1 to i32
    %cond3A_29 = arith.constant 0 : i32
    %cond3A_30 = arith.cmpi ne, %convert_element_type3A_28, %cond3A_29 : i32
    scf.if %cond3A_30 {
      "tpu.region"() ({
        %run_scoped3A = tpu.sem_alloc : memref<!tpu.dma_semaphore, #tpu.memory_space<semaphore_mem>>
        %dma_start3A_96 = arith.constant 0 : i32
        %dma_start3A_97 = arith.constant 0 : i32
        %dma_start3A_98 = tpu.memref_slice %arg4[%arg1, %dma_start3A_96, %dma_start3A_97] : memref<16x80x128xi32, #tpu.memory_space<hbm>> -> memref<1x40x128xi32, #tpu.memory_space<hbm>>
        %dma_start3A_99 = tpu.memref_squeeze %dma_start3A_98 : memref<1x40x128xi32, #tpu.memory_space<hbm>> -> memref<40x128xi32, #tpu.memory_space<hbm>>
        %dma_start3A_100 = arith.constant 0 : i32
        %dma_start3A_101 = arith.constant 0 : i32
        %dma_start3A_102 = tpu.memref_slice %arg4[%arg1, %dma_start3A_100, %dma_start3A_101] : memref<16x80x128xi32, #tpu.memory_space<hbm>> -> memref<1x40x128xi32, #tpu.memory_space<hbm>>
        %dma_start3A_103 = tpu.memref_squeeze %dma_start3A_102 : memref<1x40x128xi32, #tpu.memory_space<hbm>> -> memref<40x128xi32, #tpu.memory_space<hbm>>
        tpu.enqueue_dma source(%dma_start3A_103 : memref<40x128xi32, #tpu.memory_space<hbm>>) target(%arg8 : memref<40x128xi32, #tpu.memory_space<vmem>>) target_semaphore(%run_scoped3A : memref<!tpu.dma_semaphore, #tpu.memory_space<semaphore_mem>>)
        %dma_wait3A_104 = arith.constant 0 : i32
        %dma_wait3A_105 = arith.constant 0 : i32
        %dma_wait3A_106 = tpu.memref_slice %arg4[%arg1, %dma_wait3A_104, %dma_wait3A_105] : memref<16x80x128xi32, #tpu.memory_space<hbm>> -> memref<1x40x128xi32, #tpu.memory_space<hbm>>
        %dma_wait3A_107 = tpu.memref_squeeze %dma_wait3A_106 : memref<1x40x128xi32, #tpu.memory_space<hbm>> -> memref<40x128xi32, #tpu.memory_space<hbm>>
        %dma_wait3A_108 = arith.constant 0 : i32
        %dma_wait3A_109 = arith.constant 0 : i32
        %dma_wait3A_110 = tpu.memref_slice %arg4[%arg1, %dma_wait3A_108, %dma_wait3A_109] : memref<16x80x128xi32, #tpu.memory_space<hbm>> -> memref<1x40x128xi32, #tpu.memory_space<hbm>>
        %dma_wait3A_111 = tpu.memref_squeeze %dma_wait3A_110 : memref<1x40x128xi32, #tpu.memory_space<hbm>> -> memref<40x128xi32, #tpu.memory_space<hbm>>
        tpu.wait_dma2 semaphore(%run_scoped3A : memref<!tpu.dma_semaphore, #tpu.memory_space<semaphore_mem>>) src(%dma_wait3A_111 : memref<40x128xi32, #tpu.memory_space<hbm>>) dst(%arg8 : memref<40x128xi32, #tpu.memory_space<vmem>>)
        tpu.yield
      }) : () -> ()
      "tpu.region"() ({
        %run_scoped3A = tpu.sem_alloc : memref<!tpu.dma_semaphore, #tpu.memory_space<semaphore_mem>>
        %dma_start3A_96 = arith.constant 0 : i32
        %dma_start3A_97 = arith.constant 0 : i32
        %dma_start3A_98 = tpu.memref_slice %arg5[%arg1, %dma_start3A_96, %dma_start3A_97] : memref<16x80x128xi32, #tpu.memory_space<hbm>> -> memref<1x40x128xi32, #tpu.memory_space<hbm>>
        %dma_start3A_99 = tpu.memref_squeeze %dma_start3A_98 : memref<1x40x128xi32, #tpu.memory_space<hbm>> -> memref<40x128xi32, #tpu.memory_space<hbm>>
        %dma_start3A_100 = arith.constant 0 : i32
        %dma_start3A_101 = arith.constant 0 : i32
        %dma_start3A_102 = tpu.memref_slice %arg5[%arg1, %dma_start3A_100, %dma_start3A_101] : memref<16x80x128xi32, #tpu.memory_space<hbm>> -> memref<1x40x128xi32, #tpu.memory_space<hbm>>
        %dma_start3A_103 = tpu.memref_squeeze %dma_start3A_102 : memref<1x40x128xi32, #tpu.memory_space<hbm>> -> memref<40x128xi32, #tpu.memory_space<hbm>>
        tpu.enqueue_dma source(%dma_start3A_103 : memref<40x128xi32, #tpu.memory_space<hbm>>) target(%arg9 : memref<40x128xi32, #tpu.memory_space<vmem>>) target_semaphore(%run_scoped3A : memref<!tpu.dma_semaphore, #tpu.memory_space<semaphore_mem>>)
        %dma_wait3A_104 = arith.constant 0 : i32
        %dma_wait3A_105 = arith.constant 0 : i32
        %dma_wait3A_106 = tpu.memref_slice %arg5[%arg1, %dma_wait3A_104, %dma_wait3A_105] : memref<16x80x128xi32, #tpu.memory_space<hbm>> -> memref<1x40x128xi32, #tpu.memory_space<hbm>>
        %dma_wait3A_107 = tpu.memref_squeeze %dma_wait3A_106 : memref<1x40x128xi32, #tpu.memory_space<hbm>> -> memref<40x128xi32, #tpu.memory_space<hbm>>
        %dma_wait3A_108 = arith.constant 0 : i32
        %dma_wait3A_109 = arith.constant 0 : i32
        %dma_wait3A_110 = tpu.memref_slice %arg5[%arg1, %dma_wait3A_108, %dma_wait3A_109] : memref<16x80x128xi32, #tpu.memory_space<hbm>> -> memref<1x40x128xi32, #tpu.memory_space<hbm>>
        %dma_wait3A_111 = tpu.memref_squeeze %dma_wait3A_110 : memref<1x40x128xi32, #tpu.memory_space<hbm>> -> memref<40x128xi32, #tpu.memory_space<hbm>>
        tpu.wait_dma2 semaphore(%run_scoped3A : memref<!tpu.dma_semaphore, #tpu.memory_space<semaphore_mem>>) src(%dma_wait3A_111 : memref<40x128xi32, #tpu.memory_space<hbm>>) dst(%arg9 : memref<40x128xi32, #tpu.memory_space<vmem>>)
        tpu.yield
      }) : () -> ()
      %dma_start3A = arith.constant 0 : i32
      %dma_start3A_44 = arith.constant 0 : i32
      %dma_start3A_45 = tpu.memref_slice %arg8[%dma_start3A, %dma_start3A_44] : memref<40x128xi32, #tpu.memory_space<vmem>> -> memref<1x128xi32, #tpu.memory_space<vmem>>
      %dma_start3A_46 = tpu.memref_squeeze %dma_start3A_45 : memref<1x128xi32, #tpu.memory_space<vmem>> -> memref<128xi32, #tpu.memory_space<vmem>>
      %dma_start3A_47 = arith.constant 0 : i32
      %dma_start3A_48 = arith.constant 0 : i32
      %dma_start3A_49 = tpu.memref_slice %arg3[%dma_start3A_47, %dma_start3A_48] : memref<10240x128xf32, #tpu.memory_space<hbm>> -> memref<10240x128xf32, #tpu.memory_space<hbm>>
      tpu.enqueue_indirect_dma source(%dma_start3A_49 : memref<10240x128xf32, #tpu.memory_space<hbm>>) target(%arg10 : memref<128x128xf32, #tpu.memory_space<vmem>>) offsets(%dma_start3A_46 : memref<128xi32, #tpu.memory_space<vmem>>) semaphore(%arg13 : memref<!tpu.dma_semaphore, #tpu.memory_space<semaphore_mem>>)
      %scan3A_50 = arith.constant 0 : i32
      %scan3A_51 = arith.constant 0 : i32
      %scan3A_52 = arith.constant 20 : i32
      %scan3A_53 = arith.addi %scan3A_51, %scan3A_52 : i32
      %scan3A_54 = arith.constant 1 : i32
      scf.for %scan3A_96 = %scan3A_51 to %scan3A_53 step %scan3A_54  : i32 {
        %mul3A_97 = arith.constant 2 : i32
        %mul3A_98 = arith.muli %mul3A_97, %scan3A_96 : i32
        %dma_wait3A_99 = arith.constant 0 : i32
        %dma_wait3A_100 = tpu.memref_slice %arg8[%mul3A_98, %dma_wait3A_99] : memref<40x128xi32, #tpu.memory_space<vmem>> -> memref<1x128xi32, #tpu.memory_space<vmem>>
        %dma_wait3A_101 = tpu.memref_squeeze %dma_wait3A_100 : memref<1x128xi32, #tpu.memory_space<vmem>> -> memref<128xi32, #tpu.memory_space<vmem>>
        %dma_wait3A_102 = arith.constant 0 : i32
        %dma_wait3A_103 = arith.constant 0 : i32
        %dma_wait3A_104 = tpu.memref_slice %arg3[%dma_wait3A_102, %dma_wait3A_103] : memref<10240x128xf32, #tpu.memory_space<hbm>> -> memref<10240x128xf32, #tpu.memory_space<hbm>>
        tpu.wait_indirect_dma semaphore(%arg13 : memref<!tpu.dma_semaphore, #tpu.memory_space<semaphore_mem>>) src(%dma_wait3A_104 : memref<10240x128xf32, #tpu.memory_space<hbm>>) dst(%arg10 : memref<128x128xf32, #tpu.memory_space<vmem>>)
        %dma_start3A_105 = arith.constant 0 : i32
        %dma_start3A_106 = tpu.memref_slice %arg9[%mul3A_98, %dma_start3A_105] : memref<40x128xi32, #tpu.memory_space<vmem>> -> memref<1x128xi32, #tpu.memory_space<vmem>>
        %dma_start3A_107 = tpu.memref_squeeze %dma_start3A_106 : memref<1x128xi32, #tpu.memory_space<vmem>> -> memref<128xi32, #tpu.memory_space<vmem>>
        %dma_start3A_108 = arith.constant 0 : i32
        %dma_start3A_109 = arith.constant 0 : i32
        %dma_start3A_110 = tpu.memref_slice %arg12[%dma_start3A_108, %dma_start3A_109] : memref<10240x128xf32, #tpu.memory_space<vmem_shared>> -> memref<10240x128xf32, #tpu.memory_space<vmem_shared>>
        tpu.enqueue_indirect_dma source(%arg10 : memref<128x128xf32, #tpu.memory_space<vmem>>) target(%dma_start3A_110 : memref<10240x128xf32, #tpu.memory_space<vmem_shared>>) offsets(%dma_start3A_107 : memref<128xi32, #tpu.memory_space<vmem>>) semaphore(%arg14 : memref<!tpu.dma_semaphore, #tpu.memory_space<semaphore_mem>>) {add = true}
        %gt3A = arith.constant 0 : i32
        %gt3A_111 = arith.cmpi sgt, %scan3A_96, %gt3A : i32
        %convert_element_type3A_112 = arith.extui %gt3A_111 : i1 to i32
        %cond3A_113 = arith.constant 0 : i32
        %cond3A_114 = arith.cmpi ne, %convert_element_type3A_112, %cond3A_113 : i32
        scf.if %cond3A_114 {
          %dma_wait3A_157 = arith.constant 0 : i32
          %dma_wait3A_158 = tpu.memref_slice %arg9[%mul3A_98, %dma_wait3A_157] : memref<40x128xi32, #tpu.memory_space<vmem>> -> memref<1x128xi32, #tpu.memory_space<vmem>>
          %dma_wait3A_159 = tpu.memref_squeeze %dma_wait3A_158 : memref<1x128xi32, #tpu.memory_space<vmem>> -> memref<128xi32, #tpu.memory_space<vmem>>
          %dma_wait3A_160 = arith.constant 0 : i32
          %dma_wait3A_161 = arith.constant 0 : i32
          %dma_wait3A_162 = tpu.memref_slice %arg12[%dma_wait3A_160, %dma_wait3A_161] : memref<10240x128xf32, #tpu.memory_space<vmem_shared>> -> memref<10240x128xf32, #tpu.memory_space<vmem_shared>>
          tpu.wait_indirect_dma semaphore(%arg14 : memref<!tpu.dma_semaphore, #tpu.memory_space<semaphore_mem>>) src(%arg11 : memref<128x128xf32, #tpu.memory_space<vmem>>) dst(%dma_wait3A_162 : memref<10240x128xf32, #tpu.memory_space<vmem_shared>>)
        } else {
        }
        %add3A_115 = arith.constant 1 : i32
        %add3A_116 = arith.addi %mul3A_98, %add3A_115 : i32
        %dma_start3A_117 = arith.constant 0 : i32
        %dma_start3A_118 = tpu.memref_slice %arg8[%add3A_116, %dma_start3A_117] : memref<40x128xi32, #tpu.memory_space<vmem>> -> memref<1x128xi32, #tpu.memory_space<vmem>>
        %dma_start3A_119 = tpu.memref_squeeze %dma_start3A_118 : memref<1x128xi32, #tpu.memory_space<vmem>> -> memref<128xi32, #tpu.memory_space<vmem>>
        %dma_start3A_120 = arith.constant 0 : i32
        %dma_start3A_121 = arith.constant 0 : i32
        %dma_start3A_122 = tpu.memref_slice %arg3[%dma_start3A_120, %dma_start3A_121] : memref<10240x128xf32, #tpu.memory_space<hbm>> -> memref<10240x128xf32, #tpu.memory_space<hbm>>
        tpu.enqueue_indirect_dma source(%dma_start3A_122 : memref<10240x128xf32, #tpu.memory_space<hbm>>) target(%arg11 : memref<128x128xf32, #tpu.memory_space<vmem>>) offsets(%dma_start3A_119 : memref<128xi32, #tpu.memory_space<vmem>>) semaphore(%arg13 : memref<!tpu.dma_semaphore, #tpu.memory_space<semaphore_mem>>)
        %add3A_123 = arith.constant 1 : i32
        %add3A_124 = arith.addi %mul3A_98, %add3A_123 : i32
        %dma_wait3A_125 = arith.constant 0 : i32
        %dma_wait3A_126 = tpu.memref_slice %arg8[%add3A_124, %dma_wait3A_125] : memref<40x128xi32, #tpu.memory_space<vmem>> -> memref<1x128xi32, #tpu.memory_space<vmem>>
        %dma_wait3A_127 = tpu.memref_squeeze %dma_wait3A_126 : memref<1x128xi32, #tpu.memory_space<vmem>> -> memref<128xi32, #tpu.memory_space<vmem>>
        %dma_wait3A_128 = arith.constant 0 : i32
        %dma_wait3A_129 = arith.constant 0 : i32
        %dma_wait3A_130 = tpu.memref_slice %arg3[%dma_wait3A_128, %dma_wait3A_129] : memref<10240x128xf32, #tpu.memory_space<hbm>> -> memref<10240x128xf32, #tpu.memory_space<hbm>>
        tpu.wait_indirect_dma semaphore(%arg13 : memref<!tpu.dma_semaphore, #tpu.memory_space<semaphore_mem>>) src(%dma_wait3A_130 : memref<10240x128xf32, #tpu.memory_space<hbm>>) dst(%arg11 : memref<128x128xf32, #tpu.memory_space<vmem>>)
        %add3A_131 = arith.constant 1 : i32
        %add3A_132 = arith.addi %mul3A_98, %add3A_131 : i32
        %dma_start3A_133 = arith.constant 0 : i32
        %dma_start3A_134 = tpu.memref_slice %arg9[%add3A_132, %dma_start3A_133] : memref<40x128xi32, #tpu.memory_space<vmem>> -> memref<1x128xi32, #tpu.memory_space<vmem>>
        %dma_start3A_135 = tpu.memref_squeeze %dma_start3A_134 : memref<1x128xi32, #tpu.memory_space<vmem>> -> memref<128xi32, #tpu.memory_space<vmem>>
        %dma_start3A_136 = arith.constant 0 : i32
        %dma_start3A_137 = arith.constant 0 : i32
        %dma_start3A_138 = tpu.memref_slice %arg12[%dma_start3A_136, %dma_start3A_137] : memref<10240x128xf32, #tpu.memory_space<vmem_shared>> -> memref<10240x128xf32, #tpu.memory_space<vmem_shared>>
        tpu.enqueue_indirect_dma source(%arg11 : memref<128x128xf32, #tpu.memory_space<vmem>>) target(%dma_start3A_138 : memref<10240x128xf32, #tpu.memory_space<vmem_shared>>) offsets(%dma_start3A_135 : memref<128xi32, #tpu.memory_space<vmem>>) semaphore(%arg14 : memref<!tpu.dma_semaphore, #tpu.memory_space<semaphore_mem>>) {add = true}
        %dma_wait3A_139 = arith.constant 0 : i32
        %dma_wait3A_140 = tpu.memref_slice %arg9[%mul3A_98, %dma_wait3A_139] : memref<40x128xi32, #tpu.memory_space<vmem>> -> memref<1x128xi32, #tpu.memory_space<vmem>>
        %dma_wait3A_141 = tpu.memref_squeeze %dma_wait3A_140 : memref<1x128xi32, #tpu.memory_space<vmem>> -> memref<128xi32, #tpu.memory_space<vmem>>
        %dma_wait3A_142 = arith.constant 0 : i32
        %dma_wait3A_143 = arith.constant 0 : i32
        %dma_wait3A_144 = tpu.memref_slice %arg12[%dma_wait3A_142, %dma_wait3A_143] : memref<10240x128xf32, #tpu.memory_space<vmem_shared>> -> memref<10240x128xf32, #tpu.memory_space<vmem_shared>>
        tpu.wait_indirect_dma semaphore(%arg14 : memref<!tpu.dma_semaphore, #tpu.memory_space<semaphore_mem>>) src(%arg10 : memref<128x128xf32, #tpu.memory_space<vmem>>) dst(%dma_wait3A_144 : memref<10240x128xf32, #tpu.memory_space<vmem_shared>>)
        %add3A_145 = arith.constant 1 : i32
        %add3A_146 = arith.addi %scan3A_96, %add3A_145 : i32
        %lt3A = arith.constant 20 : i32
        %lt3A_147 = arith.cmpi slt, %add3A_146, %lt3A : i32
        %add3A_148 = arith.constant 2 : i32
        %add3A_149 = arith.addi %mul3A_98, %add3A_148 : i32
        %select_n3A = arith.constant 0 : i32
        %select_n3A_150 = arith.select %lt3A_147, %add3A_149, %select_n3A : i32
        %dma_start3A_151 = arith.constant 0 : i32
        %dma_start3A_152 = tpu.memref_slice %arg8[%select_n3A_150, %dma_start3A_151] : memref<40x128xi32, #tpu.memory_space<vmem>> -> memref<1x128xi32, #tpu.memory_space<vmem>>
        %dma_start3A_153 = tpu.memref_squeeze %dma_start3A_152 : memref<1x128xi32, #tpu.memory_space<vmem>> -> memref<128xi32, #tpu.memory_space<vmem>>
        %dma_start3A_154 = arith.constant 0 : i32
        %dma_start3A_155 = arith.constant 0 : i32
        %dma_start3A_156 = tpu.memref_slice %arg3[%dma_start3A_154, %dma_start3A_155] : memref<10240x128xf32, #tpu.memory_space<hbm>> -> memref<10240x128xf32, #tpu.memory_space<hbm>>
        tpu.enqueue_indirect_dma source(%dma_start3A_156 : memref<10240x128xf32, #tpu.memory_space<hbm>>) target(%arg10 : memref<128x128xf32, #tpu.memory_space<vmem>>) offsets(%dma_start3A_153 : memref<128xi32, #tpu.memory_space<vmem>>) semaphore(%arg13 : memref<!tpu.dma_semaphore, #tpu.memory_space<semaphore_mem>>)
      }
      %scan3A_55 = arith.constant 20 : i32
      %dma_wait3A = arith.constant 0 : i32
      %dma_wait3A_56 = arith.constant 0 : i32
      %dma_wait3A_57 = tpu.memref_slice %arg8[%dma_wait3A, %dma_wait3A_56] : memref<40x128xi32, #tpu.memory_space<vmem>> -> memref<1x128xi32, #tpu.memory_space<vmem>>
      %dma_wait3A_58 = tpu.memref_squeeze %dma_wait3A_57 : memref<1x128xi32, #tpu.memory_space<vmem>> -> memref<128xi32, #tpu.memory_space<vmem>>
      %dma_wait3A_59 = arith.constant 0 : i32
      %dma_wait3A_60 = arith.constant 0 : i32
      %dma_wait3A_61 = tpu.memref_slice %arg3[%dma_wait3A_59, %dma_wait3A_60] : memref<10240x128xf32, #tpu.memory_space<hbm>> -> memref<10240x128xf32, #tpu.memory_space<hbm>>
      tpu.wait_indirect_dma semaphore(%arg13 : memref<!tpu.dma_semaphore, #tpu.memory_space<semaphore_mem>>) src(%dma_wait3A_61 : memref<10240x128xf32, #tpu.memory_space<hbm>>) dst(%arg10 : memref<128x128xf32, #tpu.memory_space<vmem>>)
      %dma_wait3A_62 = arith.constant 0 : i32
      %dma_wait3A_63 = arith.constant 0 : i32
      %dma_wait3A_64 = tpu.memref_slice %arg9[%dma_wait3A_62, %dma_wait3A_63] : memref<40x128xi32, #tpu.memory_space<vmem>> -> memref<1x128xi32, #tpu.memory_space<vmem>>
      %dma_wait3A_65 = tpu.memref_squeeze %dma_wait3A_64 : memref<1x128xi32, #tpu.memory_space<vmem>> -> memref<128xi32, #tpu.memory_space<vmem>>
      %dma_wait3A_66 = arith.constant 0 : i32
      %dma_wait3A_67 = arith.constant 0 : i32
      %dma_wait3A_68 = tpu.memref_slice %arg12[%dma_wait3A_66, %dma_wait3A_67] : memref<10240x128xf32, #tpu.memory_space<vmem_shared>> -> memref<10240x128xf32, #tpu.memory_space<vmem_shared>>
      tpu.wait_indirect_dma semaphore(%arg14 : memref<!tpu.dma_semaphore, #tpu.memory_space<semaphore_mem>>) src(%arg11 : memref<128x128xf32, #tpu.memory_space<vmem>>) dst(%dma_wait3A_68 : memref<10240x128xf32, #tpu.memory_space<vmem_shared>>)
      "tpu.region"() ({
        %run_scoped3A = tpu.sem_alloc : memref<!tpu.dma_semaphore, #tpu.memory_space<semaphore_mem>>
        %dma_start3A_96 = arith.constant 40 : i32
        %dma_start3A_97 = arith.constant 0 : i32
        %dma_start3A_98 = tpu.memref_slice %arg4[%arg1, %dma_start3A_96, %dma_start3A_97] : memref<16x80x128xi32, #tpu.memory_space<hbm>> -> memref<1x40x128xi32, #tpu.memory_space<hbm>>
        %dma_start3A_99 = tpu.memref_squeeze %dma_start3A_98 : memref<1x40x128xi32, #tpu.memory_space<hbm>> -> memref<40x128xi32, #tpu.memory_space<hbm>>
        %dma_start3A_100 = arith.constant 40 : i32
        %dma_start3A_101 = arith.constant 0 : i32
        %dma_start3A_102 = tpu.memref_slice %arg4[%arg1, %dma_start3A_100, %dma_start3A_101] : memref<16x80x128xi32, #tpu.memory_space<hbm>> -> memref<1x40x128xi32, #tpu.memory_space<hbm>>
        %dma_start3A_103 = tpu.memref_squeeze %dma_start3A_102 : memref<1x40x128xi32, #tpu.memory_space<hbm>> -> memref<40x128xi32, #tpu.memory_space<hbm>>
        tpu.enqueue_dma source(%dma_start3A_103 : memref<40x128xi32, #tpu.memory_space<hbm>>) target(%arg8 : memref<40x128xi32, #tpu.memory_space<vmem>>) target_semaphore(%run_scoped3A : memref<!tpu.dma_semaphore, #tpu.memory_space<semaphore_mem>>)
        %dma_wait3A_104 = arith.constant 40 : i32
        %dma_wait3A_105 = arith.constant 0 : i32
        %dma_wait3A_106 = tpu.memref_slice %arg4[%arg1, %dma_wait3A_104, %dma_wait3A_105] : memref<16x80x128xi32, #tpu.memory_space<hbm>> -> memref<1x40x128xi32, #tpu.memory_space<hbm>>
        %dma_wait3A_107 = tpu.memref_squeeze %dma_wait3A_106 : memref<1x40x128xi32, #tpu.memory_space<hbm>> -> memref<40x128xi32, #tpu.memory_space<hbm>>
        %dma_wait3A_108 = arith.constant 40 : i32
        %dma_wait3A_109 = arith.constant 0 : i32
        %dma_wait3A_110 = tpu.memref_slice %arg4[%arg1, %dma_wait3A_108, %dma_wait3A_109] : memref<16x80x128xi32, #tpu.memory_space<hbm>> -> memref<1x40x128xi32, #tpu.memory_space<hbm>>
        %dma_wait3A_111 = tpu.memref_squeeze %dma_wait3A_110 : memref<1x40x128xi32, #tpu.memory_space<hbm>> -> memref<40x128xi32, #tpu.memory_space<hbm>>
        tpu.wait_dma2 semaphore(%run_scoped3A : memref<!tpu.dma_semaphore, #tpu.memory_space<semaphore_mem>>) src(%dma_wait3A_111 : memref<40x128xi32, #tpu.memory_space<hbm>>) dst(%arg8 : memref<40x128xi32, #tpu.memory_space<vmem>>)
        tpu.yield
      }) : () -> ()
      "tpu.region"() ({
        %run_scoped3A = tpu.sem_alloc : memref<!tpu.dma_semaphore, #tpu.memory_space<semaphore_mem>>
        %dma_start3A_96 = arith.constant 40 : i32
        %dma_start3A_97 = arith.constant 0 : i32
        %dma_start3A_98 = tpu.memref_slice %arg5[%arg1, %dma_start3A_96, %dma_start3A_97] : memref<16x80x128xi32, #tpu.memory_space<hbm>> -> memref<1x40x128xi32, #tpu.memory_space<hbm>>
        %dma_start3A_99 = tpu.memref_squeeze %dma_start3A_98 : memref<1x40x128xi32, #tpu.memory_space<hbm>> -> memref<40x128xi32, #tpu.memory_space<hbm>>
        %dma_start3A_100 = arith.constant 40 : i32
        %dma_start3A_101 = arith.constant 0 : i32
        %dma_start3A_102 = tpu.memref_slice %arg5[%arg1, %dma_start3A_100, %dma_start3A_101] : memref<16x80x128xi32, #tpu.memory_space<hbm>> -> memref<1x40x128xi32, #tpu.memory_space<hbm>>
        %dma_start3A_103 = tpu.memref_squeeze %dma_start3A_102 : memref<1x40x128xi32, #tpu.memory_space<hbm>> -> memref<40x128xi32, #tpu.memory_space<hbm>>
        tpu.enqueue_dma source(%dma_start3A_103 : memref<40x128xi32, #tpu.memory_space<hbm>>) target(%arg9 : memref<40x128xi32, #tpu.memory_space<vmem>>) target_semaphore(%run_scoped3A : memref<!tpu.dma_semaphore, #tpu.memory_space<semaphore_mem>>)
        %dma_wait3A_104 = arith.constant 40 : i32
        %dma_wait3A_105 = arith.constant 0 : i32
        %dma_wait3A_106 = tpu.memref_slice %arg5[%arg1, %dma_wait3A_104, %dma_wait3A_105] : memref<16x80x128xi32, #tpu.memory_space<hbm>> -> memref<1x40x128xi32, #tpu.memory_space<hbm>>
        %dma_wait3A_107 = tpu.memref_squeeze %dma_wait3A_106 : memref<1x40x128xi32, #tpu.memory_space<hbm>> -> memref<40x128xi32, #tpu.memory_space<hbm>>
        %dma_wait3A_108 = arith.constant 40 : i32
        %dma_wait3A_109 = arith.constant 0 : i32
        %dma_wait3A_110 = tpu.memref_slice %arg5[%arg1, %dma_wait3A_108, %dma_wait3A_109] : memref<16x80x128xi32, #tpu.memory_space<hbm>> -> memref<1x40x128xi32, #tpu.memory_space<hbm>>
        %dma_wait3A_111 = tpu.memref_squeeze %dma_wait3A_110 : memref<1x40x128xi32, #tpu.memory_space<hbm>> -> memref<40x128xi32, #tpu.memory_space<hbm>>
        tpu.wait_dma2 semaphore(%run_scoped3A : memref<!tpu.dma_semaphore, #tpu.memory_space<semaphore_mem>>) src(%dma_wait3A_111 : memref<40x128xi32, #tpu.memory_space<hbm>>) dst(%arg9 : memref<40x128xi32, #tpu.memory_space<vmem>>)
        tpu.yield
      }) : () -> ()
      %dma_start3A_69 = arith.constant 0 : i32
      %dma_start3A_70 = arith.constant 0 : i32
      %dma_start3A_71 = tpu.memref_slice %arg8[%dma_start3A_69, %dma_start3A_70] : memref<40x128xi32, #tpu.memory_space<vmem>> -> memref<1x128xi32, #tpu.memory_space<vmem>>
      %dma_start3A_72 = tpu.memref_squeeze %dma_start3A_71 : memref<1x128xi32, #tpu.memory_space<vmem>> -> memref<128xi32, #tpu.memory_space<vmem>>
      %dma_start3A_73 = arith.constant 0 : i32
      %dma_start3A_74 = arith.constant 0 : i32
      %dma_start3A_75 = tpu.memref_slice %arg3[%dma_start3A_73, %dma_start3A_74] : memref<10240x128xf32, #tpu.memory_space<hbm>> -> memref<10240x128xf32, #tpu.memory_space<hbm>>
      tpu.enqueue_indirect_dma source(%dma_start3A_75 : memref<10240x128xf32, #tpu.memory_space<hbm>>) target(%arg10 : memref<128x128xf32, #tpu.memory_space<vmem>>) offsets(%dma_start3A_72 : memref<128xi32, #tpu.memory_space<vmem>>) semaphore(%arg13 : memref<!tpu.dma_semaphore, #tpu.memory_space<semaphore_mem>>)
      %scan3A_76 = arith.constant 0 : i32
      %scan3A_77 = arith.constant 0 : i32
      %scan3A_78 = arith.constant 20 : i32
      %scan3A_79 = arith.addi %scan3A_77, %scan3A_78 : i32
      %scan3A_80 = arith.constant 1 : i32
      scf.for %scan3A_96 = %scan3A_77 to %scan3A_79 step %scan3A_80  : i32 {
        %mul3A_97 = arith.constant 2 : i32
        %mul3A_98 = arith.muli %mul3A_97, %scan3A_96 : i32
        %dma_wait3A_99 = arith.constant 0 : i32
        %dma_wait3A_100 = tpu.memref_slice %arg8[%mul3A_98, %dma_wait3A_99] : memref<40x128xi32, #tpu.memory_space<vmem>> -> memref<1x128xi32, #tpu.memory_space<vmem>>
        %dma_wait3A_101 = tpu.memref_squeeze %dma_wait3A_100 : memref<1x128xi32, #tpu.memory_space<vmem>> -> memref<128xi32, #tpu.memory_space<vmem>>
        %dma_wait3A_102 = arith.constant 0 : i32
        %dma_wait3A_103 = arith.constant 0 : i32
        %dma_wait3A_104 = tpu.memref_slice %arg3[%dma_wait3A_102, %dma_wait3A_103] : memref<10240x128xf32, #tpu.memory_space<hbm>> -> memref<10240x128xf32, #tpu.memory_space<hbm>>
        tpu.wait_indirect_dma semaphore(%arg13 : memref<!tpu.dma_semaphore, #tpu.memory_space<semaphore_mem>>) src(%dma_wait3A_104 : memref<10240x128xf32, #tpu.memory_space<hbm>>) dst(%arg10 : memref<128x128xf32, #tpu.memory_space<vmem>>)
        %dma_start3A_105 = arith.constant 0 : i32
        %dma_start3A_106 = tpu.memref_slice %arg9[%mul3A_98, %dma_start3A_105] : memref<40x128xi32, #tpu.memory_space<vmem>> -> memref<1x128xi32, #tpu.memory_space<vmem>>
        %dma_start3A_107 = tpu.memref_squeeze %dma_start3A_106 : memref<1x128xi32, #tpu.memory_space<vmem>> -> memref<128xi32, #tpu.memory_space<vmem>>
        %dma_start3A_108 = arith.constant 0 : i32
        %dma_start3A_109 = arith.constant 0 : i32
        %dma_start3A_110 = tpu.memref_slice %arg12[%dma_start3A_108, %dma_start3A_109] : memref<10240x128xf32, #tpu.memory_space<vmem_shared>> -> memref<10240x128xf32, #tpu.memory_space<vmem_shared>>
        tpu.enqueue_indirect_dma source(%arg10 : memref<128x128xf32, #tpu.memory_space<vmem>>) target(%dma_start3A_110 : memref<10240x128xf32, #tpu.memory_space<vmem_shared>>) offsets(%dma_start3A_107 : memref<128xi32, #tpu.memory_space<vmem>>) semaphore(%arg14 : memref<!tpu.dma_semaphore, #tpu.memory_space<semaphore_mem>>) {add = true}
        %gt3A = arith.constant 0 : i32
        %gt3A_111 = arith.cmpi sgt, %scan3A_96, %gt3A : i32
        %convert_element_type3A_112 = arith.extui %gt3A_111 : i1 to i32
        %cond3A_113 = arith.constant 0 : i32
        %cond3A_114 = arith.cmpi ne, %convert_element_type3A_112, %cond3A_113 : i32
        scf.if %cond3A_114 {
          %dma_wait3A_157 = arith.constant 0 : i32
          %dma_wait3A_158 = tpu.memref_slice %arg9[%mul3A_98, %dma_wait3A_157] : memref<40x128xi32, #tpu.memory_space<vmem>> -> memref<1x128xi32, #tpu.memory_space<vmem>>
          %dma_wait3A_159 = tpu.memref_squeeze %dma_wait3A_158 : memref<1x128xi32, #tpu.memory_space<vmem>> -> memref<128xi32, #tpu.memory_space<vmem>>
          %dma_wait3A_160 = arith.constant 0 : i32
          %dma_wait3A_161 = arith.constant 0 : i32
          %dma_wait3A_162 = tpu.memref_slice %arg12[%dma_wait3A_160, %dma_wait3A_161] : memref<10240x128xf32, #tpu.memory_space<vmem_shared>> -> memref<10240x128xf32, #tpu.memory_space<vmem_shared>>
          tpu.wait_indirect_dma semaphore(%arg14 : memref<!tpu.dma_semaphore, #tpu.memory_space<semaphore_mem>>) src(%arg11 : memref<128x128xf32, #tpu.memory_space<vmem>>) dst(%dma_wait3A_162 : memref<10240x128xf32, #tpu.memory_space<vmem_shared>>)
        } else {
        }
        %add3A_115 = arith.constant 1 : i32
        %add3A_116 = arith.addi %mul3A_98, %add3A_115 : i32
        %dma_start3A_117 = arith.constant 0 : i32
        %dma_start3A_118 = tpu.memref_slice %arg8[%add3A_116, %dma_start3A_117] : memref<40x128xi32, #tpu.memory_space<vmem>> -> memref<1x128xi32, #tpu.memory_space<vmem>>
        %dma_start3A_119 = tpu.memref_squeeze %dma_start3A_118 : memref<1x128xi32, #tpu.memory_space<vmem>> -> memref<128xi32, #tpu.memory_space<vmem>>
        %dma_start3A_120 = arith.constant 0 : i32
        %dma_start3A_121 = arith.constant 0 : i32
        %dma_start3A_122 = tpu.memref_slice %arg3[%dma_start3A_120, %dma_start3A_121] : memref<10240x128xf32, #tpu.memory_space<hbm>> -> memref<10240x128xf32, #tpu.memory_space<hbm>>
        tpu.enqueue_indirect_dma source(%dma_start3A_122 : memref<10240x128xf32, #tpu.memory_space<hbm>>) target(%arg11 : memref<128x128xf32, #tpu.memory_space<vmem>>) offsets(%dma_start3A_119 : memref<128xi32, #tpu.memory_space<vmem>>) semaphore(%arg13 : memref<!tpu.dma_semaphore, #tpu.memory_space<semaphore_mem>>)
        %add3A_123 = arith.constant 1 : i32
        %add3A_124 = arith.addi %mul3A_98, %add3A_123 : i32
        %dma_wait3A_125 = arith.constant 0 : i32
        %dma_wait3A_126 = tpu.memref_slice %arg8[%add3A_124, %dma_wait3A_125] : memref<40x128xi32, #tpu.memory_space<vmem>> -> memref<1x128xi32, #tpu.memory_space<vmem>>
        %dma_wait3A_127 = tpu.memref_squeeze %dma_wait3A_126 : memref<1x128xi32, #tpu.memory_space<vmem>> -> memref<128xi32, #tpu.memory_space<vmem>>
        %dma_wait3A_128 = arith.constant 0 : i32
        %dma_wait3A_129 = arith.constant 0 : i32
        %dma_wait3A_130 = tpu.memref_slice %arg3[%dma_wait3A_128, %dma_wait3A_129] : memref<10240x128xf32, #tpu.memory_space<hbm>> -> memref<10240x128xf32, #tpu.memory_space<hbm>>
        tpu.wait_indirect_dma semaphore(%arg13 : memref<!tpu.dma_semaphore, #tpu.memory_space<semaphore_mem>>) src(%dma_wait3A_130 : memref<10240x128xf32, #tpu.memory_space<hbm>>) dst(%arg11 : memref<128x128xf32, #tpu.memory_space<vmem>>)
        %add3A_131 = arith.constant 1 : i32
        %add3A_132 = arith.addi %mul3A_98, %add3A_131 : i32
        %dma_start3A_133 = arith.constant 0 : i32
        %dma_start3A_134 = tpu.memref_slice %arg9[%add3A_132, %dma_start3A_133] : memref<40x128xi32, #tpu.memory_space<vmem>> -> memref<1x128xi32, #tpu.memory_space<vmem>>
        %dma_start3A_135 = tpu.memref_squeeze %dma_start3A_134 : memref<1x128xi32, #tpu.memory_space<vmem>> -> memref<128xi32, #tpu.memory_space<vmem>>
        %dma_start3A_136 = arith.constant 0 : i32
        %dma_start3A_137 = arith.constant 0 : i32
        %dma_start3A_138 = tpu.memref_slice %arg12[%dma_start3A_136, %dma_start3A_137] : memref<10240x128xf32, #tpu.memory_space<vmem_shared>> -> memref<10240x128xf32, #tpu.memory_space<vmem_shared>>
        tpu.enqueue_indirect_dma source(%arg11 : memref<128x128xf32, #tpu.memory_space<vmem>>) target(%dma_start3A_138 : memref<10240x128xf32, #tpu.memory_space<vmem_shared>>) offsets(%dma_start3A_135 : memref<128xi32, #tpu.memory_space<vmem>>) semaphore(%arg14 : memref<!tpu.dma_semaphore, #tpu.memory_space<semaphore_mem>>) {add = true}
        %dma_wait3A_139 = arith.constant 0 : i32
        %dma_wait3A_140 = tpu.memref_slice %arg9[%mul3A_98, %dma_wait3A_139] : memref<40x128xi32, #tpu.memory_space<vmem>> -> memref<1x128xi32, #tpu.memory_space<vmem>>
        %dma_wait3A_141 = tpu.memref_squeeze %dma_wait3A_140 : memref<1x128xi32, #tpu.memory_space<vmem>> -> memref<128xi32, #tpu.memory_space<vmem>>
        %dma_wait3A_142 = arith.constant 0 : i32
        %dma_wait3A_143 = arith.constant 0 : i32
        %dma_wait3A_144 = tpu.memref_slice %arg12[%dma_wait3A_142, %dma_wait3A_143] : memref<10240x128xf32, #tpu.memory_space<vmem_shared>> -> memref<10240x128xf32, #tpu.memory_space<vmem_shared>>
        tpu.wait_indirect_dma semaphore(%arg14 : memref<!tpu.dma_semaphore, #tpu.memory_space<semaphore_mem>>) src(%arg10 : memref<128x128xf32, #tpu.memory_space<vmem>>) dst(%dma_wait3A_144 : memref<10240x128xf32, #tpu.memory_space<vmem_shared>>)
        %add3A_145 = arith.constant 1 : i32
        %add3A_146 = arith.addi %scan3A_96, %add3A_145 : i32
        %lt3A = arith.constant 20 : i32
        %lt3A_147 = arith.cmpi slt, %add3A_146, %lt3A : i32
        %add3A_148 = arith.constant 2 : i32
        %add3A_149 = arith.addi %mul3A_98, %add3A_148 : i32
        %select_n3A = arith.constant 0 : i32
        %select_n3A_150 = arith.select %lt3A_147, %add3A_149, %select_n3A : i32
        %dma_start3A_151 = arith.constant 0 : i32
        %dma_start3A_152 = tpu.memref_slice %arg8[%select_n3A_150, %dma_start3A_151] : memref<40x128xi32, #tpu.memory_space<vmem>> -> memref<1x128xi32, #tpu.memory_space<vmem>>
        %dma_start3A_153 = tpu.memref_squeeze %dma_start3A_152 : memref<1x128xi32, #tpu.memory_space<vmem>> -> memref<128xi32, #tpu.memory_space<vmem>>
        %dma_start3A_154 = arith.constant 0 : i32
        %dma_start3A_155 = arith.constant 0 : i32
        %dma_start3A_156 = tpu.memref_slice %arg3[%dma_start3A_154, %dma_start3A_155] : memref<10240x128xf32, #tpu.memory_space<hbm>> -> memref<10240x128xf32, #tpu.memory_space<hbm>>
        tpu.enqueue_indirect_dma source(%dma_start3A_156 : memref<10240x128xf32, #tpu.memory_space<hbm>>) target(%arg10 : memref<128x128xf32, #tpu.memory_space<vmem>>) offsets(%dma_start3A_153 : memref<128xi32, #tpu.memory_space<vmem>>) semaphore(%arg13 : memref<!tpu.dma_semaphore, #tpu.memory_space<semaphore_mem>>)
      }
      %scan3A_81 = arith.constant 20 : i32
      %dma_wait3A_82 = arith.constant 0 : i32
      %dma_wait3A_83 = arith.constant 0 : i32
      %dma_wait3A_84 = tpu.memref_slice %arg8[%dma_wait3A_82, %dma_wait3A_83] : memref<40x128xi32, #tpu.memory_space<vmem>> -> memref<1x128xi32, #tpu.memory_space<vmem>>
      %dma_wait3A_85 = tpu.memref_squeeze %dma_wait3A_84 : memref<1x128xi32, #tpu.memory_space<vmem>> -> memref<128xi32, #tpu.memory_space<vmem>>
      %dma_wait3A_86 = arith.constant 0 : i32
      %dma_wait3A_87 = arith.constant 0 : i32
      %dma_wait3A_88 = tpu.memref_slice %arg3[%dma_wait3A_86, %dma_wait3A_87] : memref<10240x128xf32, #tpu.memory_space<hbm>> -> memref<10240x128xf32, #tpu.memory_space<hbm>>
      tpu.wait_indirect_dma semaphore(%arg13 : memref<!tpu.dma_semaphore, #tpu.memory_space<semaphore_mem>>) src(%dma_wait3A_88 : memref<10240x128xf32, #tpu.memory_space<hbm>>) dst(%arg10 : memref<128x128xf32, #tpu.memory_space<vmem>>)
      %dma_wait3A_89 = arith.constant 0 : i32
      %dma_wait3A_90 = arith.constant 0 : i32
      %dma_wait3A_91 = tpu.memref_slice %arg9[%dma_wait3A_89, %dma_wait3A_90] : memref<40x128xi32, #tpu.memory_space<vmem>> -> memref<1x128xi32, #tpu.memory_space<vmem>>
      %dma_wait3A_92 = tpu.memref_squeeze %dma_wait3A_91 : memref<1x128xi32, #tpu.memory_space<vmem>> -> memref<128xi32, #tpu.memory_space<vmem>>
      %dma_wait3A_93 = arith.constant 0 : i32
      %dma_wait3A_94 = arith.constant 0 : i32
      %dma_wait3A_95 = tpu.memref_slice %arg12[%dma_wait3A_93, %dma_wait3A_94] : memref<10240x128xf32, #tpu.memory_space<vmem_shared>> -> memref<10240x128xf32, #tpu.memory_space<vmem_shared>>
      tpu.wait_indirect_dma semaphore(%arg14 : memref<!tpu.dma_semaphore, #tpu.memory_space<semaphore_mem>>) src(%arg11 : memref<128x128xf32, #tpu.memory_space<vmem>>) dst(%dma_wait3A_95 : memref<10240x128xf32, #tpu.memory_space<vmem_shared>>)
    } else {
    }
    %barrier3A_31 = arith.constant 0 : index
    tpu.barrier barrier_id(%barrier3A_31)
    %mul3A_32 = arith.constant 640 : i32
    %mul3A_33 = arith.muli %arg1, %mul3A_32 : i32
    %eq3A_34 = arith.constant 0 : i32
    %eq3A_35 = arith.cmpi eq, %arg0, %eq3A_34 : i32
    %convert_element_type3A_36 = arith.extui %eq3A_35 : i1 to i32
    %cond3A_37 = arith.constant 0 : i32
    %cond3A_38 = arith.cmpi ne, %convert_element_type3A_36, %cond3A_37 : i32
    scf.if %cond3A_38 {
      "tpu.region"() ({
        %run_scoped3A = tpu.sem_alloc : memref<!tpu.dma_semaphore, #tpu.memory_space<semaphore_mem>>
        %dma_start3A = arith.constant 0 : i32
        %dma_start3A_44 = tpu.memref_slice %arg6[%mul3A_33, %dma_start3A] : memref<10240x128xf32, #tpu.memory_space<hbm>> -> memref<640x128xf32, #tpu.memory_space<hbm>>
        %dma_start3A_45 = arith.constant 0 : i32
        %dma_start3A_46 = tpu.memref_slice %arg12[%mul3A_33, %dma_start3A_45] : memref<10240x128xf32, #tpu.memory_space<vmem_shared>> -> memref<640x128xf32, #tpu.memory_space<vmem_shared>>
        tpu.enqueue_dma source(%dma_start3A_46 : memref<640x128xf32, #tpu.memory_space<vmem_shared>>) target(%dma_start3A_44 : memref<640x128xf32, #tpu.memory_space<hbm>>) target_semaphore(%run_scoped3A : memref<!tpu.dma_semaphore, #tpu.memory_space<semaphore_mem>>)
        %dma_wait3A = arith.constant 0 : i32
        %dma_wait3A_47 = tpu.memref_slice %arg6[%mul3A_33, %dma_wait3A] : memref<10240x128xf32, #tpu.memory_space<hbm>> -> memref<640x128xf32, #tpu.memory_space<hbm>>
        %dma_wait3A_48 = arith.constant 0 : i32
        %dma_wait3A_49 = tpu.memref_slice %arg12[%mul3A_33, %dma_wait3A_48] : memref<10240x128xf32, #tpu.memory_space<vmem_shared>> -> memref<640x128xf32, #tpu.memory_space<vmem_shared>>
        tpu.wait_dma2 semaphore(%run_scoped3A : memref<!tpu.dma_semaphore, #tpu.memory_space<semaphore_mem>>) src(%dma_wait3A_49 : memref<640x128xf32, #tpu.memory_space<vmem_shared>>) dst(%dma_wait3A_47 : memref<640x128xf32, #tpu.memory_space<hbm>>)
        tpu.yield
      }) : () -> ()
    } else {
    }
    %eq3A_39 = arith.constant 1 : i32
    %eq3A_40 = arith.cmpi eq, %arg0, %eq3A_39 : i32
    %convert_element_type3A_41 = arith.extui %eq3A_40 : i1 to i32
    %cond3A_42 = arith.constant 0 : i32
    %cond3A_43 = arith.cmpi ne, %convert_element_type3A_41, %cond3A_42 : i32
    scf.if %cond3A_43 {
      "tpu.region"() ({
        %run_scoped3A = tpu.sem_alloc : memref<!tpu.dma_semaphore, #tpu.memory_space<semaphore_mem>>
        %dma_start3A = arith.constant 0 : i32
        %dma_start3A_44 = tpu.memref_slice %arg7[%mul3A_33, %dma_start3A] : memref<10240x128xf32, #tpu.memory_space<hbm>> -> memref<640x128xf32, #tpu.memory_space<hbm>>
        %dma_start3A_45 = arith.constant 0 : i32
        %dma_start3A_46 = tpu.memref_slice %arg12[%mul3A_33, %dma_start3A_45] : memref<10240x128xf32, #tpu.memory_space<vmem_shared>> -> memref<640x128xf32, #tpu.memory_space<vmem_shared>>
        tpu.enqueue_dma source(%dma_start3A_46 : memref<640x128xf32, #tpu.memory_space<vmem_shared>>) target(%dma_start3A_44 : memref<640x128xf32, #tpu.memory_space<hbm>>) target_semaphore(%run_scoped3A : memref<!tpu.dma_semaphore, #tpu.memory_space<semaphore_mem>>)
        %dma_wait3A = arith.constant 0 : i32
        %dma_wait3A_47 = tpu.memref_slice %arg7[%mul3A_33, %dma_wait3A] : memref<10240x128xf32, #tpu.memory_space<hbm>> -> memref<640x128xf32, #tpu.memory_space<hbm>>
        %dma_wait3A_48 = arith.constant 0 : i32
        %dma_wait3A_49 = tpu.memref_slice %arg12[%mul3A_33, %dma_wait3A_48] : memref<10240x128xf32, #tpu.memory_space<vmem_shared>> -> memref<640x128xf32, #tpu.memory_space<vmem_shared>>
        tpu.wait_dma2 semaphore(%run_scoped3A : memref<!tpu.dma_semaphore, #tpu.memory_space<semaphore_mem>>) src(%dma_wait3A_49 : memref<640x128xf32, #tpu.memory_space<vmem_shared>>) dst(%dma_wait3A_47 : memref<640x128xf32, #tpu.memory_space<hbm>>)
        tpu.yield
      }) : () -> ()
    } else {
    }
    return
  }
}

module attributes {stable_mosaic.version = 14 : i64} {
  func.func @body(%arg0: i32, %arg1: memref<400x13xf32, #tpu.memory_space<vmem>>, %arg2: memref<400x64x3xf32, #tpu.memory_space<vmem>>, %arg3: memref<13x32xf32, #tpu.memory_space<vmem>>, %arg4: memref<1x32xf32, #tpu.memory_space<vmem>>, %arg5: memref<32x64xf32, #tpu.memory_space<vmem>>, %arg6: memref<1x64xf32, #tpu.memory_space<vmem>>, %arg7: memref<3x64xf32, #tpu.memory_space<vmem>>, %arg8: memref<1x64xf32, #tpu.memory_space<vmem>>, %arg9: memref<64x64xf32, #tpu.memory_space<vmem>>, %arg10: memref<1x64xf32, #tpu.memory_space<vmem>>, %arg11: memref<400x128xf32, #tpu.memory_space<vmem>>) attributes {dimension_semantics = [#tpu.dimension_semantics<arbitrary>], iteration_bounds = array<i64: 25>, scalar_prefetch = 0 : i64, scratch_operands = 0 : i64, tpu.core_type = #tpu.core_type<tc>, window_params = [{transform_indices = @transform_0, window_bounds = array<i64: 400, 13>}, {transform_indices = @transform_1, window_bounds = array<i64: 400, 64, 3>}, {pipeline_mode = #tpu.pipeline_mode<synchronous>, transform_indices = @transform_2, window_bounds = array<i64: 13, 32>}, {pipeline_mode = #tpu.pipeline_mode<synchronous>, transform_indices = @transform_3, window_bounds = array<i64: 1, 32>}, {pipeline_mode = #tpu.pipeline_mode<synchronous>, transform_indices = @transform_4, window_bounds = array<i64: 32, 64>}, {pipeline_mode = #tpu.pipeline_mode<synchronous>, transform_indices = @transform_5, window_bounds = array<i64: 1, 64>}, {pipeline_mode = #tpu.pipeline_mode<synchronous>, transform_indices = @transform_6, window_bounds = array<i64: 3, 64>}, {pipeline_mode = #tpu.pipeline_mode<synchronous>, transform_indices = @transform_7, window_bounds = array<i64: 1, 64>}, {pipeline_mode = #tpu.pipeline_mode<synchronous>, transform_indices = @transform_8, window_bounds = array<i64: 64, 64>}, {pipeline_mode = #tpu.pipeline_mode<synchronous>, transform_indices = @transform_9, window_bounds = array<i64: 1, 64>}, {transform_indices = @transform_10, window_bounds = array<i64: 400, 128>}]} {
    %get3A = arith.constant 0 : index
    %get3A_0 = arith.constant 0 : index
    %get3A_1 = vector.load %arg1[%get3A, %get3A_0] : memref<400x13xf32, #tpu.memory_space<vmem>>, vector<400x13xf32>
    %get3A_2 = arith.constant 0 : index
    %get3A_3 = arith.constant 0 : index
    %get3A_4 = vector.load %arg3[%get3A_2, %get3A_3] : memref<13x32xf32, #tpu.memory_space<vmem>>, vector<13x32xf32>
    %dot_general3A = arith.constant dense<0.000000e+00> : vector<400x32xf32>
    %dot_general3A_5 = tpu.matmul %get3A_1, %get3A_4, %dot_general3A {dimension_numbers = #tpu.dot_dimension_numbers<[1], [0], [0], [1], [0, 0, 1, 1], [], []>, transpose_lhs_hint = false} : vector<400x13xf32>, vector<13x32xf32>, vector<400x32xf32> -> vector<400x32xf32>
    %get3A_6 = arith.constant 0 : index
    %get3A_7 = arith.constant 0 : index
    %get3A_8 = vector.load %arg4[%get3A_6, %get3A_7] : memref<1x32xf32, #tpu.memory_space<vmem>>, vector<1x32xf32>
    %add3A = vector.broadcast %get3A_8 : vector<1x32xf32> to vector<400x32xf32>
    %add3A_9 = arith.addf %dot_general3A_5, %add3A : vector<400x32xf32>
    %max3A = arith.constant 0.000000e+00 : f32
    %max3A_10 = vector.broadcast %max3A : f32 to vector<400x32xf32>
    %max3A_11 = arith.maximumf %add3A_9, %max3A_10 : vector<400x32xf32>
    %get3A_12 = arith.constant 0 : index
    %get3A_13 = arith.constant 0 : index
    %get3A_14 = vector.load %arg5[%get3A_12, %get3A_13] : memref<32x64xf32, #tpu.memory_space<vmem>>, vector<32x64xf32>
    %dot_general3A_15 = arith.constant dense<0.000000e+00> : vector<400x64xf32>
    %dot_general3A_16 = tpu.matmul %max3A_11, %get3A_14, %dot_general3A_15 {dimension_numbers = #tpu.dot_dimension_numbers<[1], [0], [0], [1], [0, 0, 1, 1], [], []>, transpose_lhs_hint = false} : vector<400x32xf32>, vector<32x64xf32>, vector<400x64xf32> -> vector<400x64xf32>
    %get3A_17 = arith.constant 0 : index
    %get3A_18 = arith.constant 0 : index
    %get3A_19 = vector.load %arg6[%get3A_17, %get3A_18] : memref<1x64xf32, #tpu.memory_space<vmem>>, vector<1x64xf32>
    %add3A_20 = vector.broadcast %get3A_19 : vector<1x64xf32> to vector<400x64xf32>
    %add3A_21 = arith.addf %dot_general3A_16, %add3A_20 : vector<400x64xf32>
    %max3A_22 = arith.constant 0.000000e+00 : f32
    %max3A_23 = vector.broadcast %max3A_22 : f32 to vector<400x64xf32>
    %max3A_24 = arith.maximumf %add3A_21, %max3A_23 : vector<400x64xf32>
    %get3A_25 = arith.constant 0 : index
    %get3A_26 = arith.constant 0 : index
    %get3A_27 = arith.constant 0 : index
    %get3A_28 = vector.load %arg2[%get3A_25, %get3A_26, %get3A_27] : memref<400x64x3xf32, #tpu.memory_space<vmem>>, vector<400x64x3xf32>
    %reshape3A = vector.shape_cast %get3A_28 : vector<400x64x3xf32> to vector<25600x3xf32>
    %get3A_29 = arith.constant 0 : index
    %get3A_30 = arith.constant 0 : index
    %get3A_31 = vector.load %arg7[%get3A_29, %get3A_30] : memref<3x64xf32, #tpu.memory_space<vmem>>, vector<3x64xf32>
    %dot_general3A_32 = arith.constant dense<0.000000e+00> : vector<25600x64xf32>
    %dot_general3A_33 = tpu.matmul %reshape3A, %get3A_31, %dot_general3A_32 {dimension_numbers = #tpu.dot_dimension_numbers<[1], [0], [0], [1], [0, 0, 1, 1], [], []>, transpose_lhs_hint = false} : vector<25600x3xf32>, vector<3x64xf32>, vector<25600x64xf32> -> vector<25600x64xf32>
    %get3A_34 = arith.constant 0 : index
    %get3A_35 = arith.constant 0 : index
    %get3A_36 = vector.load %arg8[%get3A_34, %get3A_35] : memref<1x64xf32, #tpu.memory_space<vmem>>, vector<1x64xf32>
    %add3A_37 = vector.broadcast %get3A_36 : vector<1x64xf32> to vector<25600x64xf32>
    %add3A_38 = arith.addf %dot_general3A_33, %add3A_37 : vector<25600x64xf32>
    %max3A_39 = arith.constant 0.000000e+00 : f32
    %max3A_40 = vector.broadcast %max3A_39 : f32 to vector<25600x64xf32>
    %max3A_41 = arith.maximumf %add3A_38, %max3A_40 : vector<25600x64xf32>
    %get3A_42 = arith.constant 0 : index
    %get3A_43 = arith.constant 0 : index
    %get3A_44 = vector.load %arg9[%get3A_42, %get3A_43] : memref<64x64xf32, #tpu.memory_space<vmem>>, vector<64x64xf32>
    %dot_general3A_45 = arith.constant dense<0.000000e+00> : vector<25600x64xf32>
    %dot_general3A_46 = tpu.matmul %max3A_41, %get3A_44, %dot_general3A_45 {dimension_numbers = #tpu.dot_dimension_numbers<[1], [0], [0], [1], [0, 0, 1, 1], [], []>, transpose_lhs_hint = false} : vector<25600x64xf32>, vector<64x64xf32>, vector<25600x64xf32> -> vector<25600x64xf32>
    %get3A_47 = arith.constant 0 : index
    %get3A_48 = arith.constant 0 : index
    %get3A_49 = vector.load %arg10[%get3A_47, %get3A_48] : memref<1x64xf32, #tpu.memory_space<vmem>>, vector<1x64xf32>
    %add3A_50 = vector.broadcast %get3A_49 : vector<1x64xf32> to vector<25600x64xf32>
    %add3A_51 = arith.addf %dot_general3A_46, %add3A_50 : vector<25600x64xf32>
    %max3A_52 = arith.constant 0.000000e+00 : f32
    %max3A_53 = vector.broadcast %max3A_52 : f32 to vector<25600x64xf32>
    %max3A_54 = arith.maximumf %add3A_51, %max3A_53 : vector<25600x64xf32>
    %reshape3A_55 = vector.shape_cast %max3A_54 : vector<25600x64xf32> to vector<400x64x64xf32>
    %reduce_max3A = arith.constant dense<0xFF800000> : vector<400x64xf32>
    %reduce_max3A_56 = vector.multi_reduction <maximumf>, %reshape3A_55, %reduce_max3A [1] : vector<400x64x64xf32> to vector<400x64xf32>
    %concatenate3A = tpu.concatenate %max3A_24, %reduce_max3A_56 in 1 : vector<400x64xf32>, vector<400x64xf32> -> vector<400x128xf32>
    %swap3A = arith.constant 0 : index
    %swap3A_57 = arith.constant 0 : index
    %swap3A_58 = vector.load %arg11[%swap3A, %swap3A_57] : memref<400x128xf32, #tpu.memory_space<vmem>>, vector<400x128xf32>
    tpu.vector_store %arg11[%swap3A, %swap3A_57], %concatenate3A {strides = array<i32>} : memref<400x128xf32, #tpu.memory_space<vmem>>, vector<400x128xf32>,
    return
  }
  func.func @transform_0(%arg0: i32) -> (i32, i32) {
    %c0_i32 = arith.constant 0 : i32
    %c0_i32_0 = arith.constant 0 : i32
    return %arg0, %c0_i32 : i32, i32
  }
  func.func @transform_1(%arg0: i32) -> (i32, i32, i32) {
    %c0_i32 = arith.constant 0 : i32
    %c0_i32_0 = arith.constant 0 : i32
    %c0_i32_1 = arith.constant 0 : i32
    return %arg0, %c0_i32, %c0_i32_0 : i32, i32, i32
  }
  func.func @transform_2(%arg0: i32) -> (i32, i32) {
    %c0_i32 = arith.constant 0 : i32
    %c0_i32_0 = arith.constant 0 : i32
    %c0_i32_1 = arith.constant 0 : i32
    return %c0_i32, %c0_i32_0 : i32, i32
  }
  func.func @transform_3(%arg0: i32) -> (i32, i32) {
    %c0_i32 = arith.constant 0 : i32
    %c0_i32_0 = arith.constant 0 : i32
    %c0_i32_1 = arith.constant 0 : i32
    return %c0_i32, %c0_i32_0 : i32, i32
  }
  func.func @transform_4(%arg0: i32) -> (i32, i32) {
    %c0_i32 = arith.constant 0 : i32
    %c0_i32_0 = arith.constant 0 : i32
    %c0_i32_1 = arith.constant 0 : i32
    return %c0_i32, %c0_i32_0 : i32, i32
  }
  func.func @transform_5(%arg0: i32) -> (i32, i32) {
    %c0_i32 = arith.constant 0 : i32
    %c0_i32_0 = arith.constant 0 : i32
    %c0_i32_1 = arith.constant 0 : i32
    return %c0_i32, %c0_i32_0 : i32, i32
  }
  func.func @transform_6(%arg0: i32) -> (i32, i32) {
    %c0_i32 = arith.constant 0 : i32
    %c0_i32_0 = arith.constant 0 : i32
    %c0_i32_1 = arith.constant 0 : i32
    return %c0_i32, %c0_i32_0 : i32, i32
  }
  func.func @transform_7(%arg0: i32) -> (i32, i32) {
    %c0_i32 = arith.constant 0 : i32
    %c0_i32_0 = arith.constant 0 : i32
    %c0_i32_1 = arith.constant 0 : i32
    return %c0_i32, %c0_i32_0 : i32, i32
  }
  func.func @transform_8(%arg0: i32) -> (i32, i32) {
    %c0_i32 = arith.constant 0 : i32
    %c0_i32_0 = arith.constant 0 : i32
    %c0_i32_1 = arith.constant 0 : i32
    return %c0_i32, %c0_i32_0 : i32, i32
  }
  func.func @transform_9(%arg0: i32) -> (i32, i32) {
    %c0_i32 = arith.constant 0 : i32
    %c0_i32_0 = arith.constant 0 : i32
    %c0_i32_1 = arith.constant 0 : i32
    return %c0_i32, %c0_i32_0 : i32, i32
  }
  func.func @transform_10(%arg0: i32) -> (i32, i32) {
    %c0_i32 = arith.constant 0 : i32
    %c0_i32_0 = arith.constant 0 : i32
    return %arg0, %c0_i32 : i32, i32
  }
}

module attributes {stable_mosaic.version = 14 : i64} {
  func.func @body(%arg0: i32, %arg1: memref<80x1xf32, #tpu.memory_space<vmem>>, %arg2: memref<80x128xf32, #tpu.memory_space<vmem>>, %arg3: memref<80x128xf32, #tpu.memory_space<vmem>>, %arg4: memref<1x64xf32, #tpu.memory_space<vmem>>, %arg5: memref<1x64xf32, #tpu.memory_space<vmem>>, %arg6: memref<80x128xf32, #tpu.memory_space<vmem>>, %arg7: memref<80x1xf32, #tpu.memory_space<vmem>>) attributes {dimension_semantics = [#tpu.dimension_semantics<arbitrary>], iteration_bounds = array<i64: 125>, scalar_prefetch = 0 : i64, scratch_operands = 0 : i64, tpu.core_type = #tpu.core_type<tc>, window_params = [{transform_indices = @transform_0, window_bounds = array<i64: 80, 1>}, {transform_indices = @transform_1, window_bounds = array<i64: 80, 128>}, {transform_indices = @transform_2, window_bounds = array<i64: 80, 128>}, {pipeline_mode = #tpu.pipeline_mode<synchronous>, transform_indices = @transform_3, window_bounds = array<i64: 1, 64>}, {pipeline_mode = #tpu.pipeline_mode<synchronous>, transform_indices = @transform_4, window_bounds = array<i64: 1, 64>}, {transform_indices = @transform_5, window_bounds = array<i64: 80, 128>}, {transform_indices = @transform_6, window_bounds = array<i64: 80, 1>}]} {
    %get3A = arith.constant 0 : index
    %get3A_0 = arith.constant 0 : index
    %get3A_1 = vector.load %arg2[%get3A, %get3A_0] : memref<80x128xf32, #tpu.memory_space<vmem>>, vector<80x128xf32>
    %get3A_2 = arith.constant 0 : index
    %get3A_3 = arith.constant 0 : index
    %get3A_4 = vector.load %arg3[%get3A_2, %get3A_3] : memref<80x128xf32, #tpu.memory_space<vmem>>, vector<80x128xf32>
    %add3A = arith.addf %get3A_1, %get3A_4 : vector<80x128xf32>
    %slice3A = vector.extract_strided_slice %add3A {offsets = [0, 1], sizes = [80, 1], strides = [1, 1]} : vector<80x128xf32> to vector<80x1xf32>
    %max3A = arith.constant 1.000000e+00 : f32
    %max3A_5 = vector.broadcast %max3A : f32 to vector<80x1xf32>
    %max3A_6 = arith.maximumf %slice3A, %max3A_5 : vector<80x1xf32>
    %div3A = arith.constant 1.000000e+00 : f32
    %div3A_7 = vector.broadcast %div3A : f32 to vector<80x1xf32>
    %div3A_8 = arith.divf %div3A_7, %max3A_6 : vector<80x1xf32>
    %slice3A_9 = vector.extract_strided_slice %add3A {offsets = [0, 0], sizes = [80, 1], strides = [1, 1]} : vector<80x128xf32> to vector<80x1xf32>
    %mul3A = arith.mulf %slice3A_9, %div3A_8 : vector<80x1xf32>
    %get3A_10 = arith.constant 0 : index
    %get3A_11 = arith.constant 0 : index
    %get3A_12 = vector.load %arg1[%get3A_10, %get3A_11] : memref<80x1xf32, #tpu.memory_space<vmem>>, vector<80x1xf32>
    %add3A_13 = arith.addf %get3A_12, %mul3A : vector<80x1xf32>
    %get3A_14 = arith.constant 0 : index
    %get3A_15 = arith.constant 0 : index
    %get3A_16 = vector.load %arg4[%get3A_14, %get3A_15] : memref<1x64xf32, #tpu.memory_space<vmem>>, vector<1x64xf32>
    %mul3A_17 = vector.broadcast %add3A_13 : vector<80x1xf32> to vector<80x64xf32>
    %mul3A_18 = vector.broadcast %get3A_16 : vector<1x64xf32> to vector<80x64xf32>
    %mul3A_19 = arith.mulf %mul3A_17, %mul3A_18 : vector<80x64xf32>
    %get3A_20 = arith.constant 0 : index
    %get3A_21 = arith.constant 0 : index
    %get3A_22 = vector.load %arg5[%get3A_20, %get3A_21] : memref<1x64xf32, #tpu.memory_space<vmem>>, vector<1x64xf32>
    %add3A_23 = vector.broadcast %get3A_22 : vector<1x64xf32> to vector<80x64xf32>
    %add3A_24 = arith.addf %mul3A_19, %add3A_23 : vector<80x64xf32>
    %max3A_25 = arith.constant 0.000000e+00 : f32
    %max3A_26 = vector.broadcast %max3A_25 : f32 to vector<80x64xf32>
    %max3A_27 = arith.maximumf %add3A_24, %max3A_26 : vector<80x64xf32>
    %broadcast_in_dim3A = arith.constant 0.000000e+00 : f32
    %broadcast_in_dim3A_28 = vector.broadcast %broadcast_in_dim3A : f32 to vector<80x64xf32>
    %concatenate3A = tpu.concatenate %max3A_27, %broadcast_in_dim3A_28 in 1 : vector<80x64xf32>, vector<80x64xf32> -> vector<80x128xf32>
    %swap3A = arith.constant 0 : index
    %swap3A_29 = arith.constant 0 : index
    %swap3A_30 = vector.load %arg6[%swap3A, %swap3A_29] : memref<80x128xf32, #tpu.memory_space<vmem>>, vector<80x128xf32>
    tpu.vector_store %arg6[%swap3A, %swap3A_29], %concatenate3A {strides = array<i32>} : memref<80x128xf32, #tpu.memory_space<vmem>>, vector<80x128xf32>,
    %swap3A_31 = arith.constant 0 : index
    %swap3A_32 = arith.constant 0 : index
    %swap3A_33 = vector.load %arg7[%swap3A_31, %swap3A_32] : memref<80x1xf32, #tpu.memory_space<vmem>>, vector<80x1xf32>
    tpu.vector_store %arg7[%swap3A_31, %swap3A_32], %div3A_8 {strides = array<i32>} : memref<80x1xf32, #tpu.memory_space<vmem>>, vector<80x1xf32>,
    return
  }
  func.func @transform_0(%arg0: i32) -> (i32, i32) {
    %c0_i32 = arith.constant 0 : i32
    %c0_i32_0 = arith.constant 0 : i32
    return %arg0, %c0_i32 : i32, i32
  }
  func.func @transform_1(%arg0: i32) -> (i32, i32) {
    %c0_i32 = arith.constant 0 : i32
    %c0_i32_0 = arith.constant 0 : i32
    return %arg0, %c0_i32 : i32, i32
  }
  func.func @transform_2(%arg0: i32) -> (i32, i32) {
    %c0_i32 = arith.constant 0 : i32
    %c0_i32_0 = arith.constant 0 : i32
    return %arg0, %c0_i32 : i32, i32
  }
  func.func @transform_3(%arg0: i32) -> (i32, i32) {
    %c0_i32 = arith.constant 0 : i32
    %c0_i32_0 = arith.constant 0 : i32
    %c0_i32_1 = arith.constant 0 : i32
    return %c0_i32, %c0_i32_0 : i32, i32
  }
  func.func @transform_4(%arg0: i32) -> (i32, i32) {
    %c0_i32 = arith.constant 0 : i32
    %c0_i32_0 = arith.constant 0 : i32
    %c0_i32_1 = arith.constant 0 : i32
    return %c0_i32, %c0_i32_0 : i32, i32
  }
  func.func @transform_5(%arg0: i32) -> (i32, i32) {
    %c0_i32 = arith.constant 0 : i32
    %c0_i32_0 = arith.constant 0 : i32
    return %arg0, %c0_i32 : i32, i32
  }
  func.func @transform_6(%arg0: i32) -> (i32, i32) {
    %c0_i32 = arith.constant 0 : i32
    %c0_i32_0 = arith.constant 0 : i32
    return %arg0, %c0_i32 : i32, i32
  }
}

module attributes {stable_mosaic.version = 14 : i64} {
  func.func @body(%arg0: i32, %arg1: memref<512x128xf32, #tpu.memory_space<vmem>>, %arg2: memref<512x128xf32, #tpu.memory_space<vmem>>, %arg3: memref<512x128xf32, #tpu.memory_space<vmem>>, %arg4: memref<512x128xf32, #tpu.memory_space<vmem>>, %arg5: memref<512x1xf32, #tpu.memory_space<vmem>>, %arg6: memref<192x256xf32, #tpu.memory_space<vmem>>, %arg7: memref<1x256xf32, #tpu.memory_space<vmem>>, %arg8: memref<512x128xf32, #tpu.memory_space<vmem>>, %arg9: memref<512x128xf32, #tpu.memory_space<vmem>>) attributes {dimension_semantics = [#tpu.dimension_semantics<arbitrary>], iteration_bounds = array<i64: 20>, scalar_prefetch = 0 : i64, scratch_operands = 0 : i64, tpu.core_type = #tpu.core_type<tc>, window_params = [{transform_indices = @transform_0, window_bounds = array<i64: 512, 128>}, {transform_indices = @transform_1, window_bounds = array<i64: 512, 128>}, {transform_indices = @transform_2, window_bounds = array<i64: 512, 128>}, {transform_indices = @transform_3, window_bounds = array<i64: 512, 128>}, {transform_indices = @transform_4, window_bounds = array<i64: 512, 1>}, {pipeline_mode = #tpu.pipeline_mode<synchronous>, transform_indices = @transform_5, window_bounds = array<i64: 192, 256>}, {pipeline_mode = #tpu.pipeline_mode<synchronous>, transform_indices = @transform_6, window_bounds = array<i64: 1, 256>}, {transform_indices = @transform_7, window_bounds = array<i64: 512, 128>}, {transform_indices = @transform_8, window_bounds = array<i64: 512, 128>}]} {
    %get3A = arith.constant 0 : index
    %get3A_0 = arith.constant 0 : index
    %get3A_1 = vector.load %arg1[%get3A, %get3A_0] : memref<512x128xf32, #tpu.memory_space<vmem>>, vector<512x128xf32>
    %get3A_2 = arith.constant 0 : index
    %get3A_3 = arith.constant 0 : index
    %get3A_4 = vector.load %arg2[%get3A_2, %get3A_3] : memref<512x128xf32, #tpu.memory_space<vmem>>, vector<512x128xf32>
    %slice3A = vector.extract_strided_slice %get3A_4 {offsets = [0, 0], sizes = [512, 64], strides = [1, 1]} : vector<512x128xf32> to vector<512x64xf32>
    %concatenate3A = tpu.concatenate %get3A_1, %slice3A in 1 : vector<512x128xf32>, vector<512x64xf32> -> vector<512x192xf32>
    %get3A_5 = arith.constant 0 : index
    %get3A_6 = arith.constant 0 : index
    %get3A_7 = vector.load %arg3[%get3A_5, %get3A_6] : memref<512x128xf32, #tpu.memory_space<vmem>>, vector<512x128xf32>
    %get3A_8 = arith.constant 0 : index
    %get3A_9 = arith.constant 0 : index
    %get3A_10 = vector.load %arg4[%get3A_8, %get3A_9] : memref<512x128xf32, #tpu.memory_space<vmem>>, vector<512x128xf32>
    %slice3A_11 = vector.extract_strided_slice %get3A_10 {offsets = [0, 0], sizes = [512, 64], strides = [1, 1]} : vector<512x128xf32> to vector<512x64xf32>
    %concatenate3A_12 = tpu.concatenate %get3A_7, %slice3A_11 in 1 : vector<512x128xf32>, vector<512x64xf32> -> vector<512x192xf32>
    %get3A_13 = arith.constant 0 : index
    %get3A_14 = arith.constant 0 : index
    %get3A_15 = vector.load %arg5[%get3A_13, %get3A_14] : memref<512x1xf32, #tpu.memory_space<vmem>>, vector<512x1xf32>
    %mul3A = vector.broadcast %get3A_15 : vector<512x1xf32> to vector<512x192xf32>
    %mul3A_16 = arith.mulf %concatenate3A_12, %mul3A : vector<512x192xf32>
    %add3A = arith.addf %concatenate3A, %mul3A_16 : vector<512x192xf32>
    %get3A_17 = arith.constant 0 : index
    %get3A_18 = arith.constant 0 : index
    %get3A_19 = vector.load %arg6[%get3A_17, %get3A_18] : memref<192x256xf32, #tpu.memory_space<vmem>>, vector<192x256xf32>
    %dot_general3A = arith.constant dense<0.000000e+00> : vector<512x256xf32>
    %dot_general3A_20 = tpu.matmul %add3A, %get3A_19, %dot_general3A {dimension_numbers = #tpu.dot_dimension_numbers<[1], [0], [0], [1], [0, 0, 1, 1], [], []>, transpose_lhs_hint = false} : vector<512x192xf32>, vector<192x256xf32>, vector<512x256xf32> -> vector<512x256xf32>
    %get3A_21 = arith.constant 0 : index
    %get3A_22 = arith.constant 0 : index
    %get3A_23 = vector.load %arg7[%get3A_21, %get3A_22] : memref<1x256xf32, #tpu.memory_space<vmem>>, vector<1x256xf32>
    %add3A_24 = vector.broadcast %get3A_23 : vector<1x256xf32> to vector<512x256xf32>
    %add3A_25 = arith.addf %dot_general3A_20, %add3A_24 : vector<512x256xf32>
    %max3A = arith.constant 0.000000e+00 : f32
    %max3A_26 = vector.broadcast %max3A : f32 to vector<512x256xf32>
    %max3A_27 = arith.maximumf %add3A_25, %max3A_26 : vector<512x256xf32>
    %slice3A_28 = vector.extract_strided_slice %max3A_27 {offsets = [0, 0], sizes = [512, 128], strides = [1, 1]} : vector<512x256xf32> to vector<512x128xf32>
    %swap3A = arith.constant 0 : index
    %swap3A_29 = arith.constant 0 : index
    %swap3A_30 = vector.load %arg8[%swap3A, %swap3A_29] : memref<512x128xf32, #tpu.memory_space<vmem>>, vector<512x128xf32>
    tpu.vector_store %arg8[%swap3A, %swap3A_29], %slice3A_28 {strides = array<i32>} : memref<512x128xf32, #tpu.memory_space<vmem>>, vector<512x128xf32>,
    %slice3A_31 = vector.extract_strided_slice %max3A_27 {offsets = [0, 128], sizes = [512, 128], strides = [1, 1]} : vector<512x256xf32> to vector<512x128xf32>
    %swap3A_32 = arith.constant 0 : index
    %swap3A_33 = arith.constant 0 : index
    %swap3A_34 = vector.load %arg9[%swap3A_32, %swap3A_33] : memref<512x128xf32, #tpu.memory_space<vmem>>, vector<512x128xf32>
    tpu.vector_store %arg9[%swap3A_32, %swap3A_33], %slice3A_31 {strides = array<i32>} : memref<512x128xf32, #tpu.memory_space<vmem>>, vector<512x128xf32>,
    return
  }
  func.func @transform_0(%arg0: i32) -> (i32, i32) {
    %c0_i32 = arith.constant 0 : i32
    %c0_i32_0 = arith.constant 0 : i32
    return %arg0, %c0_i32 : i32, i32
  }
  func.func @transform_1(%arg0: i32) -> (i32, i32) {
    %c0_i32 = arith.constant 0 : i32
    %c0_i32_0 = arith.constant 0 : i32
    return %arg0, %c0_i32 : i32, i32
  }
  func.func @transform_2(%arg0: i32) -> (i32, i32) {
    %c0_i32 = arith.constant 0 : i32
    %c0_i32_0 = arith.constant 0 : i32
    return %arg0, %c0_i32 : i32, i32
  }
  func.func @transform_3(%arg0: i32) -> (i32, i32) {
    %c0_i32 = arith.constant 0 : i32
    %c0_i32_0 = arith.constant 0 : i32
    return %arg0, %c0_i32 : i32, i32
  }
  func.func @transform_4(%arg0: i32) -> (i32, i32) {
    %c0_i32 = arith.constant 0 : i32
    %c0_i32_0 = arith.constant 0 : i32
    return %arg0, %c0_i32 : i32, i32
  }
  func.func @transform_5(%arg0: i32) -> (i32, i32) {
    %c0_i32 = arith.constant 0 : i32
    %c0_i32_0 = arith.constant 0 : i32
    %c0_i32_1 = arith.constant 0 : i32
    return %c0_i32, %c0_i32_0 : i32, i32
  }
  func.func @transform_6(%arg0: i32) -> (i32, i32) {
    %c0_i32 = arith.constant 0 : i32
    %c0_i32_0 = arith.constant 0 : i32
    %c0_i32_1 = arith.constant 0 : i32
    return %c0_i32, %c0_i32_0 : i32, i32
  }
  func.func @transform_7(%arg0: i32) -> (i32, i32) {
    %c0_i32 = arith.constant 0 : i32
    %c0_i32_0 = arith.constant 0 : i32
    return %arg0, %c0_i32 : i32, i32
  }
  func.func @transform_8(%arg0: i32) -> (i32, i32) {
    %c0_i32 = arith.constant 0 : i32
    %c0_i32_0 = arith.constant 0 : i32
    return %arg0, %c0_i32 : i32, i32
  }
}

module attributes {stable_mosaic.version = 14 : i64} {
  func.func @body(%arg0: i32, %arg1: memref<512x128xf32, #tpu.memory_space<vmem>>, %arg2: memref<512x128xf32, #tpu.memory_space<vmem>>, %arg3: memref<512x128xf32, #tpu.memory_space<vmem>>, %arg4: memref<512x128xf32, #tpu.memory_space<vmem>>, %arg5: memref<512x1xf32, #tpu.memory_space<vmem>>, %arg6: memref<256x256xf32, #tpu.memory_space<vmem>>, %arg7: memref<1x256xf32, #tpu.memory_space<vmem>>, %arg8: memref<512x128xf32, #tpu.memory_space<vmem>>, %arg9: memref<512x128xf32, #tpu.memory_space<vmem>>) attributes {dimension_semantics = [#tpu.dimension_semantics<arbitrary>], iteration_bounds = array<i64: 20>, scalar_prefetch = 0 : i64, scratch_operands = 0 : i64, tpu.core_type = #tpu.core_type<tc>, window_params = [{transform_indices = @transform_0, window_bounds = array<i64: 512, 128>}, {transform_indices = @transform_1, window_bounds = array<i64: 512, 128>}, {transform_indices = @transform_2, window_bounds = array<i64: 512, 128>}, {transform_indices = @transform_3, window_bounds = array<i64: 512, 128>}, {transform_indices = @transform_4, window_bounds = array<i64: 512, 1>}, {pipeline_mode = #tpu.pipeline_mode<synchronous>, transform_indices = @transform_5, window_bounds = array<i64: 256, 256>}, {pipeline_mode = #tpu.pipeline_mode<synchronous>, transform_indices = @transform_6, window_bounds = array<i64: 1, 256>}, {transform_indices = @transform_7, window_bounds = array<i64: 512, 128>}, {transform_indices = @transform_8, window_bounds = array<i64: 512, 128>}]} {
    %get3A = arith.constant 0 : index
    %get3A_0 = arith.constant 0 : index
    %get3A_1 = vector.load %arg1[%get3A, %get3A_0] : memref<512x128xf32, #tpu.memory_space<vmem>>, vector<512x128xf32>
    %get3A_2 = arith.constant 0 : index
    %get3A_3 = arith.constant 0 : index
    %get3A_4 = vector.load %arg2[%get3A_2, %get3A_3] : memref<512x128xf32, #tpu.memory_space<vmem>>, vector<512x128xf32>
    %concatenate3A = tpu.concatenate %get3A_1, %get3A_4 in 1 : vector<512x128xf32>, vector<512x128xf32> -> vector<512x256xf32>
    %get3A_5 = arith.constant 0 : index
    %get3A_6 = arith.constant 0 : index
    %get3A_7 = vector.load %arg3[%get3A_5, %get3A_6] : memref<512x128xf32, #tpu.memory_space<vmem>>, vector<512x128xf32>
    %get3A_8 = arith.constant 0 : index
    %get3A_9 = arith.constant 0 : index
    %get3A_10 = vector.load %arg4[%get3A_8, %get3A_9] : memref<512x128xf32, #tpu.memory_space<vmem>>, vector<512x128xf32>
    %concatenate3A_11 = tpu.concatenate %get3A_7, %get3A_10 in 1 : vector<512x128xf32>, vector<512x128xf32> -> vector<512x256xf32>
    %get3A_12 = arith.constant 0 : index
    %get3A_13 = arith.constant 0 : index
    %get3A_14 = vector.load %arg5[%get3A_12, %get3A_13] : memref<512x1xf32, #tpu.memory_space<vmem>>, vector<512x1xf32>
    %mul3A = vector.broadcast %get3A_14 : vector<512x1xf32> to vector<512x256xf32>
    %mul3A_15 = arith.mulf %concatenate3A_11, %mul3A : vector<512x256xf32>
    %add3A = arith.addf %concatenate3A, %mul3A_15 : vector<512x256xf32>
    %get3A_16 = arith.constant 0 : index
    %get3A_17 = arith.constant 0 : index
    %get3A_18 = vector.load %arg6[%get3A_16, %get3A_17] : memref<256x256xf32, #tpu.memory_space<vmem>>, vector<256x256xf32>
    %dot_general3A = arith.constant dense<0.000000e+00> : vector<512x256xf32>
    %dot_general3A_19 = tpu.matmul %add3A, %get3A_18, %dot_general3A {dimension_numbers = #tpu.dot_dimension_numbers<[1], [0], [0], [1], [0, 0, 1, 1], [], []>, transpose_lhs_hint = false} : vector<512x256xf32>, vector<256x256xf32>, vector<512x256xf32> -> vector<512x256xf32>
    %get3A_20 = arith.constant 0 : index
    %get3A_21 = arith.constant 0 : index
    %get3A_22 = vector.load %arg7[%get3A_20, %get3A_21] : memref<1x256xf32, #tpu.memory_space<vmem>>, vector<1x256xf32>
    %add3A_23 = vector.broadcast %get3A_22 : vector<1x256xf32> to vector<512x256xf32>
    %add3A_24 = arith.addf %dot_general3A_19, %add3A_23 : vector<512x256xf32>
    %max3A = arith.constant 0.000000e+00 : f32
    %max3A_25 = vector.broadcast %max3A : f32 to vector<512x256xf32>
    %max3A_26 = arith.maximumf %add3A_24, %max3A_25 : vector<512x256xf32>
    %slice3A = vector.extract_strided_slice %max3A_26 {offsets = [0, 0], sizes = [512, 128], strides = [1, 1]} : vector<512x256xf32> to vector<512x128xf32>
    %swap3A = arith.constant 0 : index
    %swap3A_27 = arith.constant 0 : index
    %swap3A_28 = vector.load %arg8[%swap3A, %swap3A_27] : memref<512x128xf32, #tpu.memory_space<vmem>>, vector<512x128xf32>
    tpu.vector_store %arg8[%swap3A, %swap3A_27], %slice3A {strides = array<i32>} : memref<512x128xf32, #tpu.memory_space<vmem>>, vector<512x128xf32>,
    %slice3A_29 = vector.extract_strided_slice %max3A_26 {offsets = [0, 128], sizes = [512, 128], strides = [1, 1]} : vector<512x256xf32> to vector<512x128xf32>
    %swap3A_30 = arith.constant 0 : index
    %swap3A_31 = arith.constant 0 : index
    %swap3A_32 = vector.load %arg9[%swap3A_30, %swap3A_31] : memref<512x128xf32, #tpu.memory_space<vmem>>, vector<512x128xf32>
    tpu.vector_store %arg9[%swap3A_30, %swap3A_31], %slice3A_29 {strides = array<i32>} : memref<512x128xf32, #tpu.memory_space<vmem>>, vector<512x128xf32>,
    return
  }
  func.func @transform_0(%arg0: i32) -> (i32, i32) {
    %c0_i32 = arith.constant 0 : i32
    %c0_i32_0 = arith.constant 0 : i32
    return %arg0, %c0_i32 : i32, i32
  }
  func.func @transform_1(%arg0: i32) -> (i32, i32) {
    %c0_i32 = arith.constant 0 : i32
    %c0_i32_0 = arith.constant 0 : i32
    return %arg0, %c0_i32 : i32, i32
  }
  func.func @transform_2(%arg0: i32) -> (i32, i32) {
    %c0_i32 = arith.constant 0 : i32
    %c0_i32_0 = arith.constant 0 : i32
    return %arg0, %c0_i32 : i32, i32
  }
  func.func @transform_3(%arg0: i32) -> (i32, i32) {
    %c0_i32 = arith.constant 0 : i32
    %c0_i32_0 = arith.constant 0 : i32
    return %arg0, %c0_i32 : i32, i32
  }
  func.func @transform_4(%arg0: i32) -> (i32, i32) {
    %c0_i32 = arith.constant 0 : i32
    %c0_i32_0 = arith.constant 0 : i32
    return %arg0, %c0_i32 : i32, i32
  }
  func.func @transform_5(%arg0: i32) -> (i32, i32) {
    %c0_i32 = arith.constant 0 : i32
    %c0_i32_0 = arith.constant 0 : i32
    %c0_i32_1 = arith.constant 0 : i32
    return %c0_i32, %c0_i32_0 : i32, i32
  }
  func.func @transform_6(%arg0: i32) -> (i32, i32) {
    %c0_i32 = arith.constant 0 : i32
    %c0_i32_0 = arith.constant 0 : i32
    %c0_i32_1 = arith.constant 0 : i32
    return %c0_i32, %c0_i32_0 : i32, i32
  }
  func.func @transform_7(%arg0: i32) -> (i32, i32) {
    %c0_i32 = arith.constant 0 : i32
    %c0_i32_0 = arith.constant 0 : i32
    return %arg0, %c0_i32 : i32, i32
  }
  func.func @transform_8(%arg0: i32) -> (i32, i32) {
    %c0_i32 = arith.constant 0 : i32
    %c0_i32_0 = arith.constant 0 : i32
    return %arg0, %c0_i32 : i32, i32
  }
}

module attributes {stable_mosaic.version = 14 : i64} {
  func.func @body(%arg0: i32, %arg1: memref<400x128xf32, #tpu.memory_space<vmem>>, %arg2: memref<400x128xf32, #tpu.memory_space<vmem>>, %arg3: memref<400x128xf32, #tpu.memory_space<vmem>>, %arg4: memref<400x128xf32, #tpu.memory_space<vmem>>, %arg5: memref<400x1xf32, #tpu.memory_space<vmem>>, %arg6: memref<256x128xf32, #tpu.memory_space<vmem>>, %arg7: memref<1x128xf32, #tpu.memory_space<vmem>>, %arg8: memref<128x128xf32, #tpu.memory_space<vmem>>, %arg9: memref<1x128xf32, #tpu.memory_space<vmem>>, %arg10: memref<128x64xf32, #tpu.memory_space<vmem>>, %arg11: memref<1x64xf32, #tpu.memory_space<vmem>>, %arg12: memref<64x25xf32, #tpu.memory_space<vmem>>, %arg13: memref<1x25xf32, #tpu.memory_space<vmem>>, %arg14: memref<400x25xf32, #tpu.memory_space<vmem>>) attributes {dimension_semantics = [#tpu.dimension_semantics<arbitrary>], iteration_bounds = array<i64: 25>, scalar_prefetch = 0 : i64, scratch_operands = 0 : i64, tpu.core_type = #tpu.core_type<tc>, window_params = [{transform_indices = @transform_0, window_bounds = array<i64: 400, 128>}, {transform_indices = @transform_1, window_bounds = array<i64: 400, 128>}, {transform_indices = @transform_2, window_bounds = array<i64: 400, 128>}, {transform_indices = @transform_3, window_bounds = array<i64: 400, 128>}, {transform_indices = @transform_4, window_bounds = array<i64: 400, 1>}, {pipeline_mode = #tpu.pipeline_mode<synchronous>, transform_indices = @transform_5, window_bounds = array<i64: 256, 128>}, {pipeline_mode = #tpu.pipeline_mode<synchronous>, transform_indices = @transform_6, window_bounds = array<i64: 1, 128>}, {pipeline_mode = #tpu.pipeline_mode<synchronous>, transform_indices = @transform_7, window_bounds = array<i64: 128, 128>}, {pipeline_mode = #tpu.pipeline_mode<synchronous>, transform_indices = @transform_8, window_bounds = array<i64: 1, 128>}, {pipeline_mode = #tpu.pipeline_mode<synchronous>, transform_indices = @transform_9, window_bounds = array<i64: 128, 64>}, {pipeline_mode = #tpu.pipeline_mode<synchronous>, transform_indices = @transform_10, window_bounds = array<i64: 1, 64>}, {pipeline_mode = #tpu.pipeline_mode<synchronous>, transform_indices = @transform_11, window_bounds = array<i64: 64, 25>}, {pipeline_mode = #tpu.pipeline_mode<synchronous>, transform_indices = @transform_12, window_bounds = array<i64: 1, 25>}, {transform_indices = @transform_13, window_bounds = array<i64: 400, 25>}]} {
    %get3A = arith.constant 0 : index
    %get3A_0 = arith.constant 0 : index
    %get3A_1 = vector.load %arg1[%get3A, %get3A_0] : memref<400x128xf32, #tpu.memory_space<vmem>>, vector<400x128xf32>
    %get3A_2 = arith.constant 0 : index
    %get3A_3 = arith.constant 0 : index
    %get3A_4 = vector.load %arg2[%get3A_2, %get3A_3] : memref<400x128xf32, #tpu.memory_space<vmem>>, vector<400x128xf32>
    %concatenate3A = tpu.concatenate %get3A_1, %get3A_4 in 1 : vector<400x128xf32>, vector<400x128xf32> -> vector<400x256xf32>
    %get3A_5 = arith.constant 0 : index
    %get3A_6 = arith.constant 0 : index
    %get3A_7 = vector.load %arg3[%get3A_5, %get3A_6] : memref<400x128xf32, #tpu.memory_space<vmem>>, vector<400x128xf32>
    %get3A_8 = arith.constant 0 : index
    %get3A_9 = arith.constant 0 : index
    %get3A_10 = vector.load %arg4[%get3A_8, %get3A_9] : memref<400x128xf32, #tpu.memory_space<vmem>>, vector<400x128xf32>
    %concatenate3A_11 = tpu.concatenate %get3A_7, %get3A_10 in 1 : vector<400x128xf32>, vector<400x128xf32> -> vector<400x256xf32>
    %get3A_12 = arith.constant 0 : index
    %get3A_13 = arith.constant 0 : index
    %get3A_14 = vector.load %arg5[%get3A_12, %get3A_13] : memref<400x1xf32, #tpu.memory_space<vmem>>, vector<400x1xf32>
    %mul3A = vector.broadcast %get3A_14 : vector<400x1xf32> to vector<400x256xf32>
    %mul3A_15 = arith.mulf %concatenate3A_11, %mul3A : vector<400x256xf32>
    %add3A = arith.addf %concatenate3A, %mul3A_15 : vector<400x256xf32>
    %get3A_16 = arith.constant 0 : index
    %get3A_17 = arith.constant 0 : index
    %get3A_18 = vector.load %arg6[%get3A_16, %get3A_17] : memref<256x128xf32, #tpu.memory_space<vmem>>, vector<256x128xf32>
    %dot_general3A = arith.constant dense<0.000000e+00> : vector<400x128xf32>
    %dot_general3A_19 = tpu.matmul %add3A, %get3A_18, %dot_general3A {dimension_numbers = #tpu.dot_dimension_numbers<[1], [0], [0], [1], [0, 0, 1, 1], [], []>, transpose_lhs_hint = false} : vector<400x256xf32>, vector<256x128xf32>, vector<400x128xf32> -> vector<400x128xf32>
    %get3A_20 = arith.constant 0 : index
    %get3A_21 = arith.constant 0 : index
    %get3A_22 = vector.load %arg7[%get3A_20, %get3A_21] : memref<1x128xf32, #tpu.memory_space<vmem>>, vector<1x128xf32>
    %add3A_23 = vector.broadcast %get3A_22 : vector<1x128xf32> to vector<400x128xf32>
    %add3A_24 = arith.addf %dot_general3A_19, %add3A_23 : vector<400x128xf32>
    %max3A = arith.constant 0.000000e+00 : f32
    %max3A_25 = vector.broadcast %max3A : f32 to vector<400x128xf32>
    %max3A_26 = arith.maximumf %add3A_24, %max3A_25 : vector<400x128xf32>
    %get3A_27 = arith.constant 0 : index
    %get3A_28 = arith.constant 0 : index
    %get3A_29 = vector.load %arg8[%get3A_27, %get3A_28] : memref<128x128xf32, #tpu.memory_space<vmem>>, vector<128x128xf32>
    %dot_general3A_30 = arith.constant dense<0.000000e+00> : vector<400x128xf32>
    %dot_general3A_31 = tpu.matmul %max3A_26, %get3A_29, %dot_general3A_30 {dimension_numbers = #tpu.dot_dimension_numbers<[1], [0], [0], [1], [0, 0, 1, 1], [], []>, transpose_lhs_hint = false} : vector<400x128xf32>, vector<128x128xf32>, vector<400x128xf32> -> vector<400x128xf32>
    %get3A_32 = arith.constant 0 : index
    %get3A_33 = arith.constant 0 : index
    %get3A_34 = vector.load %arg9[%get3A_32, %get3A_33] : memref<1x128xf32, #tpu.memory_space<vmem>>, vector<1x128xf32>
    %add3A_35 = vector.broadcast %get3A_34 : vector<1x128xf32> to vector<400x128xf32>
    %add3A_36 = arith.addf %dot_general3A_31, %add3A_35 : vector<400x128xf32>
    %max3A_37 = arith.constant 0.000000e+00 : f32
    %max3A_38 = vector.broadcast %max3A_37 : f32 to vector<400x128xf32>
    %max3A_39 = arith.maximumf %add3A_36, %max3A_38 : vector<400x128xf32>
    %get3A_40 = arith.constant 0 : index
    %get3A_41 = arith.constant 0 : index
    %get3A_42 = vector.load %arg10[%get3A_40, %get3A_41] : memref<128x64xf32, #tpu.memory_space<vmem>>, vector<128x64xf32>
    %dot_general3A_43 = arith.constant dense<0.000000e+00> : vector<400x64xf32>
    %dot_general3A_44 = tpu.matmul %max3A_39, %get3A_42, %dot_general3A_43 {dimension_numbers = #tpu.dot_dimension_numbers<[1], [0], [0], [1], [0, 0, 1, 1], [], []>, transpose_lhs_hint = false} : vector<400x128xf32>, vector<128x64xf32>, vector<400x64xf32> -> vector<400x64xf32>
    %get3A_45 = arith.constant 0 : index
    %get3A_46 = arith.constant 0 : index
    %get3A_47 = vector.load %arg11[%get3A_45, %get3A_46] : memref<1x64xf32, #tpu.memory_space<vmem>>, vector<1x64xf32>
    %add3A_48 = vector.broadcast %get3A_47 : vector<1x64xf32> to vector<400x64xf32>
    %add3A_49 = arith.addf %dot_general3A_44, %add3A_48 : vector<400x64xf32>
    %max3A_50 = arith.constant 0.000000e+00 : f32
    %max3A_51 = vector.broadcast %max3A_50 : f32 to vector<400x64xf32>
    %max3A_52 = arith.maximumf %add3A_49, %max3A_51 : vector<400x64xf32>
    %get3A_53 = arith.constant 0 : index
    %get3A_54 = arith.constant 0 : index
    %get3A_55 = vector.load %arg12[%get3A_53, %get3A_54] : memref<64x25xf32, #tpu.memory_space<vmem>>, vector<64x25xf32>
    %dot_general3A_56 = arith.constant dense<0.000000e+00> : vector<400x25xf32>
    %dot_general3A_57 = tpu.matmul %max3A_52, %get3A_55, %dot_general3A_56 {dimension_numbers = #tpu.dot_dimension_numbers<[1], [0], [0], [1], [0, 0, 1, 1], [], []>, transpose_lhs_hint = false} : vector<400x64xf32>, vector<64x25xf32>, vector<400x25xf32> -> vector<400x25xf32>
    %get3A_58 = arith.constant 0 : index
    %get3A_59 = arith.constant 0 : index
    %get3A_60 = vector.load %arg13[%get3A_58, %get3A_59] : memref<1x25xf32, #tpu.memory_space<vmem>>, vector<1x25xf32>
    %add3A_61 = vector.broadcast %get3A_60 : vector<1x25xf32> to vector<400x25xf32>
    %add3A_62 = arith.addf %dot_general3A_57, %add3A_61 : vector<400x25xf32>
    %logistic3A = arith.negf %add3A_62 : vector<400x25xf32>
    %logistic3A_63 = math.exp %logistic3A : vector<400x25xf32>
    %logistic3A_64 = arith.constant 1.000000e+00 : f32
    %logistic3A_65 = vector.broadcast %logistic3A_64 : f32 to vector<400x25xf32>
    %logistic3A_66 = arith.addf %logistic3A_65, %logistic3A_63 : vector<400x25xf32>
    %logistic3A_67 = arith.divf %logistic3A_65, %logistic3A_66 : vector<400x25xf32>
    %swap3A = arith.constant 0 : index
    %swap3A_68 = arith.constant 0 : index
    %swap3A_69 = vector.load %arg14[%swap3A, %swap3A_68] : memref<400x25xf32, #tpu.memory_space<vmem>>, vector<400x25xf32>
    tpu.vector_store %arg14[%swap3A, %swap3A_68], %logistic3A_67 {strides = array<i32>} : memref<400x25xf32, #tpu.memory_space<vmem>>, vector<400x25xf32>,
    return
  }
  func.func @transform_0(%arg0: i32) -> (i32, i32) {
    %c0_i32 = arith.constant 0 : i32
    %c0_i32_0 = arith.constant 0 : i32
    return %arg0, %c0_i32 : i32, i32
  }
  func.func @transform_1(%arg0: i32) -> (i32, i32) {
    %c0_i32 = arith.constant 0 : i32
    %c0_i32_0 = arith.constant 0 : i32
    return %arg0, %c0_i32 : i32, i32
  }
  func.func @transform_2(%arg0: i32) -> (i32, i32) {
    %c0_i32 = arith.constant 0 : i32
    %c0_i32_0 = arith.constant 0 : i32
    return %arg0, %c0_i32 : i32, i32
  }
  func.func @transform_3(%arg0: i32) -> (i32, i32) {
    %c0_i32 = arith.constant 0 : i32
    %c0_i32_0 = arith.constant 0 : i32
    return %arg0, %c0_i32 : i32, i32
  }
  func.func @transform_4(%arg0: i32) -> (i32, i32) {
    %c0_i32 = arith.constant 0 : i32
    %c0_i32_0 = arith.constant 0 : i32
    return %arg0, %c0_i32 : i32, i32
  }
  func.func @transform_5(%arg0: i32) -> (i32, i32) {
    %c0_i32 = arith.constant 0 : i32
    %c0_i32_0 = arith.constant 0 : i32
    %c0_i32_1 = arith.constant 0 : i32
    return %c0_i32, %c0_i32_0 : i32, i32
  }
  func.func @transform_6(%arg0: i32) -> (i32, i32) {
    %c0_i32 = arith.constant 0 : i32
    %c0_i32_0 = arith.constant 0 : i32
    %c0_i32_1 = arith.constant 0 : i32
    return %c0_i32, %c0_i32_0 : i32, i32
  }
  func.func @transform_7(%arg0: i32) -> (i32, i32) {
    %c0_i32 = arith.constant 0 : i32
    %c0_i32_0 = arith.constant 0 : i32
    %c0_i32_1 = arith.constant 0 : i32
    return %c0_i32, %c0_i32_0 : i32, i32
  }
  func.func @transform_8(%arg0: i32) -> (i32, i32) {
    %c0_i32 = arith.constant 0 : i32
    %c0_i32_0 = arith.constant 0 : i32
    %c0_i32_1 = arith.constant 0 : i32
    return %c0_i32, %c0_i32_0 : i32, i32
  }
  func.func @transform_9(%arg0: i32) -> (i32, i32) {
    %c0_i32 = arith.constant 0 : i32
    %c0_i32_0 = arith.constant 0 : i32
    %c0_i32_1 = arith.constant 0 : i32
    return %c0_i32, %c0_i32_0 : i32, i32
  }
  func.func @transform_10(%arg0: i32) -> (i32, i32) {
    %c0_i32 = arith.constant 0 : i32
    %c0_i32_0 = arith.constant 0 : i32
    %c0_i32_1 = arith.constant 0 : i32
    return %c0_i32, %c0_i32_0 : i32, i32
  }
  func.func @transform_11(%arg0: i32) -> (i32, i32) {
    %c0_i32 = arith.constant 0 : i32
    %c0_i32_0 = arith.constant 0 : i32
    %c0_i32_1 = arith.constant 0 : i32
    return %c0_i32, %c0_i32_0 : i32, i32
  }
  func.func @transform_12(%arg0: i32) -> (i32, i32) {
    %c0_i32 = arith.constant 0 : i32
    %c0_i32_0 = arith.constant 0 : i32
    %c0_i32_1 = arith.constant 0 : i32
    return %c0_i32, %c0_i32_0 : i32, i32
  }
  func.func @transform_13(%arg0: i32) -> (i32, i32) {
    %c0_i32 = arith.constant 0 : i32
    %c0_i32_0 = arith.constant 0 : i32
    return %arg0, %c0_i32 : i32, i32
  }
}

</mosaic_0001>

<sc_bundles>
// kernel: kernel.11.cloned.1.call-start
scs
__scs_entry_jumppad:
0x0: {  	(pc) =	sbr.rel $0x88, $3  }
0x1: {  	(tag) =	ssettag $0x0;
	lr =	simm.s32 $0x1  }
0x2: {  	[smem:$0x3F87] =	sst lr;
	_ =	strace $0xD0000000  }
0x3: {  	_ = 	snop  }
0x4: {  	_ = 	snop  }
0x5: {  	_ = 	snop  }
0x6: {  	_ = 	snop  }
0x7: {  	_ = 	snop  }
__scs_overlays_trampoline_lowered:
0x8: {  	[smem:$0x3F96] =	sst s0  }
0x9: {  	[smem:$0x3F97] =	sst s1  }
0xa: {  	[smem:$0x3F98] =	sst s2  }
0xb: {  	[smem:$0x3F99] =	sst s3  }
0xc: {  	[smem:$0x3F9A] =	sst s4  }
0xd: {  	[smem:$0x3F9B] =	sst s5  }
0xe: {  	[smem:$0x3F9C] =	sst s6  }
0xf: {  	[smem:$0x3F9D] =	sst s7  }
0x10: {  	[smem:$0x3F9E] =	sst s8  }
0x11: {  	[smem:$0x3F9F] =	sst s9;
	s0 =	simm.s32 @!p0 $0x0  }
0x12: {  	s1 =	sld [smem:$0x3F85];
	s0 =	simm.s32 @p0 $0x1  }
0x13: {  	[smem:$0x3FA0] =	sst s0;
	s0 =	simm.s32 @!p1 $0x0  }
0x14: {  	s2 =	sld [smem:$0x3F84];
	s0 =	simm.s32 @p1 $0x1  }
0x15: {  	[smem:$0x3FA1] =	sst s0;
	s0 =	simm.s32 @!p2 $0x0  }
0x16: {  	s3 =	sld [smem:$0x3FDB];
	s0 =	simm.s32 @p2 $0x1  }
0x17: {  	s4 =	simm.s32 $0x1BF5;
	[smem:$0x3FA3] =	sst s0  }
0x18: {  	s0 =	sld [smem:$0x3F86];
	_ =	swait.ge [sflag:s4], $0x0  }
0x19: {  	s7 =	sld [smem:$0x3F87]  }
0x1a: {  	s8 =	sadd.s32 $0xFFFFE003, lr  }
0x1b: {  	s9 =	sadd.s32 $0xFFFFFEF7, lr;
	s5 =	simm.s32 $0xFFFFFFFF;
	p2 =	slt.u32 s8, $0xFFFFF086  }
0x1c: {  	p1 =	slt.u32 s9, $0xF7A;
	s5 =	simm.s32 @!p2 $0x0  }
0x1d: {  	s5 =	simm.s32 @p1 $0x1;
	p0 =	seq.s32 s7, s2  }
0x1e: {  	s7 =	smul.u32 @!p0 $0xF7A, s2;
	p2 =	seq.s32 @!p0 s5, $0x0  }
0x1f: {  	s9 =	smul.u32 $0xF7A, s1;
	s8 =	simm.s32 @!p0 $0x1BF5;
	p2 =	por !p2, p0  }
0x20: {  	[sflag:s8] =	ssyncset.s32 @!p0 $0xFFFFF086;
	s6 =	sadd.s32 @!p0 s3, s7;
	s7 =	simm.s32 @!p0 $0x108  }
0x21: {  	s3 =	sadd.s32 s3, s9;
	s6 =	sadd.s32 @!p0 $0x88, s6;
	s7 =	simm.s32 @p2 $0x1082  }
0x22: {  	[simem:s7], [sflag:s8] =	dma.local @!p0 [hbm:s6], $0xF7A  }
0x23: {  	s9 =	sor.u32 $0xD0000000, s2;
	s6 =	simm.s32 $0x108;
	_ =	swait.ge @!p0 [sflag:s8], $0x0  }
0x24: {  	s3 =	sadd.s32 $0x88, s3;
	s6 =	simm.s32 @!p1 $0x1082;
	[sflag:s4] =	ssyncset.s32 $0xFFFFF086  }
0x25: {  	[simem:s6], [sflag:s4] =	dma.local [hbm:s3], $0xF7A  }
0x26: {  	[smem:$0x3F87] =	sst s1;
	(tag) =	ssettag s2;
	_ =	strace s9  }
0x27: {  	s1 =	sld [smem:$0x3F97]  }
0x28: {  	s2 =	sld [smem:$0x3F98]  }
0x29: {  	s4 =	sld [smem:$0x3F9A]  }
0x2a: {  	p0 =	seq.s32 s5, $0x0;
	s5 =	sld [smem:$0x3F9B]  }
0x2b: {  	s6 =	sld [smem:$0x3F9C]  }
0x2c: {  	s7 =	sld [smem:$0x3F9D]  }
0x2d: {  	s3 =	simm.s32 $0x108;
	s8 =	sld [smem:$0x3F9E]  }
0x2e: {  	s3 =	simm.s32 @!p0 $0x1082;
	s9 =	sld [smem:$0x3F9F]  }
0x2f: {  	lr =	sadd.s32 s0, s3;
	s0 =	sld [smem:$0x3F96]  }
0x30: {  	s3 =	sld [smem:$0x3F99]  }
0x31: {  	[smem:$0x3FA2] =	sst s10  }
0x32: {  	s10 =	sld [smem:$0x3FA0];
	_ =	sdelay $0x3  }
0x33: {  	p0 =	seq.s32 s10, $0x1;
	s10 =	sld [smem:$0x3FA2];
	_ =	sdelay $0x3  }
0x34: {  	[smem:$0x3FA2] =	sst s10  }
0x35: {  	s10 =	sld [smem:$0x3FA1];
	_ =	sdelay $0x3  }
0x36: {  	p1 =	seq.s32 s10, $0x1;
	s10 =	sld [smem:$0x3FA2];
	_ =	sdelay $0x3  }
0x37: {  	[smem:$0x3FA2] =	sst s10  }
0x38: {  	s10 =	sld [smem:$0x3FA3]  }
0x39: {  	_ = 	snop;
	(pc) =	sbr.ind lr, $3  }
0x3a: {  	_ = 	snop  }
0x3b: {  	_ = 	snop  }
0x3c: {  	p2 =	seq.s32 s10, $0x1;
	s10 =	sld [smem:$0x3FA2]  }
0x3d: {  	_ =	shalt  }
0x3e: {  	_ =	shalt  }
0x3f: {  	_ =	shalt  }
0x40: {  	_ =	shalt  }
0x41: {  	_ =	shalt  }
0x42: {  	_ =	shalt  }
0x43: {  	_ =	shalt  }
0x44: {  	_ =	shalt  }
0x45: {  	_ =	shalt  }
0x46: {  	_ =	shalt  }
0x47: {  	_ =	shalt  }
0x48: {  	_ =	shalt  }
0x49: {  	_ =	shalt  }
0x4a: {  	_ =	shalt  }
0x4b: {  	_ =	shalt  }
0x4c: {  	_ =	shalt  }
0x4d: {  	_ =	shalt  }
0x4e: {  	_ =	shalt  }
0x4f: {  	_ =	shalt  }
0x50: {  	_ =	shalt  }
0x51: {  	_ =	shalt  }
0x52: {  	_ =	shalt  }
0x53: {  	_ =	shalt  }
0x54: {  	_ =	shalt  }
0x55: {  	_ =	shalt  }
0x56: {  	_ =	shalt  }
0x57: {  	_ =	shalt  }
0x58: {  	_ =	shalt  }
0x59: {  	_ =	shalt  }
0x5a: {  	_ =	shalt  }
0x5b: {  	_ =	shalt  }
0x5c: {  	_ =	shalt  }
0x5d: {  	_ =	shalt  }
0x5e: {  	_ =	shalt  }
0x5f: {  	_ =	shalt  }
0x60: {  	_ =	shalt  }
0x61: {  	_ =	shalt  }
0x62: {  	_ =	shalt  }
0x63: {  	_ =	shalt  }
0x64: {  	_ =	shalt  }
0x65: {  	_ =	shalt  }
0x66: {  	_ =	shalt  }
0x67: {  	_ =	shalt  }
0x68: {  	_ =	shalt  }
0x69: {  	_ =	shalt  }
0x6a: {  	_ =	shalt  }
0x6b: {  	_ =	shalt  }
0x6c: {  	_ =	shalt  }
0x6d: {  	_ =	shalt  }
0x6e: {  	_ =	shalt  }
0x6f: {  	_ =	shalt  }
0x70: {  	_ =	shalt  }
0x71: {  	_ =	shalt  }
0x72: {  	_ =	shalt  }
0x73: {  	_ =	shalt  }
0x74: {  	_ =	shalt  }
0x75: {  	_ =	shalt  }
0x76: {  	_ =	shalt  }
0x77: {  	_ =	shalt  }
0x78: {  	_ =	shalt  }
0x79: {  	_ =	shalt  }
0x7a: {  	_ =	shalt  }
0x7b: {  	_ =	shalt  }
0x7c: {  	_ =	shalt  }
0x7d: {  	_ =	shalt  }
0x7e: {  	_ =	shalt  }
0x7f: {  	_ =	shalt  }
0x80: {  	_ =	shalt  }
0x81: {  	_ =	shalt  }
0x82: {  	_ =	shalt  }
0x83: {  	_ =	shalt  }
0x84: {  	_ =	shalt  }
0x85: {  	_ =	shalt  }
0x86: {  	_ =	shalt  }
0x87: {  	_ =	shalt  }
.Lfunc_end0:
.L_simem_size_0:
called_computation_lowered:
.L_overlay_start_0:
0x88: {  	s2 =	sld [smem:$0x3FD9]  }
0x89: {  	s3 =	sld [smem:$0x3FFE];
	_ =	sdelay $0x1  }
0x8a: {  	s1 =	srdreg.scid  }
0x8b: {  	s0 =	sand.u32 $0x1, s1  }
0x8c: {  	s17 =	sshll.u32 s0, $0xA;
	s2 =	sadd.s32 s3, s2  }
0x8d: {  	s2 =	sadd.s32 s2, s17  }
0x8e: {  	[smem:$0x3FAE] =	sst s2  }
0x8f: {  	_ = 	snop  }
0x90: {  	s2 =	sld [smem:$0x3FD0];
	(tm) =	ssettm $0x1  }
0x91: {  	s18 =	sld [smem:$0x3FFB];
	_ =	sdelay $0x3  }
0x92: {  	_ =	strace s18  }
0x93: {  	s3 =	sld [smem:$0x3FFC];
	_ =	sdelay $0x3  }
0x94: {  	_ =	strace s3  }
0x95: {  	s3 =	sld [smem:$0x3FFD];
	_ =	sdelay $0x3  }
0x96: {  	_ =	strace s3  }
0x97: {  	_ =	strace $0x8FFFFFFF  }
0x98: {  	s19 =	sld [smem:$0x3FDB];
	_ =	sdelay $0x1  }
0x99: {  	s4 =	simm.s32 $_scs_section_size  }
0x9a: {  	s5 =	simm.s32 $_size__tile_overlayer_lowered;
	s6 =	simm.s32 $_tile_overlayer_lowered  }
0x9b: {  	s22 =	simm.s32 $0x1BFF;
	s21 =	sshll.u32 s6, $0x1;
	s3 =	sadd.s32 s4, s19  }
0x9c: {  	s7 =	simm.s32 $0x0;
	s20 =	sshll.u32 s5, $0x1;
	s5 =	sadd.s32 s21, s3  }
0x9d: {  	[timem:s7], [sflag:s22] =	dma.local [hbm:s5], s20  }
0x9e: {  	_ =	swait.ge [sflag:s22], s20  }
0x9f: {  	s4 =	ssub.s32 $0x0, s20;
	[sflag:s22] =	ssyncset.done $0x0  }
0xa0: {  	[sflag:s22] =	ssyncadd.s32 s4;
	_ =	sdelay $0x1  }
0xa1: {  	s23 =	simm.s32 $0x1B8B  }
0xa2: {  	_ =	swait.ge [sflag:s23], $0x1  }
0xa3: {  	[sflag:s23] =	ssyncset.done $0x0  }
0xa4: {  	s25 =	simm.s32 $0x1B8E;
	s24 =	sld [smem:$0x3FFE];
	[sflag:s23] =	ssyncadd.s32 $0xFFFFFFFF  }
0xa5: {  	s26 =	simm.s32 $execute0_lowered;
	[smem:$0x3FD2] =	sst s25  }
0xa6: {  	s5 =	sshll.u32 s26, $0x1;
	_ =	strace $0x80000046;
	[dreg:$0x1] =	wrdreg $0xFFFFFFFF  }
0xa7: {  	s28 =	simm.s32 $_size_execute0_lowered;
	s3 =	sadd.s32 s3, s5;
	[dreg:$0x0] =	wrdreg $0x0  }
0xa8: {  	s5 =	sshll.u32 s28, $0x1;
	[dreg:$0x2] =	wrdreg s3  }
0xa9: {  	[dreg:$0x3] =	wrdreg s5  }
0xaa: {  	[dreg:$0x4] =	wrdreg $0xC0  }
0xab: {  	_ =	task [dreg:s7], $0x5FFFF  }
0xac: {  	[dreg:$0x1] =	wrdreg $0xFFFFFFFF  }
0xad: {  	[dreg:$0x0] =	wrdreg $0x60  }
0xae: {  	[dreg:$0x2] =	wrdreg s24  }
0xaf: {  	[dreg:$0x3] =	wrdreg s2  }
0xb0: {  	[dreg:$0x4] =	wrdreg $0xA8000  }
0xb1: {  	[dreg:$0x5] =	wrdreg $0x9  }
0xb2: {  	_ =	task.clear_ibuf [dreg:s7], $0x6FFFF;
	_ =	strace $0x90000046  }
0xb3: {  	s29 =	simm.s32 $0x9;
	_ =	strace $0x80000048  }
0xb4: {  	_ =	swait.ge [sflag:s29], $0x1  }
0xb5: {  	[sflag:s29] =	ssyncadd.s32 $0xFFFFFFFF  }
0xb6: {  	_ =	strace $0x90000048  }
0xb7: {  	_ =	sfence  }
0xb8: {  	s30 =	sld [smem:$0x0];
	_ =	sdelay $0x2  }
0xb9: {  	s31 =	sshll.u32 s1, $0xD;
	s1 =	sshrl.u32 s1, $0x2  }
0xba: {  	s3 =	sand.u32 $0x4000, s31;
	s1 =	sadd.s32 s1, s30  }
0xbb: {  	s0 =	sor.u32 s3, s0;
	s1 =	sshll.u32 s1, $0x11  }
0xbc: {  	s0 =	sor.u32 s1, s0  }
0xbd: {  	s0 =	sadd.s32 $0x8F2B, s0  }
0xbe: {  	[sflag:s0] =	ssyncadd.remote.s32 $0x1  }
0xbf: {  	_ =	sfence.sel $0xFFFF  }
0xc0: {  	[dreg:$0x0] =	wrdreg $0xFFFFFFFF;
	(pc) =	sbr.abs _section_cstart, $3  }
0xc1: {  	[dreg:$0x1] =	wrdreg $0xFFFFFFFF  }
0xc2: {  	_ =	task.clear_ibuf [dreg:s7], $0x2FFFF;
	_ =	strace $0x9FFFFFFF  }
0xc3: {  	(tm) =	ssettm $0x7FFFFFFF  }
tec
execute0_lowered:
.L_overlay_start_1:
0x0: {  	(tag) =	ssettag $0x1  }
0x1: {  	s12 =	rddreg [dreg:$0x0]  }
0x2: {  	s10 =	rddreg [dreg:$0x1]  }
0x3: {  	s2 =	rddreg [dreg:$0x2]  }
0x4: {  	s0 =	rddreg [dreg:$0x3];
	s4 =	srdreg.scid  }
0x5: {  	s1 =	stileid.u32;
	s3 =	simm.s32 $0x0;
	s15 =	simm.s32 $0x83C00  }
0x6: {  	s17 =	simm.s32 $0x80;
	s18 =	simm.s32 $0x1;
	s19 =	simm.s32 $0x6800  }
0x7: {  	s20 =	simm.s32 $0x1480;
	s21 =	simm.s32 $0x2;
	s22 =	simm.s32 $0x100  }
0x8: {  	s23 =	simm.s32 $0x2700;
	s24 =	simm.s32 $0x1380;
	s25 =	simm.s32 $0x2780  }
0x9: {  	s26 =	simm.s32 $0x0;
	s9 =	sand.u32 $0x1, s4;
	s5 =	smul.u32 $0x50000, s1  }
0xa: {  	s30 =	sshll.u32 s1, $0x1;
	[smem:$0x7FF] =	sst s3;
	s16 =	smul.u32 $0x2800, s1  }
0xb: {  	s4 =	sor.u32 s9, s30;
	_ =	strace $0x80000047;
	s6 =	ssub.s32 $0x2, s9  }
0xc: {  	p0 =	seq.s32 s9, $0x1;
	s11 =	smul.u32 $0x280, s4;
	s4 =	sadd.s32 $0x33C00, s12  }
0xd: {  	s5 =	sshrl.u32 s5, $0x2;
	s7 =	sshrl.u32 s6, $0x1;
	s15 =	simm.s32 @!p0 $0x5BC00  }
0xe: {  	s5 =	sadd.s32 s5, s2;
	s14 =	ssub.s32 s6, s7;
	s31 =	sadd.s32 s15, s12  }
0xf: {  	s15 =	simm.s32 $0x3;
	s13 =	sadd.s32 s11, s12;
	s6 =	sadd.s32 $0x4000, s5  }
0x10: {  	s7 =	sadd.s32 $0x8000, s5;
	s8 =	sadd.s32 $0xC000, s5;
	s9 =	sadd.s32 $0x10000, s5  }
0x11: {  	s10 =	sadd.s32 s10, s11;
	s12 =	smax.u32 s14, $0x1;
	s14 =	simm.s32 $0x2800  }
0x12: {  	v0 =	vimm.f32 $0.0e+00;
	s11 =	sadd.s32 $0x2EC00, s13;
	s13 =	sadd.s32 s31, s16;
	s16 =	simm.s32 $0x1400  }
.LBB2_1:
0x13: {  	s28 =	simm.s32 $0x0;
	s29 =	simm.s32 $0x200  }
.LBB2_2:
0x14: {  	p0 =	sne.s32 s29, $0xFE00;
	[tilespmem:s28+$0x2870] =	vst v0  }
0x15: {  	[tilespmem:s28+$0x2800] =	vst v0  }
0x16: {  	[tilespmem:s28+$0x2810] =	vst v0  }
.Ltmp0:
0x17: {  	[tilespmem:s28+$0x2820] =	vst v0;
	(pc) =	sbr.rel @p0 .LBB2_2-.Ltmp0, $4  }
0x18: {  	[tilespmem:s28+$0x2830] =	vst v0  }
0x19: {  	[tilespmem:s28+$0x2840] =	vst v0  }
0x1a: {  	[tilespmem:s28+$0x2850] =	vst v0  }
0x1b: {  	[tilespmem:s28+$0x2860] =	vst v0;
	s28 =	sshra.s32 s29, $0x2;
	s29 =	sadd.s32 $0x200, s29  }
0x1c: {  	[tilespmem:s28+$0x2870] =	vst v0  }
0x1d: {  	[tilespmem:s28+$0x2800] =	vst v0  }
0x1e: {  	[tilespmem:s28+$0x2810] =	vst v0  }
0x1f: {  	[tilespmem:s28+$0x2820] =	vst v0  }
0x20: {  	[tilespmem:s28+$0x2830] =	vst v0  }
0x21: {  	[tilespmem:s28+$0x2840] =	vst v0  }
0x22: {  	[tilespmem:s28+$0x2850] =	vst v0  }
0x23: {  	[tilespmem:s28+$0x2860] =	vst v0  }
0x24: {  	[spmem:s5] =	stream.linear.scatter [tilespmem:s14], [sflag:$0x3], $0x4000, $0x38;
	[tilespmem:$0x1E800] =	vst v63  }
0x25: {  	_ =	swait.ge [sflag:s15], $0x4000  }
0x26: {  	[sflag:s15] =	ssyncset.done $0x0  }
0x27: {  	[sflag:s15] =	ssyncadd.s32 $0xFFFFC000  }
0x28: {  	[spmem:s6] =	stream.linear.scatter [tilespmem:s14], [sflag:$0x3], $0x4000, $0x38;
	[tilespmem:$0x1E800] =	vst v63  }
0x29: {  	_ =	swait.ge [sflag:s15], $0x4000  }
0x2a: {  	[sflag:s15] =	ssyncset.done $0x0  }
0x2b: {  	[sflag:s15] =	ssyncadd.s32 $0xFFFFC000  }
0x2c: {  	[spmem:s7] =	stream.linear.scatter [tilespmem:s14], [sflag:$0x3], $0x4000, $0x38;
	[tilespmem:$0x1E800] =	vst v63  }
0x2d: {  	_ =	swait.ge [sflag:s15], $0x4000  }
0x2e: {  	[sflag:s15] =	ssyncset.done $0x0  }
0x2f: {  	[sflag:s15] =	ssyncadd.s32 $0xFFFFC000  }
0x30: {  	[spmem:s8] =	stream.linear.scatter [tilespmem:s14], [sflag:$0x3], $0x4000, $0x38;
	[tilespmem:$0x1E800] =	vst v63  }
0x31: {  	_ =	swait.ge [sflag:s15], $0x4000  }
0x32: {  	[sflag:s15] =	ssyncset.done $0x0  }
0x33: {  	[sflag:s15] =	ssyncadd.s32 $0xFFFFC000  }
0x34: {  	[spmem:s9] =	stream.linear.scatter [tilespmem:s14], [sflag:$0x3], $0x4000, $0x38;
	[tilespmem:$0x1E800] =	vst v63  }
0x35: {  	_ =	swait.ge [sflag:s15], $0x4000  }
0x36: {  	[sflag:s15] =	ssyncset.done $0x0  }
0x37: {  	[sflag:s15] =	ssyncadd.s32 $0xFFFFC000  }
0x38: {  	[bflag:$0x0] =	sbarrier.arrive $0xFFFF  }
0x39: {  	[tilespmem:s3], [sflag:$0x3] =	stream.linear.gather [hbm4b:s10+s3], $0x1400, $0x38;
	[tilespmem:$0x1E800] =	vst v63  }
0x3a: {  	_ =	swait.ge [sflag:s15], $0x1400  }
0x3b: {  	[sflag:s15] =	ssyncset.done $0x0  }
0x3c: {  	[sflag:s15] =	ssyncadd.s32 $0xFFFFEC00  }
0x3d: {  	[tilespmem:s16], [sflag:$0x3] =	stream.linear.gather [hbm4b:s11+s3], $0x1400, $0x38;
	[tilespmem:$0x1E800] =	vst v63  }
0x3e: {  	_ =	swait.ge [sflag:s15], $0x1400  }
0x3f: {  	[sflag:s15] =	ssyncset.done $0x0  }
0x40: {  	[sflag:s15] =	ssyncadd.s32 $0xFFFFEC00  }
0x41: {  	[tilespmem:s14], [sflag:$0x1] =	stream.indirect.gather [hbm4b:s4+s17], $0x80, s3, s17, $0xb8;
	[tilespmem:$0x1E800] =	vst v63  }
0x42: {  	_ =	swait.ge [sflag:s18], $0x4000  }
0x43: {  	[sflag:s18] =	ssyncset.done $0x0  }
0x44: {  	[sflag:s18] =	ssyncadd.s32 $0xFFFFC000  }
0x45: {  	[spmem:s2] =	stream.indirect.scatter.add.f32 [tilespmem:s14], [sflag:$0x2], $0x80, s16, s17, $0xb8;
	[tilespmem:$0x1E800] =	vst v63  }
0x46: {  	_ = 	snop  }
0x47: {  	[tilespmem:s19], [sflag:$0x1] =	stream.indirect.gather [hbm4b:s4+s17], $0x80, s17, s17, $0xb8;
	[tilespmem:$0x1E800] =	vst v63  }
0x48: {  	_ =	swait.ge [sflag:s18], $0x4000  }
0x49: {  	[sflag:s18] =	ssyncset.done $0x0  }
0x4a: {  	[sflag:s18] =	ssyncadd.s32 $0xFFFFC000  }
0x4b: {  	[spmem:s2] =	stream.indirect.scatter.add.f32 [tilespmem:s19], [sflag:$0x2], $0x80, s20, s17, $0xb8;
	[tilespmem:$0x1E800] =	vst v63  }
0x4c: {  	_ =	swait.ge [sflag:s21], $0x4000  }
0x4d: {  	[sflag:s21] =	ssyncset.done $0x0  }
0x4e: {  	[sflag:s21] =	ssyncadd.s32 $0xFFFFC000  }
0x4f: {  	[tilespmem:s14], [sflag:$0x1] =	stream.indirect.gather [hbm4b:s4+s17], $0x80, s22, s17, $0xb8;
	[tilespmem:$0x1E800] =	vst v63  }
0x50: {  	_ =	swait.ge [sflag:s18], $0x4000  }
0x51: {  	[sflag:s18] =	ssyncset.done $0x0  }
0x52: {  	s28 =	simm.s32 $0x1500;
	[sflag:s18] =	ssyncadd.s32 $0xFFFFC000  }
0x53: {  	[spmem:s2] =	stream.indirect.scatter.add.f32 [tilespmem:s14], [sflag:$0x2], $0x80, s28, s17, $0xb8;
	[tilespmem:$0x1E800] =	vst v63  }
0x54: {  	_ =	swait.ge [sflag:s21], $0x4000  }
0x55: {  	[sflag:s21] =	ssyncset.done $0x0  }
0x56: {  	s28 =	simm.s32 $0x180;
	[sflag:s21] =	ssyncadd.s32 $0xFFFFC000  }
0x57: {  	[tilespmem:s19], [sflag:$0x1] =	stream.indirect.gather [hbm4b:s4+s17], $0x80, s28, s17, $0xb8;
	[tilespmem:$0x1E800] =	vst v63  }
0x58: {  	_ =	swait.ge [sflag:s18], $0x4000  }
0x59: {  	[sflag:s18] =	ssyncset.done $0x0  }
0x5a: {  	s28 =	simm.s32 $0x1580;
	[sflag:s18] =	ssyncadd.s32 $0xFFFFC000  }
0x5b: {  	[spmem:s2] =	stream.indirect.scatter.add.f32 [tilespmem:s19], [sflag:$0x2], $0x80, s28, s17, $0xb8;
	[tilespmem:$0x1E800] =	vst v63  }
0x5c: {  	_ =	swait.ge [sflag:s21], $0x4000  }
0x5d: {  	[sflag:s21] =	ssyncset.done $0x0  }
0x5e: {  	s29 =	simm.s32 $0x200;
	s28 =	simm.s32 $0xFFFFBC00;
	[sflag:s21] =	ssyncadd.s32 $0xFFFFC000  }
.LBB2_4:
0x5f: {  	[tilespmem:s14], [sflag:$0x1] =	stream.indirect.gather [hbm4b:s4+s17], $0x80, s29, s17, $0xb8;
	[tilespmem:$0x1E800] =	vst v63  }
0x60: {  	s29 =	smov.u32 s28  }
0x61: {  	p0 =	sne.s32 s28, $0xFFFFFC00;
	s28 =	sadd.s32 $0x400, s28;
	_ =	swait.ge [sflag:s18], $0x4000  }
0x62: {  	s29 =	sshra.s32 s29, $0x2;
	[sflag:s18] =	ssyncset.done $0x0  }
0x63: {  	s30 =	sadd.s32 $0x2700, s29;
	[sflag:s18] =	ssyncadd.s32 $0xFFFFC000  }
0x64: {  	[spmem:s2] =	stream.indirect.scatter.add.f32 [tilespmem:s14], [sflag:$0x2], $0x80, s30, s17, $0xb8;
	[tilespmem:$0x1E800] =	vst v63  }
0x65: {  	_ =	swait.ge [sflag:s21], $0x4000  }
0x66: {  	[sflag:s21] =	ssyncset.done $0x0  }
0x67: {  	s30 =	sadd.s32 $0x1380, s29;
	[sflag:s21] =	ssyncadd.s32 $0xFFFFC000  }
0x68: {  	[tilespmem:s19], [sflag:$0x1] =	stream.indirect.gather [hbm4b:s4+s17], $0x80, s30, s17, $0xb8;
	[tilespmem:$0x1E800] =	vst v63  }
0x69: {  	_ =	swait.ge [sflag:s18], $0x4000  }
0x6a: {  	[sflag:s18] =	ssyncset.done $0x0  }
.Ltmp1:
0x6b: {  	s30 =	sadd.s32 $0x2780, s29;
	[sflag:s18] =	ssyncadd.s32 $0xFFFFC000;
	(pc) =	sbr.rel @p0 .LBB2_4-.Ltmp1, $4  }
0x6c: {  	[spmem:s2] =	stream.indirect.scatter.add.f32 [tilespmem:s19], [sflag:$0x2], $0x80, s30, s17, $0xb8;
	[tilespmem:$0x1E800] =	vst v63  }
0x6d: {  	_ =	swait.ge [sflag:s21], $0x4000  }
0x6e: {  	[sflag:s21] =	ssyncset.done $0x0  }
0x6f: {  	s29 =	sadd.s32 $0x1400, s29;
	[sflag:s21] =	ssyncadd.s32 $0xFFFFC000  }
0x70: {  	[tilespmem:s14], [sflag:$0x1] =	stream.indirect.gather [hbm4b:s4+s17], $0x80, s29, s17, $0xb8;
	[tilespmem:$0x1E800] =	vst v63  }
0x71: {  	_ =	swait.ge [sflag:s18], $0x4000  }
0x72: {  	[sflag:s18] =	ssyncset.done $0x0  }
0x73: {  	[sflag:s18] =	ssyncadd.s32 $0xFFFFC000  }
0x74: {  	[spmem:s2] =	stream.indirect.scatter.add.f32 [tilespmem:s14], [sflag:$0x2], $0x80, s23, s17, $0xb8;
	[tilespmem:$0x1E800] =	vst v63  }
0x75: {  	_ =	swait.ge [sflag:s21], $0x4000  }
0x76: {  	[sflag:s21] =	ssyncset.done $0x0  }
0x77: {  	[sflag:s21] =	ssyncadd.s32 $0xFFFFC000  }
0x78: {  	[tilespmem:s19], [sflag:$0x1] =	stream.indirect.gather [hbm4b:s4+s17], $0x80, s24, s17, $0xb8;
	[tilespmem:$0x1E800] =	vst v63  }
0x79: {  	_ =	swait.ge [sflag:s18], $0x4000  }
0x7a: {  	[sflag:s18] =	ssyncset.done $0x0  }
0x7b: {  	[sflag:s18] =	ssyncadd.s32 $0xFFFFC000  }
0x7c: {  	[spmem:s2] =	stream.indirect.scatter.add.f32 [tilespmem:s19], [sflag:$0x2], $0x80, s25, s17, $0xb8;
	[tilespmem:$0x1E800] =	vst v63  }
0x7d: {  	_ =	swait.ge [sflag:s21], $0x4000  }
0x7e: {  	[sflag:s21] =	ssyncset.done $0x0  }
0x7f: {  	[sflag:s21] =	ssyncadd.s32 $0xFFFFC000  }
0x80: {  	[tilespmem:s14], [sflag:$0x1] =	stream.indirect.gather [hbm4b:s4+s17], $0x80, s3, s17, $0xb8;
	[tilespmem:$0x1E800] =	vst v63  }
0x81: {  	_ =	swait.ge [sflag:s18], $0x4000  }
0x82: {  	[sflag:s18] =	ssyncset.done $0x0  }
0x83: {  	[sflag:s18] =	ssyncadd.s32 $0xFFFFC000  }
0x84: {  	_ =	swait.ge [sflag:s21], $0x4000  }
0x85: {  	s28 =	sshll.u32 s1, $0x6;
	s26 =	sadd.s32 $0x1, s26;
	[sflag:s21] =	ssyncset.done $0x0  }
0x86: {  	s31 =	sshrl.u32 s5, $0x3;
	p0 =	sne.s32 s26, s12;
	[sflag:s21] =	ssyncadd.s32 $0xFFFFC000  }
.Ltmp2:
0x87: {  	s28 =	sor.u32 $0x1C03, s28;
	[bflag:$0x0] =	sbarrier.arrive $0xFFFF;
	(pc) =	sbr.rel @p0 .LBB2_1-.Ltmp2, $4  }
0x88: {  	[hbm:s13], [sflag:s28] =	dma.local [spmem:s31], $0x2800  }
0x89: {  	_ =	swait.ge [sflag:s15], $0x2800  }
0x8a: {  	[sflag:s15] =	ssyncset.done $0x0  }
0x8b: {  	[sflag:s15] =	ssyncadd.s32 $0xFFFFD800  }
0x8c: {  	_ =	sfence.sel $0x180000  }
0x8d: {  	[bflag:$0x0] =	sbarrier.arrive $0xFFFF  }
0x8e: {  	p0 =	sne.s32 s1, $0x0;
	_ =	strace $0x90000047  }
0x8f: {  	s0 =	sadd.s32 @!p0 $0x100000, s0;
	[bflag:$0x2] =	sbarrier.arrive $0xFFFF  }
0x90: {  	[sflag:s0] =	ssyncadd.tile.s32 @!p0 $0x1;
	_ =	shalt  }
.Lfunc_end2:
_tile_overlayer_lowered:
.L_overlay_start_2:
0x91: {  	(tag) =	ssettag $0x2  }
0x92: {  	s0 =	rddreg [dreg:$0x0];
	s2 =	stileid.u32  }
0x93: {  	s1 =	rddreg [dreg:$0x1];
	p0 =	sne.s32 s2, $0x0  }
0x94: {  	s3 =	rddreg [dreg:$0x2];
	[bflag:$0x3] =	sbarrier.arrive $0xFFFF;
	s2 =	simm.s32 @!p0 $0x1C03  }
0x95: {  	[timem:s3], [sflag:s2] =	dma.local @!p0 [hbm:s0], s1  }
0x96: {  	s0 =	simm.s32 @!p0 $0x3  }
0x97: {  	_ =	swait.ge @!p0 [sflag:s0], s1  }
0x98: {  	s1 =	ssub.s32 @!p0 $0x0, s1;
	[sflag:s0] =	ssyncset.done @!p0 $0x0  }
0x99: {  	[sflag:s0] =	ssyncadd.s32 @!p0 s1  }
0x9a: {  	[bflag:$0x3] =	sbarrier.arrive $0xFFFF  }
0x9b: {  	_ =	shalt  }

// kernel: kernel.14.cloned.1.call-start
scs
__scs_entry_jumppad:
0x0: {  	(pc) =	sbr.rel $0x88, $3  }
0x1: {  	(tag) =	ssettag $0x0;
	lr =	simm.s32 $0x1  }
0x2: {  	[smem:$0x3F87] =	sst lr;
	_ =	strace $0xD0000000  }
0x3: {  	_ = 	snop  }
0x4: {  	_ = 	snop  }
0x5: {  	_ = 	snop  }
0x6: {  	_ = 	snop  }
0x7: {  	_ = 	snop  }
__scs_overlays_trampoline_lowered:
0x8: {  	[smem:$0x3F96] =	sst s0  }
0x9: {  	[smem:$0x3F97] =	sst s1  }
0xa: {  	[smem:$0x3F98] =	sst s2  }
0xb: {  	[smem:$0x3F99] =	sst s3  }
0xc: {  	[smem:$0x3F9A] =	sst s4  }
0xd: {  	[smem:$0x3F9B] =	sst s5  }
0xe: {  	[smem:$0x3F9C] =	sst s6  }
0xf: {  	[smem:$0x3F9D] =	sst s7  }
0x10: {  	[smem:$0x3F9E] =	sst s8  }
0x11: {  	[smem:$0x3F9F] =	sst s9;
	s0 =	simm.s32 @!p0 $0x0  }
0x12: {  	s1 =	sld [smem:$0x3F85];
	s0 =	simm.s32 @p0 $0x1  }
0x13: {  	[smem:$0x3FA0] =	sst s0;
	s0 =	simm.s32 @!p1 $0x0  }
0x14: {  	s2 =	sld [smem:$0x3F84];
	s0 =	simm.s32 @p1 $0x1  }
0x15: {  	[smem:$0x3FA1] =	sst s0;
	s0 =	simm.s32 @!p2 $0x0  }
0x16: {  	s3 =	sld [smem:$0x3FDB];
	s0 =	simm.s32 @p2 $0x1  }
0x17: {  	s4 =	simm.s32 $0x1BF5;
	[smem:$0x3FA3] =	sst s0  }
0x18: {  	s0 =	sld [smem:$0x3F86];
	_ =	swait.ge [sflag:s4], $0x0  }
0x19: {  	s7 =	sld [smem:$0x3F87]  }
0x1a: {  	s8 =	sadd.s32 $0xFFFFE003, lr  }
0x1b: {  	s9 =	sadd.s32 $0xFFFFFEF7, lr;
	s5 =	simm.s32 $0xFFFFFFFF;
	p2 =	slt.u32 s8, $0xFFFFF086  }
0x1c: {  	p1 =	slt.u32 s9, $0xF7A;
	s5 =	simm.s32 @!p2 $0x0  }
0x1d: {  	s5 =	simm.s32 @p1 $0x1;
	p0 =	seq.s32 s7, s2  }
0x1e: {  	s7 =	smul.u32 @!p0 $0xF7A, s2;
	p2 =	seq.s32 @!p0 s5, $0x0  }
0x1f: {  	s9 =	smul.u32 $0xF7A, s1;
	s8 =	simm.s32 @!p0 $0x1BF5;
	p2 =	por !p2, p0  }
0x20: {  	[sflag:s8] =	ssyncset.s32 @!p0 $0xFFFFF086;
	s6 =	sadd.s32 @!p0 s3, s7;
	s7 =	simm.s32 @!p0 $0x108  }
0x21: {  	s3 =	sadd.s32 s3, s9;
	s6 =	sadd.s32 @!p0 $0x88, s6;
	s7 =	simm.s32 @p2 $0x1082  }
0x22: {  	[simem:s7], [sflag:s8] =	dma.local @!p0 [hbm:s6], $0xF7A  }
0x23: {  	s9 =	sor.u32 $0xD0000000, s2;
	s6 =	simm.s32 $0x108;
	_ =	swait.ge @!p0 [sflag:s8], $0x0  }
0x24: {  	s3 =	sadd.s32 $0x88, s3;
	s6 =	simm.s32 @!p1 $0x1082;
	[sflag:s4] =	ssyncset.s32 $0xFFFFF086  }
0x25: {  	[simem:s6], [sflag:s4] =	dma.local [hbm:s3], $0xF7A  }
0x26: {  	[smem:$0x3F87] =	sst s1;
	(tag) =	ssettag s2;
	_ =	strace s9  }
0x27: {  	s1 =	sld [smem:$0x3F97]  }
0x28: {  	s2 =	sld [smem:$0x3F98]  }
0x29: {  	s4 =	sld [smem:$0x3F9A]  }
0x2a: {  	p0 =	seq.s32 s5, $0x0;
	s5 =	sld [smem:$0x3F9B]  }
0x2b: {  	s6 =	sld [smem:$0x3F9C]  }
0x2c: {  	s7 =	sld [smem:$0x3F9D]  }
0x2d: {  	s3 =	simm.s32 $0x108;
	s8 =	sld [smem:$0x3F9E]  }
0x2e: {  	s3 =	simm.s32 @!p0 $0x1082;
	s9 =	sld [smem:$0x3F9F]  }
0x2f: {  	lr =	sadd.s32 s0, s3;
	s0 =	sld [smem:$0x3F96]  }
0x30: {  	s3 =	sld [smem:$0x3F99]  }
0x31: {  	[smem:$0x3FA2] =	sst s10  }
0x32: {  	s10 =	sld [smem:$0x3FA0];
	_ =	sdelay $0x3  }
0x33: {  	p0 =	seq.s32 s10, $0x1;
	s10 =	sld [smem:$0x3FA2];
	_ =	sdelay $0x3  }
0x34: {  	[smem:$0x3FA2] =	sst s10  }
0x35: {  	s10 =	sld [smem:$0x3FA1];
	_ =	sdelay $0x3  }
0x36: {  	p1 =	seq.s32 s10, $0x1;
	s10 =	sld [smem:$0x3FA2];
	_ =	sdelay $0x3  }
0x37: {  	[smem:$0x3FA2] =	sst s10  }
0x38: {  	s10 =	sld [smem:$0x3FA3]  }
0x39: {  	_ = 	snop;
	(pc) =	sbr.ind lr, $3  }
0x3a: {  	_ = 	snop  }
0x3b: {  	_ = 	snop  }
0x3c: {  	p2 =	seq.s32 s10, $0x1;
	s10 =	sld [smem:$0x3FA2]  }
0x3d: {  	_ =	shalt  }
0x3e: {  	_ =	shalt  }
0x3f: {  	_ =	shalt  }
0x40: {  	_ =	shalt  }
0x41: {  	_ =	shalt  }
0x42: {  	_ =	shalt  }
0x43: {  	_ =	shalt  }
0x44: {  	_ =	shalt  }
0x45: {  	_ =	shalt  }
0x46: {  	_ =	shalt  }
0x47: {  	_ =	shalt  }
0x48: {  	_ =	shalt  }
0x49: {  	_ =	shalt  }
0x4a: {  	_ =	shalt  }
0x4b: {  	_ =	shalt  }
0x4c: {  	_ =	shalt  }
0x4d: {  	_ =	shalt  }
0x4e: {  	_ =	shalt  }
0x4f: {  	_ =	shalt  }
0x50: {  	_ =	shalt  }
0x51: {  	_ =	shalt  }
0x52: {  	_ =	shalt  }
0x53: {  	_ =	shalt  }
0x54: {  	_ =	shalt  }
0x55: {  	_ =	shalt  }
0x56: {  	_ =	shalt  }
0x57: {  	_ =	shalt  }
0x58: {  	_ =	shalt  }
0x59: {  	_ =	shalt  }
0x5a: {  	_ =	shalt  }
0x5b: {  	_ =	shalt  }
0x5c: {  	_ =	shalt  }
0x5d: {  	_ =	shalt  }
0x5e: {  	_ =	shalt  }
0x5f: {  	_ =	shalt  }
0x60: {  	_ =	shalt  }
0x61: {  	_ =	shalt  }
0x62: {  	_ =	shalt  }
0x63: {  	_ =	shalt  }
0x64: {  	_ =	shalt  }
0x65: {  	_ =	shalt  }
0x66: {  	_ =	shalt  }
0x67: {  	_ =	shalt  }
0x68: {  	_ =	shalt  }
0x69: {  	_ =	shalt  }
0x6a: {  	_ =	shalt  }
0x6b: {  	_ =	shalt  }
0x6c: {  	_ =	shalt  }
0x6d: {  	_ =	shalt  }
0x6e: {  	_ =	shalt  }
0x6f: {  	_ =	shalt  }
0x70: {  	_ =	shalt  }
0x71: {  	_ =	shalt  }
0x72: {  	_ =	shalt  }
0x73: {  	_ =	shalt  }
0x74: {  	_ =	shalt  }
0x75: {  	_ =	shalt  }
0x76: {  	_ =	shalt  }
0x77: {  	_ =	shalt  }
0x78: {  	_ =	shalt  }
0x79: {  	_ =	shalt  }
0x7a: {  	_ =	shalt  }
0x7b: {  	_ =	shalt  }
0x7c: {  	_ =	shalt  }
0x7d: {  	_ =	shalt  }
0x7e: {  	_ =	shalt  }
0x7f: {  	_ =	shalt  }
0x80: {  	_ =	shalt  }
0x81: {  	_ =	shalt  }
0x82: {  	_ =	shalt  }
0x83: {  	_ =	shalt  }
0x84: {  	_ =	shalt  }
0x85: {  	_ =	shalt  }
0x86: {  	_ =	shalt  }
0x87: {  	_ =	shalt  }
.Lfunc_end0:
.L_simem_size_0:
called_computation.1_lowered:
.L_overlay_start_0:
0x88: {  	s2 =	sld [smem:$0x3FD9]  }
0x89: {  	s3 =	sld [smem:$0x3FFE];
	_ =	sdelay $0x1  }
0x8a: {  	s1 =	srdreg.scid  }
0x8b: {  	s0 =	sand.u32 $0x1, s1  }
0x8c: {  	s17 =	sshll.u32 s0, $0xA;
	s2 =	sadd.s32 s3, s2  }
0x8d: {  	s2 =	sadd.s32 s2, s17  }
0x8e: {  	[smem:$0x3FAE] =	sst s2  }
0x8f: {  	_ = 	snop  }
0x90: {  	s2 =	sld [smem:$0x3FD0];
	(tm) =	ssettm $0x1  }
0x91: {  	s18 =	sld [smem:$0x3FFB];
	_ =	sdelay $0x3  }
0x92: {  	_ =	strace s18  }
0x93: {  	s3 =	sld [smem:$0x3FFC];
	_ =	sdelay $0x3  }
0x94: {  	_ =	strace s3  }
0x95: {  	s3 =	sld [smem:$0x3FFD];
	_ =	sdelay $0x3  }
0x96: {  	_ =	strace s3  }
0x97: {  	_ =	strace $0x8FFFFFFF  }
0x98: {  	s19 =	sld [smem:$0x3FDB];
	_ =	sdelay $0x1  }
0x99: {  	s4 =	simm.s32 $_scs_section_size  }
0x9a: {  	s5 =	simm.s32 $_size__tile_overlayer_lowered;
	s6 =	simm.s32 $_tile_overlayer_lowered  }
0x9b: {  	s22 =	simm.s32 $0x1BFF;
	s21 =	sshll.u32 s6, $0x1;
	s3 =	sadd.s32 s4, s19  }
0x9c: {  	s7 =	simm.s32 $0x0;
	s20 =	sshll.u32 s5, $0x1;
	s5 =	sadd.s32 s21, s3  }
0x9d: {  	[timem:s7], [sflag:s22] =	dma.local [hbm:s5], s20  }
0x9e: {  	_ =	swait.ge [sflag:s22], s20  }
0x9f: {  	s4 =	ssub.s32 $0x0, s20;
	[sflag:s22] =	ssyncset.done $0x0  }
0xa0: {  	[sflag:s22] =	ssyncadd.s32 s4;
	_ =	sdelay $0x1  }
0xa1: {  	s23 =	simm.s32 $0x1B8B  }
0xa2: {  	_ =	swait.ge [sflag:s23], $0x1  }
0xa3: {  	[sflag:s23] =	ssyncset.done $0x0  }
0xa4: {  	s25 =	simm.s32 $0x1B8E;
	s24 =	sld [smem:$0x3FFE];
	[sflag:s23] =	ssyncadd.s32 $0xFFFFFFFF  }
0xa5: {  	s26 =	simm.s32 $execute0_lowered;
	[smem:$0x3FD2] =	sst s25  }
0xa6: {  	s5 =	sshll.u32 s26, $0x1;
	_ =	strace $0x80000049;
	[dreg:$0x1] =	wrdreg $0xFFFFFFFF  }
0xa7: {  	s28 =	simm.s32 $_size_execute0_lowered;
	s3 =	sadd.s32 s3, s5;
	[dreg:$0x0] =	wrdreg $0x0  }
0xa8: {  	s5 =	sshll.u32 s28, $0x1;
	[dreg:$0x2] =	wrdreg s3  }
0xa9: {  	[dreg:$0x3] =	wrdreg s5  }
0xaa: {  	[dreg:$0x4] =	wrdreg $0xC0  }
0xab: {  	_ =	task [dreg:s7], $0x5FFFF  }
0xac: {  	[dreg:$0x1] =	wrdreg $0xFFFFFFFF  }
0xad: {  	[dreg:$0x0] =	wrdreg $0x60  }
0xae: {  	[dreg:$0x2] =	wrdreg s24  }
0xaf: {  	[dreg:$0x3] =	wrdreg s2  }
0xb0: {  	[dreg:$0x4] =	wrdreg $0xA8000  }
0xb1: {  	[dreg:$0x5] =	wrdreg $0x9  }
0xb2: {  	_ =	task.clear_ibuf [dreg:s7], $0x6FFFF;
	_ =	strace $0x90000049  }
0xb3: {  	s29 =	simm.s32 $0x9;
	_ =	strace $0x8000004B  }
0xb4: {  	_ =	swait.ge [sflag:s29], $0x1  }
0xb5: {  	[sflag:s29] =	ssyncadd.s32 $0xFFFFFFFF  }
0xb6: {  	_ =	strace $0x9000004B  }
0xb7: {  	_ =	sfence  }
0xb8: {  	s30 =	sld [smem:$0x0];
	_ =	sdelay $0x2  }
0xb9: {  	s31 =	sshll.u32 s1, $0xD;
	s1 =	sshrl.u32 s1, $0x2  }
0xba: {  	s3 =	sand.u32 $0x4000, s31;
	s1 =	sadd.s32 s1, s30  }
0xbb: {  	s0 =	sor.u32 s3, s0;
	s1 =	sshll.u32 s1, $0x11  }
0xbc: {  	s0 =	sor.u32 s1, s0  }
0xbd: {  	s0 =	sadd.s32 $0x8F2B, s0  }
0xbe: {  	[sflag:s0] =	ssyncadd.remote.s32 $0x1  }
0xbf: {  	_ =	sfence.sel $0xFFFF  }
0xc0: {  	[dreg:$0x0] =	wrdreg $0xFFFFFFFF;
	(pc) =	sbr.abs _section_cstart, $3  }
0xc1: {  	[dreg:$0x1] =	wrdreg $0xFFFFFFFF  }
0xc2: {  	_ =	task.clear_ibuf [dreg:s7], $0x2FFFF;
	_ =	strace $0x9FFFFFFF  }
0xc3: {  	(tm) =	ssettm $0x7FFFFFFF  }
tec
execute0_lowered:
.L_overlay_start_1:
0x0: {  	(tag) =	ssettag $0x1  }
0x1: {  	s0 =	rddreg [dreg:$0x0]  }
0x2: {  	s6 =	rddreg [dreg:$0x1]  }
0x3: {  	s1 =	rddreg [dreg:$0x2];
	s3 =	simm.s32 $0x0  }
0x4: {  	s2 =	stileid.u32;
	s7 =	srdreg.scid;
	s20 =	simm.s32 $0x3  }
0x5: {  	s21 =	simm.s32 $0x1400;
	s22 =	simm.s32 $0x80;
	s23 =	simm.s32 $0x1  }
0x6: {  	s28 =	simm.s32 $0x100;
	s29 =	simm.s32 $0x2700;
	s30 =	simm.s32 $0x1380  }
0x7: {  	s31 =	simm.s32 $0x2780;
	[smem:$0x7FF] =	sst s3;
	s4 =	sadd.s32 $0xABC00, s0  }
0x8: {  	s8 =	smul.u32 $0x50000, s2;
	s5 =	sadd.s32 $0x33C00, s0;
	s9 =	sadd.s32 $0x2EC00, s0  }
0x9: {  	s19 =	sand.u32 $0x1, s7;
	s24 =	sadd.s32 $0x83C00, s0;
	s0 =	sadd.s32 $0xD3C00, s0  }
0xa: {  	_ =	strace $0x8000004A;
	[dreg:$0x4] =	wrdreg s24;
	s10 =	ssub.s32 $0x2, s19  }
0xb: {  	[dreg:$0x5] =	wrdreg s0;
	p0 =	sne.s32 s19, $0x0;
	s19 =	simm.s32 $0x2800  }
0xc: {  	s24 =	simm.s32 $0x6800;
	s0 =	simm.s32 $0x0;
	s25 =	sshrl.u32 s8, $0x2  }
0xd: {  	s11 =	sshrl.u32 s10, $0x1;
	s8 =	smul.u32 $0x2800, s2;
	s7 =	sadd.s32 s25, s1  }
.Ltmp0:
0xe: {  	s26 =	ssub.s32 s10, s11;
	s25 =	simm.s32 $0x1480;
	(pc) =	sbr.rel .LBB2_1-.Ltmp0, $4  }
0xf: {  	s10 =	sadd.s32 $0x4000, s7;
	s11 =	sadd.s32 $0x8000, s7;
	s12 =	sadd.s32 $0xC000, s7  }
0x10: {  	s15 =	sshrl.u32 s8, $0x3;
	s13 =	sadd.s32 $0x10000, s7;
	s18 =	smax.u32 s26, $0x1  }
0x11: {  	s26 =	simm.s32 $0x2;
	s14 =	sadd.s32 s6, s15;
	s17 =	sadd.s32 $0x280, s15  }
0x12: {  	v0 =	vimm.f32 $0.0e+00;
	s15 =	sadd.s32 s9, s15;
	s16 =	sadd.s32 s6, s17;
	s17 =	sadd.s32 s9, s17  }
.LBB2_13:
0x13: {  	[tilespmem:s19], [sflag:$0x1] =	stream.indirect.gather [hbm4b:s5+s22], $0x80, s9, s22, $0xb8;
	[tilespmem:$0x1E800] =	vst v63  }
0x14: {  	_ =	swait.ge [sflag:s23], $0x4000  }
0x15: {  	[sflag:s23] =	ssyncset.done $0x0  }
0x16: {  	[sflag:s23] =	ssyncadd.s32 $0xFFFFC000  }
0x17: {  	[spmem:s1] =	stream.indirect.scatter.add.f32 [tilespmem:s19], [sflag:$0x2], $0x80, s29, s22, $0xb8;
	[tilespmem:$0x1E800] =	vst v63  }
0x18: {  	_ =	swait.ge [sflag:s26], $0x4000  }
0x19: {  	[sflag:s26] =	ssyncset.done $0x0  }
0x1a: {  	[sflag:s26] =	ssyncadd.s32 $0xFFFFC000  }
0x1b: {  	[tilespmem:s24], [sflag:$0x1] =	stream.indirect.gather [hbm4b:s5+s22], $0x80, s30, s22, $0xb8;
	[tilespmem:$0x1E800] =	vst v63  }
0x1c: {  	_ =	swait.ge [sflag:s23], $0x4000  }
0x1d: {  	[sflag:s23] =	ssyncset.done $0x0  }
0x1e: {  	[sflag:s23] =	ssyncadd.s32 $0xFFFFC000  }
0x1f: {  	[spmem:s1] =	stream.indirect.scatter.add.f32 [tilespmem:s24], [sflag:$0x2], $0x80, s31, s22, $0xb8;
	[tilespmem:$0x1E800] =	vst v63  }
0x20: {  	_ =	swait.ge [sflag:s26], $0x4000  }
0x21: {  	[sflag:s26] =	ssyncset.done $0x0  }
0x22: {  	s6 =	rddreg [dreg:$0x5];
	[sflag:s26] =	ssyncadd.s32 $0xFFFFC000  }
0x23: {  	[tilespmem:s19], [sflag:$0x1] =	stream.indirect.gather [hbm4b:s5+s22], $0x80, s3, s22, $0xb8;
	[tilespmem:$0x1E800] =	vst v63  }
.LBB2_14:
0x24: {  	_ =	swait.ge [sflag:s23], $0x4000  }
0x25: {  	[sflag:s23] =	ssyncset.done $0x0  }
0x26: {  	[sflag:s23] =	ssyncadd.s32 $0xFFFFC000  }
0x27: {  	s2 =	sadd.s32 s6, s8;
	s9 =	stileid.u32;
	_ =	swait.ge [sflag:s26], $0x4000  }
0x28: {  	s0 =	sadd.s32 $0x1, s0;
	s6 =	sshll.u32 s9, $0x6;
	[sflag:s26] =	ssyncset.done $0x0  }
0x29: {  	s9 =	sshrl.u32 s7, $0x3;
	p1 =	sne.s32 s0, s18;
	[sflag:s26] =	ssyncadd.s32 $0xFFFFC000  }
.Ltmp1:
0x2a: {  	s6 =	sor.u32 $0x1C03, s6;
	[bflag:$0x0] =	sbarrier.arrive $0xFFFF;
	(pc) =	sbr.rel @!p1 .LBB2_15-.Ltmp1, $4  }
0x2b: {  	[hbm:s2], [sflag:s6] =	dma.local [spmem:s9], $0x2800  }
0x2c: {  	_ =	swait.ge [sflag:s20], $0x2800  }
0x2d: {  	[sflag:s20] =	ssyncset.done $0x0  }
0x2e: {  	[sflag:s20] =	ssyncadd.s32 $0xFFFFD800  }
.LBB2_1:
0x2f: {  	s6 =	simm.s32 $0x0;
	s9 =	simm.s32 $0x200  }
.LBB2_2:
0x30: {  	p1 =	sne.s32 s9, $0xFE00;
	[tilespmem:s6+$0x2870] =	vst v0  }
0x31: {  	[tilespmem:s6+$0x2800] =	vst v0  }
0x32: {  	[tilespmem:s6+$0x2810] =	vst v0  }
.Ltmp2:
0x33: {  	[tilespmem:s6+$0x2820] =	vst v0;
	(pc) =	sbr.rel @p1 .LBB2_2-.Ltmp2, $4  }
0x34: {  	[tilespmem:s6+$0x2830] =	vst v0  }
0x35: {  	[tilespmem:s6+$0x2840] =	vst v0  }
0x36: {  	[tilespmem:s6+$0x2850] =	vst v0  }
0x37: {  	[tilespmem:s6+$0x2860] =	vst v0;
	s6 =	sshra.s32 s9, $0x2;
	s9 =	sadd.s32 $0x200, s9  }
0x38: {  	[tilespmem:s6+$0x2870] =	vst v0  }
0x39: {  	[tilespmem:s6+$0x2800] =	vst v0  }
0x3a: {  	[tilespmem:s6+$0x2810] =	vst v0  }
0x3b: {  	[tilespmem:s6+$0x2820] =	vst v0  }
0x3c: {  	[tilespmem:s6+$0x2830] =	vst v0  }
0x3d: {  	[tilespmem:s6+$0x2840] =	vst v0  }
0x3e: {  	[tilespmem:s6+$0x2850] =	vst v0  }
0x3f: {  	[tilespmem:s6+$0x2860] =	vst v0  }
0x40: {  	[spmem:s7] =	stream.linear.scatter [tilespmem:s19], [sflag:$0x3], $0x4000, $0x38;
	[tilespmem:$0x1E800] =	vst v63  }
0x41: {  	_ =	swait.ge [sflag:s20], $0x4000  }
0x42: {  	[sflag:s20] =	ssyncset.done $0x0  }
0x43: {  	[sflag:s20] =	ssyncadd.s32 $0xFFFFC000  }
0x44: {  	[spmem:s10] =	stream.linear.scatter [tilespmem:s19], [sflag:$0x3], $0x4000, $0x38;
	[tilespmem:$0x1E800] =	vst v63  }
0x45: {  	_ =	swait.ge [sflag:s20], $0x4000  }
0x46: {  	[sflag:s20] =	ssyncset.done $0x0  }
0x47: {  	[sflag:s20] =	ssyncadd.s32 $0xFFFFC000  }
0x48: {  	[spmem:s11] =	stream.linear.scatter [tilespmem:s19], [sflag:$0x3], $0x4000, $0x38;
	[tilespmem:$0x1E800] =	vst v63  }
0x49: {  	_ =	swait.ge [sflag:s20], $0x4000  }
0x4a: {  	[sflag:s20] =	ssyncset.done $0x0  }
0x4b: {  	[sflag:s20] =	ssyncadd.s32 $0xFFFFC000  }
0x4c: {  	[spmem:s12] =	stream.linear.scatter [tilespmem:s19], [sflag:$0x3], $0x4000, $0x38;
	[tilespmem:$0x1E800] =	vst v63  }
0x4d: {  	_ =	swait.ge [sflag:s20], $0x4000  }
0x4e: {  	[sflag:s20] =	ssyncset.done $0x0  }
0x4f: {  	[sflag:s20] =	ssyncadd.s32 $0xFFFFC000  }
0x50: {  	[spmem:s13] =	stream.linear.scatter [tilespmem:s19], [sflag:$0x3], $0x4000, $0x38;
	[tilespmem:$0x1E800] =	vst v63  }
0x51: {  	_ =	swait.ge [sflag:s20], $0x4000  }
0x52: {  	[sflag:s20] =	ssyncset.done $0x0  }
0x53: {  	[sflag:s20] =	ssyncadd.s32 $0xFFFFC000  }
0x54: {  	[bflag:$0x0] =	sbarrier.arrive $0xFFFF  }
0x55: {  	[tilespmem:s3], [sflag:$0x3] =	stream.linear.gather [hbm4b:s14+s3], $0x1400, $0x38;
	[tilespmem:$0x1E800] =	vst v63  }
0x56: {  	_ =	swait.ge [sflag:s20], $0x1400  }
0x57: {  	[sflag:s20] =	ssyncset.done $0x0  }
.Ltmp3:
0x58: {  	[sflag:s20] =	ssyncadd.s32 $0xFFFFEC00;
	(pc) =	sbr.rel @p0 .LBB2_9-.Ltmp3, $4  }
0x59: {  	[tilespmem:s21], [sflag:$0x3] =	stream.linear.gather [hbm4b:s15+s3], $0x1400, $0x38;
	[tilespmem:$0x1E800] =	vst v63  }
0x5a: {  	_ =	swait.ge [sflag:s20], $0x1400  }
0x5b: {  	[sflag:s20] =	ssyncset.done $0x0  }
0x5c: {  	[sflag:s20] =	ssyncadd.s32 $0xFFFFEC00  }
0x5d: {  	[tilespmem:s19], [sflag:$0x1] =	stream.indirect.gather [hbm4b:s4+s22], $0x80, s3, s22, $0xb8;
	[tilespmem:$0x1E800] =	vst v63  }
0x5e: {  	_ =	swait.ge [sflag:s23], $0x4000  }
0x5f: {  	[sflag:s23] =	ssyncset.done $0x0  }
0x60: {  	[sflag:s23] =	ssyncadd.s32 $0xFFFFC000  }
0x61: {  	[spmem:s1] =	stream.indirect.scatter.add.f32 [tilespmem:s19], [sflag:$0x2], $0x80, s21, s22, $0xb8;
	[tilespmem:$0x1E800] =	vst v63  }
0x62: {  	_ = 	snop  }
0x63: {  	[tilespmem:s24], [sflag:$0x1] =	stream.indirect.gather [hbm4b:s4+s22], $0x80, s22, s22, $0xb8;
	[tilespmem:$0x1E800] =	vst v63  }
0x64: {  	_ =	swait.ge [sflag:s23], $0x4000  }
0x65: {  	[sflag:s23] =	ssyncset.done $0x0  }
0x66: {  	[sflag:s23] =	ssyncadd.s32 $0xFFFFC000  }
0x67: {  	[spmem:s1] =	stream.indirect.scatter.add.f32 [tilespmem:s24], [sflag:$0x2], $0x80, s25, s22, $0xb8;
	[tilespmem:$0x1E800] =	vst v63  }
0x68: {  	_ =	swait.ge [sflag:s26], $0x4000  }
0x69: {  	[sflag:s26] =	ssyncset.done $0x0  }
0x6a: {  	[sflag:s26] =	ssyncadd.s32 $0xFFFFC000  }
0x6b: {  	[tilespmem:s19], [sflag:$0x1] =	stream.indirect.gather [hbm4b:s4+s22], $0x80, s28, s22, $0xb8;
	[tilespmem:$0x1E800] =	vst v63  }
0x6c: {  	_ =	swait.ge [sflag:s23], $0x4000  }
0x6d: {  	[sflag:s23] =	ssyncset.done $0x0  }
0x6e: {  	s6 =	simm.s32 $0x1500;
	[sflag:s23] =	ssyncadd.s32 $0xFFFFC000  }
0x6f: {  	[spmem:s1] =	stream.indirect.scatter.add.f32 [tilespmem:s19], [sflag:$0x2], $0x80, s6, s22, $0xb8;
	[tilespmem:$0x1E800] =	vst v63  }
0x70: {  	_ =	swait.ge [sflag:s26], $0x4000  }
0x71: {  	[sflag:s26] =	ssyncset.done $0x0  }
0x72: {  	s2 =	simm.s32 $0x180;
	[sflag:s26] =	ssyncadd.s32 $0xFFFFC000  }
0x73: {  	[tilespmem:s24], [sflag:$0x1] =	stream.indirect.gather [hbm4b:s4+s22], $0x80, s2, s22, $0xb8;
	[tilespmem:$0x1E800] =	vst v63  }
0x74: {  	_ =	swait.ge [sflag:s23], $0x4000  }
0x75: {  	[sflag:s23] =	ssyncset.done $0x0  }
0x76: {  	s9 =	simm.s32 $0x1580;
	[sflag:s23] =	ssyncadd.s32 $0xFFFFC000  }
0x77: {  	[spmem:s1] =	stream.indirect.scatter.add.f32 [tilespmem:s24], [sflag:$0x2], $0x80, s9, s22, $0xb8;
	[tilespmem:$0x1E800] =	vst v63  }
0x78: {  	_ =	swait.ge [sflag:s26], $0x4000  }
0x79: {  	[sflag:s26] =	ssyncset.done $0x0  }
0x7a: {  	s6 =	simm.s32 $0xFFFFBC00;
	s9 =	simm.s32 $0x200;
	[sflag:s26] =	ssyncadd.s32 $0xFFFFC000  }
.LBB2_5:
0x7b: {  	[tilespmem:s19], [sflag:$0x1] =	stream.indirect.gather [hbm4b:s4+s22], $0x80, s9, s22, $0xb8;
	[tilespmem:$0x1E800] =	vst v63  }
0x7c: {  	s9 =	smov.u32 s6  }
0x7d: {  	p1 =	sne.s32 s6, $0xFFFFFC00;
	s6 =	sadd.s32 $0x400, s6;
	_ =	swait.ge [sflag:s23], $0x4000  }
0x7e: {  	s9 =	sshra.s32 s9, $0x2;
	[sflag:s23] =	ssyncset.done $0x0  }
0x7f: {  	s2 =	sadd.s32 $0x2700, s9;
	[sflag:s23] =	ssyncadd.s32 $0xFFFFC000  }
0x80: {  	[spmem:s1] =	stream.indirect.scatter.add.f32 [tilespmem:s19], [sflag:$0x2], $0x80, s2, s22, $0xb8;
	[tilespmem:$0x1E800] =	vst v63  }
0x81: {  	_ =	swait.ge [sflag:s26], $0x4000  }
0x82: {  	[sflag:s26] =	ssyncset.done $0x0  }
0x83: {  	s2 =	sadd.s32 $0x1380, s9;
	[sflag:s26] =	ssyncadd.s32 $0xFFFFC000  }
0x84: {  	[tilespmem:s24], [sflag:$0x1] =	stream.indirect.gather [hbm4b:s4+s22], $0x80, s2, s22, $0xb8;
	[tilespmem:$0x1E800] =	vst v63  }
0x85: {  	_ =	swait.ge [sflag:s23], $0x4000  }
0x86: {  	[sflag:s23] =	ssyncset.done $0x0  }
.Ltmp4:
0x87: {  	s2 =	sadd.s32 $0x2780, s9;
	[sflag:s23] =	ssyncadd.s32 $0xFFFFC000;
	(pc) =	sbr.rel @p1 .LBB2_5-.Ltmp4, $4  }
0x88: {  	[spmem:s1] =	stream.indirect.scatter.add.f32 [tilespmem:s24], [sflag:$0x2], $0x80, s2, s22, $0xb8;
	[tilespmem:$0x1E800] =	vst v63  }
0x89: {  	_ =	swait.ge [sflag:s26], $0x4000  }
0x8a: {  	[sflag:s26] =	ssyncset.done $0x0  }
0x8b: {  	s9 =	sadd.s32 $0x1400, s9;
	[sflag:s26] =	ssyncadd.s32 $0xFFFFC000  }
0x8c: {  	[tilespmem:s19], [sflag:$0x1] =	stream.indirect.gather [hbm4b:s4+s22], $0x80, s9, s22, $0xb8;
	[tilespmem:$0x1E800] =	vst v63  }
0x8d: {  	_ =	swait.ge [sflag:s23], $0x4000  }
0x8e: {  	[sflag:s23] =	ssyncset.done $0x0  }
0x8f: {  	[sflag:s23] =	ssyncadd.s32 $0xFFFFC000  }
0x90: {  	[spmem:s1] =	stream.indirect.scatter.add.f32 [tilespmem:s19], [sflag:$0x2], $0x80, s29, s22, $0xb8;
	[tilespmem:$0x1E800] =	vst v63  }
0x91: {  	_ =	swait.ge [sflag:s26], $0x4000  }
0x92: {  	[sflag:s26] =	ssyncset.done $0x0  }
0x93: {  	[sflag:s26] =	ssyncadd.s32 $0xFFFFC000  }
0x94: {  	[tilespmem:s24], [sflag:$0x1] =	stream.indirect.gather [hbm4b:s4+s22], $0x80, s30, s22, $0xb8;
	[tilespmem:$0x1E800] =	vst v63  }
0x95: {  	_ =	swait.ge [sflag:s23], $0x4000  }
0x96: {  	[sflag:s23] =	ssyncset.done $0x0  }
0x97: {  	[sflag:s23] =	ssyncadd.s32 $0xFFFFC000  }
0x98: {  	[spmem:s1] =	stream.indirect.scatter.add.f32 [tilespmem:s24], [sflag:$0x2], $0x80, s31, s22, $0xb8;
	[tilespmem:$0x1E800] =	vst v63  }
0x99: {  	_ =	swait.ge [sflag:s26], $0x4000  }
0x9a: {  	[sflag:s26] =	ssyncset.done $0x0  }
0x9b: {  	[sflag:s26] =	ssyncadd.s32 $0xFFFFC000  }
0x9c: {  	[tilespmem:s19], [sflag:$0x1] =	stream.indirect.gather [hbm4b:s4+s22], $0x80, s3, s22, $0xb8;
	[tilespmem:$0x1E800] =	vst v63  }
0x9d: {  	_ =	swait.ge [sflag:s23], $0x4000  }
0x9e: {  	[sflag:s23] =	ssyncset.done $0x0  }
0x9f: {  	[sflag:s23] =	ssyncadd.s32 $0xFFFFC000  }
0xa0: {  	_ =	swait.ge [sflag:s26], $0x4000  }
0xa1: {  	[sflag:s26] =	ssyncset.done $0x0  }
0xa2: {  	[sflag:s26] =	ssyncadd.s32 $0xFFFFC000  }
0xa3: {  	[tilespmem:s3], [sflag:$0x3] =	stream.linear.gather [hbm4b:s16+s3], $0x1400, $0x38;
	[tilespmem:$0x1E800] =	vst v63  }
0xa4: {  	_ =	swait.ge [sflag:s20], $0x1400  }
0xa5: {  	[sflag:s20] =	ssyncset.done $0x0  }
0xa6: {  	[sflag:s20] =	ssyncadd.s32 $0xFFFFEC00  }
0xa7: {  	[tilespmem:s21], [sflag:$0x3] =	stream.linear.gather [hbm4b:s17+s3], $0x1400, $0x38;
	[tilespmem:$0x1E800] =	vst v63  }
0xa8: {  	_ =	swait.ge [sflag:s20], $0x1400  }
0xa9: {  	[sflag:s20] =	ssyncset.done $0x0  }
0xaa: {  	[sflag:s20] =	ssyncadd.s32 $0xFFFFEC00  }
0xab: {  	[tilespmem:s19], [sflag:$0x1] =	stream.indirect.gather [hbm4b:s4+s22], $0x80, s3, s22, $0xb8;
	[tilespmem:$0x1E800] =	vst v63  }
0xac: {  	_ =	swait.ge [sflag:s23], $0x4000  }
0xad: {  	[sflag:s23] =	ssyncset.done $0x0  }
0xae: {  	[sflag:s23] =	ssyncadd.s32 $0xFFFFC000  }
0xaf: {  	[spmem:s1] =	stream.indirect.scatter.add.f32 [tilespmem:s19], [sflag:$0x2], $0x80, s21, s22, $0xb8;
	[tilespmem:$0x1E800] =	vst v63  }
0xb0: {  	_ = 	snop  }
0xb1: {  	[tilespmem:s24], [sflag:$0x1] =	stream.indirect.gather [hbm4b:s4+s22], $0x80, s22, s22, $0xb8;
	[tilespmem:$0x1E800] =	vst v63  }
0xb2: {  	_ =	swait.ge [sflag:s23], $0x4000  }
0xb3: {  	[sflag:s23] =	ssyncset.done $0x0  }
0xb4: {  	[sflag:s23] =	ssyncadd.s32 $0xFFFFC000  }
0xb5: {  	[spmem:s1] =	stream.indirect.scatter.add.f32 [tilespmem:s24], [sflag:$0x2], $0x80, s25, s22, $0xb8;
	[tilespmem:$0x1E800] =	vst v63  }
0xb6: {  	_ =	swait.ge [sflag:s26], $0x4000  }
0xb7: {  	[sflag:s26] =	ssyncset.done $0x0  }
0xb8: {  	[sflag:s26] =	ssyncadd.s32 $0xFFFFC000  }
0xb9: {  	[tilespmem:s19], [sflag:$0x1] =	stream.indirect.gather [hbm4b:s4+s22], $0x80, s28, s22, $0xb8;
	[tilespmem:$0x1E800] =	vst v63  }
0xba: {  	_ =	swait.ge [sflag:s23], $0x4000  }
0xbb: {  	[sflag:s23] =	ssyncset.done $0x0  }
0xbc: {  	s2 =	simm.s32 $0x1500;
	[sflag:s23] =	ssyncadd.s32 $0xFFFFC000  }
0xbd: {  	[spmem:s1] =	stream.indirect.scatter.add.f32 [tilespmem:s19], [sflag:$0x2], $0x80, s2, s22, $0xb8;
	[tilespmem:$0x1E800] =	vst v63  }
0xbe: {  	_ =	swait.ge [sflag:s26], $0x4000  }
0xbf: {  	[sflag:s26] =	ssyncset.done $0x0  }
0xc0: {  	s6 =	simm.s32 $0x180;
	[sflag:s26] =	ssyncadd.s32 $0xFFFFC000  }
0xc1: {  	[tilespmem:s24], [sflag:$0x1] =	stream.indirect.gather [hbm4b:s4+s22], $0x80, s6, s22, $0xb8;
	[tilespmem:$0x1E800] =	vst v63  }
0xc2: {  	_ =	swait.ge [sflag:s23], $0x4000  }
0xc3: {  	[sflag:s23] =	ssyncset.done $0x0  }
0xc4: {  	s9 =	simm.s32 $0x1580;
	[sflag:s23] =	ssyncadd.s32 $0xFFFFC000  }
0xc5: {  	[spmem:s1] =	stream.indirect.scatter.add.f32 [tilespmem:s24], [sflag:$0x2], $0x80, s9, s22, $0xb8;
	[tilespmem:$0x1E800] =	vst v63  }
0xc6: {  	_ =	swait.ge [sflag:s26], $0x4000  }
0xc7: {  	[sflag:s26] =	ssyncset.done $0x0  }
0xc8: {  	s6 =	simm.s32 $0xFFFFBC00;
	s9 =	simm.s32 $0x200;
	[sflag:s26] =	ssyncadd.s32 $0xFFFFC000  }
.LBB2_7:
0xc9: {  	[tilespmem:s19], [sflag:$0x1] =	stream.indirect.gather [hbm4b:s4+s22], $0x80, s9, s22, $0xb8;
	[tilespmem:$0x1E800] =	vst v63  }
0xca: {  	s2 =	smov.u32 s6  }
0xcb: {  	p1 =	seq.s32 s6, $0xFFFFFC00;
	s6 =	sadd.s32 $0x400, s6;
	_ =	swait.ge [sflag:s23], $0x4000  }
0xcc: {  	s2 =	sshra.s32 s2, $0x2;
	[sflag:s23] =	ssyncset.done $0x0  }
0xcd: {  	s9 =	sadd.s32 $0x2700, s2;
	[sflag:s23] =	ssyncadd.s32 $0xFFFFC000  }
0xce: {  	[spmem:s1] =	stream.indirect.scatter.add.f32 [tilespmem:s19], [sflag:$0x2], $0x80, s9, s22, $0xb8;
	[tilespmem:$0x1E800] =	vst v63  }
0xcf: {  	_ =	swait.ge [sflag:s26], $0x4000  }
0xd0: {  	[sflag:s26] =	ssyncset.done $0x0  }
0xd1: {  	s9 =	sadd.s32 $0x1380, s2;
	[sflag:s26] =	ssyncadd.s32 $0xFFFFC000  }
0xd2: {  	[tilespmem:s24], [sflag:$0x1] =	stream.indirect.gather [hbm4b:s4+s22], $0x80, s9, s22, $0xb8;
	[tilespmem:$0x1E800] =	vst v63  }
0xd3: {  	_ =	swait.ge [sflag:s23], $0x4000  }
0xd4: {  	[sflag:s23] =	ssyncset.done $0x0  }
.Ltmp5:
0xd5: {  	s9 =	sadd.s32 $0x2780, s2;
	[sflag:s23] =	ssyncadd.s32 $0xFFFFC000;
	(pc) =	sbr.rel @!p1 .LBB2_7-.Ltmp5, $4  }
0xd6: {  	[spmem:s1] =	stream.indirect.scatter.add.f32 [tilespmem:s24], [sflag:$0x2], $0x80, s9, s22, $0xb8;
	[tilespmem:$0x1E800] =	vst v63  }
0xd7: {  	_ =	swait.ge [sflag:s26], $0x4000  }
0xd8: {  	[sflag:s26] =	ssyncset.done $0x0  }
0xd9: {  	s9 =	sadd.s32 $0x1400, s2;
	[sflag:s26] =	ssyncadd.s32 $0xFFFFC000  }
0xda: {  	[tilespmem:s19], [sflag:$0x1] =	stream.indirect.gather [hbm4b:s4+s22], $0x80, s9, s22, $0xb8;
	[tilespmem:$0x1E800] =	vst v63  }
0xdb: {  	_ =	swait.ge [sflag:s23], $0x4000  }
0xdc: {  	[sflag:s23] =	ssyncset.done $0x0  }
0xdd: {  	[sflag:s23] =	ssyncadd.s32 $0xFFFFC000  }
0xde: {  	[spmem:s1] =	stream.indirect.scatter.add.f32 [tilespmem:s19], [sflag:$0x2], $0x80, s29, s22, $0xb8;
	[tilespmem:$0x1E800] =	vst v63  }
0xdf: {  	_ =	swait.ge [sflag:s26], $0x4000  }
0xe0: {  	[sflag:s26] =	ssyncset.done $0x0  }
0xe1: {  	[sflag:s26] =	ssyncadd.s32 $0xFFFFC000  }
0xe2: {  	[tilespmem:s24], [sflag:$0x1] =	stream.indirect.gather [hbm4b:s4+s22], $0x80, s30, s22, $0xb8;
	[tilespmem:$0x1E800] =	vst v63  }
0xe3: {  	_ =	swait.ge [sflag:s23], $0x4000  }
0xe4: {  	[sflag:s23] =	ssyncset.done $0x0  }
0xe5: {  	[sflag:s23] =	ssyncadd.s32 $0xFFFFC000  }
0xe6: {  	[spmem:s1] =	stream.indirect.scatter.add.f32 [tilespmem:s24], [sflag:$0x2], $0x80, s31, s22, $0xb8;
	[tilespmem:$0x1E800] =	vst v63  }
.Ltmp6:
0xe7: {  	_ = 	snop;
	(pc) =	sbr.rel .LBB2_14-.Ltmp6, $4  }
0xe8: {  	_ =	swait.ge [sflag:s26], $0x4000  }
0xe9: {  	[sflag:s26] =	ssyncset.done $0x0  }
0xea: {  	s6 =	rddreg [dreg:$0x4];
	[sflag:s26] =	ssyncadd.s32 $0xFFFFC000  }
0xeb: {  	[tilespmem:s19], [sflag:$0x1] =	stream.indirect.gather [hbm4b:s4+s22], $0x80, s3, s22, $0xb8;
	[tilespmem:$0x1E800] =	vst v63  }
.LBB2_9:
0xec: {  	[tilespmem:s19], [sflag:$0x1] =	stream.indirect.gather [hbm4b:s5+s22], $0x80, s3, s22, $0xb8;
	[tilespmem:$0x1E800] =	vst v63  }
0xed: {  	_ =	swait.ge [sflag:s23], $0x4000  }
0xee: {  	[sflag:s23] =	ssyncset.done $0x0  }
0xef: {  	[sflag:s23] =	ssyncadd.s32 $0xFFFFC000  }
0xf0: {  	[spmem:s1] =	stream.indirect.scatter.add.f32 [tilespmem:s19], [sflag:$0x2], $0x80, s21, s22, $0xb8;
	[tilespmem:$0x1E800] =	vst v63  }
0xf1: {  	_ = 	snop  }
0xf2: {  	[tilespmem:s24], [sflag:$0x1] =	stream.indirect.gather [hbm4b:s5+s22], $0x80, s22, s22, $0xb8;
	[tilespmem:$0x1E800] =	vst v63  }
0xf3: {  	_ =	swait.ge [sflag:s23], $0x4000  }
0xf4: {  	[sflag:s23] =	ssyncset.done $0x0  }
0xf5: {  	[sflag:s23] =	ssyncadd.s32 $0xFFFFC000  }
0xf6: {  	[spmem:s1] =	stream.indirect.scatter.add.f32 [tilespmem:s24], [sflag:$0x2], $0x80, s25, s22, $0xb8;
	[tilespmem:$0x1E800] =	vst v63  }
0xf7: {  	_ =	swait.ge [sflag:s26], $0x4000  }
0xf8: {  	[sflag:s26] =	ssyncset.done $0x0  }
0xf9: {  	[sflag:s26] =	ssyncadd.s32 $0xFFFFC000  }
0xfa: {  	[tilespmem:s19], [sflag:$0x1] =	stream.indirect.gather [hbm4b:s5+s22], $0x80, s28, s22, $0xb8;
	[tilespmem:$0x1E800] =	vst v63  }
0xfb: {  	_ =	swait.ge [sflag:s23], $0x4000  }
0xfc: {  	[sflag:s23] =	ssyncset.done $0x0  }
0xfd: {  	s2 =	simm.s32 $0x1500;
	[sflag:s23] =	ssyncadd.s32 $0xFFFFC000  }
0xfe: {  	[spmem:s1] =	stream.indirect.scatter.add.f32 [tilespmem:s19], [sflag:$0x2], $0x80, s2, s22, $0xb8;
	[tilespmem:$0x1E800] =	vst v63  }
0xff: {  	_ =	swait.ge [sflag:s26], $0x4000  }
0x100: {  	[sflag:s26] =	ssyncset.done $0x0  }
0x101: {  	s6 =	simm.s32 $0x180;
	[sflag:s26] =	ssyncadd.s32 $0xFFFFC000  }
0x102: {  	[tilespmem:s24], [sflag:$0x1] =	stream.indirect.gather [hbm4b:s5+s22], $0x80, s6, s22, $0xb8;
	[tilespmem:$0x1E800] =	vst v63  }
0x103: {  	_ =	swait.ge [sflag:s23], $0x4000  }
0x104: {  	[sflag:s23] =	ssyncset.done $0x0  }
0x105: {  	s9 =	simm.s32 $0x1580;
	[sflag:s23] =	ssyncadd.s32 $0xFFFFC000  }
0x106: {  	[spmem:s1] =	stream.indirect.scatter.add.f32 [tilespmem:s24], [sflag:$0x2], $0x80, s9, s22, $0xb8;
	[tilespmem:$0x1E800] =	vst v63  }
0x107: {  	_ =	swait.ge [sflag:s26], $0x4000  }
0x108: {  	[sflag:s26] =	ssyncset.done $0x0  }
0x109: {  	s6 =	simm.s32 $0xFFFFBC00;
	s9 =	simm.s32 $0x200;
	[sflag:s26] =	ssyncadd.s32 $0xFFFFC000  }
.LBB2_10:
0x10a: {  	[tilespmem:s19], [sflag:$0x1] =	stream.indirect.gather [hbm4b:s5+s22], $0x80, s9, s22, $0xb8;
	[tilespmem:$0x1E800] =	vst v63  }
0x10b: {  	s2 =	smov.u32 s6  }
0x10c: {  	p1 =	sne.s32 s6, $0xFFFFFC00;
	s6 =	sadd.s32 $0x400, s6;
	_ =	swait.ge [sflag:s23], $0x4000  }
0x10d: {  	s2 =	sshra.s32 s2, $0x2;
	[sflag:s23] =	ssyncset.done $0x0  }
0x10e: {  	s9 =	sadd.s32 $0x2700, s2;
	[sflag:s23] =	ssyncadd.s32 $0xFFFFC000  }
0x10f: {  	[spmem:s1] =	stream.indirect.scatter.add.f32 [tilespmem:s19], [sflag:$0x2], $0x80, s9, s22, $0xb8;
	[tilespmem:$0x1E800] =	vst v63  }
0x110: {  	_ =	swait.ge [sflag:s26], $0x4000  }
0x111: {  	[sflag:s26] =	ssyncset.done $0x0  }
0x112: {  	s9 =	sadd.s32 $0x1380, s2;
	[sflag:s26] =	ssyncadd.s32 $0xFFFFC000  }
0x113: {  	[tilespmem:s24], [sflag:$0x1] =	stream.indirect.gather [hbm4b:s5+s22], $0x80, s9, s22, $0xb8;
	[tilespmem:$0x1E800] =	vst v63  }
0x114: {  	_ =	swait.ge [sflag:s23], $0x4000  }
0x115: {  	[sflag:s23] =	ssyncset.done $0x0  }
.Ltmp7:
0x116: {  	s9 =	sadd.s32 $0x2780, s2;
	[sflag:s23] =	ssyncadd.s32 $0xFFFFC000;
	(pc) =	sbr.rel @p1 .LBB2_10-.Ltmp7, $4  }
0x117: {  	[spmem:s1] =	stream.indirect.scatter.add.f32 [tilespmem:s24], [sflag:$0x2], $0x80, s9, s22, $0xb8;
	[tilespmem:$0x1E800] =	vst v63  }
0x118: {  	_ =	swait.ge [sflag:s26], $0x4000  }
0x119: {  	[sflag:s26] =	ssyncset.done $0x0  }
0x11a: {  	s9 =	sadd.s32 $0x1400, s2;
	[sflag:s26] =	ssyncadd.s32 $0xFFFFC000  }
0x11b: {  	[tilespmem:s19], [sflag:$0x1] =	stream.indirect.gather [hbm4b:s5+s22], $0x80, s9, s22, $0xb8;
	[tilespmem:$0x1E800] =	vst v63  }
0x11c: {  	_ =	swait.ge [sflag:s23], $0x4000  }
0x11d: {  	[sflag:s23] =	ssyncset.done $0x0  }
0x11e: {  	[sflag:s23] =	ssyncadd.s32 $0xFFFFC000  }
0x11f: {  	[spmem:s1] =	stream.indirect.scatter.add.f32 [tilespmem:s19], [sflag:$0x2], $0x80, s29, s22, $0xb8;
	[tilespmem:$0x1E800] =	vst v63  }
0x120: {  	_ =	swait.ge [sflag:s26], $0x4000  }
0x121: {  	[sflag:s26] =	ssyncset.done $0x0  }
0x122: {  	[sflag:s26] =	ssyncadd.s32 $0xFFFFC000  }
0x123: {  	[tilespmem:s24], [sflag:$0x1] =	stream.indirect.gather [hbm4b:s5+s22], $0x80, s30, s22, $0xb8;
	[tilespmem:$0x1E800] =	vst v63  }
0x124: {  	_ =	swait.ge [sflag:s23], $0x4000  }
0x125: {  	[sflag:s23] =	ssyncset.done $0x0  }
0x126: {  	[sflag:s23] =	ssyncadd.s32 $0xFFFFC000  }
0x127: {  	[spmem:s1] =	stream.indirect.scatter.add.f32 [tilespmem:s24], [sflag:$0x2], $0x80, s31, s22, $0xb8;
	[tilespmem:$0x1E800] =	vst v63  }
0x128: {  	_ =	swait.ge [sflag:s26], $0x4000  }
0x129: {  	[sflag:s26] =	ssyncset.done $0x0  }
0x12a: {  	[sflag:s26] =	ssyncadd.s32 $0xFFFFC000  }
0x12b: {  	[tilespmem:s19], [sflag:$0x1] =	stream.indirect.gather [hbm4b:s5+s22], $0x80, s3, s22, $0xb8;
	[tilespmem:$0x1E800] =	vst v63  }
0x12c: {  	_ =	swait.ge [sflag:s23], $0x4000  }
0x12d: {  	[sflag:s23] =	ssyncset.done $0x0  }
0x12e: {  	[sflag:s23] =	ssyncadd.s32 $0xFFFFC000  }
0x12f: {  	_ =	swait.ge [sflag:s26], $0x4000  }
0x130: {  	[sflag:s26] =	ssyncset.done $0x0  }
0x131: {  	[sflag:s26] =	ssyncadd.s32 $0xFFFFC000  }
0x132: {  	[tilespmem:s3], [sflag:$0x3] =	stream.linear.gather [hbm4b:s16+s3], $0x1400, $0x38;
	[tilespmem:$0x1E800] =	vst v63  }
0x133: {  	_ =	swait.ge [sflag:s20], $0x1400  }
0x134: {  	[sflag:s20] =	ssyncset.done $0x0  }
0x135: {  	[sflag:s20] =	ssyncadd.s32 $0xFFFFEC00  }
0x136: {  	[tilespmem:s21], [sflag:$0x3] =	stream.linear.gather [hbm4b:s17+s3], $0x1400, $0x38;
	[tilespmem:$0x1E800] =	vst v63  }
0x137: {  	_ =	swait.ge [sflag:s20], $0x1400  }
0x138: {  	[sflag:s20] =	ssyncset.done $0x0  }
0x139: {  	[sflag:s20] =	ssyncadd.s32 $0xFFFFEC00  }
0x13a: {  	[tilespmem:s19], [sflag:$0x1] =	stream.indirect.gather [hbm4b:s5+s22], $0x80, s3, s22, $0xb8;
	[tilespmem:$0x1E800] =	vst v63  }
0x13b: {  	_ =	swait.ge [sflag:s23], $0x4000  }
0x13c: {  	[sflag:s23] =	ssyncset.done $0x0  }
0x13d: {  	[sflag:s23] =	ssyncadd.s32 $0xFFFFC000  }
0x13e: {  	[spmem:s1] =	stream.indirect.scatter.add.f32 [tilespmem:s19], [sflag:$0x2], $0x80, s21, s22, $0xb8;
	[tilespmem:$0x1E800] =	vst v63  }
0x13f: {  	_ = 	snop  }
0x140: {  	[tilespmem:s24], [sflag:$0x1] =	stream.indirect.gather [hbm4b:s5+s22], $0x80, s22, s22, $0xb8;
	[tilespmem:$0x1E800] =	vst v63  }
0x141: {  	_ =	swait.ge [sflag:s23], $0x4000  }
0x142: {  	[sflag:s23] =	ssyncset.done $0x0  }
0x143: {  	[sflag:s23] =	ssyncadd.s32 $0xFFFFC000  }
0x144: {  	[spmem:s1] =	stream.indirect.scatter.add.f32 [tilespmem:s24], [sflag:$0x2], $0x80, s25, s22, $0xb8;
	[tilespmem:$0x1E800] =	vst v63  }
0x145: {  	_ =	swait.ge [sflag:s26], $0x4000  }
0x146: {  	[sflag:s26] =	ssyncset.done $0x0  }
0x147: {  	[sflag:s26] =	ssyncadd.s32 $0xFFFFC000  }
0x148: {  	[tilespmem:s19], [sflag:$0x1] =	stream.indirect.gather [hbm4b:s5+s22], $0x80, s28, s22, $0xb8;
	[tilespmem:$0x1E800] =	vst v63  }
0x149: {  	_ =	swait.ge [sflag:s23], $0x4000  }
0x14a: {  	[sflag:s23] =	ssyncset.done $0x0  }
0x14b: {  	s2 =	simm.s32 $0x1500;
	[sflag:s23] =	ssyncadd.s32 $0xFFFFC000  }
0x14c: {  	[spmem:s1] =	stream.indirect.scatter.add.f32 [tilespmem:s19], [sflag:$0x2], $0x80, s2, s22, $0xb8;
	[tilespmem:$0x1E800] =	vst v63  }
0x14d: {  	_ =	swait.ge [sflag:s26], $0x4000  }
0x14e: {  	[sflag:s26] =	ssyncset.done $0x0  }
0x14f: {  	s6 =	simm.s32 $0x180;
	[sflag:s26] =	ssyncadd.s32 $0xFFFFC000  }
0x150: {  	[tilespmem:s24], [sflag:$0x1] =	stream.indirect.gather [hbm4b:s5+s22], $0x80, s6, s22, $0xb8;
	[tilespmem:$0x1E800] =	vst v63  }
0x151: {  	_ =	swait.ge [sflag:s23], $0x4000  }
0x152: {  	[sflag:s23] =	ssyncset.done $0x0  }
0x153: {  	s9 =	simm.s32 $0x1580;
	[sflag:s23] =	ssyncadd.s32 $0xFFFFC000  }
0x154: {  	[spmem:s1] =	stream.indirect.scatter.add.f32 [tilespmem:s24], [sflag:$0x2], $0x80, s9, s22, $0xb8;
	[tilespmem:$0x1E800] =	vst v63  }
0x155: {  	_ =	swait.ge [sflag:s26], $0x4000  }
0x156: {  	[sflag:s26] =	ssyncset.done $0x0  }
0x157: {  	s6 =	simm.s32 $0xFFFFBC00;
	s9 =	simm.s32 $0x200;
	[sflag:s26] =	ssyncadd.s32 $0xFFFFC000  }
.LBB2_12:
0x158: {  	[tilespmem:s19], [sflag:$0x1] =	stream.indirect.gather [hbm4b:s5+s22], $0x80, s9, s22, $0xb8;
	[tilespmem:$0x1E800] =	vst v63  }
0x159: {  	s2 =	smov.u32 s6  }
0x15a: {  	p1 =	seq.s32 s6, $0xFFFFFC00;
	s6 =	sadd.s32 $0x400, s6;
	_ =	swait.ge [sflag:s23], $0x4000  }
0x15b: {  	s2 =	sshra.s32 s2, $0x2;
	[sflag:s23] =	ssyncset.done $0x0  }
0x15c: {  	s9 =	sadd.s32 $0x2700, s2;
	[sflag:s23] =	ssyncadd.s32 $0xFFFFC000  }
0x15d: {  	[spmem:s1] =	stream.indirect.scatter.add.f32 [tilespmem:s19], [sflag:$0x2], $0x80, s9, s22, $0xb8;
	[tilespmem:$0x1E800] =	vst v63  }
0x15e: {  	_ =	swait.ge [sflag:s26], $0x4000  }
0x15f: {  	[sflag:s26] =	ssyncset.done $0x0  }
0x160: {  	s9 =	sadd.s32 $0x1380, s2;
	[sflag:s26] =	ssyncadd.s32 $0xFFFFC000  }
0x161: {  	[tilespmem:s24], [sflag:$0x1] =	stream.indirect.gather [hbm4b:s5+s22], $0x80, s9, s22, $0xb8;
	[tilespmem:$0x1E800] =	vst v63  }
0x162: {  	_ =	swait.ge [sflag:s23], $0x4000  }
0x163: {  	[sflag:s23] =	ssyncset.done $0x0  }
.Ltmp8:
0x164: {  	s9 =	sadd.s32 $0x2780, s2;
	[sflag:s23] =	ssyncadd.s32 $0xFFFFC000;
	(pc) =	sbr.rel @!p1 .LBB2_12-.Ltmp8, $4  }
0x165: {  	[spmem:s1] =	stream.indirect.scatter.add.f32 [tilespmem:s24], [sflag:$0x2], $0x80, s9, s22, $0xb8;
	[tilespmem:$0x1E800] =	vst v63  }
0x166: {  	_ =	swait.ge [sflag:s26], $0x4000  }
0x167: {  	[sflag:s26] =	ssyncset.done $0x0  }
0x168: {  	s9 =	sadd.s32 $0x1400, s2;
	[sflag:s26] =	ssyncadd.s32 $0xFFFFC000  }
.Ltmp9:
0x169: {  	_ = 	snop;
	(pc) =	sbr.rel .LBB2_13-.Ltmp9, $1  }
0x16a: {  	_ =	sdelay $0x3  }
.LBB2_15:
0x16b: {  	_ =	sfence.sel $0x180000  }
0x16c: {  	[bflag:$0x0] =	sbarrier.arrive $0xFFFF  }
0x16d: {  	_ =	strace $0x9000004A  }
0x16e: {  	s0 =	stileid.u32;
	[bflag:$0x2] =	sbarrier.arrive $0xFFFF  }
0x16f: {  	p0 =	sne.s32 s0, $0x0;
	s0 =	rddreg [dreg:$0x3]  }
0x170: {  	s0 =	sadd.s32 @!p0 $0x100000, s0  }
0x171: {  	[sflag:s0] =	ssyncadd.tile.s32 @!p0 $0x1;
	_ =	shalt  }
.Lfunc_end2:
_tile_overlayer_lowered:
.L_overlay_start_2:
0x172: {  	(tag) =	ssettag $0x2  }
0x173: {  	s0 =	rddreg [dreg:$0x0];
	s2 =	stileid.u32  }
0x174: {  	s1 =	rddreg [dreg:$0x1];
	p0 =	sne.s32 s2, $0x0  }
0x175: {  	s3 =	rddreg [dreg:$0x2];
	[bflag:$0x3] =	sbarrier.arrive $0xFFFF;
	s2 =	simm.s32 @!p0 $0x1C03  }
0x176: {  	[timem:s3], [sflag:s2] =	dma.local @!p0 [hbm:s0], s1  }
0x177: {  	s0 =	simm.s32 @!p0 $0x3  }
0x178: {  	_ =	swait.ge @!p0 [sflag:s0], s1  }
0x179: {  	s1 =	ssub.s32 @!p0 $0x0, s1;
	[sflag:s0] =	ssyncset.done @!p0 $0x0  }
0x17a: {  	[sflag:s0] =	ssyncadd.s32 @!p0 s1  }
0x17b: {  	[bflag:$0x3] =	sbarrier.arrive $0xFFFF  }
0x17c: {  	_ =	shalt  }

// kernel: kernel.17.cloned.1.call-start
scs
__scs_entry_jumppad:
0x0: {  	(pc) =	sbr.rel $0x88, $3  }
0x1: {  	(tag) =	ssettag $0x0;
	lr =	simm.s32 $0x1  }
0x2: {  	[smem:$0x3F87] =	sst lr;
	_ =	strace $0xD0000000  }
0x3: {  	_ = 	snop  }
0x4: {  	_ = 	snop  }
0x5: {  	_ = 	snop  }
0x6: {  	_ = 	snop  }
0x7: {  	_ = 	snop  }
__scs_overlays_trampoline_lowered:
0x8: {  	[smem:$0x3F96] =	sst s0  }
0x9: {  	[smem:$0x3F97] =	sst s1  }
0xa: {  	[smem:$0x3F98] =	sst s2  }
0xb: {  	[smem:$0x3F99] =	sst s3  }
0xc: {  	[smem:$0x3F9A] =	sst s4  }
0xd: {  	[smem:$0x3F9B] =	sst s5  }
0xe: {  	[smem:$0x3F9C] =	sst s6  }
0xf: {  	[smem:$0x3F9D] =	sst s7  }
0x10: {  	[smem:$0x3F9E] =	sst s8  }
0x11: {  	[smem:$0x3F9F] =	sst s9;
	s0 =	simm.s32 @!p0 $0x0  }
0x12: {  	s1 =	sld [smem:$0x3F85];
	s0 =	simm.s32 @p0 $0x1  }
0x13: {  	[smem:$0x3FA0] =	sst s0;
	s0 =	simm.s32 @!p1 $0x0  }
0x14: {  	s2 =	sld [smem:$0x3F84];
	s0 =	simm.s32 @p1 $0x1  }
0x15: {  	[smem:$0x3FA1] =	sst s0;
	s0 =	simm.s32 @!p2 $0x0  }
0x16: {  	s3 =	sld [smem:$0x3FDB];
	s0 =	simm.s32 @p2 $0x1  }
0x17: {  	s4 =	simm.s32 $0x1BF5;
	[smem:$0x3FA3] =	sst s0  }
0x18: {  	s0 =	sld [smem:$0x3F86];
	_ =	swait.ge [sflag:s4], $0x0  }
0x19: {  	s7 =	sld [smem:$0x3F87]  }
0x1a: {  	s8 =	sadd.s32 $0xFFFFE003, lr  }
0x1b: {  	s9 =	sadd.s32 $0xFFFFFEF7, lr;
	s5 =	simm.s32 $0xFFFFFFFF;
	p2 =	slt.u32 s8, $0xFFFFF086  }
0x1c: {  	p1 =	slt.u32 s9, $0xF7A;
	s5 =	simm.s32 @!p2 $0x0  }
0x1d: {  	s5 =	simm.s32 @p1 $0x1;
	p0 =	seq.s32 s7, s2  }
0x1e: {  	s7 =	smul.u32 @!p0 $0xF7A, s2;
	p2 =	seq.s32 @!p0 s5, $0x0  }
0x1f: {  	s9 =	smul.u32 $0xF7A, s1;
	s8 =	simm.s32 @!p0 $0x1BF5;
	p2 =	por !p2, p0  }
0x20: {  	[sflag:s8] =	ssyncset.s32 @!p0 $0xFFFFF086;
	s6 =	sadd.s32 @!p0 s3, s7;
	s7 =	simm.s32 @!p0 $0x108  }
0x21: {  	s3 =	sadd.s32 s3, s9;
	s6 =	sadd.s32 @!p0 $0x88, s6;
	s7 =	simm.s32 @p2 $0x1082  }
0x22: {  	[simem:s7], [sflag:s8] =	dma.local @!p0 [hbm:s6], $0xF7A  }
0x23: {  	s9 =	sor.u32 $0xD0000000, s2;
	s6 =	simm.s32 $0x108;
	_ =	swait.ge @!p0 [sflag:s8], $0x0  }
0x24: {  	s3 =	sadd.s32 $0x88, s3;
	s6 =	simm.s32 @!p1 $0x1082;
	[sflag:s4] =	ssyncset.s32 $0xFFFFF086  }
0x25: {  	[simem:s6], [sflag:s4] =	dma.local [hbm:s3], $0xF7A  }
0x26: {  	[smem:$0x3F87] =	sst s1;
	(tag) =	ssettag s2;
	_ =	strace s9  }
0x27: {  	s1 =	sld [smem:$0x3F97]  }
0x28: {  	s2 =	sld [smem:$0x3F98]  }
0x29: {  	s4 =	sld [smem:$0x3F9A]  }
0x2a: {  	p0 =	seq.s32 s5, $0x0;
	s5 =	sld [smem:$0x3F9B]  }
0x2b: {  	s6 =	sld [smem:$0x3F9C]  }
0x2c: {  	s7 =	sld [smem:$0x3F9D]  }
0x2d: {  	s3 =	simm.s32 $0x108;
	s8 =	sld [smem:$0x3F9E]  }
0x2e: {  	s3 =	simm.s32 @!p0 $0x1082;
	s9 =	sld [smem:$0x3F9F]  }
0x2f: {  	lr =	sadd.s32 s0, s3;
	s0 =	sld [smem:$0x3F96]  }
0x30: {  	s3 =	sld [smem:$0x3F99]  }
0x31: {  	[smem:$0x3FA2] =	sst s10  }
0x32: {  	s10 =	sld [smem:$0x3FA0];
	_ =	sdelay $0x3  }
0x33: {  	p0 =	seq.s32 s10, $0x1;
	s10 =	sld [smem:$0x3FA2];
	_ =	sdelay $0x3  }
0x34: {  	[smem:$0x3FA2] =	sst s10  }
0x35: {  	s10 =	sld [smem:$0x3FA1];
	_ =	sdelay $0x3  }
0x36: {  	p1 =	seq.s32 s10, $0x1;
	s10 =	sld [smem:$0x3FA2];
	_ =	sdelay $0x3  }
0x37: {  	[smem:$0x3FA2] =	sst s10  }
0x38: {  	s10 =	sld [smem:$0x3FA3]  }
0x39: {  	_ = 	snop;
	(pc) =	sbr.ind lr, $3  }
0x3a: {  	_ = 	snop  }
0x3b: {  	_ = 	snop  }
0x3c: {  	p2 =	seq.s32 s10, $0x1;
	s10 =	sld [smem:$0x3FA2]  }
0x3d: {  	_ =	shalt  }
0x3e: {  	_ =	shalt  }
0x3f: {  	_ =	shalt  }
0x40: {  	_ =	shalt  }
0x41: {  	_ =	shalt  }
0x42: {  	_ =	shalt  }
0x43: {  	_ =	shalt  }
0x44: {  	_ =	shalt  }
0x45: {  	_ =	shalt  }
0x46: {  	_ =	shalt  }
0x47: {  	_ =	shalt  }
0x48: {  	_ =	shalt  }
0x49: {  	_ =	shalt  }
0x4a: {  	_ =	shalt  }
0x4b: {  	_ =	shalt  }
0x4c: {  	_ =	shalt  }
0x4d: {  	_ =	shalt  }
0x4e: {  	_ =	shalt  }
0x4f: {  	_ =	shalt  }
0x50: {  	_ =	shalt  }
0x51: {  	_ =	shalt  }
0x52: {  	_ =	shalt  }
0x53: {  	_ =	shalt  }
0x54: {  	_ =	shalt  }
0x55: {  	_ =	shalt  }
0x56: {  	_ =	shalt  }
0x57: {  	_ =	shalt  }
0x58: {  	_ =	shalt  }
0x59: {  	_ =	shalt  }
0x5a: {  	_ =	shalt  }
0x5b: {  	_ =	shalt  }
0x5c: {  	_ =	shalt  }
0x5d: {  	_ =	shalt  }
0x5e: {  	_ =	shalt  }
0x5f: {  	_ =	shalt  }
0x60: {  	_ =	shalt  }
0x61: {  	_ =	shalt  }
0x62: {  	_ =	shalt  }
0x63: {  	_ =	shalt  }
0x64: {  	_ =	shalt  }
0x65: {  	_ =	shalt  }
0x66: {  	_ =	shalt  }
0x67: {  	_ =	shalt  }
0x68: {  	_ =	shalt  }
0x69: {  	_ =	shalt  }
0x6a: {  	_ =	shalt  }
0x6b: {  	_ =	shalt  }
0x6c: {  	_ =	shalt  }
0x6d: {  	_ =	shalt  }
0x6e: {  	_ =	shalt  }
0x6f: {  	_ =	shalt  }
0x70: {  	_ =	shalt  }
0x71: {  	_ =	shalt  }
0x72: {  	_ =	shalt  }
0x73: {  	_ =	shalt  }
0x74: {  	_ =	shalt  }
0x75: {  	_ =	shalt  }
0x76: {  	_ =	shalt  }
0x77: {  	_ =	shalt  }
0x78: {  	_ =	shalt  }
0x79: {  	_ =	shalt  }
0x7a: {  	_ =	shalt  }
0x7b: {  	_ =	shalt  }
0x7c: {  	_ =	shalt  }
0x7d: {  	_ =	shalt  }
0x7e: {  	_ =	shalt  }
0x7f: {  	_ =	shalt  }
0x80: {  	_ =	shalt  }
0x81: {  	_ =	shalt  }
0x82: {  	_ =	shalt  }
0x83: {  	_ =	shalt  }
0x84: {  	_ =	shalt  }
0x85: {  	_ =	shalt  }
0x86: {  	_ =	shalt  }
0x87: {  	_ =	shalt  }
.Lfunc_end0:
.L_simem_size_0:
called_computation.2_lowered:
.L_overlay_start_0:
0x88: {  	s2 =	sld [smem:$0x3FD9]  }
0x89: {  	s3 =	sld [smem:$0x3FFE];
	_ =	sdelay $0x1  }
0x8a: {  	s1 =	srdreg.scid  }
0x8b: {  	s0 =	sand.u32 $0x1, s1  }
0x8c: {  	s17 =	sshll.u32 s0, $0xA;
	s2 =	sadd.s32 s3, s2  }
0x8d: {  	s2 =	sadd.s32 s2, s17  }
0x8e: {  	[smem:$0x3FAE] =	sst s2  }
0x8f: {  	_ = 	snop  }
0x90: {  	s2 =	sld [smem:$0x3FD0];
	(tm) =	ssettm $0x1  }
0x91: {  	s18 =	sld [smem:$0x3FFB];
	_ =	sdelay $0x3  }
0x92: {  	_ =	strace s18  }
0x93: {  	s3 =	sld [smem:$0x3FFC];
	_ =	sdelay $0x3  }
0x94: {  	_ =	strace s3  }
0x95: {  	s3 =	sld [smem:$0x3FFD];
	_ =	sdelay $0x3  }
0x96: {  	_ =	strace s3  }
0x97: {  	_ =	strace $0x8FFFFFFF  }
0x98: {  	s19 =	sld [smem:$0x3FDB];
	_ =	sdelay $0x1  }
0x99: {  	s4 =	simm.s32 $_scs_section_size  }
0x9a: {  	s5 =	simm.s32 $_size__tile_overlayer_lowered;
	s6 =	simm.s32 $_tile_overlayer_lowered  }
0x9b: {  	s22 =	simm.s32 $0x1BFF;
	s21 =	sshll.u32 s6, $0x1;
	s3 =	sadd.s32 s4, s19  }
0x9c: {  	s7 =	simm.s32 $0x0;
	s20 =	sshll.u32 s5, $0x1;
	s5 =	sadd.s32 s21, s3  }
0x9d: {  	[timem:s7], [sflag:s22] =	dma.local [hbm:s5], s20  }
0x9e: {  	_ =	swait.ge [sflag:s22], s20  }
0x9f: {  	s4 =	ssub.s32 $0x0, s20;
	[sflag:s22] =	ssyncset.done $0x0  }
0xa0: {  	[sflag:s22] =	ssyncadd.s32 s4;
	_ =	sdelay $0x1  }
0xa1: {  	s23 =	simm.s32 $0x1B8B  }
0xa2: {  	_ =	swait.ge [sflag:s23], $0x1  }
0xa3: {  	[sflag:s23] =	ssyncset.done $0x0  }
0xa4: {  	s25 =	simm.s32 $0x1B8E;
	s24 =	sld [smem:$0x3FFE];
	[sflag:s23] =	ssyncadd.s32 $0xFFFFFFFF  }
0xa5: {  	s26 =	simm.s32 $execute0_lowered;
	[smem:$0x3FD2] =	sst s25  }
0xa6: {  	s5 =	sshll.u32 s26, $0x1;
	_ =	strace $0x8000004C;
	[dreg:$0x1] =	wrdreg $0xFFFFFFFF  }
0xa7: {  	s28 =	simm.s32 $_size_execute0_lowered;
	s3 =	sadd.s32 s3, s5;
	[dreg:$0x0] =	wrdreg $0x0  }
0xa8: {  	s5 =	sshll.u32 s28, $0x1;
	[dreg:$0x2] =	wrdreg s3  }
0xa9: {  	[dreg:$0x3] =	wrdreg s5  }
0xaa: {  	[dreg:$0x4] =	wrdreg $0xC0  }
0xab: {  	_ =	task [dreg:s7], $0x5FFFF  }
0xac: {  	[dreg:$0x1] =	wrdreg $0xFFFFFFFF  }
0xad: {  	[dreg:$0x0] =	wrdreg $0x60  }
0xae: {  	[dreg:$0x2] =	wrdreg s24  }
0xaf: {  	[dreg:$0x3] =	wrdreg s2  }
0xb0: {  	[dreg:$0x4] =	wrdreg $0xA8000  }
0xb1: {  	[dreg:$0x5] =	wrdreg $0x9  }
0xb2: {  	_ =	task.clear_ibuf [dreg:s7], $0x6FFFF;
	_ =	strace $0x9000004C  }
0xb3: {  	s29 =	simm.s32 $0x9;
	_ =	strace $0x8000004E  }
0xb4: {  	_ =	swait.ge [sflag:s29], $0x1  }
0xb5: {  	[sflag:s29] =	ssyncadd.s32 $0xFFFFFFFF  }
0xb6: {  	_ =	strace $0x9000004E  }
0xb7: {  	_ =	sfence  }
0xb8: {  	s30 =	sld [smem:$0x0];
	_ =	sdelay $0x2  }
0xb9: {  	s31 =	sshll.u32 s1, $0xD;
	s1 =	sshrl.u32 s1, $0x2  }
0xba: {  	s3 =	sand.u32 $0x4000, s31;
	s1 =	sadd.s32 s1, s30  }
0xbb: {  	s0 =	sor.u32 s3, s0;
	s1 =	sshll.u32 s1, $0x11  }
0xbc: {  	s0 =	sor.u32 s1, s0  }
0xbd: {  	s0 =	sadd.s32 $0x8F2B, s0  }
0xbe: {  	[sflag:s0] =	ssyncadd.remote.s32 $0x1  }
0xbf: {  	_ =	sfence.sel $0xFFFF  }
0xc0: {  	[dreg:$0x0] =	wrdreg $0xFFFFFFFF;
	(pc) =	sbr.abs _section_cstart, $3  }
0xc1: {  	[dreg:$0x1] =	wrdreg $0xFFFFFFFF  }
0xc2: {  	_ =	task.clear_ibuf [dreg:s7], $0x2FFFF;
	_ =	strace $0x9FFFFFFF  }
0xc3: {  	(tm) =	ssettm $0x7FFFFFFF  }
tec
execute0_lowered:
.L_overlay_start_1:
0x0: {  	(tag) =	ssettag $0x1  }
0x1: {  	s0 =	rddreg [dreg:$0x0]  }
0x2: {  	s6 =	rddreg [dreg:$0x1]  }
0x3: {  	s1 =	rddreg [dreg:$0x2];
	s3 =	simm.s32 $0x0  }
0x4: {  	s2 =	stileid.u32;
	s7 =	srdreg.scid;
	s20 =	simm.s32 $0x3  }
0x5: {  	s21 =	simm.s32 $0x1400;
	s22 =	simm.s32 $0x80;
	s23 =	simm.s32 $0x1  }
0x6: {  	s28 =	simm.s32 $0x100;
	s29 =	simm.s32 $0x2700;
	s30 =	simm.s32 $0x1380  }
0x7: {  	s31 =	simm.s32 $0x2780;
	[smem:$0x7FF] =	sst s3;
	s4 =	sadd.s32 $0x33C00, s0  }
0x8: {  	s8 =	smul.u32 $0x50000, s2;
	s5 =	sadd.s32 $0x83C00, s0;
	s9 =	sadd.s32 $0x2EC00, s0  }
0x9: {  	s19 =	sand.u32 $0x1, s7;
	s24 =	sadd.s32 $0xABC00, s0;
	s0 =	sadd.s32 $0xD3C00, s0  }
0xa: {  	_ =	strace $0x8000004D;
	[dreg:$0x4] =	wrdreg s24;
	s10 =	ssub.s32 $0x2, s19  }
0xb: {  	[dreg:$0x5] =	wrdreg s0;
	p0 =	sne.s32 s19, $0x0;
	s19 =	simm.s32 $0x2800  }
0xc: {  	s24 =	simm.s32 $0x6800;
	s0 =	simm.s32 $0x0;
	s25 =	sshrl.u32 s8, $0x2  }
0xd: {  	s11 =	sshrl.u32 s10, $0x1;
	s8 =	smul.u32 $0x2800, s2;
	s7 =	sadd.s32 s25, s1  }
.Ltmp0:
0xe: {  	s26 =	ssub.s32 s10, s11;
	s25 =	simm.s32 $0x1480;
	(pc) =	sbr.rel .LBB2_1-.Ltmp0, $4  }
0xf: {  	s10 =	sadd.s32 $0x4000, s7;
	s11 =	sadd.s32 $0x8000, s7;
	s12 =	sadd.s32 $0xC000, s7  }
0x10: {  	s15 =	sshrl.u32 s8, $0x3;
	s13 =	sadd.s32 $0x10000, s7;
	s18 =	smax.u32 s26, $0x1  }
0x11: {  	s26 =	simm.s32 $0x2;
	s14 =	sadd.s32 s6, s15;
	s17 =	sadd.s32 $0x280, s15  }
0x12: {  	v0 =	vimm.f32 $0.0e+00;
	s15 =	sadd.s32 s9, s15;
	s16 =	sadd.s32 s6, s17;
	s17 =	sadd.s32 s9, s17  }
.LBB2_13:
0x13: {  	[tilespmem:s19], [sflag:$0x1] =	stream.indirect.gather [hbm4b:s5+s22], $0x80, s9, s22, $0xb8;
	[tilespmem:$0x1E800] =	vst v63  }
0x14: {  	_ =	swait.ge [sflag:s23], $0x4000  }
0x15: {  	[sflag:s23] =	ssyncset.done $0x0  }
0x16: {  	[sflag:s23] =	ssyncadd.s32 $0xFFFFC000  }
0x17: {  	[spmem:s1] =	stream.indirect.scatter.add.f32 [tilespmem:s19], [sflag:$0x2], $0x80, s29, s22, $0xb8;
	[tilespmem:$0x1E800] =	vst v63  }
0x18: {  	_ =	swait.ge [sflag:s26], $0x4000  }
0x19: {  	[sflag:s26] =	ssyncset.done $0x0  }
0x1a: {  	[sflag:s26] =	ssyncadd.s32 $0xFFFFC000  }
0x1b: {  	[tilespmem:s24], [sflag:$0x1] =	stream.indirect.gather [hbm4b:s5+s22], $0x80, s30, s22, $0xb8;
	[tilespmem:$0x1E800] =	vst v63  }
0x1c: {  	_ =	swait.ge [sflag:s23], $0x4000  }
0x1d: {  	[sflag:s23] =	ssyncset.done $0x0  }
0x1e: {  	[sflag:s23] =	ssyncadd.s32 $0xFFFFC000  }
0x1f: {  	[spmem:s1] =	stream.indirect.scatter.add.f32 [tilespmem:s24], [sflag:$0x2], $0x80, s31, s22, $0xb8;
	[tilespmem:$0x1E800] =	vst v63  }
0x20: {  	_ =	swait.ge [sflag:s26], $0x4000  }
0x21: {  	[sflag:s26] =	ssyncset.done $0x0  }
0x22: {  	s6 =	rddreg [dreg:$0x5];
	[sflag:s26] =	ssyncadd.s32 $0xFFFFC000  }
0x23: {  	[tilespmem:s19], [sflag:$0x1] =	stream.indirect.gather [hbm4b:s5+s22], $0x80, s3, s22, $0xb8;
	[tilespmem:$0x1E800] =	vst v63  }
.LBB2_14:
0x24: {  	_ =	swait.ge [sflag:s23], $0x4000  }
0x25: {  	[sflag:s23] =	ssyncset.done $0x0  }
0x26: {  	[sflag:s23] =	ssyncadd.s32 $0xFFFFC000  }
0x27: {  	s2 =	sadd.s32 s6, s8;
	s9 =	stileid.u32;
	_ =	swait.ge [sflag:s26], $0x4000  }
0x28: {  	s0 =	sadd.s32 $0x1, s0;
	s6 =	sshll.u32 s9, $0x6;
	[sflag:s26] =	ssyncset.done $0x0  }
0x29: {  	s9 =	sshrl.u32 s7, $0x3;
	p1 =	sne.s32 s0, s18;
	[sflag:s26] =	ssyncadd.s32 $0xFFFFC000  }
.Ltmp1:
0x2a: {  	s6 =	sor.u32 $0x1C03, s6;
	[bflag:$0x0] =	sbarrier.arrive $0xFFFF;
	(pc) =	sbr.rel @!p1 .LBB2_15-.Ltmp1, $4  }
0x2b: {  	[hbm:s2], [sflag:s6] =	dma.local [spmem:s9], $0x2800  }
0x2c: {  	_ =	swait.ge [sflag:s20], $0x2800  }
0x2d: {  	[sflag:s20] =	ssyncset.done $0x0  }
0x2e: {  	[sflag:s20] =	ssyncadd.s32 $0xFFFFD800  }
.LBB2_1:
0x2f: {  	s6 =	simm.s32 $0x0;
	s9 =	simm.s32 $0x200  }
.LBB2_2:
0x30: {  	p1 =	sne.s32 s9, $0xFE00;
	[tilespmem:s6+$0x2870] =	vst v0  }
0x31: {  	[tilespmem:s6+$0x2800] =	vst v0  }
0x32: {  	[tilespmem:s6+$0x2810] =	vst v0  }
.Ltmp2:
0x33: {  	[tilespmem:s6+$0x2820] =	vst v0;
	(pc) =	sbr.rel @p1 .LBB2_2-.Ltmp2, $4  }
0x34: {  	[tilespmem:s6+$0x2830] =	vst v0  }
0x35: {  	[tilespmem:s6+$0x2840] =	vst v0  }
0x36: {  	[tilespmem:s6+$0x2850] =	vst v0  }
0x37: {  	[tilespmem:s6+$0x2860] =	vst v0;
	s6 =	sshra.s32 s9, $0x2;
	s9 =	sadd.s32 $0x200, s9  }
0x38: {  	[tilespmem:s6+$0x2870] =	vst v0  }
0x39: {  	[tilespmem:s6+$0x2800] =	vst v0  }
0x3a: {  	[tilespmem:s6+$0x2810] =	vst v0  }
0x3b: {  	[tilespmem:s6+$0x2820] =	vst v0  }
0x3c: {  	[tilespmem:s6+$0x2830] =	vst v0  }
0x3d: {  	[tilespmem:s6+$0x2840] =	vst v0  }
0x3e: {  	[tilespmem:s6+$0x2850] =	vst v0  }
0x3f: {  	[tilespmem:s6+$0x2860] =	vst v0  }
0x40: {  	[spmem:s7] =	stream.linear.scatter [tilespmem:s19], [sflag:$0x3], $0x4000, $0x38;
	[tilespmem:$0x1E800] =	vst v63  }
0x41: {  	_ =	swait.ge [sflag:s20], $0x4000  }
0x42: {  	[sflag:s20] =	ssyncset.done $0x0  }
0x43: {  	[sflag:s20] =	ssyncadd.s32 $0xFFFFC000  }
0x44: {  	[spmem:s10] =	stream.linear.scatter [tilespmem:s19], [sflag:$0x3], $0x4000, $0x38;
	[tilespmem:$0x1E800] =	vst v63  }
0x45: {  	_ =	swait.ge [sflag:s20], $0x4000  }
0x46: {  	[sflag:s20] =	ssyncset.done $0x0  }
0x47: {  	[sflag:s20] =	ssyncadd.s32 $0xFFFFC000  }
0x48: {  	[spmem:s11] =	stream.linear.scatter [tilespmem:s19], [sflag:$0x3], $0x4000, $0x38;
	[tilespmem:$0x1E800] =	vst v63  }
0x49: {  	_ =	swait.ge [sflag:s20], $0x4000  }
0x4a: {  	[sflag:s20] =	ssyncset.done $0x0  }
0x4b: {  	[sflag:s20] =	ssyncadd.s32 $0xFFFFC000  }
0x4c: {  	[spmem:s12] =	stream.linear.scatter [tilespmem:s19], [sflag:$0x3], $0x4000, $0x38;
	[tilespmem:$0x1E800] =	vst v63  }
0x4d: {  	_ =	swait.ge [sflag:s20], $0x4000  }
0x4e: {  	[sflag:s20] =	ssyncset.done $0x0  }
0x4f: {  	[sflag:s20] =	ssyncadd.s32 $0xFFFFC000  }
0x50: {  	[spmem:s13] =	stream.linear.scatter [tilespmem:s19], [sflag:$0x3], $0x4000, $0x38;
	[tilespmem:$0x1E800] =	vst v63  }
0x51: {  	_ =	swait.ge [sflag:s20], $0x4000  }
0x52: {  	[sflag:s20] =	ssyncset.done $0x0  }
0x53: {  	[sflag:s20] =	ssyncadd.s32 $0xFFFFC000  }
0x54: {  	[bflag:$0x0] =	sbarrier.arrive $0xFFFF  }
0x55: {  	[tilespmem:s3], [sflag:$0x3] =	stream.linear.gather [hbm4b:s14+s3], $0x1400, $0x38;
	[tilespmem:$0x1E800] =	vst v63  }
0x56: {  	_ =	swait.ge [sflag:s20], $0x1400  }
0x57: {  	[sflag:s20] =	ssyncset.done $0x0  }
.Ltmp3:
0x58: {  	[sflag:s20] =	ssyncadd.s32 $0xFFFFEC00;
	(pc) =	sbr.rel @p0 .LBB2_9-.Ltmp3, $4  }
0x59: {  	[tilespmem:s21], [sflag:$0x3] =	stream.linear.gather [hbm4b:s15+s3], $0x1400, $0x38;
	[tilespmem:$0x1E800] =	vst v63  }
0x5a: {  	_ =	swait.ge [sflag:s20], $0x1400  }
0x5b: {  	[sflag:s20] =	ssyncset.done $0x0  }
0x5c: {  	[sflag:s20] =	ssyncadd.s32 $0xFFFFEC00  }
0x5d: {  	[tilespmem:s19], [sflag:$0x1] =	stream.indirect.gather [hbm4b:s4+s22], $0x80, s3, s22, $0xb8;
	[tilespmem:$0x1E800] =	vst v63  }
0x5e: {  	_ =	swait.ge [sflag:s23], $0x4000  }
0x5f: {  	[sflag:s23] =	ssyncset.done $0x0  }
0x60: {  	[sflag:s23] =	ssyncadd.s32 $0xFFFFC000  }
0x61: {  	[spmem:s1] =	stream.indirect.scatter.add.f32 [tilespmem:s19], [sflag:$0x2], $0x80, s21, s22, $0xb8;
	[tilespmem:$0x1E800] =	vst v63  }
0x62: {  	_ = 	snop  }
0x63: {  	[tilespmem:s24], [sflag:$0x1] =	stream.indirect.gather [hbm4b:s4+s22], $0x80, s22, s22, $0xb8;
	[tilespmem:$0x1E800] =	vst v63  }
0x64: {  	_ =	swait.ge [sflag:s23], $0x4000  }
0x65: {  	[sflag:s23] =	ssyncset.done $0x0  }
0x66: {  	[sflag:s23] =	ssyncadd.s32 $0xFFFFC000  }
0x67: {  	[spmem:s1] =	stream.indirect.scatter.add.f32 [tilespmem:s24], [sflag:$0x2], $0x80, s25, s22, $0xb8;
	[tilespmem:$0x1E800] =	vst v63  }
0x68: {  	_ =	swait.ge [sflag:s26], $0x4000  }
0x69: {  	[sflag:s26] =	ssyncset.done $0x0  }
0x6a: {  	[sflag:s26] =	ssyncadd.s32 $0xFFFFC000  }
0x6b: {  	[tilespmem:s19], [sflag:$0x1] =	stream.indirect.gather [hbm4b:s4+s22], $0x80, s28, s22, $0xb8;
	[tilespmem:$0x1E800] =	vst v63  }
0x6c: {  	_ =	swait.ge [sflag:s23], $0x4000  }
0x6d: {  	[sflag:s23] =	ssyncset.done $0x0  }
0x6e: {  	s6 =	simm.s32 $0x1500;
	[sflag:s23] =	ssyncadd.s32 $0xFFFFC000  }
0x6f: {  	[spmem:s1] =	stream.indirect.scatter.add.f32 [tilespmem:s19], [sflag:$0x2], $0x80, s6, s22, $0xb8;
	[tilespmem:$0x1E800] =	vst v63  }
0x70: {  	_ =	swait.ge [sflag:s26], $0x4000  }
0x71: {  	[sflag:s26] =	ssyncset.done $0x0  }
0x72: {  	s2 =	simm.s32 $0x180;
	[sflag:s26] =	ssyncadd.s32 $0xFFFFC000  }
0x73: {  	[tilespmem:s24], [sflag:$0x1] =	stream.indirect.gather [hbm4b:s4+s22], $0x80, s2, s22, $0xb8;
	[tilespmem:$0x1E800] =	vst v63  }
0x74: {  	_ =	swait.ge [sflag:s23], $0x4000  }
0x75: {  	[sflag:s23] =	ssyncset.done $0x0  }
0x76: {  	s9 =	simm.s32 $0x1580;
	[sflag:s23] =	ssyncadd.s32 $0xFFFFC000  }
0x77: {  	[spmem:s1] =	stream.indirect.scatter.add.f32 [tilespmem:s24], [sflag:$0x2], $0x80, s9, s22, $0xb8;
	[tilespmem:$0x1E800] =	vst v63  }
0x78: {  	_ =	swait.ge [sflag:s26], $0x4000  }
0x79: {  	[sflag:s26] =	ssyncset.done $0x0  }
0x7a: {  	s6 =	simm.s32 $0xFFFFBC00;
	s9 =	simm.s32 $0x200;
	[sflag:s26] =	ssyncadd.s32 $0xFFFFC000  }
.LBB2_5:
0x7b: {  	[tilespmem:s19], [sflag:$0x1] =	stream.indirect.gather [hbm4b:s4+s22], $0x80, s9, s22, $0xb8;
	[tilespmem:$0x1E800] =	vst v63  }
0x7c: {  	s9 =	smov.u32 s6  }
0x7d: {  	p1 =	sne.s32 s6, $0xFFFFFC00;
	s6 =	sadd.s32 $0x400, s6;
	_ =	swait.ge [sflag:s23], $0x4000  }
0x7e: {  	s9 =	sshra.s32 s9, $0x2;
	[sflag:s23] =	ssyncset.done $0x0  }
0x7f: {  	s2 =	sadd.s32 $0x2700, s9;
	[sflag:s23] =	ssyncadd.s32 $0xFFFFC000  }
0x80: {  	[spmem:s1] =	stream.indirect.scatter.add.f32 [tilespmem:s19], [sflag:$0x2], $0x80, s2, s22, $0xb8;
	[tilespmem:$0x1E800] =	vst v63  }
0x81: {  	_ =	swait.ge [sflag:s26], $0x4000  }
0x82: {  	[sflag:s26] =	ssyncset.done $0x0  }
0x83: {  	s2 =	sadd.s32 $0x1380, s9;
	[sflag:s26] =	ssyncadd.s32 $0xFFFFC000  }
0x84: {  	[tilespmem:s24], [sflag:$0x1] =	stream.indirect.gather [hbm4b:s4+s22], $0x80, s2, s22, $0xb8;
	[tilespmem:$0x1E800] =	vst v63  }
0x85: {  	_ =	swait.ge [sflag:s23], $0x4000  }
0x86: {  	[sflag:s23] =	ssyncset.done $0x0  }
.Ltmp4:
0x87: {  	s2 =	sadd.s32 $0x2780, s9;
	[sflag:s23] =	ssyncadd.s32 $0xFFFFC000;
	(pc) =	sbr.rel @p1 .LBB2_5-.Ltmp4, $4  }
0x88: {  	[spmem:s1] =	stream.indirect.scatter.add.f32 [tilespmem:s24], [sflag:$0x2], $0x80, s2, s22, $0xb8;
	[tilespmem:$0x1E800] =	vst v63  }
0x89: {  	_ =	swait.ge [sflag:s26], $0x4000  }
0x8a: {  	[sflag:s26] =	ssyncset.done $0x0  }
0x8b: {  	s9 =	sadd.s32 $0x1400, s9;
	[sflag:s26] =	ssyncadd.s32 $0xFFFFC000  }
0x8c: {  	[tilespmem:s19], [sflag:$0x1] =	stream.indirect.gather [hbm4b:s4+s22], $0x80, s9, s22, $0xb8;
	[tilespmem:$0x1E800] =	vst v63  }
0x8d: {  	_ =	swait.ge [sflag:s23], $0x4000  }
0x8e: {  	[sflag:s23] =	ssyncset.done $0x0  }
0x8f: {  	[sflag:s23] =	ssyncadd.s32 $0xFFFFC000  }
0x90: {  	[spmem:s1] =	stream.indirect.scatter.add.f32 [tilespmem:s19], [sflag:$0x2], $0x80, s29, s22, $0xb8;
	[tilespmem:$0x1E800] =	vst v63  }
0x91: {  	_ =	swait.ge [sflag:s26], $0x4000  }
0x92: {  	[sflag:s26] =	ssyncset.done $0x0  }
0x93: {  	[sflag:s26] =	ssyncadd.s32 $0xFFFFC000  }
0x94: {  	[tilespmem:s24], [sflag:$0x1] =	stream.indirect.gather [hbm4b:s4+s22], $0x80, s30, s22, $0xb8;
	[tilespmem:$0x1E800] =	vst v63  }
0x95: {  	_ =	swait.ge [sflag:s23], $0x4000  }
0x96: {  	[sflag:s23] =	ssyncset.done $0x0  }
0x97: {  	[sflag:s23] =	ssyncadd.s32 $0xFFFFC000  }
0x98: {  	[spmem:s1] =	stream.indirect.scatter.add.f32 [tilespmem:s24], [sflag:$0x2], $0x80, s31, s22, $0xb8;
	[tilespmem:$0x1E800] =	vst v63  }
0x99: {  	_ =	swait.ge [sflag:s26], $0x4000  }
0x9a: {  	[sflag:s26] =	ssyncset.done $0x0  }
0x9b: {  	[sflag:s26] =	ssyncadd.s32 $0xFFFFC000  }
0x9c: {  	[tilespmem:s19], [sflag:$0x1] =	stream.indirect.gather [hbm4b:s4+s22], $0x80, s3, s22, $0xb8;
	[tilespmem:$0x1E800] =	vst v63  }
0x9d: {  	_ =	swait.ge [sflag:s23], $0x4000  }
0x9e: {  	[sflag:s23] =	ssyncset.done $0x0  }
0x9f: {  	[sflag:s23] =	ssyncadd.s32 $0xFFFFC000  }
0xa0: {  	_ =	swait.ge [sflag:s26], $0x4000  }
0xa1: {  	[sflag:s26] =	ssyncset.done $0x0  }
0xa2: {  	[sflag:s26] =	ssyncadd.s32 $0xFFFFC000  }
0xa3: {  	[tilespmem:s3], [sflag:$0x3] =	stream.linear.gather [hbm4b:s16+s3], $0x1400, $0x38;
	[tilespmem:$0x1E800] =	vst v63  }
0xa4: {  	_ =	swait.ge [sflag:s20], $0x1400  }
0xa5: {  	[sflag:s20] =	ssyncset.done $0x0  }
0xa6: {  	[sflag:s20] =	ssyncadd.s32 $0xFFFFEC00  }
0xa7: {  	[tilespmem:s21], [sflag:$0x3] =	stream.linear.gather [hbm4b:s17+s3], $0x1400, $0x38;
	[tilespmem:$0x1E800] =	vst v63  }
0xa8: {  	_ =	swait.ge [sflag:s20], $0x1400  }
0xa9: {  	[sflag:s20] =	ssyncset.done $0x0  }
0xaa: {  	[sflag:s20] =	ssyncadd.s32 $0xFFFFEC00  }
0xab: {  	[tilespmem:s19], [sflag:$0x1] =	stream.indirect.gather [hbm4b:s4+s22], $0x80, s3, s22, $0xb8;
	[tilespmem:$0x1E800] =	vst v63  }
0xac: {  	_ =	swait.ge [sflag:s23], $0x4000  }
0xad: {  	[sflag:s23] =	ssyncset.done $0x0  }
0xae: {  	[sflag:s23] =	ssyncadd.s32 $0xFFFFC000  }
0xaf: {  	[spmem:s1] =	stream.indirect.scatter.add.f32 [tilespmem:s19], [sflag:$0x2], $0x80, s21, s22, $0xb8;
	[tilespmem:$0x1E800] =	vst v63  }
0xb0: {  	_ = 	snop  }
0xb1: {  	[tilespmem:s24], [sflag:$0x1] =	stream.indirect.gather [hbm4b:s4+s22], $0x80, s22, s22, $0xb8;
	[tilespmem:$0x1E800] =	vst v63  }
0xb2: {  	_ =	swait.ge [sflag:s23], $0x4000  }
0xb3: {  	[sflag:s23] =	ssyncset.done $0x0  }
0xb4: {  	[sflag:s23] =	ssyncadd.s32 $0xFFFFC000  }
0xb5: {  	[spmem:s1] =	stream.indirect.scatter.add.f32 [tilespmem:s24], [sflag:$0x2], $0x80, s25, s22, $0xb8;
	[tilespmem:$0x1E800] =	vst v63  }
0xb6: {  	_ =	swait.ge [sflag:s26], $0x4000  }
0xb7: {  	[sflag:s26] =	ssyncset.done $0x0  }
0xb8: {  	[sflag:s26] =	ssyncadd.s32 $0xFFFFC000  }
0xb9: {  	[tilespmem:s19], [sflag:$0x1] =	stream.indirect.gather [hbm4b:s4+s22], $0x80, s28, s22, $0xb8;
	[tilespmem:$0x1E800] =	vst v63  }
0xba: {  	_ =	swait.ge [sflag:s23], $0x4000  }
0xbb: {  	[sflag:s23] =	ssyncset.done $0x0  }
0xbc: {  	s2 =	simm.s32 $0x1500;
	[sflag:s23] =	ssyncadd.s32 $0xFFFFC000  }
0xbd: {  	[spmem:s1] =	stream.indirect.scatter.add.f32 [tilespmem:s19], [sflag:$0x2], $0x80, s2, s22, $0xb8;
	[tilespmem:$0x1E800] =	vst v63  }
0xbe: {  	_ =	swait.ge [sflag:s26], $0x4000  }
0xbf: {  	[sflag:s26] =	ssyncset.done $0x0  }
0xc0: {  	s6 =	simm.s32 $0x180;
	[sflag:s26] =	ssyncadd.s32 $0xFFFFC000  }
0xc1: {  	[tilespmem:s24], [sflag:$0x1] =	stream.indirect.gather [hbm4b:s4+s22], $0x80, s6, s22, $0xb8;
	[tilespmem:$0x1E800] =	vst v63  }
0xc2: {  	_ =	swait.ge [sflag:s23], $0x4000  }
0xc3: {  	[sflag:s23] =	ssyncset.done $0x0  }
0xc4: {  	s9 =	simm.s32 $0x1580;
	[sflag:s23] =	ssyncadd.s32 $0xFFFFC000  }
0xc5: {  	[spmem:s1] =	stream.indirect.scatter.add.f32 [tilespmem:s24], [sflag:$0x2], $0x80, s9, s22, $0xb8;
	[tilespmem:$0x1E800] =	vst v63  }
0xc6: {  	_ =	swait.ge [sflag:s26], $0x4000  }
0xc7: {  	[sflag:s26] =	ssyncset.done $0x0  }
0xc8: {  	s6 =	simm.s32 $0xFFFFBC00;
	s9 =	simm.s32 $0x200;
	[sflag:s26] =	ssyncadd.s32 $0xFFFFC000  }
.LBB2_7:
0xc9: {  	[tilespmem:s19], [sflag:$0x1] =	stream.indirect.gather [hbm4b:s4+s22], $0x80, s9, s22, $0xb8;
	[tilespmem:$0x1E800] =	vst v63  }
0xca: {  	s2 =	smov.u32 s6  }
0xcb: {  	p1 =	seq.s32 s6, $0xFFFFFC00;
	s6 =	sadd.s32 $0x400, s6;
	_ =	swait.ge [sflag:s23], $0x4000  }
0xcc: {  	s2 =	sshra.s32 s2, $0x2;
	[sflag:s23] =	ssyncset.done $0x0  }
0xcd: {  	s9 =	sadd.s32 $0x2700, s2;
	[sflag:s23] =	ssyncadd.s32 $0xFFFFC000  }
0xce: {  	[spmem:s1] =	stream.indirect.scatter.add.f32 [tilespmem:s19], [sflag:$0x2], $0x80, s9, s22, $0xb8;
	[tilespmem:$0x1E800] =	vst v63  }
0xcf: {  	_ =	swait.ge [sflag:s26], $0x4000  }
0xd0: {  	[sflag:s26] =	ssyncset.done $0x0  }
0xd1: {  	s9 =	sadd.s32 $0x1380, s2;
	[sflag:s26] =	ssyncadd.s32 $0xFFFFC000  }
0xd2: {  	[tilespmem:s24], [sflag:$0x1] =	stream.indirect.gather [hbm4b:s4+s22], $0x80, s9, s22, $0xb8;
	[tilespmem:$0x1E800] =	vst v63  }
0xd3: {  	_ =	swait.ge [sflag:s23], $0x4000  }
0xd4: {  	[sflag:s23] =	ssyncset.done $0x0  }
.Ltmp5:
0xd5: {  	s9 =	sadd.s32 $0x2780, s2;
	[sflag:s23] =	ssyncadd.s32 $0xFFFFC000;
	(pc) =	sbr.rel @!p1 .LBB2_7-.Ltmp5, $4  }
0xd6: {  	[spmem:s1] =	stream.indirect.scatter.add.f32 [tilespmem:s24], [sflag:$0x2], $0x80, s9, s22, $0xb8;
	[tilespmem:$0x1E800] =	vst v63  }
0xd7: {  	_ =	swait.ge [sflag:s26], $0x4000  }
0xd8: {  	[sflag:s26] =	ssyncset.done $0x0  }
0xd9: {  	s9 =	sadd.s32 $0x1400, s2;
	[sflag:s26] =	ssyncadd.s32 $0xFFFFC000  }
0xda: {  	[tilespmem:s19], [sflag:$0x1] =	stream.indirect.gather [hbm4b:s4+s22], $0x80, s9, s22, $0xb8;
	[tilespmem:$0x1E800] =	vst v63  }
0xdb: {  	_ =	swait.ge [sflag:s23], $0x4000  }
0xdc: {  	[sflag:s23] =	ssyncset.done $0x0  }
0xdd: {  	[sflag:s23] =	ssyncadd.s32 $0xFFFFC000  }
0xde: {  	[spmem:s1] =	stream.indirect.scatter.add.f32 [tilespmem:s19], [sflag:$0x2], $0x80, s29, s22, $0xb8;
	[tilespmem:$0x1E800] =	vst v63  }
0xdf: {  	_ =	swait.ge [sflag:s26], $0x4000  }
0xe0: {  	[sflag:s26] =	ssyncset.done $0x0  }
0xe1: {  	[sflag:s26] =	ssyncadd.s32 $0xFFFFC000  }
0xe2: {  	[tilespmem:s24], [sflag:$0x1] =	stream.indirect.gather [hbm4b:s4+s22], $0x80, s30, s22, $0xb8;
	[tilespmem:$0x1E800] =	vst v63  }
0xe3: {  	_ =	swait.ge [sflag:s23], $0x4000  }
0xe4: {  	[sflag:s23] =	ssyncset.done $0x0  }
0xe5: {  	[sflag:s23] =	ssyncadd.s32 $0xFFFFC000  }
0xe6: {  	[spmem:s1] =	stream.indirect.scatter.add.f32 [tilespmem:s24], [sflag:$0x2], $0x80, s31, s22, $0xb8;
	[tilespmem:$0x1E800] =	vst v63  }
.Ltmp6:
0xe7: {  	_ = 	snop;
	(pc) =	sbr.rel .LBB2_14-.Ltmp6, $4  }
0xe8: {  	_ =	swait.ge [sflag:s26], $0x4000  }
0xe9: {  	[sflag:s26] =	ssyncset.done $0x0  }
0xea: {  	s6 =	rddreg [dreg:$0x4];
	[sflag:s26] =	ssyncadd.s32 $0xFFFFC000  }
0xeb: {  	[tilespmem:s19], [sflag:$0x1] =	stream.indirect.gather [hbm4b:s4+s22], $0x80, s3, s22, $0xb8;
	[tilespmem:$0x1E800] =	vst v63  }
.LBB2_9:
0xec: {  	[tilespmem:s19], [sflag:$0x1] =	stream.indirect.gather [hbm4b:s5+s22], $0x80, s3, s22, $0xb8;
	[tilespmem:$0x1E800] =	vst v63  }
0xed: {  	_ =	swait.ge [sflag:s23], $0x4000  }
0xee: {  	[sflag:s23] =	ssyncset.done $0x0  }
0xef: {  	[sflag:s23] =	ssyncadd.s32 $0xFFFFC000  }
0xf0: {  	[spmem:s1] =	stream.indirect.scatter.add.f32 [tilespmem:s19], [sflag:$0x2], $0x80, s21, s22, $0xb8;
	[tilespmem:$0x1E800] =	vst v63  }
0xf1: {  	_ = 	snop  }
0xf2: {  	[tilespmem:s24], [sflag:$0x1] =	stream.indirect.gather [hbm4b:s5+s22], $0x80, s22, s22, $0xb8;
	[tilespmem:$0x1E800] =	vst v63  }
0xf3: {  	_ =	swait.ge [sflag:s23], $0x4000  }
0xf4: {  	[sflag:s23] =	ssyncset.done $0x0  }
0xf5: {  	[sflag:s23] =	ssyncadd.s32 $0xFFFFC000  }
0xf6: {  	[spmem:s1] =	stream.indirect.scatter.add.f32 [tilespmem:s24], [sflag:$0x2], $0x80, s25, s22, $0xb8;
	[tilespmem:$0x1E800] =	vst v63  }
0xf7: {  	_ =	swait.ge [sflag:s26], $0x4000  }
0xf8: {  	[sflag:s26] =	ssyncset.done $0x0  }
0xf9: {  	[sflag:s26] =	ssyncadd.s32 $0xFFFFC000  }
0xfa: {  	[tilespmem:s19], [sflag:$0x1] =	stream.indirect.gather [hbm4b:s5+s22], $0x80, s28, s22, $0xb8;
	[tilespmem:$0x1E800] =	vst v63  }
0xfb: {  	_ =	swait.ge [sflag:s23], $0x4000  }
0xfc: {  	[sflag:s23] =	ssyncset.done $0x0  }
0xfd: {  	s2 =	simm.s32 $0x1500;
	[sflag:s23] =	ssyncadd.s32 $0xFFFFC000  }
0xfe: {  	[spmem:s1] =	stream.indirect.scatter.add.f32 [tilespmem:s19], [sflag:$0x2], $0x80, s2, s22, $0xb8;
	[tilespmem:$0x1E800] =	vst v63  }
0xff: {  	_ =	swait.ge [sflag:s26], $0x4000  }
0x100: {  	[sflag:s26] =	ssyncset.done $0x0  }
0x101: {  	s6 =	simm.s32 $0x180;
	[sflag:s26] =	ssyncadd.s32 $0xFFFFC000  }
0x102: {  	[tilespmem:s24], [sflag:$0x1] =	stream.indirect.gather [hbm4b:s5+s22], $0x80, s6, s22, $0xb8;
	[tilespmem:$0x1E800] =	vst v63  }
0x103: {  	_ =	swait.ge [sflag:s23], $0x4000  }
0x104: {  	[sflag:s23] =	ssyncset.done $0x0  }
0x105: {  	s9 =	simm.s32 $0x1580;
	[sflag:s23] =	ssyncadd.s32 $0xFFFFC000  }
0x106: {  	[spmem:s1] =	stream.indirect.scatter.add.f32 [tilespmem:s24], [sflag:$0x2], $0x80, s9, s22, $0xb8;
	[tilespmem:$0x1E800] =	vst v63  }
0x107: {  	_ =	swait.ge [sflag:s26], $0x4000  }
0x108: {  	[sflag:s26] =	ssyncset.done $0x0  }
0x109: {  	s6 =	simm.s32 $0xFFFFBC00;
	s9 =	simm.s32 $0x200;
	[sflag:s26] =	ssyncadd.s32 $0xFFFFC000  }
.LBB2_10:
0x10a: {  	[tilespmem:s19], [sflag:$0x1] =	stream.indirect.gather [hbm4b:s5+s22], $0x80, s9, s22, $0xb8;
	[tilespmem:$0x1E800] =	vst v63  }
0x10b: {  	s2 =	smov.u32 s6  }
0x10c: {  	p1 =	sne.s32 s6, $0xFFFFFC00;
	s6 =	sadd.s32 $0x400, s6;
	_ =	swait.ge [sflag:s23], $0x4000  }
0x10d: {  	s2 =	sshra.s32 s2, $0x2;
	[sflag:s23] =	ssyncset.done $0x0  }
0x10e: {  	s9 =	sadd.s32 $0x2700, s2;
	[sflag:s23] =	ssyncadd.s32 $0xFFFFC000  }
0x10f: {  	[spmem:s1] =	stream.indirect.scatter.add.f32 [tilespmem:s19], [sflag:$0x2], $0x80, s9, s22, $0xb8;
	[tilespmem:$0x1E800] =	vst v63  }
0x110: {  	_ =	swait.ge [sflag:s26], $0x4000  }
0x111: {  	[sflag:s26] =	ssyncset.done $0x0  }
0x112: {  	s9 =	sadd.s32 $0x1380, s2;
	[sflag:s26] =	ssyncadd.s32 $0xFFFFC000  }
0x113: {  	[tilespmem:s24], [sflag:$0x1] =	stream.indirect.gather [hbm4b:s5+s22], $0x80, s9, s22, $0xb8;
	[tilespmem:$0x1E800] =	vst v63  }
0x114: {  	_ =	swait.ge [sflag:s23], $0x4000  }
0x115: {  	[sflag:s23] =	ssyncset.done $0x0  }
.Ltmp7:
0x116: {  	s9 =	sadd.s32 $0x2780, s2;
	[sflag:s23] =	ssyncadd.s32 $0xFFFFC000;
	(pc) =	sbr.rel @p1 .LBB2_10-.Ltmp7, $4  }
0x117: {  	[spmem:s1] =	stream.indirect.scatter.add.f32 [tilespmem:s24], [sflag:$0x2], $0x80, s9, s22, $0xb8;
	[tilespmem:$0x1E800] =	vst v63  }
0x118: {  	_ =	swait.ge [sflag:s26], $0x4000  }
0x119: {  	[sflag:s26] =	ssyncset.done $0x0  }
0x11a: {  	s9 =	sadd.s32 $0x1400, s2;
	[sflag:s26] =	ssyncadd.s32 $0xFFFFC000  }
0x11b: {  	[tilespmem:s19], [sflag:$0x1] =	stream.indirect.gather [hbm4b:s5+s22], $0x80, s9, s22, $0xb8;
	[tilespmem:$0x1E800] =	vst v63  }
0x11c: {  	_ =	swait.ge [sflag:s23], $0x4000  }
0x11d: {  	[sflag:s23] =	ssyncset.done $0x0  }
0x11e: {  	[sflag:s23] =	ssyncadd.s32 $0xFFFFC000  }
0x11f: {  	[spmem:s1] =	stream.indirect.scatter.add.f32 [tilespmem:s19], [sflag:$0x2], $0x80, s29, s22, $0xb8;
	[tilespmem:$0x1E800] =	vst v63  }
0x120: {  	_ =	swait.ge [sflag:s26], $0x4000  }
0x121: {  	[sflag:s26] =	ssyncset.done $0x0  }
0x122: {  	[sflag:s26] =	ssyncadd.s32 $0xFFFFC000  }
0x123: {  	[tilespmem:s24], [sflag:$0x1] =	stream.indirect.gather [hbm4b:s5+s22], $0x80, s30, s22, $0xb8;
	[tilespmem:$0x1E800] =	vst v63  }
0x124: {  	_ =	swait.ge [sflag:s23], $0x4000  }
0x125: {  	[sflag:s23] =	ssyncset.done $0x0  }
0x126: {  	[sflag:s23] =	ssyncadd.s32 $0xFFFFC000  }
0x127: {  	[spmem:s1] =	stream.indirect.scatter.add.f32 [tilespmem:s24], [sflag:$0x2], $0x80, s31, s22, $0xb8;
	[tilespmem:$0x1E800] =	vst v63  }
0x128: {  	_ =	swait.ge [sflag:s26], $0x4000  }
0x129: {  	[sflag:s26] =	ssyncset.done $0x0  }
0x12a: {  	[sflag:s26] =	ssyncadd.s32 $0xFFFFC000  }
0x12b: {  	[tilespmem:s19], [sflag:$0x1] =	stream.indirect.gather [hbm4b:s5+s22], $0x80, s3, s22, $0xb8;
	[tilespmem:$0x1E800] =	vst v63  }
0x12c: {  	_ =	swait.ge [sflag:s23], $0x4000  }
0x12d: {  	[sflag:s23] =	ssyncset.done $0x0  }
0x12e: {  	[sflag:s23] =	ssyncadd.s32 $0xFFFFC000  }
0x12f: {  	_ =	swait.ge [sflag:s26], $0x4000  }
0x130: {  	[sflag:s26] =	ssyncset.done $0x0  }
0x131: {  	[sflag:s26] =	ssyncadd.s32 $0xFFFFC000  }
0x132: {  	[tilespmem:s3], [sflag:$0x3] =	stream.linear.gather [hbm4b:s16+s3], $0x1400, $0x38;
	[tilespmem:$0x1E800] =	vst v63  }
0x133: {  	_ =	swait.ge [sflag:s20], $0x1400  }
0x134: {  	[sflag:s20] =	ssyncset.done $0x0  }
0x135: {  	[sflag:s20] =	ssyncadd.s32 $0xFFFFEC00  }
0x136: {  	[tilespmem:s21], [sflag:$0x3] =	stream.linear.gather [hbm4b:s17+s3], $0x1400, $0x38;
	[tilespmem:$0x1E800] =	vst v63  }
0x137: {  	_ =	swait.ge [sflag:s20], $0x1400  }
0x138: {  	[sflag:s20] =	ssyncset.done $0x0  }
0x139: {  	[sflag:s20] =	ssyncadd.s32 $0xFFFFEC00  }
0x13a: {  	[tilespmem:s19], [sflag:$0x1] =	stream.indirect.gather [hbm4b:s5+s22], $0x80, s3, s22, $0xb8;
	[tilespmem:$0x1E800] =	vst v63  }
0x13b: {  	_ =	swait.ge [sflag:s23], $0x4000  }
0x13c: {  	[sflag:s23] =	ssyncset.done $0x0  }
0x13d: {  	[sflag:s23] =	ssyncadd.s32 $0xFFFFC000  }
0x13e: {  	[spmem:s1] =	stream.indirect.scatter.add.f32 [tilespmem:s19], [sflag:$0x2], $0x80, s21, s22, $0xb8;
	[tilespmem:$0x1E800] =	vst v63  }
0x13f: {  	_ = 	snop  }
0x140: {  	[tilespmem:s24], [sflag:$0x1] =	stream.indirect.gather [hbm4b:s5+s22], $0x80, s22, s22, $0xb8;
	[tilespmem:$0x1E800] =	vst v63  }
0x141: {  	_ =	swait.ge [sflag:s23], $0x4000  }
0x142: {  	[sflag:s23] =	ssyncset.done $0x0  }
0x143: {  	[sflag:s23] =	ssyncadd.s32 $0xFFFFC000  }
0x144: {  	[spmem:s1] =	stream.indirect.scatter.add.f32 [tilespmem:s24], [sflag:$0x2], $0x80, s25, s22, $0xb8;
	[tilespmem:$0x1E800] =	vst v63  }
0x145: {  	_ =	swait.ge [sflag:s26], $0x4000  }
0x146: {  	[sflag:s26] =	ssyncset.done $0x0  }
0x147: {  	[sflag:s26] =	ssyncadd.s32 $0xFFFFC000  }
0x148: {  	[tilespmem:s19], [sflag:$0x1] =	stream.indirect.gather [hbm4b:s5+s22], $0x80, s28, s22, $0xb8;
	[tilespmem:$0x1E800] =	vst v63  }
0x149: {  	_ =	swait.ge [sflag:s23], $0x4000  }
0x14a: {  	[sflag:s23] =	ssyncset.done $0x0  }
0x14b: {  	s2 =	simm.s32 $0x1500;
	[sflag:s23] =	ssyncadd.s32 $0xFFFFC000  }
0x14c: {  	[spmem:s1] =	stream.indirect.scatter.add.f32 [tilespmem:s19], [sflag:$0x2], $0x80, s2, s22, $0xb8;
	[tilespmem:$0x1E800] =	vst v63  }
0x14d: {  	_ =	swait.ge [sflag:s26], $0x4000  }
0x14e: {  	[sflag:s26] =	ssyncset.done $0x0  }
0x14f: {  	s6 =	simm.s32 $0x180;
	[sflag:s26] =	ssyncadd.s32 $0xFFFFC000  }
0x150: {  	[tilespmem:s24], [sflag:$0x1] =	stream.indirect.gather [hbm4b:s5+s22], $0x80, s6, s22, $0xb8;
	[tilespmem:$0x1E800] =	vst v63  }
0x151: {  	_ =	swait.ge [sflag:s23], $0x4000  }
0x152: {  	[sflag:s23] =	ssyncset.done $0x0  }
0x153: {  	s9 =	simm.s32 $0x1580;
	[sflag:s23] =	ssyncadd.s32 $0xFFFFC000  }
0x154: {  	[spmem:s1] =	stream.indirect.scatter.add.f32 [tilespmem:s24], [sflag:$0x2], $0x80, s9, s22, $0xb8;
	[tilespmem:$0x1E800] =	vst v63  }
0x155: {  	_ =	swait.ge [sflag:s26], $0x4000  }
0x156: {  	[sflag:s26] =	ssyncset.done $0x0  }
0x157: {  	s6 =	simm.s32 $0xFFFFBC00;
	s9 =	simm.s32 $0x200;
	[sflag:s26] =	ssyncadd.s32 $0xFFFFC000  }
.LBB2_12:
0x158: {  	[tilespmem:s19], [sflag:$0x1] =	stream.indirect.gather [hbm4b:s5+s22], $0x80, s9, s22, $0xb8;
	[tilespmem:$0x1E800] =	vst v63  }
0x159: {  	s2 =	smov.u32 s6  }
0x15a: {  	p1 =	seq.s32 s6, $0xFFFFFC00;
	s6 =	sadd.s32 $0x400, s6;
	_ =	swait.ge [sflag:s23], $0x4000  }
0x15b: {  	s2 =	sshra.s32 s2, $0x2;
	[sflag:s23] =	ssyncset.done $0x0  }
0x15c: {  	s9 =	sadd.s32 $0x2700, s2;
	[sflag:s23] =	ssyncadd.s32 $0xFFFFC000  }
0x15d: {  	[spmem:s1] =	stream.indirect.scatter.add.f32 [tilespmem:s19], [sflag:$0x2], $0x80, s9, s22, $0xb8;
	[tilespmem:$0x1E800] =	vst v63  }
0x15e: {  	_ =	swait.ge [sflag:s26], $0x4000  }
0x15f: {  	[sflag:s26] =	ssyncset.done $0x0  }
0x160: {  	s9 =	sadd.s32 $0x1380, s2;
	[sflag:s26] =	ssyncadd.s32 $0xFFFFC000  }
0x161: {  	[tilespmem:s24], [sflag:$0x1] =	stream.indirect.gather [hbm4b:s5+s22], $0x80, s9, s22, $0xb8;
	[tilespmem:$0x1E800] =	vst v63  }
0x162: {  	_ =	swait.ge [sflag:s23], $0x4000  }
0x163: {  	[sflag:s23] =	ssyncset.done $0x0  }
.Ltmp8:
0x164: {  	s9 =	sadd.s32 $0x2780, s2;
	[sflag:s23] =	ssyncadd.s32 $0xFFFFC000;
	(pc) =	sbr.rel @!p1 .LBB2_12-.Ltmp8, $4  }
0x165: {  	[spmem:s1] =	stream.indirect.scatter.add.f32 [tilespmem:s24], [sflag:$0x2], $0x80, s9, s22, $0xb8;
	[tilespmem:$0x1E800] =	vst v63  }
0x166: {  	_ =	swait.ge [sflag:s26], $0x4000  }
0x167: {  	[sflag:s26] =	ssyncset.done $0x0  }
0x168: {  	s9 =	sadd.s32 $0x1400, s2;
	[sflag:s26] =	ssyncadd.s32 $0xFFFFC000  }
.Ltmp9:
0x169: {  	_ = 	snop;
	(pc) =	sbr.rel .LBB2_13-.Ltmp9, $1  }
0x16a: {  	_ =	sdelay $0x3  }
.LBB2_15:
0x16b: {  	_ =	sfence.sel $0x180000  }
0x16c: {  	[bflag:$0x0] =	sbarrier.arrive $0xFFFF  }
0x16d: {  	_ =	strace $0x9000004D  }
0x16e: {  	s0 =	stileid.u32;
	[bflag:$0x2] =	sbarrier.arrive $0xFFFF  }
0x16f: {  	p0 =	sne.s32 s0, $0x0;
	s0 =	rddreg [dreg:$0x3]  }
0x170: {  	s0 =	sadd.s32 @!p0 $0x100000, s0  }
0x171: {  	[sflag:s0] =	ssyncadd.tile.s32 @!p0 $0x1;
	_ =	shalt  }
.Lfunc_end2:
_tile_overlayer_lowered:
.L_overlay_start_2:
0x172: {  	(tag) =	ssettag $0x2  }
0x173: {  	s0 =	rddreg [dreg:$0x0];
	s2 =	stileid.u32  }
0x174: {  	s1 =	rddreg [dreg:$0x1];
	p0 =	sne.s32 s2, $0x0  }
0x175: {  	s3 =	rddreg [dreg:$0x2];
	[bflag:$0x3] =	sbarrier.arrive $0xFFFF;
	s2 =	simm.s32 @!p0 $0x1C03  }
0x176: {  	[timem:s3], [sflag:s2] =	dma.local @!p0 [hbm:s0], s1  }
0x177: {  	s0 =	simm.s32 @!p0 $0x3  }
0x178: {  	_ =	swait.ge @!p0 [sflag:s0], s1  }
0x179: {  	s1 =	ssub.s32 @!p0 $0x0, s1;
	[sflag:s0] =	ssyncset.done @!p0 $0x0  }
0x17a: {  	[sflag:s0] =	ssyncadd.s32 @!p0 s1  }
0x17b: {  	[bflag:$0x3] =	sbarrier.arrive $0xFFFF  }
0x17c: {  	_ =	shalt  }

// kernel: kernel.20.cloned.1.call-start
scs
__scs_entry_jumppad:
0x0: {  	(pc) =	sbr.rel $0x88, $3  }
0x1: {  	(tag) =	ssettag $0x0;
	lr =	simm.s32 $0x1  }
0x2: {  	[smem:$0x3F87] =	sst lr;
	_ =	strace $0xD0000000  }
0x3: {  	_ = 	snop  }
0x4: {  	_ = 	snop  }
0x5: {  	_ = 	snop  }
0x6: {  	_ = 	snop  }
0x7: {  	_ = 	snop  }
__scs_overlays_trampoline_lowered:
0x8: {  	[smem:$0x3F96] =	sst s0  }
0x9: {  	[smem:$0x3F97] =	sst s1  }
0xa: {  	[smem:$0x3F98] =	sst s2  }
0xb: {  	[smem:$0x3F99] =	sst s3  }
0xc: {  	[smem:$0x3F9A] =	sst s4  }
0xd: {  	[smem:$0x3F9B] =	sst s5  }
0xe: {  	[smem:$0x3F9C] =	sst s6  }
0xf: {  	[smem:$0x3F9D] =	sst s7  }
0x10: {  	[smem:$0x3F9E] =	sst s8  }
0x11: {  	[smem:$0x3F9F] =	sst s9;
	s0 =	simm.s32 @!p0 $0x0  }
0x12: {  	s1 =	sld [smem:$0x3F85];
	s0 =	simm.s32 @p0 $0x1  }
0x13: {  	[smem:$0x3FA0] =	sst s0;
	s0 =	simm.s32 @!p1 $0x0  }
0x14: {  	s2 =	sld [smem:$0x3F84];
	s0 =	simm.s32 @p1 $0x1  }
0x15: {  	[smem:$0x3FA1] =	sst s0;
	s0 =	simm.s32 @!p2 $0x0  }
0x16: {  	s3 =	sld [smem:$0x3FDB];
	s0 =	simm.s32 @p2 $0x1  }
0x17: {  	s4 =	simm.s32 $0x1BF5;
	[smem:$0x3FA3] =	sst s0  }
0x18: {  	s0 =	sld [smem:$0x3F86];
	_ =	swait.ge [sflag:s4], $0x0  }
0x19: {  	s7 =	sld [smem:$0x3F87]  }
0x1a: {  	s8 =	sadd.s32 $0xFFFFE003, lr  }
0x1b: {  	s9 =	sadd.s32 $0xFFFFFEF7, lr;
	s5 =	simm.s32 $0xFFFFFFFF;
	p2 =	slt.u32 s8, $0xFFFFF086  }
0x1c: {  	p1 =	slt.u32 s9, $0xF7A;
	s5 =	simm.s32 @!p2 $0x0  }
0x1d: {  	s5 =	simm.s32 @p1 $0x1;
	p0 =	seq.s32 s7, s2  }
0x1e: {  	s7 =	smul.u32 @!p0 $0xF7A, s2;
	p2 =	seq.s32 @!p0 s5, $0x0  }
0x1f: {  	s9 =	smul.u32 $0xF7A, s1;
	s8 =	simm.s32 @!p0 $0x1BF5;
	p2 =	por !p2, p0  }
0x20: {  	[sflag:s8] =	ssyncset.s32 @!p0 $0xFFFFF086;
	s6 =	sadd.s32 @!p0 s3, s7;
	s7 =	simm.s32 @!p0 $0x108  }
0x21: {  	s3 =	sadd.s32 s3, s9;
	s6 =	sadd.s32 @!p0 $0x88, s6;
	s7 =	simm.s32 @p2 $0x1082  }
0x22: {  	[simem:s7], [sflag:s8] =	dma.local @!p0 [hbm:s6], $0xF7A  }
0x23: {  	s9 =	sor.u32 $0xD0000000, s2;
	s6 =	simm.s32 $0x108;
	_ =	swait.ge @!p0 [sflag:s8], $0x0  }
0x24: {  	s3 =	sadd.s32 $0x88, s3;
	s6 =	simm.s32 @!p1 $0x1082;
	[sflag:s4] =	ssyncset.s32 $0xFFFFF086  }
0x25: {  	[simem:s6], [sflag:s4] =	dma.local [hbm:s3], $0xF7A  }
0x26: {  	[smem:$0x3F87] =	sst s1;
	(tag) =	ssettag s2;
	_ =	strace s9  }
0x27: {  	s1 =	sld [smem:$0x3F97]  }
0x28: {  	s2 =	sld [smem:$0x3F98]  }
0x29: {  	s4 =	sld [smem:$0x3F9A]  }
0x2a: {  	p0 =	seq.s32 s5, $0x0;
	s5 =	sld [smem:$0x3F9B]  }
0x2b: {  	s6 =	sld [smem:$0x3F9C]  }
0x2c: {  	s7 =	sld [smem:$0x3F9D]  }
0x2d: {  	s3 =	simm.s32 $0x108;
	s8 =	sld [smem:$0x3F9E]  }
0x2e: {  	s3 =	simm.s32 @!p0 $0x1082;
	s9 =	sld [smem:$0x3F9F]  }
0x2f: {  	lr =	sadd.s32 s0, s3;
	s0 =	sld [smem:$0x3F96]  }
0x30: {  	s3 =	sld [smem:$0x3F99]  }
0x31: {  	[smem:$0x3FA2] =	sst s10  }
0x32: {  	s10 =	sld [smem:$0x3FA0];
	_ =	sdelay $0x3  }
0x33: {  	p0 =	seq.s32 s10, $0x1;
	s10 =	sld [smem:$0x3FA2];
	_ =	sdelay $0x3  }
0x34: {  	[smem:$0x3FA2] =	sst s10  }
0x35: {  	s10 =	sld [smem:$0x3FA1];
	_ =	sdelay $0x3  }
0x36: {  	p1 =	seq.s32 s10, $0x1;
	s10 =	sld [smem:$0x3FA2];
	_ =	sdelay $0x3  }
0x37: {  	[smem:$0x3FA2] =	sst s10  }
0x38: {  	s10 =	sld [smem:$0x3FA3]  }
0x39: {  	_ = 	snop;
	(pc) =	sbr.ind lr, $3  }
0x3a: {  	_ = 	snop  }
0x3b: {  	_ = 	snop  }
0x3c: {  	p2 =	seq.s32 s10, $0x1;
	s10 =	sld [smem:$0x3FA2]  }
0x3d: {  	_ =	shalt  }
0x3e: {  	_ =	shalt  }
0x3f: {  	_ =	shalt  }
0x40: {  	_ =	shalt  }
0x41: {  	_ =	shalt  }
0x42: {  	_ =	shalt  }
0x43: {  	_ =	shalt  }
0x44: {  	_ =	shalt  }
0x45: {  	_ =	shalt  }
0x46: {  	_ =	shalt  }
0x47: {  	_ =	shalt  }
0x48: {  	_ =	shalt  }
0x49: {  	_ =	shalt  }
0x4a: {  	_ =	shalt  }
0x4b: {  	_ =	shalt  }
0x4c: {  	_ =	shalt  }
0x4d: {  	_ =	shalt  }
0x4e: {  	_ =	shalt  }
0x4f: {  	_ =	shalt  }
0x50: {  	_ =	shalt  }
0x51: {  	_ =	shalt  }
0x52: {  	_ =	shalt  }
0x53: {  	_ =	shalt  }
0x54: {  	_ =	shalt  }
0x55: {  	_ =	shalt  }
0x56: {  	_ =	shalt  }
0x57: {  	_ =	shalt  }
0x58: {  	_ =	shalt  }
0x59: {  	_ =	shalt  }
0x5a: {  	_ =	shalt  }
0x5b: {  	_ =	shalt  }
0x5c: {  	_ =	shalt  }
0x5d: {  	_ =	shalt  }
0x5e: {  	_ =	shalt  }
0x5f: {  	_ =	shalt  }
0x60: {  	_ =	shalt  }
0x61: {  	_ =	shalt  }
0x62: {  	_ =	shalt  }
0x63: {  	_ =	shalt  }
0x64: {  	_ =	shalt  }
0x65: {  	_ =	shalt  }
0x66: {  	_ =	shalt  }
0x67: {  	_ =	shalt  }
0x68: {  	_ =	shalt  }
0x69: {  	_ =	shalt  }
0x6a: {  	_ =	shalt  }
0x6b: {  	_ =	shalt  }
0x6c: {  	_ =	shalt  }
0x6d: {  	_ =	shalt  }
0x6e: {  	_ =	shalt  }
0x6f: {  	_ =	shalt  }
0x70: {  	_ =	shalt  }
0x71: {  	_ =	shalt  }
0x72: {  	_ =	shalt  }
0x73: {  	_ =	shalt  }
0x74: {  	_ =	shalt  }
0x75: {  	_ =	shalt  }
0x76: {  	_ =	shalt  }
0x77: {  	_ =	shalt  }
0x78: {  	_ =	shalt  }
0x79: {  	_ =	shalt  }
0x7a: {  	_ =	shalt  }
0x7b: {  	_ =	shalt  }
0x7c: {  	_ =	shalt  }
0x7d: {  	_ =	shalt  }
0x7e: {  	_ =	shalt  }
0x7f: {  	_ =	shalt  }
0x80: {  	_ =	shalt  }
0x81: {  	_ =	shalt  }
0x82: {  	_ =	shalt  }
0x83: {  	_ =	shalt  }
0x84: {  	_ =	shalt  }
0x85: {  	_ =	shalt  }
0x86: {  	_ =	shalt  }
0x87: {  	_ =	shalt  }
.Lfunc_end0:
.L_simem_size_0:
called_computation.3_lowered:
.L_overlay_start_0:
0x88: {  	s2 =	sld [smem:$0x3FD9]  }
0x89: {  	s3 =	sld [smem:$0x3FFE];
	_ =	sdelay $0x1  }
0x8a: {  	s1 =	srdreg.scid  }
0x8b: {  	s0 =	sand.u32 $0x1, s1  }
0x8c: {  	s17 =	sshll.u32 s0, $0xA;
	s2 =	sadd.s32 s3, s2  }
0x8d: {  	s2 =	sadd.s32 s2, s17  }
0x8e: {  	[smem:$0x3FAE] =	sst s2  }
0x8f: {  	_ = 	snop  }
0x90: {  	s2 =	sld [smem:$0x3FD0];
	(tm) =	ssettm $0x1  }
0x91: {  	s18 =	sld [smem:$0x3FFB];
	_ =	sdelay $0x3  }
0x92: {  	_ =	strace s18  }
0x93: {  	s3 =	sld [smem:$0x3FFC];
	_ =	sdelay $0x3  }
0x94: {  	_ =	strace s3  }
0x95: {  	s3 =	sld [smem:$0x3FFD];
	_ =	sdelay $0x3  }
0x96: {  	_ =	strace s3  }
0x97: {  	_ =	strace $0x8FFFFFFF  }
0x98: {  	s19 =	sld [smem:$0x3FDB];
	_ =	sdelay $0x1  }
0x99: {  	s4 =	simm.s32 $_scs_section_size  }
0x9a: {  	s5 =	simm.s32 $_size__tile_overlayer_lowered;
	s6 =	simm.s32 $_tile_overlayer_lowered  }
0x9b: {  	s22 =	simm.s32 $0x1BFF;
	s21 =	sshll.u32 s6, $0x1;
	s3 =	sadd.s32 s4, s19  }
0x9c: {  	s7 =	simm.s32 $0x0;
	s20 =	sshll.u32 s5, $0x1;
	s5 =	sadd.s32 s21, s3  }
0x9d: {  	[timem:s7], [sflag:s22] =	dma.local [hbm:s5], s20  }
0x9e: {  	_ =	swait.ge [sflag:s22], s20  }
0x9f: {  	s4 =	ssub.s32 $0x0, s20;
	[sflag:s22] =	ssyncset.done $0x0  }
0xa0: {  	[sflag:s22] =	ssyncadd.s32 s4;
	_ =	sdelay $0x1  }
0xa1: {  	s23 =	simm.s32 $0x1B8B  }
0xa2: {  	_ =	swait.ge [sflag:s23], $0x1  }
0xa3: {  	[sflag:s23] =	ssyncset.done $0x0  }
0xa4: {  	s25 =	simm.s32 $0x1B8E;
	s24 =	sld [smem:$0x3FFE];
	[sflag:s23] =	ssyncadd.s32 $0xFFFFFFFF  }
0xa5: {  	s26 =	simm.s32 $execute0_lowered;
	[smem:$0x3FD2] =	sst s25  }
0xa6: {  	s5 =	sshll.u32 s26, $0x1;
	_ =	strace $0x8000004F;
	[dreg:$0x1] =	wrdreg $0xFFFFFFFF  }
0xa7: {  	s28 =	simm.s32 $_size_execute0_lowered;
	s3 =	sadd.s32 s3, s5;
	[dreg:$0x0] =	wrdreg $0x0  }
0xa8: {  	s5 =	sshll.u32 s28, $0x1;
	[dreg:$0x2] =	wrdreg s3  }
0xa9: {  	[dreg:$0x3] =	wrdreg s5  }
0xaa: {  	[dreg:$0x4] =	wrdreg $0xC0  }
0xab: {  	_ =	task [dreg:s7], $0x5FFFF  }
0xac: {  	[dreg:$0x1] =	wrdreg $0xFFFFFFFF  }
0xad: {  	[dreg:$0x0] =	wrdreg $0x60  }
0xae: {  	[dreg:$0x2] =	wrdreg s24  }
0xaf: {  	[dreg:$0x3] =	wrdreg s2  }
0xb0: {  	[dreg:$0x4] =	wrdreg $0xA8000  }
0xb1: {  	[dreg:$0x5] =	wrdreg $0x9  }
0xb2: {  	_ =	task.clear_ibuf [dreg:s7], $0x6FFFF;
	_ =	strace $0x9000004F  }
0xb3: {  	s29 =	simm.s32 $0x9;
	_ =	strace $0x80000051  }
0xb4: {  	_ =	swait.ge [sflag:s29], $0x1  }
0xb5: {  	[sflag:s29] =	ssyncadd.s32 $0xFFFFFFFF  }
0xb6: {  	_ =	strace $0x90000051  }
0xb7: {  	_ =	sfence  }
0xb8: {  	s30 =	sld [smem:$0x0];
	_ =	sdelay $0x2  }
0xb9: {  	s31 =	sshll.u32 s1, $0xD;
	s1 =	sshrl.u32 s1, $0x2  }
0xba: {  	s3 =	sand.u32 $0x4000, s31;
	s1 =	sadd.s32 s1, s30  }
0xbb: {  	s0 =	sor.u32 s3, s0;
	s1 =	sshll.u32 s1, $0x11  }
0xbc: {  	s0 =	sor.u32 s1, s0  }
0xbd: {  	s0 =	sadd.s32 $0x8F2B, s0  }
0xbe: {  	[sflag:s0] =	ssyncadd.remote.s32 $0x1  }
0xbf: {  	_ =	sfence.sel $0xFFFF  }
0xc0: {  	[dreg:$0x0] =	wrdreg $0xFFFFFFFF;
	(pc) =	sbr.abs _section_cstart, $3  }
0xc1: {  	[dreg:$0x1] =	wrdreg $0xFFFFFFFF  }
0xc2: {  	_ =	task.clear_ibuf [dreg:s7], $0x2FFFF;
	_ =	strace $0x9FFFFFFF  }
0xc3: {  	(tm) =	ssettm $0x7FFFFFFF  }
tec
execute0_lowered:
.L_overlay_start_1:
0x0: {  	(tag) =	ssettag $0x1  }
0x1: {  	s0 =	rddreg [dreg:$0x0]  }
0x2: {  	s6 =	rddreg [dreg:$0x1]  }
0x3: {  	s1 =	rddreg [dreg:$0x2];
	s3 =	simm.s32 $0x0  }
0x4: {  	s2 =	stileid.u32;
	s7 =	srdreg.scid;
	s20 =	simm.s32 $0x3  }
0x5: {  	s21 =	simm.s32 $0x1400;
	s22 =	simm.s32 $0x80;
	s23 =	simm.s32 $0x1  }
0x6: {  	s28 =	simm.s32 $0x100;
	s29 =	simm.s32 $0x2700;
	s30 =	simm.s32 $0x1380  }
0x7: {  	s31 =	simm.s32 $0x2780;
	[smem:$0x7FF] =	sst s3;
	s4 =	sadd.s32 $0x33C00, s0  }
0x8: {  	s8 =	smul.u32 $0x50000, s2;
	s5 =	sadd.s32 $0x83C00, s0;
	s9 =	sadd.s32 $0x2EC00, s0  }
0x9: {  	s19 =	sand.u32 $0x1, s7;
	s24 =	sadd.s32 $0xABC00, s0;
	s0 =	sadd.s32 $0xD3C00, s0  }
0xa: {  	_ =	strace $0x80000050;
	[dreg:$0x4] =	wrdreg s24;
	s10 =	ssub.s32 $0x2, s19  }
0xb: {  	[dreg:$0x5] =	wrdreg s0;
	p0 =	sne.s32 s19, $0x0;
	s19 =	simm.s32 $0x2800  }
0xc: {  	s24 =	simm.s32 $0x6800;
	s0 =	simm.s32 $0x0;
	s25 =	sshrl.u32 s8, $0x2  }
0xd: {  	s11 =	sshrl.u32 s10, $0x1;
	s8 =	smul.u32 $0x2800, s2;
	s7 =	sadd.s32 s25, s1  }
.Ltmp0:
0xe: {  	s26 =	ssub.s32 s10, s11;
	s25 =	simm.s32 $0x1480;
	(pc) =	sbr.rel .LBB2_1-.Ltmp0, $4  }
0xf: {  	s10 =	sadd.s32 $0x4000, s7;
	s11 =	sadd.s32 $0x8000, s7;
	s12 =	sadd.s32 $0xC000, s7  }
0x10: {  	s15 =	sshrl.u32 s8, $0x3;
	s13 =	sadd.s32 $0x10000, s7;
	s18 =	smax.u32 s26, $0x1  }
0x11: {  	s26 =	simm.s32 $0x2;
	s14 =	sadd.s32 s6, s15;
	s17 =	sadd.s32 $0x280, s15  }
0x12: {  	v0 =	vimm.f32 $0.0e+00;
	s15 =	sadd.s32 s9, s15;
	s16 =	sadd.s32 s6, s17;
	s17 =	sadd.s32 s9, s17  }
.LBB2_13:
0x13: {  	[tilespmem:s19], [sflag:$0x1] =	stream.indirect.gather [hbm4b:s5+s22], $0x80, s9, s22, $0xb8;
	[tilespmem:$0x1E800] =	vst v63  }
0x14: {  	_ =	swait.ge [sflag:s23], $0x4000  }
0x15: {  	[sflag:s23] =	ssyncset.done $0x0  }
0x16: {  	[sflag:s23] =	ssyncadd.s32 $0xFFFFC000  }
0x17: {  	[spmem:s1] =	stream.indirect.scatter.add.f32 [tilespmem:s19], [sflag:$0x2], $0x80, s29, s22, $0xb8;
	[tilespmem:$0x1E800] =	vst v63  }
0x18: {  	_ =	swait.ge [sflag:s26], $0x4000  }
0x19: {  	[sflag:s26] =	ssyncset.done $0x0  }
0x1a: {  	[sflag:s26] =	ssyncadd.s32 $0xFFFFC000  }
0x1b: {  	[tilespmem:s24], [sflag:$0x1] =	stream.indirect.gather [hbm4b:s5+s22], $0x80, s30, s22, $0xb8;
	[tilespmem:$0x1E800] =	vst v63  }
0x1c: {  	_ =	swait.ge [sflag:s23], $0x4000  }
0x1d: {  	[sflag:s23] =	ssyncset.done $0x0  }
0x1e: {  	[sflag:s23] =	ssyncadd.s32 $0xFFFFC000  }
0x1f: {  	[spmem:s1] =	stream.indirect.scatter.add.f32 [tilespmem:s24], [sflag:$0x2], $0x80, s31, s22, $0xb8;
	[tilespmem:$0x1E800] =	vst v63  }
0x20: {  	_ =	swait.ge [sflag:s26], $0x4000  }
0x21: {  	[sflag:s26] =	ssyncset.done $0x0  }
0x22: {  	s6 =	rddreg [dreg:$0x5];
	[sflag:s26] =	ssyncadd.s32 $0xFFFFC000  }
0x23: {  	[tilespmem:s19], [sflag:$0x1] =	stream.indirect.gather [hbm4b:s5+s22], $0x80, s3, s22, $0xb8;
	[tilespmem:$0x1E800] =	vst v63  }
.LBB2_14:
0x24: {  	_ =	swait.ge [sflag:s23], $0x4000  }
0x25: {  	[sflag:s23] =	ssyncset.done $0x0  }
0x26: {  	[sflag:s23] =	ssyncadd.s32 $0xFFFFC000  }
0x27: {  	s2 =	sadd.s32 s6, s8;
	s9 =	stileid.u32;
	_ =	swait.ge [sflag:s26], $0x4000  }
0x28: {  	s0 =	sadd.s32 $0x1, s0;
	s6 =	sshll.u32 s9, $0x6;
	[sflag:s26] =	ssyncset.done $0x0  }
0x29: {  	s9 =	sshrl.u32 s7, $0x3;
	p1 =	sne.s32 s0, s18;
	[sflag:s26] =	ssyncadd.s32 $0xFFFFC000  }
.Ltmp1:
0x2a: {  	s6 =	sor.u32 $0x1C03, s6;
	[bflag:$0x0] =	sbarrier.arrive $0xFFFF;
	(pc) =	sbr.rel @!p1 .LBB2_15-.Ltmp1, $4  }
0x2b: {  	[hbm:s2], [sflag:s6] =	dma.local [spmem:s9], $0x2800  }
0x2c: {  	_ =	swait.ge [sflag:s20], $0x2800  }
0x2d: {  	[sflag:s20] =	ssyncset.done $0x0  }
0x2e: {  	[sflag:s20] =	ssyncadd.s32 $0xFFFFD800  }
.LBB2_1:
0x2f: {  	s6 =	simm.s32 $0x0;
	s9 =	simm.s32 $0x200  }
.LBB2_2:
0x30: {  	p1 =	sne.s32 s9, $0xFE00;
	[tilespmem:s6+$0x2870] =	vst v0  }
0x31: {  	[tilespmem:s6+$0x2800] =	vst v0  }
0x32: {  	[tilespmem:s6+$0x2810] =	vst v0  }
.Ltmp2:
0x33: {  	[tilespmem:s6+$0x2820] =	vst v0;
	(pc) =	sbr.rel @p1 .LBB2_2-.Ltmp2, $4  }
0x34: {  	[tilespmem:s6+$0x2830] =	vst v0  }
0x35: {  	[tilespmem:s6+$0x2840] =	vst v0  }
0x36: {  	[tilespmem:s6+$0x2850] =	vst v0  }
0x37: {  	[tilespmem:s6+$0x2860] =	vst v0;
	s6 =	sshra.s32 s9, $0x2;
	s9 =	sadd.s32 $0x200, s9  }
0x38: {  	[tilespmem:s6+$0x2870] =	vst v0  }
0x39: {  	[tilespmem:s6+$0x2800] =	vst v0  }
0x3a: {  	[tilespmem:s6+$0x2810] =	vst v0  }
0x3b: {  	[tilespmem:s6+$0x2820] =	vst v0  }
0x3c: {  	[tilespmem:s6+$0x2830] =	vst v0  }
0x3d: {  	[tilespmem:s6+$0x2840] =	vst v0  }
0x3e: {  	[tilespmem:s6+$0x2850] =	vst v0  }
0x3f: {  	[tilespmem:s6+$0x2860] =	vst v0  }
0x40: {  	[spmem:s7] =	stream.linear.scatter [tilespmem:s19], [sflag:$0x3], $0x4000, $0x38;
	[tilespmem:$0x1E800] =	vst v63  }
0x41: {  	_ =	swait.ge [sflag:s20], $0x4000  }
0x42: {  	[sflag:s20] =	ssyncset.done $0x0  }
0x43: {  	[sflag:s20] =	ssyncadd.s32 $0xFFFFC000  }
0x44: {  	[spmem:s10] =	stream.linear.scatter [tilespmem:s19], [sflag:$0x3], $0x4000, $0x38;
	[tilespmem:$0x1E800] =	vst v63  }
0x45: {  	_ =	swait.ge [sflag:s20], $0x4000  }
0x46: {  	[sflag:s20] =	ssyncset.done $0x0  }
0x47: {  	[sflag:s20] =	ssyncadd.s32 $0xFFFFC000  }
0x48: {  	[spmem:s11] =	stream.linear.scatter [tilespmem:s19], [sflag:$0x3], $0x4000, $0x38;
	[tilespmem:$0x1E800] =	vst v63  }
0x49: {  	_ =	swait.ge [sflag:s20], $0x4000  }
0x4a: {  	[sflag:s20] =	ssyncset.done $0x0  }
0x4b: {  	[sflag:s20] =	ssyncadd.s32 $0xFFFFC000  }
0x4c: {  	[spmem:s12] =	stream.linear.scatter [tilespmem:s19], [sflag:$0x3], $0x4000, $0x38;
	[tilespmem:$0x1E800] =	vst v63  }
0x4d: {  	_ =	swait.ge [sflag:s20], $0x4000  }
0x4e: {  	[sflag:s20] =	ssyncset.done $0x0  }
0x4f: {  	[sflag:s20] =	ssyncadd.s32 $0xFFFFC000  }
0x50: {  	[spmem:s13] =	stream.linear.scatter [tilespmem:s19], [sflag:$0x3], $0x4000, $0x38;
	[tilespmem:$0x1E800] =	vst v63  }
0x51: {  	_ =	swait.ge [sflag:s20], $0x4000  }
0x52: {  	[sflag:s20] =	ssyncset.done $0x0  }
0x53: {  	[sflag:s20] =	ssyncadd.s32 $0xFFFFC000  }
0x54: {  	[bflag:$0x0] =	sbarrier.arrive $0xFFFF  }
0x55: {  	[tilespmem:s3], [sflag:$0x3] =	stream.linear.gather [hbm4b:s14+s3], $0x1400, $0x38;
	[tilespmem:$0x1E800] =	vst v63  }
0x56: {  	_ =	swait.ge [sflag:s20], $0x1400  }
0x57: {  	[sflag:s20] =	ssyncset.done $0x0  }
.Ltmp3:
0x58: {  	[sflag:s20] =	ssyncadd.s32 $0xFFFFEC00;
	(pc) =	sbr.rel @p0 .LBB2_9-.Ltmp3, $4  }
0x59: {  	[tilespmem:s21], [sflag:$0x3] =	stream.linear.gather [hbm4b:s15+s3], $0x1400, $0x38;
	[tilespmem:$0x1E800] =	vst v63  }
0x5a: {  	_ =	swait.ge [sflag:s20], $0x1400  }
0x5b: {  	[sflag:s20] =	ssyncset.done $0x0  }
0x5c: {  	[sflag:s20] =	ssyncadd.s32 $0xFFFFEC00  }
0x5d: {  	[tilespmem:s19], [sflag:$0x1] =	stream.indirect.gather [hbm4b:s4+s22], $0x80, s3, s22, $0xb8;
	[tilespmem:$0x1E800] =	vst v63  }
0x5e: {  	_ =	swait.ge [sflag:s23], $0x4000  }
0x5f: {  	[sflag:s23] =	ssyncset.done $0x0  }
0x60: {  	[sflag:s23] =	ssyncadd.s32 $0xFFFFC000  }
0x61: {  	[spmem:s1] =	stream.indirect.scatter.add.f32 [tilespmem:s19], [sflag:$0x2], $0x80, s21, s22, $0xb8;
	[tilespmem:$0x1E800] =	vst v63  }
0x62: {  	_ = 	snop  }
0x63: {  	[tilespmem:s24], [sflag:$0x1] =	stream.indirect.gather [hbm4b:s4+s22], $0x80, s22, s22, $0xb8;
	[tilespmem:$0x1E800] =	vst v63  }
0x64: {  	_ =	swait.ge [sflag:s23], $0x4000  }
0x65: {  	[sflag:s23] =	ssyncset.done $0x0  }
0x66: {  	[sflag:s23] =	ssyncadd.s32 $0xFFFFC000  }
0x67: {  	[spmem:s1] =	stream.indirect.scatter.add.f32 [tilespmem:s24], [sflag:$0x2], $0x80, s25, s22, $0xb8;
	[tilespmem:$0x1E800] =	vst v63  }
0x68: {  	_ =	swait.ge [sflag:s26], $0x4000  }
0x69: {  	[sflag:s26] =	ssyncset.done $0x0  }
0x6a: {  	[sflag:s26] =	ssyncadd.s32 $0xFFFFC000  }
0x6b: {  	[tilespmem:s19], [sflag:$0x1] =	stream.indirect.gather [hbm4b:s4+s22], $0x80, s28, s22, $0xb8;
	[tilespmem:$0x1E800] =	vst v63  }
0x6c: {  	_ =	swait.ge [sflag:s23], $0x4000  }
0x6d: {  	[sflag:s23] =	ssyncset.done $0x0  }
0x6e: {  	s6 =	simm.s32 $0x1500;
	[sflag:s23] =	ssyncadd.s32 $0xFFFFC000  }
0x6f: {  	[spmem:s1] =	stream.indirect.scatter.add.f32 [tilespmem:s19], [sflag:$0x2], $0x80, s6, s22, $0xb8;
	[tilespmem:$0x1E800] =	vst v63  }
0x70: {  	_ =	swait.ge [sflag:s26], $0x4000  }
0x71: {  	[sflag:s26] =	ssyncset.done $0x0  }
0x72: {  	s2 =	simm.s32 $0x180;
	[sflag:s26] =	ssyncadd.s32 $0xFFFFC000  }
0x73: {  	[tilespmem:s24], [sflag:$0x1] =	stream.indirect.gather [hbm4b:s4+s22], $0x80, s2, s22, $0xb8;
	[tilespmem:$0x1E800] =	vst v63  }
0x74: {  	_ =	swait.ge [sflag:s23], $0x4000  }
0x75: {  	[sflag:s23] =	ssyncset.done $0x0  }
0x76: {  	s9 =	simm.s32 $0x1580;
	[sflag:s23] =	ssyncadd.s32 $0xFFFFC000  }
0x77: {  	[spmem:s1] =	stream.indirect.scatter.add.f32 [tilespmem:s24], [sflag:$0x2], $0x80, s9, s22, $0xb8;
	[tilespmem:$0x1E800] =	vst v63  }
0x78: {  	_ =	swait.ge [sflag:s26], $0x4000  }
0x79: {  	[sflag:s26] =	ssyncset.done $0x0  }
0x7a: {  	s6 =	simm.s32 $0xFFFFBC00;
	s9 =	simm.s32 $0x200;
	[sflag:s26] =	ssyncadd.s32 $0xFFFFC000  }
.LBB2_5:
0x7b: {  	[tilespmem:s19], [sflag:$0x1] =	stream.indirect.gather [hbm4b:s4+s22], $0x80, s9, s22, $0xb8;
	[tilespmem:$0x1E800] =	vst v63  }
0x7c: {  	s9 =	smov.u32 s6  }
0x7d: {  	p1 =	sne.s32 s6, $0xFFFFFC00;
	s6 =	sadd.s32 $0x400, s6;
	_ =	swait.ge [sflag:s23], $0x4000  }
0x7e: {  	s9 =	sshra.s32 s9, $0x2;
	[sflag:s23] =	ssyncset.done $0x0  }
0x7f: {  	s2 =	sadd.s32 $0x2700, s9;
	[sflag:s23] =	ssyncadd.s32 $0xFFFFC000  }
0x80: {  	[spmem:s1] =	stream.indirect.scatter.add.f32 [tilespmem:s19], [sflag:$0x2], $0x80, s2, s22, $0xb8;
	[tilespmem:$0x1E800] =	vst v63  }
0x81: {  	_ =	swait.ge [sflag:s26], $0x4000  }
0x82: {  	[sflag:s26] =	ssyncset.done $0x0  }
0x83: {  	s2 =	sadd.s32 $0x1380, s9;
	[sflag:s26] =	ssyncadd.s32 $0xFFFFC000  }
0x84: {  	[tilespmem:s24], [sflag:$0x1] =	stream.indirect.gather [hbm4b:s4+s22], $0x80, s2, s22, $0xb8;
	[tilespmem:$0x1E800] =	vst v63  }
0x85: {  	_ =	swait.ge [sflag:s23], $0x4000  }
0x86: {  	[sflag:s23] =	ssyncset.done $0x0  }
.Ltmp4:
0x87: {  	s2 =	sadd.s32 $0x2780, s9;
	[sflag:s23] =	ssyncadd.s32 $0xFFFFC000;
	(pc) =	sbr.rel @p1 .LBB2_5-.Ltmp4, $4  }
0x88: {  	[spmem:s1] =	stream.indirect.scatter.add.f32 [tilespmem:s24], [sflag:$0x2], $0x80, s2, s22, $0xb8;
	[tilespmem:$0x1E800] =	vst v63  }
0x89: {  	_ =	swait.ge [sflag:s26], $0x4000  }
0x8a: {  	[sflag:s26] =	ssyncset.done $0x0  }
0x8b: {  	s9 =	sadd.s32 $0x1400, s9;
	[sflag:s26] =	ssyncadd.s32 $0xFFFFC000  }
0x8c: {  	[tilespmem:s19], [sflag:$0x1] =	stream.indirect.gather [hbm4b:s4+s22], $0x80, s9, s22, $0xb8;
	[tilespmem:$0x1E800] =	vst v63  }
0x8d: {  	_ =	swait.ge [sflag:s23], $0x4000  }
0x8e: {  	[sflag:s23] =	ssyncset.done $0x0  }
0x8f: {  	[sflag:s23] =	ssyncadd.s32 $0xFFFFC000  }
0x90: {  	[spmem:s1] =	stream.indirect.scatter.add.f32 [tilespmem:s19], [sflag:$0x2], $0x80, s29, s22, $0xb8;
	[tilespmem:$0x1E800] =	vst v63  }
0x91: {  	_ =	swait.ge [sflag:s26], $0x4000  }
0x92: {  	[sflag:s26] =	ssyncset.done $0x0  }
0x93: {  	[sflag:s26] =	ssyncadd.s32 $0xFFFFC000  }
0x94: {  	[tilespmem:s24], [sflag:$0x1] =	stream.indirect.gather [hbm4b:s4+s22], $0x80, s30, s22, $0xb8;
	[tilespmem:$0x1E800] =	vst v63  }
0x95: {  	_ =	swait.ge [sflag:s23], $0x4000  }
0x96: {  	[sflag:s23] =	ssyncset.done $0x0  }
0x97: {  	[sflag:s23] =	ssyncadd.s32 $0xFFFFC000  }
0x98: {  	[spmem:s1] =	stream.indirect.scatter.add.f32 [tilespmem:s24], [sflag:$0x2], $0x80, s31, s22, $0xb8;
	[tilespmem:$0x1E800] =	vst v63  }
0x99: {  	_ =	swait.ge [sflag:s26], $0x4000  }
0x9a: {  	[sflag:s26] =	ssyncset.done $0x0  }
0x9b: {  	[sflag:s26] =	ssyncadd.s32 $0xFFFFC000  }
0x9c: {  	[tilespmem:s19], [sflag:$0x1] =	stream.indirect.gather [hbm4b:s4+s22], $0x80, s3, s22, $0xb8;
	[tilespmem:$0x1E800] =	vst v63  }
0x9d: {  	_ =	swait.ge [sflag:s23], $0x4000  }
0x9e: {  	[sflag:s23] =	ssyncset.done $0x0  }
0x9f: {  	[sflag:s23] =	ssyncadd.s32 $0xFFFFC000  }
0xa0: {  	_ =	swait.ge [sflag:s26], $0x4000  }
0xa1: {  	[sflag:s26] =	ssyncset.done $0x0  }
0xa2: {  	[sflag:s26] =	ssyncadd.s32 $0xFFFFC000  }
0xa3: {  	[tilespmem:s3], [sflag:$0x3] =	stream.linear.gather [hbm4b:s16+s3], $0x1400, $0x38;
	[tilespmem:$0x1E800] =	vst v63  }
0xa4: {  	_ =	swait.ge [sflag:s20], $0x1400  }
0xa5: {  	[sflag:s20] =	ssyncset.done $0x0  }
0xa6: {  	[sflag:s20] =	ssyncadd.s32 $0xFFFFEC00  }
0xa7: {  	[tilespmem:s21], [sflag:$0x3] =	stream.linear.gather [hbm4b:s17+s3], $0x1400, $0x38;
	[tilespmem:$0x1E800] =	vst v63  }
0xa8: {  	_ =	swait.ge [sflag:s20], $0x1400  }
0xa9: {  	[sflag:s20] =	ssyncset.done $0x0  }
0xaa: {  	[sflag:s20] =	ssyncadd.s32 $0xFFFFEC00  }
0xab: {  	[tilespmem:s19], [sflag:$0x1] =	stream.indirect.gather [hbm4b:s4+s22], $0x80, s3, s22, $0xb8;
	[tilespmem:$0x1E800] =	vst v63  }
0xac: {  	_ =	swait.ge [sflag:s23], $0x4000  }
0xad: {  	[sflag:s23] =	ssyncset.done $0x0  }
0xae: {  	[sflag:s23] =	ssyncadd.s32 $0xFFFFC000  }
0xaf: {  	[spmem:s1] =	stream.indirect.scatter.add.f32 [tilespmem:s19], [sflag:$0x2], $0x80, s21, s22, $0xb8;
	[tilespmem:$0x1E800] =	vst v63  }
0xb0: {  	_ = 	snop  }
0xb1: {  	[tilespmem:s24], [sflag:$0x1] =	stream.indirect.gather [hbm4b:s4+s22], $0x80, s22, s22, $0xb8;
	[tilespmem:$0x1E800] =	vst v63  }
0xb2: {  	_ =	swait.ge [sflag:s23], $0x4000  }
0xb3: {  	[sflag:s23] =	ssyncset.done $0x0  }
0xb4: {  	[sflag:s23] =	ssyncadd.s32 $0xFFFFC000  }
0xb5: {  	[spmem:s1] =	stream.indirect.scatter.add.f32 [tilespmem:s24], [sflag:$0x2], $0x80, s25, s22, $0xb8;
	[tilespmem:$0x1E800] =	vst v63  }
0xb6: {  	_ =	swait.ge [sflag:s26], $0x4000  }
0xb7: {  	[sflag:s26] =	ssyncset.done $0x0  }
0xb8: {  	[sflag:s26] =	ssyncadd.s32 $0xFFFFC000  }
0xb9: {  	[tilespmem:s19], [sflag:$0x1] =	stream.indirect.gather [hbm4b:s4+s22], $0x80, s28, s22, $0xb8;
	[tilespmem:$0x1E800] =	vst v63  }
0xba: {  	_ =	swait.ge [sflag:s23], $0x4000  }
0xbb: {  	[sflag:s23] =	ssyncset.done $0x0  }
0xbc: {  	s2 =	simm.s32 $0x1500;
	[sflag:s23] =	ssyncadd.s32 $0xFFFFC000  }
0xbd: {  	[spmem:s1] =	stream.indirect.scatter.add.f32 [tilespmem:s19], [sflag:$0x2], $0x80, s2, s22, $0xb8;
	[tilespmem:$0x1E800] =	vst v63  }
0xbe: {  	_ =	swait.ge [sflag:s26], $0x4000  }
0xbf: {  	[sflag:s26] =	ssyncset.done $0x0  }
0xc0: {  	s6 =	simm.s32 $0x180;
	[sflag:s26] =	ssyncadd.s32 $0xFFFFC000  }
0xc1: {  	[tilespmem:s24], [sflag:$0x1] =	stream.indirect.gather [hbm4b:s4+s22], $0x80, s6, s22, $0xb8;
	[tilespmem:$0x1E800] =	vst v63  }
0xc2: {  	_ =	swait.ge [sflag:s23], $0x4000  }
0xc3: {  	[sflag:s23] =	ssyncset.done $0x0  }
0xc4: {  	s9 =	simm.s32 $0x1580;
	[sflag:s23] =	ssyncadd.s32 $0xFFFFC000  }
0xc5: {  	[spmem:s1] =	stream.indirect.scatter.add.f32 [tilespmem:s24], [sflag:$0x2], $0x80, s9, s22, $0xb8;
	[tilespmem:$0x1E800] =	vst v63  }
0xc6: {  	_ =	swait.ge [sflag:s26], $0x4000  }
0xc7: {  	[sflag:s26] =	ssyncset.done $0x0  }
0xc8: {  	s6 =	simm.s32 $0xFFFFBC00;
	s9 =	simm.s32 $0x200;
	[sflag:s26] =	ssyncadd.s32 $0xFFFFC000  }
.LBB2_7:
0xc9: {  	[tilespmem:s19], [sflag:$0x1] =	stream.indirect.gather [hbm4b:s4+s22], $0x80, s9, s22, $0xb8;
	[tilespmem:$0x1E800] =	vst v63  }
0xca: {  	s2 =	smov.u32 s6  }
0xcb: {  	p1 =	seq.s32 s6, $0xFFFFFC00;
	s6 =	sadd.s32 $0x400, s6;
	_ =	swait.ge [sflag:s23], $0x4000  }
0xcc: {  	s2 =	sshra.s32 s2, $0x2;
	[sflag:s23] =	ssyncset.done $0x0  }
0xcd: {  	s9 =	sadd.s32 $0x2700, s2;
	[sflag:s23] =	ssyncadd.s32 $0xFFFFC000  }
0xce: {  	[spmem:s1] =	stream.indirect.scatter.add.f32 [tilespmem:s19], [sflag:$0x2], $0x80, s9, s22, $0xb8;
	[tilespmem:$0x1E800] =	vst v63  }
0xcf: {  	_ =	swait.ge [sflag:s26], $0x4000  }
0xd0: {  	[sflag:s26] =	ssyncset.done $0x0  }
0xd1: {  	s9 =	sadd.s32 $0x1380, s2;
	[sflag:s26] =	ssyncadd.s32 $0xFFFFC000  }
0xd2: {  	[tilespmem:s24], [sflag:$0x1] =	stream.indirect.gather [hbm4b:s4+s22], $0x80, s9, s22, $0xb8;
	[tilespmem:$0x1E800] =	vst v63  }
0xd3: {  	_ =	swait.ge [sflag:s23], $0x4000  }
0xd4: {  	[sflag:s23] =	ssyncset.done $0x0  }
.Ltmp5:
0xd5: {  	s9 =	sadd.s32 $0x2780, s2;
	[sflag:s23] =	ssyncadd.s32 $0xFFFFC000;
	(pc) =	sbr.rel @!p1 .LBB2_7-.Ltmp5, $4  }
0xd6: {  	[spmem:s1] =	stream.indirect.scatter.add.f32 [tilespmem:s24], [sflag:$0x2], $0x80, s9, s22, $0xb8;
	[tilespmem:$0x1E800] =	vst v63  }
0xd7: {  	_ =	swait.ge [sflag:s26], $0x4000  }
0xd8: {  	[sflag:s26] =	ssyncset.done $0x0  }
0xd9: {  	s9 =	sadd.s32 $0x1400, s2;
	[sflag:s26] =	ssyncadd.s32 $0xFFFFC000  }
0xda: {  	[tilespmem:s19], [sflag:$0x1] =	stream.indirect.gather [hbm4b:s4+s22], $0x80, s9, s22, $0xb8;
	[tilespmem:$0x1E800] =	vst v63  }
0xdb: {  	_ =	swait.ge [sflag:s23], $0x4000  }
0xdc: {  	[sflag:s23] =	ssyncset.done $0x0  }
0xdd: {  	[sflag:s23] =	ssyncadd.s32 $0xFFFFC000  }
0xde: {  	[spmem:s1] =	stream.indirect.scatter.add.f32 [tilespmem:s19], [sflag:$0x2], $0x80, s29, s22, $0xb8;
	[tilespmem:$0x1E800] =	vst v63  }
0xdf: {  	_ =	swait.ge [sflag:s26], $0x4000  }
0xe0: {  	[sflag:s26] =	ssyncset.done $0x0  }
0xe1: {  	[sflag:s26] =	ssyncadd.s32 $0xFFFFC000  }
0xe2: {  	[tilespmem:s24], [sflag:$0x1] =	stream.indirect.gather [hbm4b:s4+s22], $0x80, s30, s22, $0xb8;
	[tilespmem:$0x1E800] =	vst v63  }
0xe3: {  	_ =	swait.ge [sflag:s23], $0x4000  }
0xe4: {  	[sflag:s23] =	ssyncset.done $0x0  }
0xe5: {  	[sflag:s23] =	ssyncadd.s32 $0xFFFFC000  }
0xe6: {  	[spmem:s1] =	stream.indirect.scatter.add.f32 [tilespmem:s24], [sflag:$0x2], $0x80, s31, s22, $0xb8;
	[tilespmem:$0x1E800] =	vst v63  }
.Ltmp6:
0xe7: {  	_ = 	snop;
	(pc) =	sbr.rel .LBB2_14-.Ltmp6, $4  }
0xe8: {  	_ =	swait.ge [sflag:s26], $0x4000  }
0xe9: {  	[sflag:s26] =	ssyncset.done $0x0  }
0xea: {  	s6 =	rddreg [dreg:$0x4];
	[sflag:s26] =	ssyncadd.s32 $0xFFFFC000  }
0xeb: {  	[tilespmem:s19], [sflag:$0x1] =	stream.indirect.gather [hbm4b:s4+s22], $0x80, s3, s22, $0xb8;
	[tilespmem:$0x1E800] =	vst v63  }
.LBB2_9:
0xec: {  	[tilespmem:s19], [sflag:$0x1] =	stream.indirect.gather [hbm4b:s5+s22], $0x80, s3, s22, $0xb8;
	[tilespmem:$0x1E800] =	vst v63  }
0xed: {  	_ =	swait.ge [sflag:s23], $0x4000  }
0xee: {  	[sflag:s23] =	ssyncset.done $0x0  }
0xef: {  	[sflag:s23] =	ssyncadd.s32 $0xFFFFC000  }
0xf0: {  	[spmem:s1] =	stream.indirect.scatter.add.f32 [tilespmem:s19], [sflag:$0x2], $0x80, s21, s22, $0xb8;
	[tilespmem:$0x1E800] =	vst v63  }
0xf1: {  	_ = 	snop  }
0xf2: {  	[tilespmem:s24], [sflag:$0x1] =	stream.indirect.gather [hbm4b:s5+s22], $0x80, s22, s22, $0xb8;
	[tilespmem:$0x1E800] =	vst v63  }
0xf3: {  	_ =	swait.ge [sflag:s23], $0x4000  }
0xf4: {  	[sflag:s23] =	ssyncset.done $0x0  }
0xf5: {  	[sflag:s23] =	ssyncadd.s32 $0xFFFFC000  }
0xf6: {  	[spmem:s1] =	stream.indirect.scatter.add.f32 [tilespmem:s24], [sflag:$0x2], $0x80, s25, s22, $0xb8;
	[tilespmem:$0x1E800] =	vst v63  }
0xf7: {  	_ =	swait.ge [sflag:s26], $0x4000  }
0xf8: {  	[sflag:s26] =	ssyncset.done $0x0  }
0xf9: {  	[sflag:s26] =	ssyncadd.s32 $0xFFFFC000  }
0xfa: {  	[tilespmem:s19], [sflag:$0x1] =	stream.indirect.gather [hbm4b:s5+s22], $0x80, s28, s22, $0xb8;
	[tilespmem:$0x1E800] =	vst v63  }
0xfb: {  	_ =	swait.ge [sflag:s23], $0x4000  }
0xfc: {  	[sflag:s23] =	ssyncset.done $0x0  }
0xfd: {  	s2 =	simm.s32 $0x1500;
	[sflag:s23] =	ssyncadd.s32 $0xFFFFC000  }
0xfe: {  	[spmem:s1] =	stream.indirect.scatter.add.f32 [tilespmem:s19], [sflag:$0x2], $0x80, s2, s22, $0xb8;
	[tilespmem:$0x1E800] =	vst v63  }
0xff: {  	_ =	swait.ge [sflag:s26], $0x4000  }
0x100: {  	[sflag:s26] =	ssyncset.done $0x0  }
0x101: {  	s6 =	simm.s32 $0x180;
	[sflag:s26] =	ssyncadd.s32 $0xFFFFC000  }
0x102: {  	[tilespmem:s24], [sflag:$0x1] =	stream.indirect.gather [hbm4b:s5+s22], $0x80, s6, s22, $0xb8;
	[tilespmem:$0x1E800] =	vst v63  }
0x103: {  	_ =	swait.ge [sflag:s23], $0x4000  }
0x104: {  	[sflag:s23] =	ssyncset.done $0x0  }
0x105: {  	s9 =	simm.s32 $0x1580;
	[sflag:s23] =	ssyncadd.s32 $0xFFFFC000  }
0x106: {  	[spmem:s1] =	stream.indirect.scatter.add.f32 [tilespmem:s24], [sflag:$0x2], $0x80, s9, s22, $0xb8;
	[tilespmem:$0x1E800] =	vst v63  }
0x107: {  	_ =	swait.ge [sflag:s26], $0x4000  }
0x108: {  	[sflag:s26] =	ssyncset.done $0x0  }
0x109: {  	s6 =	simm.s32 $0xFFFFBC00;
	s9 =	simm.s32 $0x200;
	[sflag:s26] =	ssyncadd.s32 $0xFFFFC000  }
.LBB2_10:
0x10a: {  	[tilespmem:s19], [sflag:$0x1] =	stream.indirect.gather [hbm4b:s5+s22], $0x80, s9, s22, $0xb8;
	[tilespmem:$0x1E800] =	vst v63  }
0x10b: {  	s2 =	smov.u32 s6  }
0x10c: {  	p1 =	sne.s32 s6, $0xFFFFFC00;
	s6 =	sadd.s32 $0x400, s6;
	_ =	swait.ge [sflag:s23], $0x4000  }
0x10d: {  	s2 =	sshra.s32 s2, $0x2;
	[sflag:s23] =	ssyncset.done $0x0  }
0x10e: {  	s9 =	sadd.s32 $0x2700, s2;
	[sflag:s23] =	ssyncadd.s32 $0xFFFFC000  }
0x10f: {  	[spmem:s1] =	stream.indirect.scatter.add.f32 [tilespmem:s19], [sflag:$0x2], $0x80, s9, s22, $0xb8;
	[tilespmem:$0x1E800] =	vst v63  }
0x110: {  	_ =	swait.ge [sflag:s26], $0x4000  }
0x111: {  	[sflag:s26] =	ssyncset.done $0x0  }
0x112: {  	s9 =	sadd.s32 $0x1380, s2;
	[sflag:s26] =	ssyncadd.s32 $0xFFFFC000  }
0x113: {  	[tilespmem:s24], [sflag:$0x1] =	stream.indirect.gather [hbm4b:s5+s22], $0x80, s9, s22, $0xb8;
	[tilespmem:$0x1E800] =	vst v63  }
0x114: {  	_ =	swait.ge [sflag:s23], $0x4000  }
0x115: {  	[sflag:s23] =	ssyncset.done $0x0  }
.Ltmp7:
0x116: {  	s9 =	sadd.s32 $0x2780, s2;
	[sflag:s23] =	ssyncadd.s32 $0xFFFFC000;
	(pc) =	sbr.rel @p1 .LBB2_10-.Ltmp7, $4  }
0x117: {  	[spmem:s1] =	stream.indirect.scatter.add.f32 [tilespmem:s24], [sflag:$0x2], $0x80, s9, s22, $0xb8;
	[tilespmem:$0x1E800] =	vst v63  }
0x118: {  	_ =	swait.ge [sflag:s26], $0x4000  }
0x119: {  	[sflag:s26] =	ssyncset.done $0x0  }
0x11a: {  	s9 =	sadd.s32 $0x1400, s2;
	[sflag:s26] =	ssyncadd.s32 $0xFFFFC000  }
0x11b: {  	[tilespmem:s19], [sflag:$0x1] =	stream.indirect.gather [hbm4b:s5+s22], $0x80, s9, s22, $0xb8;
	[tilespmem:$0x1E800] =	vst v63  }
0x11c: {  	_ =	swait.ge [sflag:s23], $0x4000  }
0x11d: {  	[sflag:s23] =	ssyncset.done $0x0  }
0x11e: {  	[sflag:s23] =	ssyncadd.s32 $0xFFFFC000  }
0x11f: {  	[spmem:s1] =	stream.indirect.scatter.add.f32 [tilespmem:s19], [sflag:$0x2], $0x80, s29, s22, $0xb8;
	[tilespmem:$0x1E800] =	vst v63  }
0x120: {  	_ =	swait.ge [sflag:s26], $0x4000  }
0x121: {  	[sflag:s26] =	ssyncset.done $0x0  }
0x122: {  	[sflag:s26] =	ssyncadd.s32 $0xFFFFC000  }
0x123: {  	[tilespmem:s24], [sflag:$0x1] =	stream.indirect.gather [hbm4b:s5+s22], $0x80, s30, s22, $0xb8;
	[tilespmem:$0x1E800] =	vst v63  }
0x124: {  	_ =	swait.ge [sflag:s23], $0x4000  }
0x125: {  	[sflag:s23] =	ssyncset.done $0x0  }
0x126: {  	[sflag:s23] =	ssyncadd.s32 $0xFFFFC000  }
0x127: {  	[spmem:s1] =	stream.indirect.scatter.add.f32 [tilespmem:s24], [sflag:$0x2], $0x80, s31, s22, $0xb8;
	[tilespmem:$0x1E800] =	vst v63  }
0x128: {  	_ =	swait.ge [sflag:s26], $0x4000  }
0x129: {  	[sflag:s26] =	ssyncset.done $0x0  }
0x12a: {  	[sflag:s26] =	ssyncadd.s32 $0xFFFFC000  }
0x12b: {  	[tilespmem:s19], [sflag:$0x1] =	stream.indirect.gather [hbm4b:s5+s22], $0x80, s3, s22, $0xb8;
	[tilespmem:$0x1E800] =	vst v63  }
0x12c: {  	_ =	swait.ge [sflag:s23], $0x4000  }
0x12d: {  	[sflag:s23] =	ssyncset.done $0x0  }
0x12e: {  	[sflag:s23] =	ssyncadd.s32 $0xFFFFC000  }
0x12f: {  	_ =	swait.ge [sflag:s26], $0x4000  }
0x130: {  	[sflag:s26] =	ssyncset.done $0x0  }
0x131: {  	[sflag:s26] =	ssyncadd.s32 $0xFFFFC000  }
0x132: {  	[tilespmem:s3], [sflag:$0x3] =	stream.linear.gather [hbm4b:s16+s3], $0x1400, $0x38;
	[tilespmem:$0x1E800] =	vst v63  }
0x133: {  	_ =	swait.ge [sflag:s20], $0x1400  }
0x134: {  	[sflag:s20] =	ssyncset.done $0x0  }
0x135: {  	[sflag:s20] =	ssyncadd.s32 $0xFFFFEC00  }
0x136: {  	[tilespmem:s21], [sflag:$0x3] =	stream.linear.gather [hbm4b:s17+s3], $0x1400, $0x38;
	[tilespmem:$0x1E800] =	vst v63  }
0x137: {  	_ =	swait.ge [sflag:s20], $0x1400  }
0x138: {  	[sflag:s20] =	ssyncset.done $0x0  }
0x139: {  	[sflag:s20] =	ssyncadd.s32 $0xFFFFEC00  }
0x13a: {  	[tilespmem:s19], [sflag:$0x1] =	stream.indirect.gather [hbm4b:s5+s22], $0x80, s3, s22, $0xb8;
	[tilespmem:$0x1E800] =	vst v63  }
0x13b: {  	_ =	swait.ge [sflag:s23], $0x4000  }
0x13c: {  	[sflag:s23] =	ssyncset.done $0x0  }
0x13d: {  	[sflag:s23] =	ssyncadd.s32 $0xFFFFC000  }
0x13e: {  	[spmem:s1] =	stream.indirect.scatter.add.f32 [tilespmem:s19], [sflag:$0x2], $0x80, s21, s22, $0xb8;
	[tilespmem:$0x1E800] =	vst v63  }
0x13f: {  	_ = 	snop  }
0x140: {  	[tilespmem:s24], [sflag:$0x1] =	stream.indirect.gather [hbm4b:s5+s22], $0x80, s22, s22, $0xb8;
	[tilespmem:$0x1E800] =	vst v63  }
0x141: {  	_ =	swait.ge [sflag:s23], $0x4000  }
0x142: {  	[sflag:s23] =	ssyncset.done $0x0  }
0x143: {  	[sflag:s23] =	ssyncadd.s32 $0xFFFFC000  }
0x144: {  	[spmem:s1] =	stream.indirect.scatter.add.f32 [tilespmem:s24], [sflag:$0x2], $0x80, s25, s22, $0xb8;
	[tilespmem:$0x1E800] =	vst v63  }
0x145: {  	_ =	swait.ge [sflag:s26], $0x4000  }
0x146: {  	[sflag:s26] =	ssyncset.done $0x0  }
0x147: {  	[sflag:s26] =	ssyncadd.s32 $0xFFFFC000  }
0x148: {  	[tilespmem:s19], [sflag:$0x1] =	stream.indirect.gather [hbm4b:s5+s22], $0x80, s28, s22, $0xb8;
	[tilespmem:$0x1E800] =	vst v63  }
0x149: {  	_ =	swait.ge [sflag:s23], $0x4000  }
0x14a: {  	[sflag:s23] =	ssyncset.done $0x0  }
0x14b: {  	s2 =	simm.s32 $0x1500;
	[sflag:s23] =	ssyncadd.s32 $0xFFFFC000  }
0x14c: {  	[spmem:s1] =	stream.indirect.scatter.add.f32 [tilespmem:s19], [sflag:$0x2], $0x80, s2, s22, $0xb8;
	[tilespmem:$0x1E800] =	vst v63  }
0x14d: {  	_ =	swait.ge [sflag:s26], $0x4000  }
0x14e: {  	[sflag:s26] =	ssyncset.done $0x0  }
0x14f: {  	s6 =	simm.s32 $0x180;
	[sflag:s26] =	ssyncadd.s32 $0xFFFFC000  }
0x150: {  	[tilespmem:s24], [sflag:$0x1] =	stream.indirect.gather [hbm4b:s5+s22], $0x80, s6, s22, $0xb8;
	[tilespmem:$0x1E800] =	vst v63  }
0x151: {  	_ =	swait.ge [sflag:s23], $0x4000  }
0x152: {  	[sflag:s23] =	ssyncset.done $0x0  }
0x153: {  	s9 =	simm.s32 $0x1580;
	[sflag:s23] =	ssyncadd.s32 $0xFFFFC000  }
0x154: {  	[spmem:s1] =	stream.indirect.scatter.add.f32 [tilespmem:s24], [sflag:$0x2], $0x80, s9, s22, $0xb8;
	[tilespmem:$0x1E800] =	vst v63  }
0x155: {  	_ =	swait.ge [sflag:s26], $0x4000  }
0x156: {  	[sflag:s26] =	ssyncset.done $0x0  }
0x157: {  	s6 =	simm.s32 $0xFFFFBC00;
	s9 =	simm.s32 $0x200;
	[sflag:s26] =	ssyncadd.s32 $0xFFFFC000  }
.LBB2_12:
0x158: {  	[tilespmem:s19], [sflag:$0x1] =	stream.indirect.gather [hbm4b:s5+s22], $0x80, s9, s22, $0xb8;
	[tilespmem:$0x1E800] =	vst v63  }
0x159: {  	s2 =	smov.u32 s6  }
0x15a: {  	p1 =	seq.s32 s6, $0xFFFFFC00;
	s6 =	sadd.s32 $0x400, s6;
	_ =	swait.ge [sflag:s23], $0x4000  }
0x15b: {  	s2 =	sshra.s32 s2, $0x2;
	[sflag:s23] =	ssyncset.done $0x0  }
0x15c: {  	s9 =	sadd.s32 $0x2700, s2;
	[sflag:s23] =	ssyncadd.s32 $0xFFFFC000  }
0x15d: {  	[spmem:s1] =	stream.indirect.scatter.add.f32 [tilespmem:s19], [sflag:$0x2], $0x80, s9, s22, $0xb8;
	[tilespmem:$0x1E800] =	vst v63  }
0x15e: {  	_ =	swait.ge [sflag:s26], $0x4000  }
0x15f: {  	[sflag:s26] =	ssyncset.done $0x0  }
0x160: {  	s9 =	sadd.s32 $0x1380, s2;
	[sflag:s26] =	ssyncadd.s32 $0xFFFFC000  }
0x161: {  	[tilespmem:s24], [sflag:$0x1] =	stream.indirect.gather [hbm4b:s5+s22], $0x80, s9, s22, $0xb8;
	[tilespmem:$0x1E800] =	vst v63  }
0x162: {  	_ =	swait.ge [sflag:s23], $0x4000  }
0x163: {  	[sflag:s23] =	ssyncset.done $0x0  }
.Ltmp8:
0x164: {  	s9 =	sadd.s32 $0x2780, s2;
	[sflag:s23] =	ssyncadd.s32 $0xFFFFC000;
	(pc) =	sbr.rel @!p1 .LBB2_12-.Ltmp8, $4  }
0x165: {  	[spmem:s1] =	stream.indirect.scatter.add.f32 [tilespmem:s24], [sflag:$0x2], $0x80, s9, s22, $0xb8;
	[tilespmem:$0x1E800] =	vst v63  }
0x166: {  	_ =	swait.ge [sflag:s26], $0x4000  }
0x167: {  	[sflag:s26] =	ssyncset.done $0x0  }
0x168: {  	s9 =	sadd.s32 $0x1400, s2;
	[sflag:s26] =	ssyncadd.s32 $0xFFFFC000  }
.Ltmp9:
0x169: {  	_ = 	snop;
	(pc) =	sbr.rel .LBB2_13-.Ltmp9, $1  }
0x16a: {  	_ =	sdelay $0x3  }
.LBB2_15:
0x16b: {  	_ =	sfence.sel $0x180000  }
0x16c: {  	[bflag:$0x0] =	sbarrier.arrive $0xFFFF  }
0x16d: {  	_ =	strace $0x90000050  }
0x16e: {  	s0 =	stileid.u32;
	[bflag:$0x2] =	sbarrier.arrive $0xFFFF  }
0x16f: {  	p0 =	sne.s32 s0, $0x0;
	s0 =	rddreg [dreg:$0x3]  }
0x170: {  	s0 =	sadd.s32 @!p0 $0x100000, s0  }
0x171: {  	[sflag:s0] =	ssyncadd.tile.s32 @!p0 $0x1;
	_ =	shalt  }
.Lfunc_end2:
_tile_overlayer_lowered:
.L_overlay_start_2:
0x172: {  	(tag) =	ssettag $0x2  }
0x173: {  	s0 =	rddreg [dreg:$0x0];
	s2 =	stileid.u32  }
0x174: {  	s1 =	rddreg [dreg:$0x1];
	p0 =	sne.s32 s2, $0x0  }
0x175: {  	s3 =	rddreg [dreg:$0x2];
	[bflag:$0x3] =	sbarrier.arrive $0xFFFF;
	s2 =	simm.s32 @!p0 $0x1C03  }
0x176: {  	[timem:s3], [sflag:s2] =	dma.local @!p0 [hbm:s0], s1  }
0x177: {  	s0 =	simm.s32 @!p0 $0x3  }
0x178: {  	_ =	swait.ge @!p0 [sflag:s0], s1  }
0x179: {  	s1 =	ssub.s32 @!p0 $0x0, s1;
	[sflag:s0] =	ssyncset.done @!p0 $0x0  }
0x17a: {  	[sflag:s0] =	ssyncadd.s32 @!p0 s1  }
0x17b: {  	[bflag:$0x3] =	sbarrier.arrive $0xFFFF  }
0x17c: {  	_ =	shalt  }

</sc_bundles>
